<compile_context>
chip_gen: v7x
topology: tpu7x:2x2x1
jax: 0.10.2.dev20260603
libtpu: 0.0.44.dev20260713+nightly
codegen_flags: <defaults>
</compile_context>

<pallas_src>
import jax
import jax.numpy as jnp
from jax import lax
from jax.experimental import pallas as pl
from jax.experimental.pallas import tpu as pltpu
from jax.experimental.pallas import tpu_sc as plsc

N_VOCAB = 100000
EMBED_DIM = 64
OFFSET = 20
BATCH = 4096

_info = plsc.get_sparse_core_info()
NC, NS, L = _info.num_cores, _info.num_subcores, _info.num_lanes
NW = NC * NS
DIMS_PER_W = EMBED_DIM // NW
CHUNK_BAGS = 512
CHUNK_IDX = CHUNK_BAGS * OFFSET
N_CHUNKS = BATCH // CHUNK_BAGS
GROUPS = CHUNK_BAGS // L


def _bag_kernel(idx_hbm, wt_hbm, out_hbm, slab_v, idxa_v, idxb_v, acc_v, sidx_r, sem):
    sid = lax.axis_index("s")
    wid = sid * NC + lax.axis_index("c")

    slab_cp = pltpu.async_copy(wt_hbm.at[wid * DIMS_PER_W], slab_v, sem)
    i20 = lax.iota(jnp.int32, L) * OFFSET

    @pl.when(sid < N_CHUNKS)
    def _stage_idx():
        pltpu.sync_copy(idx_hbm.at[pl.ds(sid * CHUNK_IDX, CHUNK_IDX)], idxa_v)

        def tr_body(g, carry):
            for r in range(OFFSET):
                iv = plsc.load_gather(idxa_v, [i20 + (g * (L * OFFSET) + r)])
                idxb_v[pl.ds(r * CHUNK_BAGS + g * L, L)] = iv
            return carry

        lax.fori_loop(0, GROUPS, tr_body, 0)
        pltpu.sync_copy(idxb_v, sidx_r.at[pl.ds(sid * CHUNK_IDX, CHUNK_IDX)])

    plsc.subcore_barrier()

    for d in range(DIMS_PER_W):
        c = wid * DIMS_PER_W + d
        if d == 0:
            slab_cp.wait()
        else:
            pltpu.sync_copy(wt_hbm.at[c], slab_v)

        bufs = (idxa_v, idxb_v)
        if d == 0:
            seq = list(range(N_CHUNKS))
            par = lambda k: k % 2
            copies = {0: pltpu.async_copy(sidx_r.at[pl.ds(0, CHUNK_IDX)], bufs[0], sem)}
        else:
            seq = list(range(N_CHUNKS - 1, -1, -1))
            par = lambda k: (k + 1) % 2
            copies = {}
        for k in range(N_CHUNKS):
            ch = seq[k]
            if k in copies:
                copies[k].wait()
            nxt = k + 1
            if nxt < N_CHUNKS and (d == 0 or k >= 1):
                copies[nxt] = pltpu.async_copy(
                    sidx_r.at[pl.ds(seq[nxt] * CHUNK_IDX, CHUNK_IDX)],
                    bufs[par(nxt)],
                    sem,
                )
            idx_v = bufs[par(k)]

            @plsc.parallel_loop(0, GROUPS, step=1, unroll=2)
            def group_body(g):
                base = g * L
                parts = []
                for k in range(4):
                    acc = None
                    for r in range(5 * k, 5 * k + 5):
                        iv = idx_v[pl.ds(r * CHUNK_BAGS + base, L)]
                        sv = plsc.load_gather(slab_v, [iv])
                        acc = sv if acc is None else acc + sv
                    parts.append(acc)
                acc_v[pl.ds(ch * CHUNK_BAGS + base, L)] = (
                    (parts[0] + parts[1]) + (parts[2] + parts[3])
                )

        pltpu.sync_copy(acc_v, out_hbm.at[c])


@jax.jit
def _bag(idx, wt):
    mesh = plsc.VectorSubcoreMesh(core_axis_name="c", subcore_axis_name="s")
    return pl.kernel(
        _bag_kernel,
        mesh=mesh,
        compiler_params=pltpu.CompilerParams(needs_layout_passes=False),
        out_type=jax.ShapeDtypeStruct((EMBED_DIM, BATCH), jnp.float32),
        scratch_types=[
            pltpu.VMEM((N_VOCAB,), jnp.float32),
            pltpu.VMEM((CHUNK_IDX,), jnp.int32),
            pltpu.VMEM((CHUNK_IDX,), jnp.int32),
            pltpu.VMEM((BATCH,), jnp.float32),
            pltpu.VMEM_SHARED((BATCH * OFFSET,), jnp.int32),
            pltpu.SemaphoreType.DMA,
        ],
    )(idx, wt)


def kernel(sparse_index_group_batch, sparse_offset_group_batch, weight):
    del sparse_offset_group_batch
    idx = sparse_index_group_batch.astype(jnp.int32)
    out_t = _bag(idx, weight.T)
    return out_t.T

# --- scband reference (transcript-rebuilt; emitter-appended) ---
"""Pipeline reference for scband-xla-embedding-bag-1022202217064 (READ-ONLY COPY).

The authoritative reference and input builder live on the scoring server;
editing this copy changes nothing except your own understanding.
"""

import jax, jax.numpy as jnp
import numpy as np

N_VOCAB = 100000
EMBED_DIM = 64
OFFSET = 20
BATCH = 4096

def setup_inputs(seed: int = 0) -> dict:
    key = jax.random.key(seed)
    k1, k2 = jax.random.split(key)
    sparse_index_group_batch = jax.random.randint(k1, (BATCH * OFFSET,), 0, N_VOCAB, dtype=jnp.int64)
    sparse_offset_group_batch = jnp.arange(BATCH, dtype=jnp.int64)
    weight = jax.random.normal(k2, (N_VOCAB, EMBED_DIM), dtype=jnp.float32)
    return {
        "sparse_index_group_batch": sparse_index_group_batch,
        "sparse_offset_group_batch": sparse_offset_group_batch,
        "weight": weight,
    }

def reference(sparse_index_group_batch, sparse_offset_group_batch, weight):
    # emb = self.embtable(sparse_index_group_batch)
    emb = jnp.take(weight, sparse_index_group_batch, axis=0)
    # bsz = emb.size(0) // self.offset
    bsz = emb.shape[0] // OFFSET
    emb = emb.reshape(bsz, OFFSET, emb.shape[1])
    # reduce_fn = torch.sum (mode='sum'), axis=1
    return jnp.sum(emb, axis=1)

if __name__ == "__main__":
    import jax
    _d = setup_inputs()
    print(jax.jit(kernel)(*tuple(_d.values())))

</pallas_src>

<mosaic_0001>
#map = affine_map<(d0, d1) -> (0)>
#map1 = affine_map<(d0, d1) -> (0, 0)>
module attributes {stable_mosaic.version = 14 : i64} {
  func.func @_bag_kernel(%arg0: i32, %arg1: i32, %arg2: memref<81920xi32, #tpu.memory_space<hbm>>, %arg3: memref<64x100000xf32, #tpu.memory_space<hbm>>, %arg4: memref<64x4096xf32, #tpu.memory_space<hbm>>, %arg5: memref<100000xf32, #tpu.memory_space<vmem>>, %arg6: memref<10240xi32, #tpu.memory_space<vmem>>, %arg7: memref<10240xi32, #tpu.memory_space<vmem>>, %arg8: memref<4096xf32, #tpu.memory_space<vmem>>, %arg9: memref<81920xi32, #tpu.memory_space<vmem_shared>>, %arg10: memref<!tpu.dma_semaphore, #tpu.memory_space<semaphore_mem>>) attributes {dimension_semantics = [#tpu.dimension_semantics<core_parallel>, #tpu.dimension_semantics<subcore_parallel>], iteration_bounds = array<i64: 2, 16>, scalar_prefetch = 0 : i64, scratch_operands = 6 : i64, tpu.core_type = #tpu.core_type<sc_vector_subcore>, window_params = [{transform_indices = #map}, {transform_indices = #map1}, {transform_indices = #map1}]} {
    %mul3A = arith.constant 2 : i32
    %mul3A_0 = arith.muli %arg1, %mul3A : i32
    %add3A = arith.addi %mul3A_0, %arg0 : i32
    %mul3A_1 = arith.constant 2 : i32
    %mul3A_2 = arith.muli %add3A, %mul3A_1 : i32
    %dma_start3A = arith.constant 0 : i32
    %dma_start3A_3 = tpu.memref_slice %arg3[%mul3A_2, %dma_start3A] : memref<64x100000xf32, #tpu.memory_space<hbm>> -> memref<1x100000xf32, #tpu.memory_space<hbm>>
    %dma_start3A_4 = tpu.memref_squeeze %dma_start3A_3 : memref<1x100000xf32, #tpu.memory_space<hbm>> -> memref<100000xf32, #tpu.memory_space<hbm>>
    %dma_start3A_5 = arith.constant 0 : i32
    %dma_start3A_6 = tpu.memref_slice %arg3[%mul3A_2, %dma_start3A_5] : memref<64x100000xf32, #tpu.memory_space<hbm>> -> memref<1x100000xf32, #tpu.memory_space<hbm>>
    %dma_start3A_7 = tpu.memref_squeeze %dma_start3A_6 : memref<1x100000xf32, #tpu.memory_space<hbm>> -> memref<100000xf32, #tpu.memory_space<hbm>>
    tpu.enqueue_dma source(%dma_start3A_7 : memref<100000xf32, #tpu.memory_space<hbm>>) target(%arg5 : memref<100000xf32, #tpu.memory_space<vmem>>) target_semaphore(%arg10 : memref<!tpu.dma_semaphore, #tpu.memory_space<semaphore_mem>>)
    %iota3A = tpu.iota {dimensions = array<i32: 0>} : vector<16xi32>
    %mul3A_8 = arith.constant 20 : i32
    %mul3A_9 = vector.broadcast %mul3A_8 : i32 to vector<16xi32>
    %mul3A_10 = arith.muli %iota3A, %mul3A_9 : vector<16xi32>
    %lt3A = arith.constant 8 : i32
    %lt3A_11 = arith.cmpi slt, %arg1, %lt3A : i32
    %convert_element_type3A = arith.extui %lt3A_11 : i1 to i32
    %cond3A = arith.constant 0 : i32
    %cond3A_12 = arith.cmpi ne, %convert_element_type3A, %cond3A : i32
    scf.if %cond3A_12 {
      %mul3A_185 = arith.constant 10240 : i32
      %mul3A_186 = arith.muli %arg1, %mul3A_185 : i32
      "tpu.region"() ({
        %run_scoped3A = tpu.sem_alloc : memref<!tpu.dma_semaphore, #tpu.memory_space<semaphore_mem>>
        %dma_start3A_194 = tpu.memref_slice %arg2[%mul3A_186] : memref<81920xi32, #tpu.memory_space<hbm>> -> memref<10240xi32, #tpu.memory_space<hbm>>
        %dma_start3A_195 = tpu.memref_slice %arg2[%mul3A_186] : memref<81920xi32, #tpu.memory_space<hbm>> -> memref<10240xi32, #tpu.memory_space<hbm>>
        tpu.enqueue_dma source(%dma_start3A_195 : memref<10240xi32, #tpu.memory_space<hbm>>) target(%arg6 : memref<10240xi32, #tpu.memory_space<vmem>>) target_semaphore(%run_scoped3A : memref<!tpu.dma_semaphore, #tpu.memory_space<semaphore_mem>>)
        %dma_wait3A_196 = tpu.memref_slice %arg2[%mul3A_186] : memref<81920xi32, #tpu.memory_space<hbm>> -> memref<10240xi32, #tpu.memory_space<hbm>>
        %dma_wait3A_197 = tpu.memref_slice %arg2[%mul3A_186] : memref<81920xi32, #tpu.memory_space<hbm>> -> memref<10240xi32, #tpu.memory_space<hbm>>
        tpu.wait_dma2 semaphore(%run_scoped3A : memref<!tpu.dma_semaphore, #tpu.memory_space<semaphore_mem>>) src(%dma_wait3A_197 : memref<10240xi32, #tpu.memory_space<hbm>>) dst(%arg6 : memref<10240xi32, #tpu.memory_space<vmem>>)
        tpu.yield
      }) : () -> ()
      %scan3A = arith.constant 0 : i32
      %scan3A_187 = arith.constant 0 : i32
      %scan3A_188 = arith.constant 32 : i32
      %scan3A_189 = arith.addi %scan3A_187, %scan3A_188 : i32
      %scan3A_190 = arith.constant 1 : i32
      scf.for %scan3A_194 = %scan3A_187 to %scan3A_189 step %scan3A_190  : i32 {
        %mul3A_195 = arith.constant 320 : i32
        %mul3A_196 = arith.muli %scan3A_194, %mul3A_195 : i32
        %add3A_197 = arith.constant 0 : i32
        %add3A_198 = arith.addi %mul3A_196, %add3A_197 : i32
        %add3A_199 = vector.broadcast %add3A_198 : i32 to vector<16xi32>
        %add3A_200 = arith.addi %mul3A_10, %add3A_199 : vector<16xi32>
        %gather3A = tpu.vector_load_idx %arg6[%add3A_200] : memref<10240xi32, #tpu.memory_space<vmem>>[vector<16xi32>], vector<16xi32>,
        %mul3A_201 = arith.constant 16 : i32
        %mul3A_202 = arith.muli %scan3A_194, %mul3A_201 : i32
        %add3A_203 = arith.constant 0 : i32
        %add3A_204 = arith.addi %add3A_203, %mul3A_202 : i32
        %swap3A = arith.index_cast %add3A_204 : i32 to index
        %swap3A_205 = tpu.vector_load %arg7[%swap3A] {strides = array<i32>} : memref<10240xi32, #tpu.memory_space<vmem>>, vector<16xi32>,
        tpu.vector_store %arg7[%swap3A], %gather3A {strides = array<i32>} : memref<10240xi32, #tpu.memory_space<vmem>>, vector<16xi32>,
        %mul3A_206 = arith.constant 320 : i32
        %mul3A_207 = arith.muli %scan3A_194, %mul3A_206 : i32
        %add3A_208 = arith.constant 1 : i32
        %add3A_209 = arith.addi %mul3A_207, %add3A_208 : i32
        %add3A_210 = vector.broadcast %add3A_209 : i32 to vector<16xi32>
        %add3A_211 = arith.addi %mul3A_10, %add3A_210 : vector<16xi32>
        %gather3A_212 = tpu.vector_load_idx %arg6[%add3A_211] : memref<10240xi32, #tpu.memory_space<vmem>>[vector<16xi32>], vector<16xi32>,
        %mul3A_213 = arith.constant 16 : i32
        %mul3A_214 = arith.muli %scan3A_194, %mul3A_213 : i32
        %add3A_215 = arith.constant 512 : i32
        %add3A_216 = arith.addi %add3A_215, %mul3A_214 : i32
        %swap3A_217 = arith.index_cast %add3A_216 : i32 to index
        %swap3A_218 = tpu.vector_load %arg7[%swap3A_217] {strides = array<i32>} : memref<10240xi32, #tpu.memory_space<vmem>>, vector<16xi32>,
        tpu.vector_store %arg7[%swap3A_217], %gather3A_212 {strides = array<i32>} : memref<10240xi32, #tpu.memory_space<vmem>>, vector<16xi32>,
        %mul3A_219 = arith.constant 320 : i32
        %mul3A_220 = arith.muli %scan3A_194, %mul3A_219 : i32
        %add3A_221 = arith.constant 2 : i32
        %add3A_222 = arith.addi %mul3A_220, %add3A_221 : i32
        %add3A_223 = vector.broadcast %add3A_222 : i32 to vector<16xi32>
        %add3A_224 = arith.addi %mul3A_10, %add3A_223 : vector<16xi32>
        %gather3A_225 = tpu.vector_load_idx %arg6[%add3A_224] : memref<10240xi32, #tpu.memory_space<vmem>>[vector<16xi32>], vector<16xi32>,
        %mul3A_226 = arith.constant 16 : i32
        %mul3A_227 = arith.muli %scan3A_194, %mul3A_226 : i32
        %add3A_228 = arith.constant 1024 : i32
        %add3A_229 = arith.addi %add3A_228, %mul3A_227 : i32
        %swap3A_230 = arith.index_cast %add3A_229 : i32 to index
        %swap3A_231 = tpu.vector_load %arg7[%swap3A_230] {strides = array<i32>} : memref<10240xi32, #tpu.memory_space<vmem>>, vector<16xi32>,
        tpu.vector_store %arg7[%swap3A_230], %gather3A_225 {strides = array<i32>} : memref<10240xi32, #tpu.memory_space<vmem>>, vector<16xi32>,
        %mul3A_232 = arith.constant 320 : i32
        %mul3A_233 = arith.muli %scan3A_194, %mul3A_232 : i32
        %add3A_234 = arith.constant 3 : i32
        %add3A_235 = arith.addi %mul3A_233, %add3A_234 : i32
        %add3A_236 = vector.broadcast %add3A_235 : i32 to vector<16xi32>
        %add3A_237 = arith.addi %mul3A_10, %add3A_236 : vector<16xi32>
        %gather3A_238 = tpu.vector_load_idx %arg6[%add3A_237] : memref<10240xi32, #tpu.memory_space<vmem>>[vector<16xi32>], vector<16xi32>,
        %mul3A_239 = arith.constant 16 : i32
        %mul3A_240 = arith.muli %scan3A_194, %mul3A_239 : i32
        %add3A_241 = arith.constant 1536 : i32
        %add3A_242 = arith.addi %add3A_241, %mul3A_240 : i32
        %swap3A_243 = arith.index_cast %add3A_242 : i32 to index
        %swap3A_244 = tpu.vector_load %arg7[%swap3A_243] {strides = array<i32>} : memref<10240xi32, #tpu.memory_space<vmem>>, vector<16xi32>,
        tpu.vector_store %arg7[%swap3A_243], %gather3A_238 {strides = array<i32>} : memref<10240xi32, #tpu.memory_space<vmem>>, vector<16xi32>,
        %mul3A_245 = arith.constant 320 : i32
        %mul3A_246 = arith.muli %scan3A_194, %mul3A_245 : i32
        %add3A_247 = arith.constant 4 : i32
        %add3A_248 = arith.addi %mul3A_246, %add3A_247 : i32
        %add3A_249 = vector.broadcast %add3A_248 : i32 to vector<16xi32>
        %add3A_250 = arith.addi %mul3A_10, %add3A_249 : vector<16xi32>
        %gather3A_251 = tpu.vector_load_idx %arg6[%add3A_250] : memref<10240xi32, #tpu.memory_space<vmem>>[vector<16xi32>], vector<16xi32>,
        %mul3A_252 = arith.constant 16 : i32
        %mul3A_253 = arith.muli %scan3A_194, %mul3A_252 : i32
        %add3A_254 = arith.constant 2048 : i32
        %add3A_255 = arith.addi %add3A_254, %mul3A_253 : i32
        %swap3A_256 = arith.index_cast %add3A_255 : i32 to index
        %swap3A_257 = tpu.vector_load %arg7[%swap3A_256] {strides = array<i32>} : memref<10240xi32, #tpu.memory_space<vmem>>, vector<16xi32>,
        tpu.vector_store %arg7[%swap3A_256], %gather3A_251 {strides = array<i32>} : memref<10240xi32, #tpu.memory_space<vmem>>, vector<16xi32>,
        %mul3A_258 = arith.constant 320 : i32
        %mul3A_259 = arith.muli %scan3A_194, %mul3A_258 : i32
        %add3A_260 = arith.constant 5 : i32
        %add3A_261 = arith.addi %mul3A_259, %add3A_260 : i32
        %add3A_262 = vector.broadcast %add3A_261 : i32 to vector<16xi32>
        %add3A_263 = arith.addi %mul3A_10, %add3A_262 : vector<16xi32>
        %gather3A_264 = tpu.vector_load_idx %arg6[%add3A_263] : memref<10240xi32, #tpu.memory_space<vmem>>[vector<16xi32>], vector<16xi32>,
        %mul3A_265 = arith.constant 16 : i32
        %mul3A_266 = arith.muli %scan3A_194, %mul3A_265 : i32
        %add3A_267 = arith.constant 2560 : i32
        %add3A_268 = arith.addi %add3A_267, %mul3A_266 : i32
        %swap3A_269 = arith.index_cast %add3A_268 : i32 to index
        %swap3A_270 = tpu.vector_load %arg7[%swap3A_269] {strides = array<i32>} : memref<10240xi32, #tpu.memory_space<vmem>>, vector<16xi32>,
        tpu.vector_store %arg7[%swap3A_269], %gather3A_264 {strides = array<i32>} : memref<10240xi32, #tpu.memory_space<vmem>>, vector<16xi32>,
        %mul3A_271 = arith.constant 320 : i32
        %mul3A_272 = arith.muli %scan3A_194, %mul3A_271 : i32
        %add3A_273 = arith.constant 6 : i32
        %add3A_274 = arith.addi %mul3A_272, %add3A_273 : i32
        %add3A_275 = vector.broadcast %add3A_274 : i32 to vector<16xi32>
        %add3A_276 = arith.addi %mul3A_10, %add3A_275 : vector<16xi32>
        %gather3A_277 = tpu.vector_load_idx %arg6[%add3A_276] : memref<10240xi32, #tpu.memory_space<vmem>>[vector<16xi32>], vector<16xi32>,
        %mul3A_278 = arith.constant 16 : i32
        %mul3A_279 = arith.muli %scan3A_194, %mul3A_278 : i32
        %add3A_280 = arith.constant 3072 : i32
        %add3A_281 = arith.addi %add3A_280, %mul3A_279 : i32
        %swap3A_282 = arith.index_cast %add3A_281 : i32 to index
        %swap3A_283 = tpu.vector_load %arg7[%swap3A_282] {strides = array<i32>} : memref<10240xi32, #tpu.memory_space<vmem>>, vector<16xi32>,
        tpu.vector_store %arg7[%swap3A_282], %gather3A_277 {strides = array<i32>} : memref<10240xi32, #tpu.memory_space<vmem>>, vector<16xi32>,
        %mul3A_284 = arith.constant 320 : i32
        %mul3A_285 = arith.muli %scan3A_194, %mul3A_284 : i32
        %add3A_286 = arith.constant 7 : i32
        %add3A_287 = arith.addi %mul3A_285, %add3A_286 : i32
        %add3A_288 = vector.broadcast %add3A_287 : i32 to vector<16xi32>
        %add3A_289 = arith.addi %mul3A_10, %add3A_288 : vector<16xi32>
        %gather3A_290 = tpu.vector_load_idx %arg6[%add3A_289] : memref<10240xi32, #tpu.memory_space<vmem>>[vector<16xi32>], vector<16xi32>,
        %mul3A_291 = arith.constant 16 : i32
        %mul3A_292 = arith.muli %scan3A_194, %mul3A_291 : i32
        %add3A_293 = arith.constant 3584 : i32
        %add3A_294 = arith.addi %add3A_293, %mul3A_292 : i32
        %swap3A_295 = arith.index_cast %add3A_294 : i32 to index
        %swap3A_296 = tpu.vector_load %arg7[%swap3A_295] {strides = array<i32>} : memref<10240xi32, #tpu.memory_space<vmem>>, vector<16xi32>,
        tpu.vector_store %arg7[%swap3A_295], %gather3A_290 {strides = array<i32>} : memref<10240xi32, #tpu.memory_space<vmem>>, vector<16xi32>,
        %mul3A_297 = arith.constant 320 : i32
        %mul3A_298 = arith.muli %scan3A_194, %mul3A_297 : i32
        %add3A_299 = arith.constant 8 : i32
        %add3A_300 = arith.addi %mul3A_298, %add3A_299 : i32
        %add3A_301 = vector.broadcast %add3A_300 : i32 to vector<16xi32>
        %add3A_302 = arith.addi %mul3A_10, %add3A_301 : vector<16xi32>
        %gather3A_303 = tpu.vector_load_idx %arg6[%add3A_302] : memref<10240xi32, #tpu.memory_space<vmem>>[vector<16xi32>], vector<16xi32>,
        %mul3A_304 = arith.constant 16 : i32
        %mul3A_305 = arith.muli %scan3A_194, %mul3A_304 : i32
        %add3A_306 = arith.constant 4096 : i32
        %add3A_307 = arith.addi %add3A_306, %mul3A_305 : i32
        %swap3A_308 = arith.index_cast %add3A_307 : i32 to index
        %swap3A_309 = tpu.vector_load %arg7[%swap3A_308] {strides = array<i32>} : memref<10240xi32, #tpu.memory_space<vmem>>, vector<16xi32>,
        tpu.vector_store %arg7[%swap3A_308], %gather3A_303 {strides = array<i32>} : memref<10240xi32, #tpu.memory_space<vmem>>, vector<16xi32>,
        %mul3A_310 = arith.constant 320 : i32
        %mul3A_311 = arith.muli %scan3A_194, %mul3A_310 : i32
        %add3A_312 = arith.constant 9 : i32
        %add3A_313 = arith.addi %mul3A_311, %add3A_312 : i32
        %add3A_314 = vector.broadcast %add3A_313 : i32 to vector<16xi32>
        %add3A_315 = arith.addi %mul3A_10, %add3A_314 : vector<16xi32>
        %gather3A_316 = tpu.vector_load_idx %arg6[%add3A_315] : memref<10240xi32, #tpu.memory_space<vmem>>[vector<16xi32>], vector<16xi32>,
        %mul3A_317 = arith.constant 16 : i32
        %mul3A_318 = arith.muli %scan3A_194, %mul3A_317 : i32
        %add3A_319 = arith.constant 4608 : i32
        %add3A_320 = arith.addi %add3A_319, %mul3A_318 : i32
        %swap3A_321 = arith.index_cast %add3A_320 : i32 to index
        %swap3A_322 = tpu.vector_load %arg7[%swap3A_321] {strides = array<i32>} : memref<10240xi32, #tpu.memory_space<vmem>>, vector<16xi32>,
        tpu.vector_store %arg7[%swap3A_321], %gather3A_316 {strides = array<i32>} : memref<10240xi32, #tpu.memory_space<vmem>>, vector<16xi32>,
        %mul3A_323 = arith.constant 320 : i32
        %mul3A_324 = arith.muli %scan3A_194, %mul3A_323 : i32
        %add3A_325 = arith.constant 10 : i32
        %add3A_326 = arith.addi %mul3A_324, %add3A_325 : i32
        %add3A_327 = vector.broadcast %add3A_326 : i32 to vector<16xi32>
        %add3A_328 = arith.addi %mul3A_10, %add3A_327 : vector<16xi32>
        %gather3A_329 = tpu.vector_load_idx %arg6[%add3A_328] : memref<10240xi32, #tpu.memory_space<vmem>>[vector<16xi32>], vector<16xi32>,
        %mul3A_330 = arith.constant 16 : i32
        %mul3A_331 = arith.muli %scan3A_194, %mul3A_330 : i32
        %add3A_332 = arith.constant 5120 : i32
        %add3A_333 = arith.addi %add3A_332, %mul3A_331 : i32
        %swap3A_334 = arith.index_cast %add3A_333 : i32 to index
        %swap3A_335 = tpu.vector_load %arg7[%swap3A_334] {strides = array<i32>} : memref<10240xi32, #tpu.memory_space<vmem>>, vector<16xi32>,
        tpu.vector_store %arg7[%swap3A_334], %gather3A_329 {strides = array<i32>} : memref<10240xi32, #tpu.memory_space<vmem>>, vector<16xi32>,
        %mul3A_336 = arith.constant 320 : i32
        %mul3A_337 = arith.muli %scan3A_194, %mul3A_336 : i32
        %add3A_338 = arith.constant 11 : i32
        %add3A_339 = arith.addi %mul3A_337, %add3A_338 : i32
        %add3A_340 = vector.broadcast %add3A_339 : i32 to vector<16xi32>
        %add3A_341 = arith.addi %mul3A_10, %add3A_340 : vector<16xi32>
        %gather3A_342 = tpu.vector_load_idx %arg6[%add3A_341] : memref<10240xi32, #tpu.memory_space<vmem>>[vector<16xi32>], vector<16xi32>,
        %mul3A_343 = arith.constant 16 : i32
        %mul3A_344 = arith.muli %scan3A_194, %mul3A_343 : i32
        %add3A_345 = arith.constant 5632 : i32
        %add3A_346 = arith.addi %add3A_345, %mul3A_344 : i32
        %swap3A_347 = arith.index_cast %add3A_346 : i32 to index
        %swap3A_348 = tpu.vector_load %arg7[%swap3A_347] {strides = array<i32>} : memref<10240xi32, #tpu.memory_space<vmem>>, vector<16xi32>,
        tpu.vector_store %arg7[%swap3A_347], %gather3A_342 {strides = array<i32>} : memref<10240xi32, #tpu.memory_space<vmem>>, vector<16xi32>,
        %mul3A_349 = arith.constant 320 : i32
        %mul3A_350 = arith.muli %scan3A_194, %mul3A_349 : i32
        %add3A_351 = arith.constant 12 : i32
        %add3A_352 = arith.addi %mul3A_350, %add3A_351 : i32
        %add3A_353 = vector.broadcast %add3A_352 : i32 to vector<16xi32>
        %add3A_354 = arith.addi %mul3A_10, %add3A_353 : vector<16xi32>
        %gather3A_355 = tpu.vector_load_idx %arg6[%add3A_354] : memref<10240xi32, #tpu.memory_space<vmem>>[vector<16xi32>], vector<16xi32>,
        %mul3A_356 = arith.constant 16 : i32
        %mul3A_357 = arith.muli %scan3A_194, %mul3A_356 : i32
        %add3A_358 = arith.constant 6144 : i32
        %add3A_359 = arith.addi %add3A_358, %mul3A_357 : i32
        %swap3A_360 = arith.index_cast %add3A_359 : i32 to index
        %swap3A_361 = tpu.vector_load %arg7[%swap3A_360] {strides = array<i32>} : memref<10240xi32, #tpu.memory_space<vmem>>, vector<16xi32>,
        tpu.vector_store %arg7[%swap3A_360], %gather3A_355 {strides = array<i32>} : memref<10240xi32, #tpu.memory_space<vmem>>, vector<16xi32>,
        %mul3A_362 = arith.constant 320 : i32
        %mul3A_363 = arith.muli %scan3A_194, %mul3A_362 : i32
        %add3A_364 = arith.constant 13 : i32
        %add3A_365 = arith.addi %mul3A_363, %add3A_364 : i32
        %add3A_366 = vector.broadcast %add3A_365 : i32 to vector<16xi32>
        %add3A_367 = arith.addi %mul3A_10, %add3A_366 : vector<16xi32>
        %gather3A_368 = tpu.vector_load_idx %arg6[%add3A_367] : memref<10240xi32, #tpu.memory_space<vmem>>[vector<16xi32>], vector<16xi32>,
        %mul3A_369 = arith.constant 16 : i32
        %mul3A_370 = arith.muli %scan3A_194, %mul3A_369 : i32
        %add3A_371 = arith.constant 6656 : i32
        %add3A_372 = arith.addi %add3A_371, %mul3A_370 : i32
        %swap3A_373 = arith.index_cast %add3A_372 : i32 to index
        %swap3A_374 = tpu.vector_load %arg7[%swap3A_373] {strides = array<i32>} : memref<10240xi32, #tpu.memory_space<vmem>>, vector<16xi32>,
        tpu.vector_store %arg7[%swap3A_373], %gather3A_368 {strides = array<i32>} : memref<10240xi32, #tpu.memory_space<vmem>>, vector<16xi32>,
        %mul3A_375 = arith.constant 320 : i32
        %mul3A_376 = arith.muli %scan3A_194, %mul3A_375 : i32
        %add3A_377 = arith.constant 14 : i32
        %add3A_378 = arith.addi %mul3A_376, %add3A_377 : i32
        %add3A_379 = vector.broadcast %add3A_378 : i32 to vector<16xi32>
        %add3A_380 = arith.addi %mul3A_10, %add3A_379 : vector<16xi32>
        %gather3A_381 = tpu.vector_load_idx %arg6[%add3A_380] : memref<10240xi32, #tpu.memory_space<vmem>>[vector<16xi32>], vector<16xi32>,
        %mul3A_382 = arith.constant 16 : i32
        %mul3A_383 = arith.muli %scan3A_194, %mul3A_382 : i32
        %add3A_384 = arith.constant 7168 : i32
        %add3A_385 = arith.addi %add3A_384, %mul3A_383 : i32
        %swap3A_386 = arith.index_cast %add3A_385 : i32 to index
        %swap3A_387 = tpu.vector_load %arg7[%swap3A_386] {strides = array<i32>} : memref<10240xi32, #tpu.memory_space<vmem>>, vector<16xi32>,
        tpu.vector_store %arg7[%swap3A_386], %gather3A_381 {strides = array<i32>} : memref<10240xi32, #tpu.memory_space<vmem>>, vector<16xi32>,
        %mul3A_388 = arith.constant 320 : i32
        %mul3A_389 = arith.muli %scan3A_194, %mul3A_388 : i32
        %add3A_390 = arith.constant 15 : i32
        %add3A_391 = arith.addi %mul3A_389, %add3A_390 : i32
        %add3A_392 = vector.broadcast %add3A_391 : i32 to vector<16xi32>
        %add3A_393 = arith.addi %mul3A_10, %add3A_392 : vector<16xi32>
        %gather3A_394 = tpu.vector_load_idx %arg6[%add3A_393] : memref<10240xi32, #tpu.memory_space<vmem>>[vector<16xi32>], vector<16xi32>,
        %mul3A_395 = arith.constant 16 : i32
        %mul3A_396 = arith.muli %scan3A_194, %mul3A_395 : i32
        %add3A_397 = arith.constant 7680 : i32
        %add3A_398 = arith.addi %add3A_397, %mul3A_396 : i32
        %swap3A_399 = arith.index_cast %add3A_398 : i32 to index
        %swap3A_400 = tpu.vector_load %arg7[%swap3A_399] {strides = array<i32>} : memref<10240xi32, #tpu.memory_space<vmem>>, vector<16xi32>,
        tpu.vector_store %arg7[%swap3A_399], %gather3A_394 {strides = array<i32>} : memref<10240xi32, #tpu.memory_space<vmem>>, vector<16xi32>,
        %mul3A_401 = arith.constant 320 : i32
        %mul3A_402 = arith.muli %scan3A_194, %mul3A_401 : i32
        %add3A_403 = arith.constant 16 : i32
        %add3A_404 = arith.addi %mul3A_402, %add3A_403 : i32
        %add3A_405 = vector.broadcast %add3A_404 : i32 to vector<16xi32>
        %add3A_406 = arith.addi %mul3A_10, %add3A_405 : vector<16xi32>
        %gather3A_407 = tpu.vector_load_idx %arg6[%add3A_406] : memref<10240xi32, #tpu.memory_space<vmem>>[vector<16xi32>], vector<16xi32>,
        %mul3A_408 = arith.constant 16 : i32
        %mul3A_409 = arith.muli %scan3A_194, %mul3A_408 : i32
        %add3A_410 = arith.constant 8192 : i32
        %add3A_411 = arith.addi %add3A_410, %mul3A_409 : i32
        %swap3A_412 = arith.index_cast %add3A_411 : i32 to index
        %swap3A_413 = tpu.vector_load %arg7[%swap3A_412] {strides = array<i32>} : memref<10240xi32, #tpu.memory_space<vmem>>, vector<16xi32>,
        tpu.vector_store %arg7[%swap3A_412], %gather3A_407 {strides = array<i32>} : memref<10240xi32, #tpu.memory_space<vmem>>, vector<16xi32>,
        %mul3A_414 = arith.constant 320 : i32
        %mul3A_415 = arith.muli %scan3A_194, %mul3A_414 : i32
        %add3A_416 = arith.constant 17 : i32
        %add3A_417 = arith.addi %mul3A_415, %add3A_416 : i32
        %add3A_418 = vector.broadcast %add3A_417 : i32 to vector<16xi32>
        %add3A_419 = arith.addi %mul3A_10, %add3A_418 : vector<16xi32>
        %gather3A_420 = tpu.vector_load_idx %arg6[%add3A_419] : memref<10240xi32, #tpu.memory_space<vmem>>[vector<16xi32>], vector<16xi32>,
        %mul3A_421 = arith.constant 16 : i32
        %mul3A_422 = arith.muli %scan3A_194, %mul3A_421 : i32
        %add3A_423 = arith.constant 8704 : i32
        %add3A_424 = arith.addi %add3A_423, %mul3A_422 : i32
        %swap3A_425 = arith.index_cast %add3A_424 : i32 to index
        %swap3A_426 = tpu.vector_load %arg7[%swap3A_425] {strides = array<i32>} : memref<10240xi32, #tpu.memory_space<vmem>>, vector<16xi32>,
        tpu.vector_store %arg7[%swap3A_425], %gather3A_420 {strides = array<i32>} : memref<10240xi32, #tpu.memory_space<vmem>>, vector<16xi32>,
        %mul3A_427 = arith.constant 320 : i32
        %mul3A_428 = arith.muli %scan3A_194, %mul3A_427 : i32
        %add3A_429 = arith.constant 18 : i32
        %add3A_430 = arith.addi %mul3A_428, %add3A_429 : i32
        %add3A_431 = vector.broadcast %add3A_430 : i32 to vector<16xi32>
        %add3A_432 = arith.addi %mul3A_10, %add3A_431 : vector<16xi32>
        %gather3A_433 = tpu.vector_load_idx %arg6[%add3A_432] : memref<10240xi32, #tpu.memory_space<vmem>>[vector<16xi32>], vector<16xi32>,
        %mul3A_434 = arith.constant 16 : i32
        %mul3A_435 = arith.muli %scan3A_194, %mul3A_434 : i32
        %add3A_436 = arith.constant 9216 : i32
        %add3A_437 = arith.addi %add3A_436, %mul3A_435 : i32
        %swap3A_438 = arith.index_cast %add3A_437 : i32 to index
        %swap3A_439 = tpu.vector_load %arg7[%swap3A_438] {strides = array<i32>} : memref<10240xi32, #tpu.memory_space<vmem>>, vector<16xi32>,
        tpu.vector_store %arg7[%swap3A_438], %gather3A_433 {strides = array<i32>} : memref<10240xi32, #tpu.memory_space<vmem>>, vector<16xi32>,
        %mul3A_440 = arith.constant 320 : i32
        %mul3A_441 = arith.muli %scan3A_194, %mul3A_440 : i32
        %add3A_442 = arith.constant 19 : i32
        %add3A_443 = arith.addi %mul3A_441, %add3A_442 : i32
        %add3A_444 = vector.broadcast %add3A_443 : i32 to vector<16xi32>
        %add3A_445 = arith.addi %mul3A_10, %add3A_444 : vector<16xi32>
        %gather3A_446 = tpu.vector_load_idx %arg6[%add3A_445] : memref<10240xi32, #tpu.memory_space<vmem>>[vector<16xi32>], vector<16xi32>,
        %mul3A_447 = arith.constant 16 : i32
        %mul3A_448 = arith.muli %scan3A_194, %mul3A_447 : i32
        %add3A_449 = arith.constant 9728 : i32
        %add3A_450 = arith.addi %add3A_449, %mul3A_448 : i32
        %swap3A_451 = arith.index_cast %add3A_450 : i32 to index
        %swap3A_452 = tpu.vector_load %arg7[%swap3A_451] {strides = array<i32>} : memref<10240xi32, #tpu.memory_space<vmem>>, vector<16xi32>,
        tpu.vector_store %arg7[%swap3A_451], %gather3A_446 {strides = array<i32>} : memref<10240xi32, #tpu.memory_space<vmem>>, vector<16xi32>,
      }
      %scan3A_191 = arith.constant 32 : i32
      %mul3A_192 = arith.constant 10240 : i32
      %mul3A_193 = arith.muli %arg1, %mul3A_192 : i32
      "tpu.region"() ({
        %run_scoped3A = tpu.sem_alloc : memref<!tpu.dma_semaphore, #tpu.memory_space<semaphore_mem>>
        %dma_start3A_194 = tpu.memref_slice %arg9[%mul3A_193] : memref<81920xi32, #tpu.memory_space<vmem_shared>> -> memref<10240xi32, #tpu.memory_space<vmem_shared>>
        %dma_start3A_195 = tpu.memref_slice %arg9[%mul3A_193] : memref<81920xi32, #tpu.memory_space<vmem_shared>> -> memref<10240xi32, #tpu.memory_space<vmem_shared>>
        tpu.enqueue_dma source(%arg7 : memref<10240xi32, #tpu.memory_space<vmem>>) target(%dma_start3A_195 : memref<10240xi32, #tpu.memory_space<vmem_shared>>) target_semaphore(%run_scoped3A : memref<!tpu.dma_semaphore, #tpu.memory_space<semaphore_mem>>)
        %dma_wait3A_196 = tpu.memref_slice %arg9[%mul3A_193] : memref<81920xi32, #tpu.memory_space<vmem_shared>> -> memref<10240xi32, #tpu.memory_space<vmem_shared>>
        %dma_wait3A_197 = tpu.memref_slice %arg9[%mul3A_193] : memref<81920xi32, #tpu.memory_space<vmem_shared>> -> memref<10240xi32, #tpu.memory_space<vmem_shared>>
        tpu.wait_dma2 semaphore(%run_scoped3A : memref<!tpu.dma_semaphore, #tpu.memory_space<semaphore_mem>>) src(%arg7 : memref<10240xi32, #tpu.memory_space<vmem>>) dst(%dma_wait3A_197 : memref<10240xi32, #tpu.memory_space<vmem_shared>>)
        tpu.yield
      }) : () -> ()
    } else {
    }
    %barrier3A = arith.constant 0 : index
    tpu.barrier barrier_id(%barrier3A)
    %mul3A_13 = arith.constant 2 : i32
    %mul3A_14 = arith.muli %add3A, %mul3A_13 : i32
    %add3A_15 = arith.constant 0 : i32
    %add3A_16 = arith.addi %mul3A_14, %add3A_15 : i32
    %dma_wait3A = arith.constant 0 : i32
    %dma_wait3A_17 = tpu.memref_slice %arg3[%mul3A_2, %dma_wait3A] : memref<64x100000xf32, #tpu.memory_space<hbm>> -> memref<1x100000xf32, #tpu.memory_space<hbm>>
    %dma_wait3A_18 = tpu.memref_squeeze %dma_wait3A_17 : memref<1x100000xf32, #tpu.memory_space<hbm>> -> memref<100000xf32, #tpu.memory_space<hbm>>
    %dma_wait3A_19 = arith.constant 0 : i32
    %dma_wait3A_20 = tpu.memref_slice %arg3[%mul3A_2, %dma_wait3A_19] : memref<64x100000xf32, #tpu.memory_space<hbm>> -> memref<1x100000xf32, #tpu.memory_space<hbm>>
    %dma_wait3A_21 = tpu.memref_squeeze %dma_wait3A_20 : memref<1x100000xf32, #tpu.memory_space<hbm>> -> memref<100000xf32, #tpu.memory_space<hbm>>
    tpu.wait_dma2 semaphore(%arg10 : memref<!tpu.dma_semaphore, #tpu.memory_space<semaphore_mem>>) src(%dma_wait3A_21 : memref<100000xf32, #tpu.memory_space<hbm>>) dst(%arg5 : memref<100000xf32, #tpu.memory_space<vmem>>)
    %dma_start3A_22 = arith.constant 0 : i32
    %dma_start3A_23 = tpu.memref_slice %arg9[%dma_start3A_22] : memref<81920xi32, #tpu.memory_space<vmem_shared>> -> memref<10240xi32, #tpu.memory_space<vmem_shared>>
    %dma_start3A_24 = arith.constant 0 : i32
    %dma_start3A_25 = tpu.memref_slice %arg9[%dma_start3A_24] : memref<81920xi32, #tpu.memory_space<vmem_shared>> -> memref<10240xi32, #tpu.memory_space<vmem_shared>>
    tpu.enqueue_dma source(%dma_start3A_25 : memref<10240xi32, #tpu.memory_space<vmem_shared>>) target(%arg6 : memref<10240xi32, #tpu.memory_space<vmem>>) target_semaphore(%arg10 : memref<!tpu.dma_semaphore, #tpu.memory_space<semaphore_mem>>)
    %dma_wait3A_26 = arith.constant 0 : i32
    %dma_wait3A_27 = tpu.memref_slice %arg9[%dma_wait3A_26] : memref<81920xi32, #tpu.memory_space<vmem_shared>> -> memref<10240xi32, #tpu.memory_space<vmem_shared>>
    %dma_wait3A_28 = arith.constant 0 : i32
    %dma_wait3A_29 = tpu.memref_slice %arg9[%dma_wait3A_28] : memref<81920xi32, #tpu.memory_space<vmem_shared>> -> memref<10240xi32, #tpu.memory_space<vmem_shared>>
    tpu.wait_dma2 semaphore(%arg10 : memref<!tpu.dma_semaphore, #tpu.memory_space<semaphore_mem>>) src(%dma_wait3A_29 : memref<10240xi32, #tpu.memory_space<vmem_shared>>) dst(%arg6 : memref<10240xi32, #tpu.memory_space<vmem>>)
    %dma_start3A_30 = arith.constant 10240 : i32
    %dma_start3A_31 = tpu.memref_slice %arg9[%dma_start3A_30] : memref<81920xi32, #tpu.memory_space<vmem_shared>> -> memref<10240xi32, #tpu.memory_space<vmem_shared>>
    %dma_start3A_32 = arith.constant 10240 : i32
    %dma_start3A_33 = tpu.memref_slice %arg9[%dma_start3A_32] : memref<81920xi32, #tpu.memory_space<vmem_shared>> -> memref<10240xi32, #tpu.memory_space<vmem_shared>>
    tpu.enqueue_dma source(%dma_start3A_33 : memref<10240xi32, #tpu.memory_space<vmem_shared>>) target(%arg7 : memref<10240xi32, #tpu.memory_space<vmem>>) target_semaphore(%arg10 : memref<!tpu.dma_semaphore, #tpu.memory_space<semaphore_mem>>)
    %parallel_loop3A = arith.constant 0 : i32
    %parallel_loop3A_34 = arith.constant 32 : i32
    %parallel_loop3A_35 = arith.constant 1 : i32
    scf.for %parallel_loop3A_185 = %parallel_loop3A to %parallel_loop3A_34 step %parallel_loop3A_35  : i32 {
      %parallel_loop3A_186 = arith.constant 16 : i32
      %parallel_loop3A_187 = arith.muli %parallel_loop3A_185, %parallel_loop3A_186 : i32
      %parallel_loop3A_188 = arith.constant 0 : i32
      %parallel_loop3A_189 = arith.addi %parallel_loop3A_188, %parallel_loop3A_187 : i32
      %parallel_loop3A_190 = arith.index_cast %parallel_loop3A_189 : i32 to index
      %parallel_loop3A_191 = tpu.vector_load %arg6[%parallel_loop3A_190] {strides = array<i32>} : memref<10240xi32, #tpu.memory_space<vmem>>, vector<16xi32>,
      %parallel_loop3A_192 = tpu.vector_load_idx %arg5[%parallel_loop3A_191] : memref<100000xf32, #tpu.memory_space<vmem>>[vector<16xi32>], vector<16xf32>,
      %parallel_loop3A_193 = arith.constant 512 : i32
      %parallel_loop3A_194 = arith.addi %parallel_loop3A_193, %parallel_loop3A_187 : i32
      %parallel_loop3A_195 = arith.index_cast %parallel_loop3A_194 : i32 to index
      %parallel_loop3A_196 = tpu.vector_load %arg6[%parallel_loop3A_195] {strides = array<i32>} : memref<10240xi32, #tpu.memory_space<vmem>>, vector<16xi32>,
      %parallel_loop3A_197 = tpu.vector_load_idx %arg5[%parallel_loop3A_196] : memref<100000xf32, #tpu.memory_space<vmem>>[vector<16xi32>], vector<16xf32>,
      %parallel_loop3A_198 = arith.addf %parallel_loop3A_192, %parallel_loop3A_197 : vector<16xf32>
      %parallel_loop3A_199 = arith.constant 1024 : i32
      %parallel_loop3A_200 = arith.addi %parallel_loop3A_199, %parallel_loop3A_187 : i32
      %parallel_loop3A_201 = arith.index_cast %parallel_loop3A_200 : i32 to index
      %parallel_loop3A_202 = tpu.vector_load %arg6[%parallel_loop3A_201] {strides = array<i32>} : memref<10240xi32, #tpu.memory_space<vmem>>, vector<16xi32>,
      %parallel_loop3A_203 = tpu.vector_load_idx %arg5[%parallel_loop3A_202] : memref<100000xf32, #tpu.memory_space<vmem>>[vector<16xi32>], vector<16xf32>,
      %parallel_loop3A_204 = arith.addf %parallel_loop3A_198, %parallel_loop3A_203 : vector<16xf32>
      %parallel_loop3A_205 = arith.constant 1536 : i32
      %parallel_loop3A_206 = arith.addi %parallel_loop3A_205, %parallel_loop3A_187 : i32
      %parallel_loop3A_207 = arith.index_cast %parallel_loop3A_206 : i32 to index
      %parallel_loop3A_208 = tpu.vector_load %arg6[%parallel_loop3A_207] {strides = array<i32>} : memref<10240xi32, #tpu.memory_space<vmem>>, vector<16xi32>,
      %parallel_loop3A_209 = tpu.vector_load_idx %arg5[%parallel_loop3A_208] : memref<100000xf32, #tpu.memory_space<vmem>>[vector<16xi32>], vector<16xf32>,
      %parallel_loop3A_210 = arith.addf %parallel_loop3A_204, %parallel_loop3A_209 : vector<16xf32>
      %parallel_loop3A_211 = arith.constant 2048 : i32
      %parallel_loop3A_212 = arith.addi %parallel_loop3A_211, %parallel_loop3A_187 : i32
      %parallel_loop3A_213 = arith.index_cast %parallel_loop3A_212 : i32 to index
      %parallel_loop3A_214 = tpu.vector_load %arg6[%parallel_loop3A_213] {strides = array<i32>} : memref<10240xi32, #tpu.memory_space<vmem>>, vector<16xi32>,
      %parallel_loop3A_215 = tpu.vector_load_idx %arg5[%parallel_loop3A_214] : memref<100000xf32, #tpu.memory_space<vmem>>[vector<16xi32>], vector<16xf32>,
      %parallel_loop3A_216 = arith.addf %parallel_loop3A_210, %parallel_loop3A_215 : vector<16xf32>
      %parallel_loop3A_217 = arith.constant 2560 : i32
      %parallel_loop3A_218 = arith.addi %parallel_loop3A_217, %parallel_loop3A_187 : i32
      %parallel_loop3A_219 = arith.index_cast %parallel_loop3A_218 : i32 to index
      %parallel_loop3A_220 = tpu.vector_load %arg6[%parallel_loop3A_219] {strides = array<i32>} : memref<10240xi32, #tpu.memory_space<vmem>>, vector<16xi32>,
      %parallel_loop3A_221 = tpu.vector_load_idx %arg5[%parallel_loop3A_220] : memref<100000xf32, #tpu.memory_space<vmem>>[vector<16xi32>], vector<16xf32>,
      %parallel_loop3A_222 = arith.constant 3072 : i32
      %parallel_loop3A_223 = arith.addi %parallel_loop3A_222, %parallel_loop3A_187 : i32
      %parallel_loop3A_224 = arith.index_cast %parallel_loop3A_223 : i32 to index
      %parallel_loop3A_225 = tpu.vector_load %arg6[%parallel_loop3A_224] {strides = array<i32>} : memref<10240xi32, #tpu.memory_space<vmem>>, vector<16xi32>,
      %parallel_loop3A_226 = tpu.vector_load_idx %arg5[%parallel_loop3A_225] : memref<100000xf32, #tpu.memory_space<vmem>>[vector<16xi32>], vector<16xf32>,
      %parallel_loop3A_227 = arith.addf %parallel_loop3A_221, %parallel_loop3A_226 : vector<16xf32>
      %parallel_loop3A_228 = arith.constant 3584 : i32
      %parallel_loop3A_229 = arith.addi %parallel_loop3A_228, %parallel_loop3A_187 : i32
      %parallel_loop3A_230 = arith.index_cast %parallel_loop3A_229 : i32 to index
      %parallel_loop3A_231 = tpu.vector_load %arg6[%parallel_loop3A_230] {strides = array<i32>} : memref<10240xi32, #tpu.memory_space<vmem>>, vector<16xi32>,
      %parallel_loop3A_232 = tpu.vector_load_idx %arg5[%parallel_loop3A_231] : memref<100000xf32, #tpu.memory_space<vmem>>[vector<16xi32>], vector<16xf32>,
      %parallel_loop3A_233 = arith.addf %parallel_loop3A_227, %parallel_loop3A_232 : vector<16xf32>
      %parallel_loop3A_234 = arith.constant 4096 : i32
      %parallel_loop3A_235 = arith.addi %parallel_loop3A_234, %parallel_loop3A_187 : i32
      %parallel_loop3A_236 = arith.index_cast %parallel_loop3A_235 : i32 to index
      %parallel_loop3A_237 = tpu.vector_load %arg6[%parallel_loop3A_236] {strides = array<i32>} : memref<10240xi32, #tpu.memory_space<vmem>>, vector<16xi32>,
      %parallel_loop3A_238 = tpu.vector_load_idx %arg5[%parallel_loop3A_237] : memref<100000xf32, #tpu.memory_space<vmem>>[vector<16xi32>], vector<16xf32>,
      %parallel_loop3A_239 = arith.addf %parallel_loop3A_233, %parallel_loop3A_238 : vector<16xf32>
      %parallel_loop3A_240 = arith.constant 4608 : i32
      %parallel_loop3A_241 = arith.addi %parallel_loop3A_240, %parallel_loop3A_187 : i32
      %parallel_loop3A_242 = arith.index_cast %parallel_loop3A_241 : i32 to index
      %parallel_loop3A_243 = tpu.vector_load %arg6[%parallel_loop3A_242] {strides = array<i32>} : memref<10240xi32, #tpu.memory_space<vmem>>, vector<16xi32>,
      %parallel_loop3A_244 = tpu.vector_load_idx %arg5[%parallel_loop3A_243] : memref<100000xf32, #tpu.memory_space<vmem>>[vector<16xi32>], vector<16xf32>,
      %parallel_loop3A_245 = arith.addf %parallel_loop3A_239, %parallel_loop3A_244 : vector<16xf32>
      %parallel_loop3A_246 = arith.constant 5120 : i32
      %parallel_loop3A_247 = arith.addi %parallel_loop3A_246, %parallel_loop3A_187 : i32
      %parallel_loop3A_248 = arith.index_cast %parallel_loop3A_247 : i32 to index
      %parallel_loop3A_249 = tpu.vector_load %arg6[%parallel_loop3A_248] {strides = array<i32>} : memref<10240xi32, #tpu.memory_space<vmem>>, vector<16xi32>,
      %parallel_loop3A_250 = tpu.vector_load_idx %arg5[%parallel_loop3A_249] : memref<100000xf32, #tpu.memory_space<vmem>>[vector<16xi32>], vector<16xf32>,
      %parallel_loop3A_251 = arith.constant 5632 : i32
      %parallel_loop3A_252 = arith.addi %parallel_loop3A_251, %parallel_loop3A_187 : i32
      %parallel_loop3A_253 = arith.index_cast %parallel_loop3A_252 : i32 to index
      %parallel_loop3A_254 = tpu.vector_load %arg6[%parallel_loop3A_253] {strides = array<i32>} : memref<10240xi32, #tpu.memory_space<vmem>>, vector<16xi32>,
      %parallel_loop3A_255 = tpu.vector_load_idx %arg5[%parallel_loop3A_254] : memref<100000xf32, #tpu.memory_space<vmem>>[vector<16xi32>], vector<16xf32>,
      %parallel_loop3A_256 = arith.addf %parallel_loop3A_250, %parallel_loop3A_255 : vector<16xf32>
      %parallel_loop3A_257 = arith.constant 6144 : i32
      %parallel_loop3A_258 = arith.addi %parallel_loop3A_257, %parallel_loop3A_187 : i32
      %parallel_loop3A_259 = arith.index_cast %parallel_loop3A_258 : i32 to index
      %parallel_loop3A_260 = tpu.vector_load %arg6[%parallel_loop3A_259] {strides = array<i32>} : memref<10240xi32, #tpu.memory_space<vmem>>, vector<16xi32>,
      %parallel_loop3A_261 = tpu.vector_load_idx %arg5[%parallel_loop3A_260] : memref<100000xf32, #tpu.memory_space<vmem>>[vector<16xi32>], vector<16xf32>,
      %parallel_loop3A_262 = arith.addf %parallel_loop3A_256, %parallel_loop3A_261 : vector<16xf32>
      %parallel_loop3A_263 = arith.constant 6656 : i32
      %parallel_loop3A_264 = arith.addi %parallel_loop3A_263, %parallel_loop3A_187 : i32
      %parallel_loop3A_265 = arith.index_cast %parallel_loop3A_264 : i32 to index
      %parallel_loop3A_266 = tpu.vector_load %arg6[%parallel_loop3A_265] {strides = array<i32>} : memref<10240xi32, #tpu.memory_space<vmem>>, vector<16xi32>,
      %parallel_loop3A_267 = tpu.vector_load_idx %arg5[%parallel_loop3A_266] : memref<100000xf32, #tpu.memory_space<vmem>>[vector<16xi32>], vector<16xf32>,
      %parallel_loop3A_268 = arith.addf %parallel_loop3A_262, %parallel_loop3A_267 : vector<16xf32>
      %parallel_loop3A_269 = arith.constant 7168 : i32
      %parallel_loop3A_270 = arith.addi %parallel_loop3A_269, %parallel_loop3A_187 : i32
      %parallel_loop3A_271 = arith.index_cast %parallel_loop3A_270 : i32 to index
      %parallel_loop3A_272 = tpu.vector_load %arg6[%parallel_loop3A_271] {strides = array<i32>} : memref<10240xi32, #tpu.memory_space<vmem>>, vector<16xi32>,
      %parallel_loop3A_273 = tpu.vector_load_idx %arg5[%parallel_loop3A_272] : memref<100000xf32, #tpu.memory_space<vmem>>[vector<16xi32>], vector<16xf32>,
      %parallel_loop3A_274 = arith.addf %parallel_loop3A_268, %parallel_loop3A_273 : vector<16xf32>
      %parallel_loop3A_275 = arith.constant 7680 : i32
      %parallel_loop3A_276 = arith.addi %parallel_loop3A_275, %parallel_loop3A_187 : i32
      %parallel_loop3A_277 = arith.index_cast %parallel_loop3A_276 : i32 to index
      %parallel_loop3A_278 = tpu.vector_load %arg6[%parallel_loop3A_277] {strides = array<i32>} : memref<10240xi32, #tpu.memory_space<vmem>>, vector<16xi32>,
      %parallel_loop3A_279 = tpu.vector_load_idx %arg5[%parallel_loop3A_278] : memref<100000xf32, #tpu.memory_space<vmem>>[vector<16xi32>], vector<16xf32>,
      %parallel_loop3A_280 = arith.constant 8192 : i32
      %parallel_loop3A_281 = arith.addi %parallel_loop3A_280, %parallel_loop3A_187 : i32
      %parallel_loop3A_282 = arith.index_cast %parallel_loop3A_281 : i32 to index
      %parallel_loop3A_283 = tpu.vector_load %arg6[%parallel_loop3A_282] {strides = array<i32>} : memref<10240xi32, #tpu.memory_space<vmem>>, vector<16xi32>,
      %parallel_loop3A_284 = tpu.vector_load_idx %arg5[%parallel_loop3A_283] : memref<100000xf32, #tpu.memory_space<vmem>>[vector<16xi32>], vector<16xf32>,
      %parallel_loop3A_285 = arith.addf %parallel_loop3A_279, %parallel_loop3A_284 : vector<16xf32>
      %parallel_loop3A_286 = arith.constant 8704 : i32
      %parallel_loop3A_287 = arith.addi %parallel_loop3A_286, %parallel_loop3A_187 : i32
      %parallel_loop3A_288 = arith.index_cast %parallel_loop3A_287 : i32 to index
      %parallel_loop3A_289 = tpu.vector_load %arg6[%parallel_loop3A_288] {strides = array<i32>} : memref<10240xi32, #tpu.memory_space<vmem>>, vector<16xi32>,
      %parallel_loop3A_290 = tpu.vector_load_idx %arg5[%parallel_loop3A_289] : memref<100000xf32, #tpu.memory_space<vmem>>[vector<16xi32>], vector<16xf32>,
      %parallel_loop3A_291 = arith.addf %parallel_loop3A_285, %parallel_loop3A_290 : vector<16xf32>
      %parallel_loop3A_292 = arith.constant 9216 : i32
      %parallel_loop3A_293 = arith.addi %parallel_loop3A_292, %parallel_loop3A_187 : i32
      %parallel_loop3A_294 = arith.index_cast %parallel_loop3A_293 : i32 to index
      %parallel_loop3A_295 = tpu.vector_load %arg6[%parallel_loop3A_294] {strides = array<i32>} : memref<10240xi32, #tpu.memory_space<vmem>>, vector<16xi32>,
      %parallel_loop3A_296 = tpu.vector_load_idx %arg5[%parallel_loop3A_295] : memref<100000xf32, #tpu.memory_space<vmem>>[vector<16xi32>], vector<16xf32>,
      %parallel_loop3A_297 = arith.addf %parallel_loop3A_291, %parallel_loop3A_296 : vector<16xf32>
      %parallel_loop3A_298 = arith.constant 9728 : i32
      %parallel_loop3A_299 = arith.addi %parallel_loop3A_298, %parallel_loop3A_187 : i32
      %parallel_loop3A_300 = arith.index_cast %parallel_loop3A_299 : i32 to index
      %parallel_loop3A_301 = tpu.vector_load %arg6[%parallel_loop3A_300] {strides = array<i32>} : memref<10240xi32, #tpu.memory_space<vmem>>, vector<16xi32>,
      %parallel_loop3A_302 = tpu.vector_load_idx %arg5[%parallel_loop3A_301] : memref<100000xf32, #tpu.memory_space<vmem>>[vector<16xi32>], vector<16xf32>,
      %parallel_loop3A_303 = arith.addf %parallel_loop3A_297, %parallel_loop3A_302 : vector<16xf32>
      %parallel_loop3A_304 = arith.addf %parallel_loop3A_216, %parallel_loop3A_245 : vector<16xf32>
      %parallel_loop3A_305 = arith.addf %parallel_loop3A_274, %parallel_loop3A_303 : vector<16xf32>
      %parallel_loop3A_306 = arith.addf %parallel_loop3A_304, %parallel_loop3A_305 : vector<16xf32>
      %parallel_loop3A_307 = arith.constant 0 : i32
      %parallel_loop3A_308 = arith.addi %parallel_loop3A_307, %parallel_loop3A_187 : i32
      %parallel_loop3A_309 = arith.index_cast %parallel_loop3A_308 : i32 to index
      %parallel_loop3A_310 = tpu.vector_load %arg8[%parallel_loop3A_309] {strides = array<i32>} : memref<4096xf32, #tpu.memory_space<vmem>>, vector<16xf32>,
      tpu.vector_store %arg8[%parallel_loop3A_309], %parallel_loop3A_306 {strides = array<i32>} : memref<4096xf32, #tpu.memory_space<vmem>>, vector<16xf32>,
    } {sc.loop_unroll_factor = 2 : i64, sc.parallel_access}
    %dma_wait3A_36 = arith.constant 10240 : i32
    %dma_wait3A_37 = tpu.memref_slice %arg9[%dma_wait3A_36] : memref<81920xi32, #tpu.memory_space<vmem_shared>> -> memref<10240xi32, #tpu.memory_space<vmem_shared>>
    %dma_wait3A_38 = arith.constant 10240 : i32
    %dma_wait3A_39 = tpu.memref_slice %arg9[%dma_wait3A_38] : memref<81920xi32, #tpu.memory_space<vmem_shared>> -> memref<10240xi32, #tpu.memory_space<vmem_shared>>
    tpu.wait_dma2 semaphore(%arg10 : memref<!tpu.dma_semaphore, #tpu.memory_space<semaphore_mem>>) src(%dma_wait3A_39 : memref<10240xi32, #tpu.memory_space<vmem_shared>>) dst(%arg7 : memref<10240xi32, #tpu.memory_space<vmem>>)
    %dma_start3A_40 = arith.constant 20480 : i32
    %dma_start3A_41 = tpu.memref_slice %arg9[%dma_start3A_40] : memref<81920xi32, #tpu.memory_space<vmem_shared>> -> memref<10240xi32, #tpu.memory_space<vmem_shared>>
    %dma_start3A_42 = arith.constant 20480 : i32
    %dma_start3A_43 = tpu.memref_slice %arg9[%dma_start3A_42] : memref<81920xi32, #tpu.memory_space<vmem_shared>> -> memref<10240xi32, #tpu.memory_space<vmem_shared>>
    tpu.enqueue_dma source(%dma_start3A_43 : memref<10240xi32, #tpu.memory_space<vmem_shared>>) target(%arg6 : memref<10240xi32, #tpu.memory_space<vmem>>) target_semaphore(%arg10 : memref<!tpu.dma_semaphore, #tpu.memory_space<semaphore_mem>>)
    %parallel_loop3A_44 = arith.constant 0 : i32
    %parallel_loop3A_45 = arith.constant 32 : i32
    %parallel_loop3A_46 = arith.constant 1 : i32
    scf.for %parallel_loop3A_185 = %parallel_loop3A_44 to %parallel_loop3A_45 step %parallel_loop3A_46  : i32 {
      %parallel_loop3A_186 = arith.constant 16 : i32
      %parallel_loop3A_187 = arith.muli %parallel_loop3A_185, %parallel_loop3A_186 : i32
      %parallel_loop3A_188 = arith.constant 0 : i32
      %parallel_loop3A_189 = arith.addi %parallel_loop3A_188, %parallel_loop3A_187 : i32
      %parallel_loop3A_190 = arith.index_cast %parallel_loop3A_189 : i32 to index
      %parallel_loop3A_191 = tpu.vector_load %arg7[%parallel_loop3A_190] {strides = array<i32>} : memref<10240xi32, #tpu.memory_space<vmem>>, vector<16xi32>,
      %parallel_loop3A_192 = tpu.vector_load_idx %arg5[%parallel_loop3A_191] : memref<100000xf32, #tpu.memory_space<vmem>>[vector<16xi32>], vector<16xf32>,
      %parallel_loop3A_193 = arith.constant 512 : i32
      %parallel_loop3A_194 = arith.addi %parallel_loop3A_193, %parallel_loop3A_187 : i32
      %parallel_loop3A_195 = arith.index_cast %parallel_loop3A_194 : i32 to index
      %parallel_loop3A_196 = tpu.vector_load %arg7[%parallel_loop3A_195] {strides = array<i32>} : memref<10240xi32, #tpu.memory_space<vmem>>, vector<16xi32>,
      %parallel_loop3A_197 = tpu.vector_load_idx %arg5[%parallel_loop3A_196] : memref<100000xf32, #tpu.memory_space<vmem>>[vector<16xi32>], vector<16xf32>,
      %parallel_loop3A_198 = arith.addf %parallel_loop3A_192, %parallel_loop3A_197 : vector<16xf32>
      %parallel_loop3A_199 = arith.constant 1024 : i32
      %parallel_loop3A_200 = arith.addi %parallel_loop3A_199, %parallel_loop3A_187 : i32
      %parallel_loop3A_201 = arith.index_cast %parallel_loop3A_200 : i32 to index
      %parallel_loop3A_202 = tpu.vector_load %arg7[%parallel_loop3A_201] {strides = array<i32>} : memref<10240xi32, #tpu.memory_space<vmem>>, vector<16xi32>,
      %parallel_loop3A_203 = tpu.vector_load_idx %arg5[%parallel_loop3A_202] : memref<100000xf32, #tpu.memory_space<vmem>>[vector<16xi32>], vector<16xf32>,
      %parallel_loop3A_204 = arith.addf %parallel_loop3A_198, %parallel_loop3A_203 : vector<16xf32>
      %parallel_loop3A_205 = arith.constant 1536 : i32
      %parallel_loop3A_206 = arith.addi %parallel_loop3A_205, %parallel_loop3A_187 : i32
      %parallel_loop3A_207 = arith.index_cast %parallel_loop3A_206 : i32 to index
      %parallel_loop3A_208 = tpu.vector_load %arg7[%parallel_loop3A_207] {strides = array<i32>} : memref<10240xi32, #tpu.memory_space<vmem>>, vector<16xi32>,
      %parallel_loop3A_209 = tpu.vector_load_idx %arg5[%parallel_loop3A_208] : memref<100000xf32, #tpu.memory_space<vmem>>[vector<16xi32>], vector<16xf32>,
      %parallel_loop3A_210 = arith.addf %parallel_loop3A_204, %parallel_loop3A_209 : vector<16xf32>
      %parallel_loop3A_211 = arith.constant 2048 : i32
      %parallel_loop3A_212 = arith.addi %parallel_loop3A_211, %parallel_loop3A_187 : i32
      %parallel_loop3A_213 = arith.index_cast %parallel_loop3A_212 : i32 to index
      %parallel_loop3A_214 = tpu.vector_load %arg7[%parallel_loop3A_213] {strides = array<i32>} : memref<10240xi32, #tpu.memory_space<vmem>>, vector<16xi32>,
      %parallel_loop3A_215 = tpu.vector_load_idx %arg5[%parallel_loop3A_214] : memref<100000xf32, #tpu.memory_space<vmem>>[vector<16xi32>], vector<16xf32>,
      %parallel_loop3A_216 = arith.addf %parallel_loop3A_210, %parallel_loop3A_215 : vector<16xf32>
      %parallel_loop3A_217 = arith.constant 2560 : i32
      %parallel_loop3A_218 = arith.addi %parallel_loop3A_217, %parallel_loop3A_187 : i32
      %parallel_loop3A_219 = arith.index_cast %parallel_loop3A_218 : i32 to index
      %parallel_loop3A_220 = tpu.vector_load %arg7[%parallel_loop3A_219] {strides = array<i32>} : memref<10240xi32, #tpu.memory_space<vmem>>, vector<16xi32>,
      %parallel_loop3A_221 = tpu.vector_load_idx %arg5[%parallel_loop3A_220] : memref<100000xf32, #tpu.memory_space<vmem>>[vector<16xi32>], vector<16xf32>,
      %parallel_loop3A_222 = arith.constant 3072 : i32
      %parallel_loop3A_223 = arith.addi %parallel_loop3A_222, %parallel_loop3A_187 : i32
      %parallel_loop3A_224 = arith.index_cast %parallel_loop3A_223 : i32 to index
      %parallel_loop3A_225 = tpu.vector_load %arg7[%parallel_loop3A_224] {strides = array<i32>} : memref<10240xi32, #tpu.memory_space<vmem>>, vector<16xi32>,
      %parallel_loop3A_226 = tpu.vector_load_idx %arg5[%parallel_loop3A_225] : memref<100000xf32, #tpu.memory_space<vmem>>[vector<16xi32>], vector<16xf32>,
      %parallel_loop3A_227 = arith.addf %parallel_loop3A_221, %parallel_loop3A_226 : vector<16xf32>
      %parallel_loop3A_228 = arith.constant 3584 : i32
      %parallel_loop3A_229 = arith.addi %parallel_loop3A_228, %parallel_loop3A_187 : i32
      %parallel_loop3A_230 = arith.index_cast %parallel_loop3A_229 : i32 to index
      %parallel_loop3A_231 = tpu.vector_load %arg7[%parallel_loop3A_230] {strides = array<i32>} : memref<10240xi32, #tpu.memory_space<vmem>>, vector<16xi32>,
      %parallel_loop3A_232 = tpu.vector_load_idx %arg5[%parallel_loop3A_231] : memref<100000xf32, #tpu.memory_space<vmem>>[vector<16xi32>], vector<16xf32>,
      %parallel_loop3A_233 = arith.addf %parallel_loop3A_227, %parallel_loop3A_232 : vector<16xf32>
      %parallel_loop3A_234 = arith.constant 4096 : i32
      %parallel_loop3A_235 = arith.addi %parallel_loop3A_234, %parallel_loop3A_187 : i32
      %parallel_loop3A_236 = arith.index_cast %parallel_loop3A_235 : i32 to index
      %parallel_loop3A_237 = tpu.vector_load %arg7[%parallel_loop3A_236] {strides = array<i32>} : memref<10240xi32, #tpu.memory_space<vmem>>, vector<16xi32>,
      %parallel_loop3A_238 = tpu.vector_load_idx %arg5[%parallel_loop3A_237] : memref<100000xf32, #tpu.memory_space<vmem>>[vector<16xi32>], vector<16xf32>,
      %parallel_loop3A_239 = arith.addf %parallel_loop3A_233, %parallel_loop3A_238 : vector<16xf32>
      %parallel_loop3A_240 = arith.constant 4608 : i32
      %parallel_loop3A_241 = arith.addi %parallel_loop3A_240, %parallel_loop3A_187 : i32
      %parallel_loop3A_242 = arith.index_cast %parallel_loop3A_241 : i32 to index
      %parallel_loop3A_243 = tpu.vector_load %arg7[%parallel_loop3A_242] {strides = array<i32>} : memref<10240xi32, #tpu.memory_space<vmem>>, vector<16xi32>,
      %parallel_loop3A_244 = tpu.vector_load_idx %arg5[%parallel_loop3A_243] : memref<100000xf32, #tpu.memory_space<vmem>>[vector<16xi32>], vector<16xf32>,
      %parallel_loop3A_245 = arith.addf %parallel_loop3A_239, %parallel_loop3A_244 : vector<16xf32>
      %parallel_loop3A_246 = arith.constant 5120 : i32
      %parallel_loop3A_247 = arith.addi %parallel_loop3A_246, %parallel_loop3A_187 : i32
      %parallel_loop3A_248 = arith.index_cast %parallel_loop3A_247 : i32 to index
      %parallel_loop3A_249 = tpu.vector_load %arg7[%parallel_loop3A_248] {strides = array<i32>} : memref<10240xi32, #tpu.memory_space<vmem>>, vector<16xi32>,
      %parallel_loop3A_250 = tpu.vector_load_idx %arg5[%parallel_loop3A_249] : memref<100000xf32, #tpu.memory_space<vmem>>[vector<16xi32>], vector<16xf32>,
      %parallel_loop3A_251 = arith.constant 5632 : i32
      %parallel_loop3A_252 = arith.addi %parallel_loop3A_251, %parallel_loop3A_187 : i32
      %parallel_loop3A_253 = arith.index_cast %parallel_loop3A_252 : i32 to index
      %parallel_loop3A_254 = tpu.vector_load %arg7[%parallel_loop3A_253] {strides = array<i32>} : memref<10240xi32, #tpu.memory_space<vmem>>, vector<16xi32>,
      %parallel_loop3A_255 = tpu.vector_load_idx %arg5[%parallel_loop3A_254] : memref<100000xf32, #tpu.memory_space<vmem>>[vector<16xi32>], vector<16xf32>,
      %parallel_loop3A_256 = arith.addf %parallel_loop3A_250, %parallel_loop3A_255 : vector<16xf32>
      %parallel_loop3A_257 = arith.constant 6144 : i32
      %parallel_loop3A_258 = arith.addi %parallel_loop3A_257, %parallel_loop3A_187 : i32
      %parallel_loop3A_259 = arith.index_cast %parallel_loop3A_258 : i32 to index
      %parallel_loop3A_260 = tpu.vector_load %arg7[%parallel_loop3A_259] {strides = array<i32>} : memref<10240xi32, #tpu.memory_space<vmem>>, vector<16xi32>,
      %parallel_loop3A_261 = tpu.vector_load_idx %arg5[%parallel_loop3A_260] : memref<100000xf32, #tpu.memory_space<vmem>>[vector<16xi32>], vector<16xf32>,
      %parallel_loop3A_262 = arith.addf %parallel_loop3A_256, %parallel_loop3A_261 : vector<16xf32>
      %parallel_loop3A_263 = arith.constant 6656 : i32
      %parallel_loop3A_264 = arith.addi %parallel_loop3A_263, %parallel_loop3A_187 : i32
      %parallel_loop3A_265 = arith.index_cast %parallel_loop3A_264 : i32 to index
      %parallel_loop3A_266 = tpu.vector_load %arg7[%parallel_loop3A_265] {strides = array<i32>} : memref<10240xi32, #tpu.memory_space<vmem>>, vector<16xi32>,
      %parallel_loop3A_267 = tpu.vector_load_idx %arg5[%parallel_loop3A_266] : memref<100000xf32, #tpu.memory_space<vmem>>[vector<16xi32>], vector<16xf32>,
      %parallel_loop3A_268 = arith.addf %parallel_loop3A_262, %parallel_loop3A_267 : vector<16xf32>
      %parallel_loop3A_269 = arith.constant 7168 : i32
      %parallel_loop3A_270 = arith.addi %parallel_loop3A_269, %parallel_loop3A_187 : i32
      %parallel_loop3A_271 = arith.index_cast %parallel_loop3A_270 : i32 to index
      %parallel_loop3A_272 = tpu.vector_load %arg7[%parallel_loop3A_271] {strides = array<i32>} : memref<10240xi32, #tpu.memory_space<vmem>>, vector<16xi32>,
      %parallel_loop3A_273 = tpu.vector_load_idx %arg5[%parallel_loop3A_272] : memref<100000xf32, #tpu.memory_space<vmem>>[vector<16xi32>], vector<16xf32>,
      %parallel_loop3A_274 = arith.addf %parallel_loop3A_268, %parallel_loop3A_273 : vector<16xf32>
      %parallel_loop3A_275 = arith.constant 7680 : i32
      %parallel_loop3A_276 = arith.addi %parallel_loop3A_275, %parallel_loop3A_187 : i32
      %parallel_loop3A_277 = arith.index_cast %parallel_loop3A_276 : i32 to index
      %parallel_loop3A_278 = tpu.vector_load %arg7[%parallel_loop3A_277] {strides = array<i32>} : memref<10240xi32, #tpu.memory_space<vmem>>, vector<16xi32>,
      %parallel_loop3A_279 = tpu.vector_load_idx %arg5[%parallel_loop3A_278] : memref<100000xf32, #tpu.memory_space<vmem>>[vector<16xi32>], vector<16xf32>,
      %parallel_loop3A_280 = arith.constant 8192 : i32
      %parallel_loop3A_281 = arith.addi %parallel_loop3A_280, %parallel_loop3A_187 : i32
      %parallel_loop3A_282 = arith.index_cast %parallel_loop3A_281 : i32 to index
      %parallel_loop3A_283 = tpu.vector_load %arg7[%parallel_loop3A_282] {strides = array<i32>} : memref<10240xi32, #tpu.memory_space<vmem>>, vector<16xi32>,
      %parallel_loop3A_284 = tpu.vector_load_idx %arg5[%parallel_loop3A_283] : memref<100000xf32, #tpu.memory_space<vmem>>[vector<16xi32>], vector<16xf32>,
      %parallel_loop3A_285 = arith.addf %parallel_loop3A_279, %parallel_loop3A_284 : vector<16xf32>
      %parallel_loop3A_286 = arith.constant 8704 : i32
      %parallel_loop3A_287 = arith.addi %parallel_loop3A_286, %parallel_loop3A_187 : i32
      %parallel_loop3A_288 = arith.index_cast %parallel_loop3A_287 : i32 to index
      %parallel_loop3A_289 = tpu.vector_load %arg7[%parallel_loop3A_288] {strides = array<i32>} : memref<10240xi32, #tpu.memory_space<vmem>>, vector<16xi32>,
      %parallel_loop3A_290 = tpu.vector_load_idx %arg5[%parallel_loop3A_289] : memref<100000xf32, #tpu.memory_space<vmem>>[vector<16xi32>], vector<16xf32>,
      %parallel_loop3A_291 = arith.addf %parallel_loop3A_285, %parallel_loop3A_290 : vector<16xf32>
      %parallel_loop3A_292 = arith.constant 9216 : i32
      %parallel_loop3A_293 = arith.addi %parallel_loop3A_292, %parallel_loop3A_187 : i32
      %parallel_loop3A_294 = arith.index_cast %parallel_loop3A_293 : i32 to index
      %parallel_loop3A_295 = tpu.vector_load %arg7[%parallel_loop3A_294] {strides = array<i32>} : memref<10240xi32, #tpu.memory_space<vmem>>, vector<16xi32>,
      %parallel_loop3A_296 = tpu.vector_load_idx %arg5[%parallel_loop3A_295] : memref<100000xf32, #tpu.memory_space<vmem>>[vector<16xi32>], vector<16xf32>,
      %parallel_loop3A_297 = arith.addf %parallel_loop3A_291, %parallel_loop3A_296 : vector<16xf32>
      %parallel_loop3A_298 = arith.constant 9728 : i32
      %parallel_loop3A_299 = arith.addi %parallel_loop3A_298, %parallel_loop3A_187 : i32
      %parallel_loop3A_300 = arith.index_cast %parallel_loop3A_299 : i32 to index
      %parallel_loop3A_301 = tpu.vector_load %arg7[%parallel_loop3A_300] {strides = array<i32>} : memref<10240xi32, #tpu.memory_space<vmem>>, vector<16xi32>,
      %parallel_loop3A_302 = tpu.vector_load_idx %arg5[%parallel_loop3A_301] : memref<100000xf32, #tpu.memory_space<vmem>>[vector<16xi32>], vector<16xf32>,
      %parallel_loop3A_303 = arith.addf %parallel_loop3A_297, %parallel_loop3A_302 : vector<16xf32>
      %parallel_loop3A_304 = arith.addf %parallel_loop3A_216, %parallel_loop3A_245 : vector<16xf32>
      %parallel_loop3A_305 = arith.addf %parallel_loop3A_274, %parallel_loop3A_303 : vector<16xf32>
      %parallel_loop3A_306 = arith.addf %parallel_loop3A_304, %parallel_loop3A_305 : vector<16xf32>
      %parallel_loop3A_307 = arith.constant 512 : i32
      %parallel_loop3A_308 = arith.addi %parallel_loop3A_307, %parallel_loop3A_187 : i32
      %parallel_loop3A_309 = arith.index_cast %parallel_loop3A_308 : i32 to index
      %parallel_loop3A_310 = tpu.vector_load %arg8[%parallel_loop3A_309] {strides = array<i32>} : memref<4096xf32, #tpu.memory_space<vmem>>, vector<16xf32>,
      tpu.vector_store %arg8[%parallel_loop3A_309], %parallel_loop3A_306 {strides = array<i32>} : memref<4096xf32, #tpu.memory_space<vmem>>, vector<16xf32>,
    } {sc.loop_unroll_factor = 2 : i64, sc.parallel_access}
    %dma_wait3A_47 = arith.constant 20480 : i32
    %dma_wait3A_48 = tpu.memref_slice %arg9[%dma_wait3A_47] : memref<81920xi32, #tpu.memory_space<vmem_shared>> -> memref<10240xi32, #tpu.memory_space<vmem_shared>>
    %dma_wait3A_49 = arith.constant 20480 : i32
    %dma_wait3A_50 = tpu.memref_slice %arg9[%dma_wait3A_49] : memref<81920xi32, #tpu.memory_space<vmem_shared>> -> memref<10240xi32, #tpu.memory_space<vmem_shared>>
    tpu.wait_dma2 semaphore(%arg10 : memref<!tpu.dma_semaphore, #tpu.memory_space<semaphore_mem>>) src(%dma_wait3A_50 : memref<10240xi32, #tpu.memory_space<vmem_shared>>) dst(%arg6 : memref<10240xi32, #tpu.memory_space<vmem>>)
    %dma_start3A_51 = arith.constant 30720 : i32
    %dma_start3A_52 = tpu.memref_slice %arg9[%dma_start3A_51] : memref<81920xi32, #tpu.memory_space<vmem_shared>> -> memref<10240xi32, #tpu.memory_space<vmem_shared>>
    %dma_start3A_53 = arith.constant 30720 : i32
    %dma_start3A_54 = tpu.memref_slice %arg9[%dma_start3A_53] : memref<81920xi32, #tpu.memory_space<vmem_shared>> -> memref<10240xi32, #tpu.memory_space<vmem_shared>>
    tpu.enqueue_dma source(%dma_start3A_54 : memref<10240xi32, #tpu.memory_space<vmem_shared>>) target(%arg7 : memref<10240xi32, #tpu.memory_space<vmem>>) target_semaphore(%arg10 : memref<!tpu.dma_semaphore, #tpu.memory_space<semaphore_mem>>)
    %parallel_loop3A_55 = arith.constant 0 : i32
    %parallel_loop3A_56 = arith.constant 32 : i32
    %parallel_loop3A_57 = arith.constant 1 : i32
    scf.for %parallel_loop3A_185 = %parallel_loop3A_55 to %parallel_loop3A_56 step %parallel_loop3A_57  : i32 {
      %parallel_loop3A_186 = arith.constant 16 : i32
      %parallel_loop3A_187 = arith.muli %parallel_loop3A_185, %parallel_loop3A_186 : i32
      %parallel_loop3A_188 = arith.constant 0 : i32
      %parallel_loop3A_189 = arith.addi %parallel_loop3A_188, %parallel_loop3A_187 : i32
      %parallel_loop3A_190 = arith.index_cast %parallel_loop3A_189 : i32 to index
      %parallel_loop3A_191 = tpu.vector_load %arg6[%parallel_loop3A_190] {strides = array<i32>} : memref<10240xi32, #tpu.memory_space<vmem>>, vector<16xi32>,
      %parallel_loop3A_192 = tpu.vector_load_idx %arg5[%parallel_loop3A_191] : memref<100000xf32, #tpu.memory_space<vmem>>[vector<16xi32>], vector<16xf32>,
      %parallel_loop3A_193 = arith.constant 512 : i32
      %parallel_loop3A_194 = arith.addi %parallel_loop3A_193, %parallel_loop3A_187 : i32
      %parallel_loop3A_195 = arith.index_cast %parallel_loop3A_194 : i32 to index
      %parallel_loop3A_196 = tpu.vector_load %arg6[%parallel_loop3A_195] {strides = array<i32>} : memref<10240xi32, #tpu.memory_space<vmem>>, vector<16xi32>,
      %parallel_loop3A_197 = tpu.vector_load_idx %arg5[%parallel_loop3A_196] : memref<100000xf32, #tpu.memory_space<vmem>>[vector<16xi32>], vector<16xf32>,
      %parallel_loop3A_198 = arith.addf %parallel_loop3A_192, %parallel_loop3A_197 : vector<16xf32>
      %parallel_loop3A_199 = arith.constant 1024 : i32
      %parallel_loop3A_200 = arith.addi %parallel_loop3A_199, %parallel_loop3A_187 : i32
      %parallel_loop3A_201 = arith.index_cast %parallel_loop3A_200 : i32 to index
      %parallel_loop3A_202 = tpu.vector_load %arg6[%parallel_loop3A_201] {strides = array<i32>} : memref<10240xi32, #tpu.memory_space<vmem>>, vector<16xi32>,
      %parallel_loop3A_203 = tpu.vector_load_idx %arg5[%parallel_loop3A_202] : memref<100000xf32, #tpu.memory_space<vmem>>[vector<16xi32>], vector<16xf32>,
      %parallel_loop3A_204 = arith.addf %parallel_loop3A_198, %parallel_loop3A_203 : vector<16xf32>
      %parallel_loop3A_205 = arith.constant 1536 : i32
      %parallel_loop3A_206 = arith.addi %parallel_loop3A_205, %parallel_loop3A_187 : i32
      %parallel_loop3A_207 = arith.index_cast %parallel_loop3A_206 : i32 to index
      %parallel_loop3A_208 = tpu.vector_load %arg6[%parallel_loop3A_207] {strides = array<i32>} : memref<10240xi32, #tpu.memory_space<vmem>>, vector<16xi32>,
      %parallel_loop3A_209 = tpu.vector_load_idx %arg5[%parallel_loop3A_208] : memref<100000xf32, #tpu.memory_space<vmem>>[vector<16xi32>], vector<16xf32>,
      %parallel_loop3A_210 = arith.addf %parallel_loop3A_204, %parallel_loop3A_209 : vector<16xf32>
      %parallel_loop3A_211 = arith.constant 2048 : i32
      %parallel_loop3A_212 = arith.addi %parallel_loop3A_211, %parallel_loop3A_187 : i32
      %parallel_loop3A_213 = arith.index_cast %parallel_loop3A_212 : i32 to index
      %parallel_loop3A_214 = tpu.vector_load %arg6[%parallel_loop3A_213] {strides = array<i32>} : memref<10240xi32, #tpu.memory_space<vmem>>, vector<16xi32>,
      %parallel_loop3A_215 = tpu.vector_load_idx %arg5[%parallel_loop3A_214] : memref<100000xf32, #tpu.memory_space<vmem>>[vector<16xi32>], vector<16xf32>,
      %parallel_loop3A_216 = arith.addf %parallel_loop3A_210, %parallel_loop3A_215 : vector<16xf32>
      %parallel_loop3A_217 = arith.constant 2560 : i32
      %parallel_loop3A_218 = arith.addi %parallel_loop3A_217, %parallel_loop3A_187 : i32
      %parallel_loop3A_219 = arith.index_cast %parallel_loop3A_218 : i32 to index
      %parallel_loop3A_220 = tpu.vector_load %arg6[%parallel_loop3A_219] {strides = array<i32>} : memref<10240xi32, #tpu.memory_space<vmem>>, vector<16xi32>,
      %parallel_loop3A_221 = tpu.vector_load_idx %arg5[%parallel_loop3A_220] : memref<100000xf32, #tpu.memory_space<vmem>>[vector<16xi32>], vector<16xf32>,
      %parallel_loop3A_222 = arith.constant 3072 : i32
      %parallel_loop3A_223 = arith.addi %parallel_loop3A_222, %parallel_loop3A_187 : i32
      %parallel_loop3A_224 = arith.index_cast %parallel_loop3A_223 : i32 to index
      %parallel_loop3A_225 = tpu.vector_load %arg6[%parallel_loop3A_224] {strides = array<i32>} : memref<10240xi32, #tpu.memory_space<vmem>>, vector<16xi32>,
      %parallel_loop3A_226 = tpu.vector_load_idx %arg5[%parallel_loop3A_225] : memref<100000xf32, #tpu.memory_space<vmem>>[vector<16xi32>], vector<16xf32>,
      %parallel_loop3A_227 = arith.addf %parallel_loop3A_221, %parallel_loop3A_226 : vector<16xf32>
      %parallel_loop3A_228 = arith.constant 3584 : i32
      %parallel_loop3A_229 = arith.addi %parallel_loop3A_228, %parallel_loop3A_187 : i32
      %parallel_loop3A_230 = arith.index_cast %parallel_loop3A_229 : i32 to index
      %parallel_loop3A_231 = tpu.vector_load %arg6[%parallel_loop3A_230] {strides = array<i32>} : memref<10240xi32, #tpu.memory_space<vmem>>, vector<16xi32>,
      %parallel_loop3A_232 = tpu.vector_load_idx %arg5[%parallel_loop3A_231] : memref<100000xf32, #tpu.memory_space<vmem>>[vector<16xi32>], vector<16xf32>,
      %parallel_loop3A_233 = arith.addf %parallel_loop3A_227, %parallel_loop3A_232 : vector<16xf32>
      %parallel_loop3A_234 = arith.constant 4096 : i32
      %parallel_loop3A_235 = arith.addi %parallel_loop3A_234, %parallel_loop3A_187 : i32
      %parallel_loop3A_236 = arith.index_cast %parallel_loop3A_235 : i32 to index
      %parallel_loop3A_237 = tpu.vector_load %arg6[%parallel_loop3A_236] {strides = array<i32>} : memref<10240xi32, #tpu.memory_space<vmem>>, vector<16xi32>,
      %parallel_loop3A_238 = tpu.vector_load_idx %arg5[%parallel_loop3A_237] : memref<100000xf32, #tpu.memory_space<vmem>>[vector<16xi32>], vector<16xf32>,
      %parallel_loop3A_239 = arith.addf %parallel_loop3A_233, %parallel_loop3A_238 : vector<16xf32>
      %parallel_loop3A_240 = arith.constant 4608 : i32
      %parallel_loop3A_241 = arith.addi %parallel_loop3A_240, %parallel_loop3A_187 : i32
      %parallel_loop3A_242 = arith.index_cast %parallel_loop3A_241 : i32 to index
      %parallel_loop3A_243 = tpu.vector_load %arg6[%parallel_loop3A_242] {strides = array<i32>} : memref<10240xi32, #tpu.memory_space<vmem>>, vector<16xi32>,
      %parallel_loop3A_244 = tpu.vector_load_idx %arg5[%parallel_loop3A_243] : memref<100000xf32, #tpu.memory_space<vmem>>[vector<16xi32>], vector<16xf32>,
      %parallel_loop3A_245 = arith.addf %parallel_loop3A_239, %parallel_loop3A_244 : vector<16xf32>
      %parallel_loop3A_246 = arith.constant 5120 : i32
      %parallel_loop3A_247 = arith.addi %parallel_loop3A_246, %parallel_loop3A_187 : i32
      %parallel_loop3A_248 = arith.index_cast %parallel_loop3A_247 : i32 to index
      %parallel_loop3A_249 = tpu.vector_load %arg6[%parallel_loop3A_248] {strides = array<i32>} : memref<10240xi32, #tpu.memory_space<vmem>>, vector<16xi32>,
      %parallel_loop3A_250 = tpu.vector_load_idx %arg5[%parallel_loop3A_249] : memref<100000xf32, #tpu.memory_space<vmem>>[vector<16xi32>], vector<16xf32>,
      %parallel_loop3A_251 = arith.constant 5632 : i32
      %parallel_loop3A_252 = arith.addi %parallel_loop3A_251, %parallel_loop3A_187 : i32
      %parallel_loop3A_253 = arith.index_cast %parallel_loop3A_252 : i32 to index
      %parallel_loop3A_254 = tpu.vector_load %arg6[%parallel_loop3A_253] {strides = array<i32>} : memref<10240xi32, #tpu.memory_space<vmem>>, vector<16xi32>,
      %parallel_loop3A_255 = tpu.vector_load_idx %arg5[%parallel_loop3A_254] : memref<100000xf32, #tpu.memory_space<vmem>>[vector<16xi32>], vector<16xf32>,
      %parallel_loop3A_256 = arith.addf %parallel_loop3A_250, %parallel_loop3A_255 : vector<16xf32>
      %parallel_loop3A_257 = arith.constant 6144 : i32
      %parallel_loop3A_258 = arith.addi %parallel_loop3A_257, %parallel_loop3A_187 : i32
      %parallel_loop3A_259 = arith.index_cast %parallel_loop3A_258 : i32 to index
      %parallel_loop3A_260 = tpu.vector_load %arg6[%parallel_loop3A_259] {strides = array<i32>} : memref<10240xi32, #tpu.memory_space<vmem>>, vector<16xi32>,
      %parallel_loop3A_261 = tpu.vector_load_idx %arg5[%parallel_loop3A_260] : memref<100000xf32, #tpu.memory_space<vmem>>[vector<16xi32>], vector<16xf32>,
      %parallel_loop3A_262 = arith.addf %parallel_loop3A_256, %parallel_loop3A_261 : vector<16xf32>
      %parallel_loop3A_263 = arith.constant 6656 : i32
      %parallel_loop3A_264 = arith.addi %parallel_loop3A_263, %parallel_loop3A_187 : i32
      %parallel_loop3A_265 = arith.index_cast %parallel_loop3A_264 : i32 to index
      %parallel_loop3A_266 = tpu.vector_load %arg6[%parallel_loop3A_265] {strides = array<i32>} : memref<10240xi32, #tpu.memory_space<vmem>>, vector<16xi32>,
      %parallel_loop3A_267 = tpu.vector_load_idx %arg5[%parallel_loop3A_266] : memref<100000xf32, #tpu.memory_space<vmem>>[vector<16xi32>], vector<16xf32>,
      %parallel_loop3A_268 = arith.addf %parallel_loop3A_262, %parallel_loop3A_267 : vector<16xf32>
      %parallel_loop3A_269 = arith.constant 7168 : i32
      %parallel_loop3A_270 = arith.addi %parallel_loop3A_269, %parallel_loop3A_187 : i32
      %parallel_loop3A_271 = arith.index_cast %parallel_loop3A_270 : i32 to index
      %parallel_loop3A_272 = tpu.vector_load %arg6[%parallel_loop3A_271] {strides = array<i32>} : memref<10240xi32, #tpu.memory_space<vmem>>, vector<16xi32>,
      %parallel_loop3A_273 = tpu.vector_load_idx %arg5[%parallel_loop3A_272] : memref<100000xf32, #tpu.memory_space<vmem>>[vector<16xi32>], vector<16xf32>,
      %parallel_loop3A_274 = arith.addf %parallel_loop3A_268, %parallel_loop3A_273 : vector<16xf32>
      %parallel_loop3A_275 = arith.constant 7680 : i32
      %parallel_loop3A_276 = arith.addi %parallel_loop3A_275, %parallel_loop3A_187 : i32
      %parallel_loop3A_277 = arith.index_cast %parallel_loop3A_276 : i32 to index
      %parallel_loop3A_278 = tpu.vector_load %arg6[%parallel_loop3A_277] {strides = array<i32>} : memref<10240xi32, #tpu.memory_space<vmem>>, vector<16xi32>,
      %parallel_loop3A_279 = tpu.vector_load_idx %arg5[%parallel_loop3A_278] : memref<100000xf32, #tpu.memory_space<vmem>>[vector<16xi32>], vector<16xf32>,
      %parallel_loop3A_280 = arith.constant 8192 : i32
      %parallel_loop3A_281 = arith.addi %parallel_loop3A_280, %parallel_loop3A_187 : i32
      %parallel_loop3A_282 = arith.index_cast %parallel_loop3A_281 : i32 to index
      %parallel_loop3A_283 = tpu.vector_load %arg6[%parallel_loop3A_282] {strides = array<i32>} : memref<10240xi32, #tpu.memory_space<vmem>>, vector<16xi32>,
      %parallel_loop3A_284 = tpu.vector_load_idx %arg5[%parallel_loop3A_283] : memref<100000xf32, #tpu.memory_space<vmem>>[vector<16xi32>], vector<16xf32>,
      %parallel_loop3A_285 = arith.addf %parallel_loop3A_279, %parallel_loop3A_284 : vector<16xf32>
      %parallel_loop3A_286 = arith.constant 8704 : i32
      %parallel_loop3A_287 = arith.addi %parallel_loop3A_286, %parallel_loop3A_187 : i32
      %parallel_loop3A_288 = arith.index_cast %parallel_loop3A_287 : i32 to index
      %parallel_loop3A_289 = tpu.vector_load %arg6[%parallel_loop3A_288] {strides = array<i32>} : memref<10240xi32, #tpu.memory_space<vmem>>, vector<16xi32>,
      %parallel_loop3A_290 = tpu.vector_load_idx %arg5[%parallel_loop3A_289] : memref<100000xf32, #tpu.memory_space<vmem>>[vector<16xi32>], vector<16xf32>,
      %parallel_loop3A_291 = arith.addf %parallel_loop3A_285, %parallel_loop3A_290 : vector<16xf32>
      %parallel_loop3A_292 = arith.constant 9216 : i32
      %parallel_loop3A_293 = arith.addi %parallel_loop3A_292, %parallel_loop3A_187 : i32
      %parallel_loop3A_294 = arith.index_cast %parallel_loop3A_293 : i32 to index
      %parallel_loop3A_295 = tpu.vector_load %arg6[%parallel_loop3A_294] {strides = array<i32>} : memref<10240xi32, #tpu.memory_space<vmem>>, vector<16xi32>,
      %parallel_loop3A_296 = tpu.vector_load_idx %arg5[%parallel_loop3A_295] : memref<100000xf32, #tpu.memory_space<vmem>>[vector<16xi32>], vector<16xf32>,
      %parallel_loop3A_297 = arith.addf %parallel_loop3A_291, %parallel_loop3A_296 : vector<16xf32>
      %parallel_loop3A_298 = arith.constant 9728 : i32
      %parallel_loop3A_299 = arith.addi %parallel_loop3A_298, %parallel_loop3A_187 : i32
      %parallel_loop3A_300 = arith.index_cast %parallel_loop3A_299 : i32 to index
      %parallel_loop3A_301 = tpu.vector_load %arg6[%parallel_loop3A_300] {strides = array<i32>} : memref<10240xi32, #tpu.memory_space<vmem>>, vector<16xi32>,
      %parallel_loop3A_302 = tpu.vector_load_idx %arg5[%parallel_loop3A_301] : memref<100000xf32, #tpu.memory_space<vmem>>[vector<16xi32>], vector<16xf32>,
      %parallel_loop3A_303 = arith.addf %parallel_loop3A_297, %parallel_loop3A_302 : vector<16xf32>
      %parallel_loop3A_304 = arith.addf %parallel_loop3A_216, %parallel_loop3A_245 : vector<16xf32>
      %parallel_loop3A_305 = arith.addf %parallel_loop3A_274, %parallel_loop3A_303 : vector<16xf32>
      %parallel_loop3A_306 = arith.addf %parallel_loop3A_304, %parallel_loop3A_305 : vector<16xf32>
      %parallel_loop3A_307 = arith.constant 1024 : i32
      %parallel_loop3A_308 = arith.addi %parallel_loop3A_307, %parallel_loop3A_187 : i32
      %parallel_loop3A_309 = arith.index_cast %parallel_loop3A_308 : i32 to index
      %parallel_loop3A_310 = tpu.vector_load %arg8[%parallel_loop3A_309] {strides = array<i32>} : memref<4096xf32, #tpu.memory_space<vmem>>, vector<16xf32>,
      tpu.vector_store %arg8[%parallel_loop3A_309], %parallel_loop3A_306 {strides = array<i32>} : memref<4096xf32, #tpu.memory_space<vmem>>, vector<16xf32>,
    } {sc.loop_unroll_factor = 2 : i64, sc.parallel_access}
    %dma_wait3A_58 = arith.constant 30720 : i32
    %dma_wait3A_59 = tpu.memref_slice %arg9[%dma_wait3A_58] : memref<81920xi32, #tpu.memory_space<vmem_shared>> -> memref<10240xi32, #tpu.memory_space<vmem_shared>>
    %dma_wait3A_60 = arith.constant 30720 : i32
    %dma_wait3A_61 = tpu.memref_slice %arg9[%dma_wait3A_60] : memref<81920xi32, #tpu.memory_space<vmem_shared>> -> memref<10240xi32, #tpu.memory_space<vmem_shared>>
    tpu.wait_dma2 semaphore(%arg10 : memref<!tpu.dma_semaphore, #tpu.memory_space<semaphore_mem>>) src(%dma_wait3A_61 : memref<10240xi32, #tpu.memory_space<vmem_shared>>) dst(%arg7 : memref<10240xi32, #tpu.memory_space<vmem>>)
    %dma_start3A_62 = arith.constant 40960 : i32
    %dma_start3A_63 = tpu.memref_slice %arg9[%dma_start3A_62] : memref<81920xi32, #tpu.memory_space<vmem_shared>> -> memref<10240xi32, #tpu.memory_space<vmem_shared>>
    %dma_start3A_64 = arith.constant 40960 : i32
    %dma_start3A_65 = tpu.memref_slice %arg9[%dma_start3A_64] : memref<81920xi32, #tpu.memory_space<vmem_shared>> -> memref<10240xi32, #tpu.memory_space<vmem_shared>>
    tpu.enqueue_dma source(%dma_start3A_65 : memref<10240xi32, #tpu.memory_space<vmem_shared>>) target(%arg6 : memref<10240xi32, #tpu.memory_space<vmem>>) target_semaphore(%arg10 : memref<!tpu.dma_semaphore, #tpu.memory_space<semaphore_mem>>)
    %parallel_loop3A_66 = arith.constant 0 : i32
    %parallel_loop3A_67 = arith.constant 32 : i32
    %parallel_loop3A_68 = arith.constant 1 : i32
    scf.for %parallel_loop3A_185 = %parallel_loop3A_66 to %parallel_loop3A_67 step %parallel_loop3A_68  : i32 {
      %parallel_loop3A_186 = arith.constant 16 : i32
      %parallel_loop3A_187 = arith.muli %parallel_loop3A_185, %parallel_loop3A_186 : i32
      %parallel_loop3A_188 = arith.constant 0 : i32
      %parallel_loop3A_189 = arith.addi %parallel_loop3A_188, %parallel_loop3A_187 : i32
      %parallel_loop3A_190 = arith.index_cast %parallel_loop3A_189 : i32 to index
      %parallel_loop3A_191 = tpu.vector_load %arg7[%parallel_loop3A_190] {strides = array<i32>} : memref<10240xi32, #tpu.memory_space<vmem>>, vector<16xi32>,
      %parallel_loop3A_192 = tpu.vector_load_idx %arg5[%parallel_loop3A_191] : memref<100000xf32, #tpu.memory_space<vmem>>[vector<16xi32>], vector<16xf32>,
      %parallel_loop3A_193 = arith.constant 512 : i32
      %parallel_loop3A_194 = arith.addi %parallel_loop3A_193, %parallel_loop3A_187 : i32
      %parallel_loop3A_195 = arith.index_cast %parallel_loop3A_194 : i32 to index
      %parallel_loop3A_196 = tpu.vector_load %arg7[%parallel_loop3A_195] {strides = array<i32>} : memref<10240xi32, #tpu.memory_space<vmem>>, vector<16xi32>,
      %parallel_loop3A_197 = tpu.vector_load_idx %arg5[%parallel_loop3A_196] : memref<100000xf32, #tpu.memory_space<vmem>>[vector<16xi32>], vector<16xf32>,
      %parallel_loop3A_198 = arith.addf %parallel_loop3A_192, %parallel_loop3A_197 : vector<16xf32>
      %parallel_loop3A_199 = arith.constant 1024 : i32
      %parallel_loop3A_200 = arith.addi %parallel_loop3A_199, %parallel_loop3A_187 : i32
      %parallel_loop3A_201 = arith.index_cast %parallel_loop3A_200 : i32 to index
      %parallel_loop3A_202 = tpu.vector_load %arg7[%parallel_loop3A_201] {strides = array<i32>} : memref<10240xi32, #tpu.memory_space<vmem>>, vector<16xi32>,
      %parallel_loop3A_203 = tpu.vector_load_idx %arg5[%parallel_loop3A_202] : memref<100000xf32, #tpu.memory_space<vmem>>[vector<16xi32>], vector<16xf32>,
      %parallel_loop3A_204 = arith.addf %parallel_loop3A_198, %parallel_loop3A_203 : vector<16xf32>
      %parallel_loop3A_205 = arith.constant 1536 : i32
      %parallel_loop3A_206 = arith.addi %parallel_loop3A_205, %parallel_loop3A_187 : i32
      %parallel_loop3A_207 = arith.index_cast %parallel_loop3A_206 : i32 to index
      %parallel_loop3A_208 = tpu.vector_load %arg7[%parallel_loop3A_207] {strides = array<i32>} : memref<10240xi32, #tpu.memory_space<vmem>>, vector<16xi32>,
      %parallel_loop3A_209 = tpu.vector_load_idx %arg5[%parallel_loop3A_208] : memref<100000xf32, #tpu.memory_space<vmem>>[vector<16xi32>], vector<16xf32>,
      %parallel_loop3A_210 = arith.addf %parallel_loop3A_204, %parallel_loop3A_209 : vector<16xf32>
      %parallel_loop3A_211 = arith.constant 2048 : i32
      %parallel_loop3A_212 = arith.addi %parallel_loop3A_211, %parallel_loop3A_187 : i32
      %parallel_loop3A_213 = arith.index_cast %parallel_loop3A_212 : i32 to index
      %parallel_loop3A_214 = tpu.vector_load %arg7[%parallel_loop3A_213] {strides = array<i32>} : memref<10240xi32, #tpu.memory_space<vmem>>, vector<16xi32>,
      %parallel_loop3A_215 = tpu.vector_load_idx %arg5[%parallel_loop3A_214] : memref<100000xf32, #tpu.memory_space<vmem>>[vector<16xi32>], vector<16xf32>,
      %parallel_loop3A_216 = arith.addf %parallel_loop3A_210, %parallel_loop3A_215 : vector<16xf32>
      %parallel_loop3A_217 = arith.constant 2560 : i32
      %parallel_loop3A_218 = arith.addi %parallel_loop3A_217, %parallel_loop3A_187 : i32
      %parallel_loop3A_219 = arith.index_cast %parallel_loop3A_218 : i32 to index
      %parallel_loop3A_220 = tpu.vector_load %arg7[%parallel_loop3A_219] {strides = array<i32>} : memref<10240xi32, #tpu.memory_space<vmem>>, vector<16xi32>,
      %parallel_loop3A_221 = tpu.vector_load_idx %arg5[%parallel_loop3A_220] : memref<100000xf32, #tpu.memory_space<vmem>>[vector<16xi32>], vector<16xf32>,
      %parallel_loop3A_222 = arith.constant 3072 : i32
      %parallel_loop3A_223 = arith.addi %parallel_loop3A_222, %parallel_loop3A_187 : i32
      %parallel_loop3A_224 = arith.index_cast %parallel_loop3A_223 : i32 to index
      %parallel_loop3A_225 = tpu.vector_load %arg7[%parallel_loop3A_224] {strides = array<i32>} : memref<10240xi32, #tpu.memory_space<vmem>>, vector<16xi32>,
      %parallel_loop3A_226 = tpu.vector_load_idx %arg5[%parallel_loop3A_225] : memref<100000xf32, #tpu.memory_space<vmem>>[vector<16xi32>], vector<16xf32>,
      %parallel_loop3A_227 = arith.addf %parallel_loop3A_221, %parallel_loop3A_226 : vector<16xf32>
      %parallel_loop3A_228 = arith.constant 3584 : i32
      %parallel_loop3A_229 = arith.addi %parallel_loop3A_228, %parallel_loop3A_187 : i32
      %parallel_loop3A_230 = arith.index_cast %parallel_loop3A_229 : i32 to index
      %parallel_loop3A_231 = tpu.vector_load %arg7[%parallel_loop3A_230] {strides = array<i32>} : memref<10240xi32, #tpu.memory_space<vmem>>, vector<16xi32>,
      %parallel_loop3A_232 = tpu.vector_load_idx %arg5[%parallel_loop3A_231] : memref<100000xf32, #tpu.memory_space<vmem>>[vector<16xi32>], vector<16xf32>,
      %parallel_loop3A_233 = arith.addf %parallel_loop3A_227, %parallel_loop3A_232 : vector<16xf32>
      %parallel_loop3A_234 = arith.constant 4096 : i32
      %parallel_loop3A_235 = arith.addi %parallel_loop3A_234, %parallel_loop3A_187 : i32
      %parallel_loop3A_236 = arith.index_cast %parallel_loop3A_235 : i32 to index
      %parallel_loop3A_237 = tpu.vector_load %arg7[%parallel_loop3A_236] {strides = array<i32>} : memref<10240xi32, #tpu.memory_space<vmem>>, vector<16xi32>,
      %parallel_loop3A_238 = tpu.vector_load_idx %arg5[%parallel_loop3A_237] : memref<100000xf32, #tpu.memory_space<vmem>>[vector<16xi32>], vector<16xf32>,
      %parallel_loop3A_239 = arith.addf %parallel_loop3A_233, %parallel_loop3A_238 : vector<16xf32>
      %parallel_loop3A_240 = arith.constant 4608 : i32
      %parallel_loop3A_241 = arith.addi %parallel_loop3A_240, %parallel_loop3A_187 : i32
      %parallel_loop3A_242 = arith.index_cast %parallel_loop3A_241 : i32 to index
      %parallel_loop3A_243 = tpu.vector_load %arg7[%parallel_loop3A_242] {strides = array<i32>} : memref<10240xi32, #tpu.memory_space<vmem>>, vector<16xi32>,
      %parallel_loop3A_244 = tpu.vector_load_idx %arg5[%parallel_loop3A_243] : memref<100000xf32, #tpu.memory_space<vmem>>[vector<16xi32>], vector<16xf32>,
      %parallel_loop3A_245 = arith.addf %parallel_loop3A_239, %parallel_loop3A_244 : vector<16xf32>
      %parallel_loop3A_246 = arith.constant 5120 : i32
      %parallel_loop3A_247 = arith.addi %parallel_loop3A_246, %parallel_loop3A_187 : i32
      %parallel_loop3A_248 = arith.index_cast %parallel_loop3A_247 : i32 to index
      %parallel_loop3A_249 = tpu.vector_load %arg7[%parallel_loop3A_248] {strides = array<i32>} : memref<10240xi32, #tpu.memory_space<vmem>>, vector<16xi32>,
      %parallel_loop3A_250 = tpu.vector_load_idx %arg5[%parallel_loop3A_249] : memref<100000xf32, #tpu.memory_space<vmem>>[vector<16xi32>], vector<16xf32>,
      %parallel_loop3A_251 = arith.constant 5632 : i32
      %parallel_loop3A_252 = arith.addi %parallel_loop3A_251, %parallel_loop3A_187 : i32
      %parallel_loop3A_253 = arith.index_cast %parallel_loop3A_252 : i32 to index
      %parallel_loop3A_254 = tpu.vector_load %arg7[%parallel_loop3A_253] {strides = array<i32>} : memref<10240xi32, #tpu.memory_space<vmem>>, vector<16xi32>,
      %parallel_loop3A_255 = tpu.vector_load_idx %arg5[%parallel_loop3A_254] : memref<100000xf32, #tpu.memory_space<vmem>>[vector<16xi32>], vector<16xf32>,
      %parallel_loop3A_256 = arith.addf %parallel_loop3A_250, %parallel_loop3A_255 : vector<16xf32>
      %parallel_loop3A_257 = arith.constant 6144 : i32
      %parallel_loop3A_258 = arith.addi %parallel_loop3A_257, %parallel_loop3A_187 : i32
      %parallel_loop3A_259 = arith.index_cast %parallel_loop3A_258 : i32 to index
      %parallel_loop3A_260 = tpu.vector_load %arg7[%parallel_loop3A_259] {strides = array<i32>} : memref<10240xi32, #tpu.memory_space<vmem>>, vector<16xi32>,
      %parallel_loop3A_261 = tpu.vector_load_idx %arg5[%parallel_loop3A_260] : memref<100000xf32, #tpu.memory_space<vmem>>[vector<16xi32>], vector<16xf32>,
      %parallel_loop3A_262 = arith.addf %parallel_loop3A_256, %parallel_loop3A_261 : vector<16xf32>
      %parallel_loop3A_263 = arith.constant 6656 : i32
      %parallel_loop3A_264 = arith.addi %parallel_loop3A_263, %parallel_loop3A_187 : i32
      %parallel_loop3A_265 = arith.index_cast %parallel_loop3A_264 : i32 to index
      %parallel_loop3A_266 = tpu.vector_load %arg7[%parallel_loop3A_265] {strides = array<i32>} : memref<10240xi32, #tpu.memory_space<vmem>>, vector<16xi32>,
      %parallel_loop3A_267 = tpu.vector_load_idx %arg5[%parallel_loop3A_266] : memref<100000xf32, #tpu.memory_space<vmem>>[vector<16xi32>], vector<16xf32>,
      %parallel_loop3A_268 = arith.addf %parallel_loop3A_262, %parallel_loop3A_267 : vector<16xf32>
      %parallel_loop3A_269 = arith.constant 7168 : i32
      %parallel_loop3A_270 = arith.addi %parallel_loop3A_269, %parallel_loop3A_187 : i32
      %parallel_loop3A_271 = arith.index_cast %parallel_loop3A_270 : i32 to index
      %parallel_loop3A_272 = tpu.vector_load %arg7[%parallel_loop3A_271] {strides = array<i32>} : memref<10240xi32, #tpu.memory_space<vmem>>, vector<16xi32>,
      %parallel_loop3A_273 = tpu.vector_load_idx %arg5[%parallel_loop3A_272] : memref<100000xf32, #tpu.memory_space<vmem>>[vector<16xi32>], vector<16xf32>,
      %parallel_loop3A_274 = arith.addf %parallel_loop3A_268, %parallel_loop3A_273 : vector<16xf32>
      %parallel_loop3A_275 = arith.constant 7680 : i32
      %parallel_loop3A_276 = arith.addi %parallel_loop3A_275, %parallel_loop3A_187 : i32
      %parallel_loop3A_277 = arith.index_cast %parallel_loop3A_276 : i32 to index
      %parallel_loop3A_278 = tpu.vector_load %arg7[%parallel_loop3A_277] {strides = array<i32>} : memref<10240xi32, #tpu.memory_space<vmem>>, vector<16xi32>,
      %parallel_loop3A_279 = tpu.vector_load_idx %arg5[%parallel_loop3A_278] : memref<100000xf32, #tpu.memory_space<vmem>>[vector<16xi32>], vector<16xf32>,
      %parallel_loop3A_280 = arith.constant 8192 : i32
      %parallel_loop3A_281 = arith.addi %parallel_loop3A_280, %parallel_loop3A_187 : i32
      %parallel_loop3A_282 = arith.index_cast %parallel_loop3A_281 : i32 to index
      %parallel_loop3A_283 = tpu.vector_load %arg7[%parallel_loop3A_282] {strides = array<i32>} : memref<10240xi32, #tpu.memory_space<vmem>>, vector<16xi32>,
      %parallel_loop3A_284 = tpu.vector_load_idx %arg5[%parallel_loop3A_283] : memref<100000xf32, #tpu.memory_space<vmem>>[vector<16xi32>], vector<16xf32>,
      %parallel_loop3A_285 = arith.addf %parallel_loop3A_279, %parallel_loop3A_284 : vector<16xf32>
      %parallel_loop3A_286 = arith.constant 8704 : i32
      %parallel_loop3A_287 = arith.addi %parallel_loop3A_286, %parallel_loop3A_187 : i32
      %parallel_loop3A_288 = arith.index_cast %parallel_loop3A_287 : i32 to index
      %parallel_loop3A_289 = tpu.vector_load %arg7[%parallel_loop3A_288] {strides = array<i32>} : memref<10240xi32, #tpu.memory_space<vmem>>, vector<16xi32>,
      %parallel_loop3A_290 = tpu.vector_load_idx %arg5[%parallel_loop3A_289] : memref<100000xf32, #tpu.memory_space<vmem>>[vector<16xi32>], vector<16xf32>,
      %parallel_loop3A_291 = arith.addf %parallel_loop3A_285, %parallel_loop3A_290 : vector<16xf32>
      %parallel_loop3A_292 = arith.constant 9216 : i32
      %parallel_loop3A_293 = arith.addi %parallel_loop3A_292, %parallel_loop3A_187 : i32
      %parallel_loop3A_294 = arith.index_cast %parallel_loop3A_293 : i32 to index
      %parallel_loop3A_295 = tpu.vector_load %arg7[%parallel_loop3A_294] {strides = array<i32>} : memref<10240xi32, #tpu.memory_space<vmem>>, vector<16xi32>,
      %parallel_loop3A_296 = tpu.vector_load_idx %arg5[%parallel_loop3A_295] : memref<100000xf32, #tpu.memory_space<vmem>>[vector<16xi32>], vector<16xf32>,
      %parallel_loop3A_297 = arith.addf %parallel_loop3A_291, %parallel_loop3A_296 : vector<16xf32>
      %parallel_loop3A_298 = arith.constant 9728 : i32
      %parallel_loop3A_299 = arith.addi %parallel_loop3A_298, %parallel_loop3A_187 : i32
      %parallel_loop3A_300 = arith.index_cast %parallel_loop3A_299 : i32 to index
      %parallel_loop3A_301 = tpu.vector_load %arg7[%parallel_loop3A_300] {strides = array<i32>} : memref<10240xi32, #tpu.memory_space<vmem>>, vector<16xi32>,
      %parallel_loop3A_302 = tpu.vector_load_idx %arg5[%parallel_loop3A_301] : memref<100000xf32, #tpu.memory_space<vmem>>[vector<16xi32>], vector<16xf32>,
      %parallel_loop3A_303 = arith.addf %parallel_loop3A_297, %parallel_loop3A_302 : vector<16xf32>
      %parallel_loop3A_304 = arith.addf %parallel_loop3A_216, %parallel_loop3A_245 : vector<16xf32>
      %parallel_loop3A_305 = arith.addf %parallel_loop3A_274, %parallel_loop3A_303 : vector<16xf32>
      %parallel_loop3A_306 = arith.addf %parallel_loop3A_304, %parallel_loop3A_305 : vector<16xf32>
      %parallel_loop3A_307 = arith.constant 1536 : i32
      %parallel_loop3A_308 = arith.addi %parallel_loop3A_307, %parallel_loop3A_187 : i32
      %parallel_loop3A_309 = arith.index_cast %parallel_loop3A_308 : i32 to index
      %parallel_loop3A_310 = tpu.vector_load %arg8[%parallel_loop3A_309] {strides = array<i32>} : memref<4096xf32, #tpu.memory_space<vmem>>, vector<16xf32>,
      tpu.vector_store %arg8[%parallel_loop3A_309], %parallel_loop3A_306 {strides = array<i32>} : memref<4096xf32, #tpu.memory_space<vmem>>, vector<16xf32>,
    } {sc.loop_unroll_factor = 2 : i64, sc.parallel_access}
    %dma_wait3A_69 = arith.constant 40960 : i32
    %dma_wait3A_70 = tpu.memref_slice %arg9[%dma_wait3A_69] : memref<81920xi32, #tpu.memory_space<vmem_shared>> -> memref<10240xi32, #tpu.memory_space<vmem_shared>>
    %dma_wait3A_71 = arith.constant 40960 : i32
    %dma_wait3A_72 = tpu.memref_slice %arg9[%dma_wait3A_71] : memref<81920xi32, #tpu.memory_space<vmem_shared>> -> memref<10240xi32, #tpu.memory_space<vmem_shared>>
    tpu.wait_dma2 semaphore(%arg10 : memref<!tpu.dma_semaphore, #tpu.memory_space<semaphore_mem>>) src(%dma_wait3A_72 : memref<10240xi32, #tpu.memory_space<vmem_shared>>) dst(%arg6 : memref<10240xi32, #tpu.memory_space<vmem>>)
    %dma_start3A_73 = arith.constant 51200 : i32
    %dma_start3A_74 = tpu.memref_slice %arg9[%dma_start3A_73] : memref<81920xi32, #tpu.memory_space<vmem_shared>> -> memref<10240xi32, #tpu.memory_space<vmem_shared>>
    %dma_start3A_75 = arith.constant 51200 : i32
    %dma_start3A_76 = tpu.memref_slice %arg9[%dma_start3A_75] : memref<81920xi32, #tpu.memory_space<vmem_shared>> -> memref<10240xi32, #tpu.memory_space<vmem_shared>>
    tpu.enqueue_dma source(%dma_start3A_76 : memref<10240xi32, #tpu.memory_space<vmem_shared>>) target(%arg7 : memref<10240xi32, #tpu.memory_space<vmem>>) target_semaphore(%arg10 : memref<!tpu.dma_semaphore, #tpu.memory_space<semaphore_mem>>)
    %parallel_loop3A_77 = arith.constant 0 : i32
    %parallel_loop3A_78 = arith.constant 32 : i32
    %parallel_loop3A_79 = arith.constant 1 : i32
    scf.for %parallel_loop3A_185 = %parallel_loop3A_77 to %parallel_loop3A_78 step %parallel_loop3A_79  : i32 {
      %parallel_loop3A_186 = arith.constant 16 : i32
      %parallel_loop3A_187 = arith.muli %parallel_loop3A_185, %parallel_loop3A_186 : i32
      %parallel_loop3A_188 = arith.constant 0 : i32
      %parallel_loop3A_189 = arith.addi %parallel_loop3A_188, %parallel_loop3A_187 : i32
      %parallel_loop3A_190 = arith.index_cast %parallel_loop3A_189 : i32 to index
      %parallel_loop3A_191 = tpu.vector_load %arg6[%parallel_loop3A_190] {strides = array<i32>} : memref<10240xi32, #tpu.memory_space<vmem>>, vector<16xi32>,
      %parallel_loop3A_192 = tpu.vector_load_idx %arg5[%parallel_loop3A_191] : memref<100000xf32, #tpu.memory_space<vmem>>[vector<16xi32>], vector<16xf32>,
      %parallel_loop3A_193 = arith.constant 512 : i32
      %parallel_loop3A_194 = arith.addi %parallel_loop3A_193, %parallel_loop3A_187 : i32
      %parallel_loop3A_195 = arith.index_cast %parallel_loop3A_194 : i32 to index
      %parallel_loop3A_196 = tpu.vector_load %arg6[%parallel_loop3A_195] {strides = array<i32>} : memref<10240xi32, #tpu.memory_space<vmem>>, vector<16xi32>,
      %parallel_loop3A_197 = tpu.vector_load_idx %arg5[%parallel_loop3A_196] : memref<100000xf32, #tpu.memory_space<vmem>>[vector<16xi32>], vector<16xf32>,
      %parallel_loop3A_198 = arith.addf %parallel_loop3A_192, %parallel_loop3A_197 : vector<16xf32>
      %parallel_loop3A_199 = arith.constant 1024 : i32
      %parallel_loop3A_200 = arith.addi %parallel_loop3A_199, %parallel_loop3A_187 : i32
      %parallel_loop3A_201 = arith.index_cast %parallel_loop3A_200 : i32 to index
      %parallel_loop3A_202 = tpu.vector_load %arg6[%parallel_loop3A_201] {strides = array<i32>} : memref<10240xi32, #tpu.memory_space<vmem>>, vector<16xi32>,
      %parallel_loop3A_203 = tpu.vector_load_idx %arg5[%parallel_loop3A_202] : memref<100000xf32, #tpu.memory_space<vmem>>[vector<16xi32>], vector<16xf32>,
      %parallel_loop3A_204 = arith.addf %parallel_loop3A_198, %parallel_loop3A_203 : vector<16xf32>
      %parallel_loop3A_205 = arith.constant 1536 : i32
      %parallel_loop3A_206 = arith.addi %parallel_loop3A_205, %parallel_loop3A_187 : i32
      %parallel_loop3A_207 = arith.index_cast %parallel_loop3A_206 : i32 to index
      %parallel_loop3A_208 = tpu.vector_load %arg6[%parallel_loop3A_207] {strides = array<i32>} : memref<10240xi32, #tpu.memory_space<vmem>>, vector<16xi32>,
      %parallel_loop3A_209 = tpu.vector_load_idx %arg5[%parallel_loop3A_208] : memref<100000xf32, #tpu.memory_space<vmem>>[vector<16xi32>], vector<16xf32>,
      %parallel_loop3A_210 = arith.addf %parallel_loop3A_204, %parallel_loop3A_209 : vector<16xf32>
      %parallel_loop3A_211 = arith.constant 2048 : i32
      %parallel_loop3A_212 = arith.addi %parallel_loop3A_211, %parallel_loop3A_187 : i32
      %parallel_loop3A_213 = arith.index_cast %parallel_loop3A_212 : i32 to index
      %parallel_loop3A_214 = tpu.vector_load %arg6[%parallel_loop3A_213] {strides = array<i32>} : memref<10240xi32, #tpu.memory_space<vmem>>, vector<16xi32>,
      %parallel_loop3A_215 = tpu.vector_load_idx %arg5[%parallel_loop3A_214] : memref<100000xf32, #tpu.memory_space<vmem>>[vector<16xi32>], vector<16xf32>,
      %parallel_loop3A_216 = arith.addf %parallel_loop3A_210, %parallel_loop3A_215 : vector<16xf32>
      %parallel_loop3A_217 = arith.constant 2560 : i32
      %parallel_loop3A_218 = arith.addi %parallel_loop3A_217, %parallel_loop3A_187 : i32
      %parallel_loop3A_219 = arith.index_cast %parallel_loop3A_218 : i32 to index
      %parallel_loop3A_220 = tpu.vector_load %arg6[%parallel_loop3A_219] {strides = array<i32>} : memref<10240xi32, #tpu.memory_space<vmem>>, vector<16xi32>,
      %parallel_loop3A_221 = tpu.vector_load_idx %arg5[%parallel_loop3A_220] : memref<100000xf32, #tpu.memory_space<vmem>>[vector<16xi32>], vector<16xf32>,
      %parallel_loop3A_222 = arith.constant 3072 : i32
      %parallel_loop3A_223 = arith.addi %parallel_loop3A_222, %parallel_loop3A_187 : i32
      %parallel_loop3A_224 = arith.index_cast %parallel_loop3A_223 : i32 to index
      %parallel_loop3A_225 = tpu.vector_load %arg6[%parallel_loop3A_224] {strides = array<i32>} : memref<10240xi32, #tpu.memory_space<vmem>>, vector<16xi32>,
      %parallel_loop3A_226 = tpu.vector_load_idx %arg5[%parallel_loop3A_225] : memref<100000xf32, #tpu.memory_space<vmem>>[vector<16xi32>], vector<16xf32>,
      %parallel_loop3A_227 = arith.addf %parallel_loop3A_221, %parallel_loop3A_226 : vector<16xf32>
      %parallel_loop3A_228 = arith.constant 3584 : i32
      %parallel_loop3A_229 = arith.addi %parallel_loop3A_228, %parallel_loop3A_187 : i32
      %parallel_loop3A_230 = arith.index_cast %parallel_loop3A_229 : i32 to index
      %parallel_loop3A_231 = tpu.vector_load %arg6[%parallel_loop3A_230] {strides = array<i32>} : memref<10240xi32, #tpu.memory_space<vmem>>, vector<16xi32>,
      %parallel_loop3A_232 = tpu.vector_load_idx %arg5[%parallel_loop3A_231] : memref<100000xf32, #tpu.memory_space<vmem>>[vector<16xi32>], vector<16xf32>,
      %parallel_loop3A_233 = arith.addf %parallel_loop3A_227, %parallel_loop3A_232 : vector<16xf32>
      %parallel_loop3A_234 = arith.constant 4096 : i32
      %parallel_loop3A_235 = arith.addi %parallel_loop3A_234, %parallel_loop3A_187 : i32
      %parallel_loop3A_236 = arith.index_cast %parallel_loop3A_235 : i32 to index
      %parallel_loop3A_237 = tpu.vector_load %arg6[%parallel_loop3A_236] {strides = array<i32>} : memref<10240xi32, #tpu.memory_space<vmem>>, vector<16xi32>,
      %parallel_loop3A_238 = tpu.vector_load_idx %arg5[%parallel_loop3A_237] : memref<100000xf32, #tpu.memory_space<vmem>>[vector<16xi32>], vector<16xf32>,
      %parallel_loop3A_239 = arith.addf %parallel_loop3A_233, %parallel_loop3A_238 : vector<16xf32>
      %parallel_loop3A_240 = arith.constant 4608 : i32
      %parallel_loop3A_241 = arith.addi %parallel_loop3A_240, %parallel_loop3A_187 : i32
      %parallel_loop3A_242 = arith.index_cast %parallel_loop3A_241 : i32 to index
      %parallel_loop3A_243 = tpu.vector_load %arg6[%parallel_loop3A_242] {strides = array<i32>} : memref<10240xi32, #tpu.memory_space<vmem>>, vector<16xi32>,
      %parallel_loop3A_244 = tpu.vector_load_idx %arg5[%parallel_loop3A_243] : memref<100000xf32, #tpu.memory_space<vmem>>[vector<16xi32>], vector<16xf32>,
      %parallel_loop3A_245 = arith.addf %parallel_loop3A_239, %parallel_loop3A_244 : vector<16xf32>
      %parallel_loop3A_246 = arith.constant 5120 : i32
      %parallel_loop3A_247 = arith.addi %parallel_loop3A_246, %parallel_loop3A_187 : i32
      %parallel_loop3A_248 = arith.index_cast %parallel_loop3A_247 : i32 to index
      %parallel_loop3A_249 = tpu.vector_load %arg6[%parallel_loop3A_248] {strides = array<i32>} : memref<10240xi32, #tpu.memory_space<vmem>>, vector<16xi32>,
      %parallel_loop3A_250 = tpu.vector_load_idx %arg5[%parallel_loop3A_249] : memref<100000xf32, #tpu.memory_space<vmem>>[vector<16xi32>], vector<16xf32>,
      %parallel_loop3A_251 = arith.constant 5632 : i32
      %parallel_loop3A_252 = arith.addi %parallel_loop3A_251, %parallel_loop3A_187 : i32
      %parallel_loop3A_253 = arith.index_cast %parallel_loop3A_252 : i32 to index
      %parallel_loop3A_254 = tpu.vector_load %arg6[%parallel_loop3A_253] {strides = array<i32>} : memref<10240xi32, #tpu.memory_space<vmem>>, vector<16xi32>,
      %parallel_loop3A_255 = tpu.vector_load_idx %arg5[%parallel_loop3A_254] : memref<100000xf32, #tpu.memory_space<vmem>>[vector<16xi32>], vector<16xf32>,
      %parallel_loop3A_256 = arith.addf %parallel_loop3A_250, %parallel_loop3A_255 : vector<16xf32>
      %parallel_loop3A_257 = arith.constant 6144 : i32
      %parallel_loop3A_258 = arith.addi %parallel_loop3A_257, %parallel_loop3A_187 : i32
      %parallel_loop3A_259 = arith.index_cast %parallel_loop3A_258 : i32 to index
      %parallel_loop3A_260 = tpu.vector_load %arg6[%parallel_loop3A_259] {strides = array<i32>} : memref<10240xi32, #tpu.memory_space<vmem>>, vector<16xi32>,
      %parallel_loop3A_261 = tpu.vector_load_idx %arg5[%parallel_loop3A_260] : memref<100000xf32, #tpu.memory_space<vmem>>[vector<16xi32>], vector<16xf32>,
      %parallel_loop3A_262 = arith.addf %parallel_loop3A_256, %parallel_loop3A_261 : vector<16xf32>
      %parallel_loop3A_263 = arith.constant 6656 : i32
      %parallel_loop3A_264 = arith.addi %parallel_loop3A_263, %parallel_loop3A_187 : i32
      %parallel_loop3A_265 = arith.index_cast %parallel_loop3A_264 : i32 to index
      %parallel_loop3A_266 = tpu.vector_load %arg6[%parallel_loop3A_265] {strides = array<i32>} : memref<10240xi32, #tpu.memory_space<vmem>>, vector<16xi32>,
      %parallel_loop3A_267 = tpu.vector_load_idx %arg5[%parallel_loop3A_266] : memref<100000xf32, #tpu.memory_space<vmem>>[vector<16xi32>], vector<16xf32>,
      %parallel_loop3A_268 = arith.addf %parallel_loop3A_262, %parallel_loop3A_267 : vector<16xf32>
      %parallel_loop3A_269 = arith.constant 7168 : i32
      %parallel_loop3A_270 = arith.addi %parallel_loop3A_269, %parallel_loop3A_187 : i32
      %parallel_loop3A_271 = arith.index_cast %parallel_loop3A_270 : i32 to index
      %parallel_loop3A_272 = tpu.vector_load %arg6[%parallel_loop3A_271] {strides = array<i32>} : memref<10240xi32, #tpu.memory_space<vmem>>, vector<16xi32>,
      %parallel_loop3A_273 = tpu.vector_load_idx %arg5[%parallel_loop3A_272] : memref<100000xf32, #tpu.memory_space<vmem>>[vector<16xi32>], vector<16xf32>,
      %parallel_loop3A_274 = arith.addf %parallel_loop3A_268, %parallel_loop3A_273 : vector<16xf32>
      %parallel_loop3A_275 = arith.constant 7680 : i32
      %parallel_loop3A_276 = arith.addi %parallel_loop3A_275, %parallel_loop3A_187 : i32
      %parallel_loop3A_277 = arith.index_cast %parallel_loop3A_276 : i32 to index
      %parallel_loop3A_278 = tpu.vector_load %arg6[%parallel_loop3A_277] {strides = array<i32>} : memref<10240xi32, #tpu.memory_space<vmem>>, vector<16xi32>,
      %parallel_loop3A_279 = tpu.vector_load_idx %arg5[%parallel_loop3A_278] : memref<100000xf32, #tpu.memory_space<vmem>>[vector<16xi32>], vector<16xf32>,
      %parallel_loop3A_280 = arith.constant 8192 : i32
      %parallel_loop3A_281 = arith.addi %parallel_loop3A_280, %parallel_loop3A_187 : i32
      %parallel_loop3A_282 = arith.index_cast %parallel_loop3A_281 : i32 to index
      %parallel_loop3A_283 = tpu.vector_load %arg6[%parallel_loop3A_282] {strides = array<i32>} : memref<10240xi32, #tpu.memory_space<vmem>>, vector<16xi32>,
      %parallel_loop3A_284 = tpu.vector_load_idx %arg5[%parallel_loop3A_283] : memref<100000xf32, #tpu.memory_space<vmem>>[vector<16xi32>], vector<16xf32>,
      %parallel_loop3A_285 = arith.addf %parallel_loop3A_279, %parallel_loop3A_284 : vector<16xf32>
      %parallel_loop3A_286 = arith.constant 8704 : i32
      %parallel_loop3A_287 = arith.addi %parallel_loop3A_286, %parallel_loop3A_187 : i32
      %parallel_loop3A_288 = arith.index_cast %parallel_loop3A_287 : i32 to index
      %parallel_loop3A_289 = tpu.vector_load %arg6[%parallel_loop3A_288] {strides = array<i32>} : memref<10240xi32, #tpu.memory_space<vmem>>, vector<16xi32>,
      %parallel_loop3A_290 = tpu.vector_load_idx %arg5[%parallel_loop3A_289] : memref<100000xf32, #tpu.memory_space<vmem>>[vector<16xi32>], vector<16xf32>,
      %parallel_loop3A_291 = arith.addf %parallel_loop3A_285, %parallel_loop3A_290 : vector<16xf32>
      %parallel_loop3A_292 = arith.constant 9216 : i32
      %parallel_loop3A_293 = arith.addi %parallel_loop3A_292, %parallel_loop3A_187 : i32
      %parallel_loop3A_294 = arith.index_cast %parallel_loop3A_293 : i32 to index
      %parallel_loop3A_295 = tpu.vector_load %arg6[%parallel_loop3A_294] {strides = array<i32>} : memref<10240xi32, #tpu.memory_space<vmem>>, vector<16xi32>,
      %parallel_loop3A_296 = tpu.vector_load_idx %arg5[%parallel_loop3A_295] : memref<100000xf32, #tpu.memory_space<vmem>>[vector<16xi32>], vector<16xf32>,
      %parallel_loop3A_297 = arith.addf %parallel_loop3A_291, %parallel_loop3A_296 : vector<16xf32>
      %parallel_loop3A_298 = arith.constant 9728 : i32
      %parallel_loop3A_299 = arith.addi %parallel_loop3A_298, %parallel_loop3A_187 : i32
      %parallel_loop3A_300 = arith.index_cast %parallel_loop3A_299 : i32 to index
      %parallel_loop3A_301 = tpu.vector_load %arg6[%parallel_loop3A_300] {strides = array<i32>} : memref<10240xi32, #tpu.memory_space<vmem>>, vector<16xi32>,
      %parallel_loop3A_302 = tpu.vector_load_idx %arg5[%parallel_loop3A_301] : memref<100000xf32, #tpu.memory_space<vmem>>[vector<16xi32>], vector<16xf32>,
      %parallel_loop3A_303 = arith.addf %parallel_loop3A_297, %parallel_loop3A_302 : vector<16xf32>
      %parallel_loop3A_304 = arith.addf %parallel_loop3A_216, %parallel_loop3A_245 : vector<16xf32>
      %parallel_loop3A_305 = arith.addf %parallel_loop3A_274, %parallel_loop3A_303 : vector<16xf32>
      %parallel_loop3A_306 = arith.addf %parallel_loop3A_304, %parallel_loop3A_305 : vector<16xf32>
      %parallel_loop3A_307 = arith.constant 2048 : i32
      %parallel_loop3A_308 = arith.addi %parallel_loop3A_307, %parallel_loop3A_187 : i32
      %parallel_loop3A_309 = arith.index_cast %parallel_loop3A_308 : i32 to index
      %parallel_loop3A_310 = tpu.vector_load %arg8[%parallel_loop3A_309] {strides = array<i32>} : memref<4096xf32, #tpu.memory_space<vmem>>, vector<16xf32>,
      tpu.vector_store %arg8[%parallel_loop3A_309], %parallel_loop3A_306 {strides = array<i32>} : memref<4096xf32, #tpu.memory_space<vmem>>, vector<16xf32>,
    } {sc.loop_unroll_factor = 2 : i64, sc.parallel_access}
    %dma_wait3A_80 = arith.constant 51200 : i32
    %dma_wait3A_81 = tpu.memref_slice %arg9[%dma_wait3A_80] : memref<81920xi32, #tpu.memory_space<vmem_shared>> -> memref<10240xi32, #tpu.memory_space<vmem_shared>>
    %dma_wait3A_82 = arith.constant 51200 : i32
    %dma_wait3A_83 = tpu.memref_slice %arg9[%dma_wait3A_82] : memref<81920xi32, #tpu.memory_space<vmem_shared>> -> memref<10240xi32, #tpu.memory_space<vmem_shared>>
    tpu.wait_dma2 semaphore(%arg10 : memref<!tpu.dma_semaphore, #tpu.memory_space<semaphore_mem>>) src(%dma_wait3A_83 : memref<10240xi32, #tpu.memory_space<vmem_shared>>) dst(%arg7 : memref<10240xi32, #tpu.memory_space<vmem>>)
    %dma_start3A_84 = arith.constant 61440 : i32
    %dma_start3A_85 = tpu.memref_slice %arg9[%dma_start3A_84] : memref<81920xi32, #tpu.memory_space<vmem_shared>> -> memref<10240xi32, #tpu.memory_space<vmem_shared>>
    %dma_start3A_86 = arith.constant 61440 : i32
    %dma_start3A_87 = tpu.memref_slice %arg9[%dma_start3A_86] : memref<81920xi32, #tpu.memory_space<vmem_shared>> -> memref<10240xi32, #tpu.memory_space<vmem_shared>>
    tpu.enqueue_dma source(%dma_start3A_87 : memref<10240xi32, #tpu.memory_space<vmem_shared>>) target(%arg6 : memref<10240xi32, #tpu.memory_space<vmem>>) target_semaphore(%arg10 : memref<!tpu.dma_semaphore, #tpu.memory_space<semaphore_mem>>)
    %parallel_loop3A_88 = arith.constant 0 : i32
    %parallel_loop3A_89 = arith.constant 32 : i32
    %parallel_loop3A_90 = arith.constant 1 : i32
    scf.for %parallel_loop3A_185 = %parallel_loop3A_88 to %parallel_loop3A_89 step %parallel_loop3A_90  : i32 {
      %parallel_loop3A_186 = arith.constant 16 : i32
      %parallel_loop3A_187 = arith.muli %parallel_loop3A_185, %parallel_loop3A_186 : i32
      %parallel_loop3A_188 = arith.constant 0 : i32
      %parallel_loop3A_189 = arith.addi %parallel_loop3A_188, %parallel_loop3A_187 : i32
      %parallel_loop3A_190 = arith.index_cast %parallel_loop3A_189 : i32 to index
      %parallel_loop3A_191 = tpu.vector_load %arg7[%parallel_loop3A_190] {strides = array<i32>} : memref<10240xi32, #tpu.memory_space<vmem>>, vector<16xi32>,
      %parallel_loop3A_192 = tpu.vector_load_idx %arg5[%parallel_loop3A_191] : memref<100000xf32, #tpu.memory_space<vmem>>[vector<16xi32>], vector<16xf32>,
      %parallel_loop3A_193 = arith.constant 512 : i32
      %parallel_loop3A_194 = arith.addi %parallel_loop3A_193, %parallel_loop3A_187 : i32
      %parallel_loop3A_195 = arith.index_cast %parallel_loop3A_194 : i32 to index
      %parallel_loop3A_196 = tpu.vector_load %arg7[%parallel_loop3A_195] {strides = array<i32>} : memref<10240xi32, #tpu.memory_space<vmem>>, vector<16xi32>,
      %parallel_loop3A_197 = tpu.vector_load_idx %arg5[%parallel_loop3A_196] : memref<100000xf32, #tpu.memory_space<vmem>>[vector<16xi32>], vector<16xf32>,
      %parallel_loop3A_198 = arith.addf %parallel_loop3A_192, %parallel_loop3A_197 : vector<16xf32>
      %parallel_loop3A_199 = arith.constant 1024 : i32
      %parallel_loop3A_200 = arith.addi %parallel_loop3A_199, %parallel_loop3A_187 : i32
      %parallel_loop3A_201 = arith.index_cast %parallel_loop3A_200 : i32 to index
      %parallel_loop3A_202 = tpu.vector_load %arg7[%parallel_loop3A_201] {strides = array<i32>} : memref<10240xi32, #tpu.memory_space<vmem>>, vector<16xi32>,
      %parallel_loop3A_203 = tpu.vector_load_idx %arg5[%parallel_loop3A_202] : memref<100000xf32, #tpu.memory_space<vmem>>[vector<16xi32>], vector<16xf32>,
      %parallel_loop3A_204 = arith.addf %parallel_loop3A_198, %parallel_loop3A_203 : vector<16xf32>
      %parallel_loop3A_205 = arith.constant 1536 : i32
      %parallel_loop3A_206 = arith.addi %parallel_loop3A_205, %parallel_loop3A_187 : i32
      %parallel_loop3A_207 = arith.index_cast %parallel_loop3A_206 : i32 to index
      %parallel_loop3A_208 = tpu.vector_load %arg7[%parallel_loop3A_207] {strides = array<i32>} : memref<10240xi32, #tpu.memory_space<vmem>>, vector<16xi32>,
      %parallel_loop3A_209 = tpu.vector_load_idx %arg5[%parallel_loop3A_208] : memref<100000xf32, #tpu.memory_space<vmem>>[vector<16xi32>], vector<16xf32>,
      %parallel_loop3A_210 = arith.addf %parallel_loop3A_204, %parallel_loop3A_209 : vector<16xf32>
      %parallel_loop3A_211 = arith.constant 2048 : i32
      %parallel_loop3A_212 = arith.addi %parallel_loop3A_211, %parallel_loop3A_187 : i32
      %parallel_loop3A_213 = arith.index_cast %parallel_loop3A_212 : i32 to index
      %parallel_loop3A_214 = tpu.vector_load %arg7[%parallel_loop3A_213] {strides = array<i32>} : memref<10240xi32, #tpu.memory_space<vmem>>, vector<16xi32>,
      %parallel_loop3A_215 = tpu.vector_load_idx %arg5[%parallel_loop3A_214] : memref<100000xf32, #tpu.memory_space<vmem>>[vector<16xi32>], vector<16xf32>,
      %parallel_loop3A_216 = arith.addf %parallel_loop3A_210, %parallel_loop3A_215 : vector<16xf32>
      %parallel_loop3A_217 = arith.constant 2560 : i32
      %parallel_loop3A_218 = arith.addi %parallel_loop3A_217, %parallel_loop3A_187 : i32
      %parallel_loop3A_219 = arith.index_cast %parallel_loop3A_218 : i32 to index
      %parallel_loop3A_220 = tpu.vector_load %arg7[%parallel_loop3A_219] {strides = array<i32>} : memref<10240xi32, #tpu.memory_space<vmem>>, vector<16xi32>,
      %parallel_loop3A_221 = tpu.vector_load_idx %arg5[%parallel_loop3A_220] : memref<100000xf32, #tpu.memory_space<vmem>>[vector<16xi32>], vector<16xf32>,
      %parallel_loop3A_222 = arith.constant 3072 : i32
      %parallel_loop3A_223 = arith.addi %parallel_loop3A_222, %parallel_loop3A_187 : i32
      %parallel_loop3A_224 = arith.index_cast %parallel_loop3A_223 : i32 to index
      %parallel_loop3A_225 = tpu.vector_load %arg7[%parallel_loop3A_224] {strides = array<i32>} : memref<10240xi32, #tpu.memory_space<vmem>>, vector<16xi32>,
      %parallel_loop3A_226 = tpu.vector_load_idx %arg5[%parallel_loop3A_225] : memref<100000xf32, #tpu.memory_space<vmem>>[vector<16xi32>], vector<16xf32>,
      %parallel_loop3A_227 = arith.addf %parallel_loop3A_221, %parallel_loop3A_226 : vector<16xf32>
      %parallel_loop3A_228 = arith.constant 3584 : i32
      %parallel_loop3A_229 = arith.addi %parallel_loop3A_228, %parallel_loop3A_187 : i32
      %parallel_loop3A_230 = arith.index_cast %parallel_loop3A_229 : i32 to index
      %parallel_loop3A_231 = tpu.vector_load %arg7[%parallel_loop3A_230] {strides = array<i32>} : memref<10240xi32, #tpu.memory_space<vmem>>, vector<16xi32>,
      %parallel_loop3A_232 = tpu.vector_load_idx %arg5[%parallel_loop3A_231] : memref<100000xf32, #tpu.memory_space<vmem>>[vector<16xi32>], vector<16xf32>,
      %parallel_loop3A_233 = arith.addf %parallel_loop3A_227, %parallel_loop3A_232 : vector<16xf32>
      %parallel_loop3A_234 = arith.constant 4096 : i32
      %parallel_loop3A_235 = arith.addi %parallel_loop3A_234, %parallel_loop3A_187 : i32
      %parallel_loop3A_236 = arith.index_cast %parallel_loop3A_235 : i32 to index
      %parallel_loop3A_237 = tpu.vector_load %arg7[%parallel_loop3A_236] {strides = array<i32>} : memref<10240xi32, #tpu.memory_space<vmem>>, vector<16xi32>,
      %parallel_loop3A_238 = tpu.vector_load_idx %arg5[%parallel_loop3A_237] : memref<100000xf32, #tpu.memory_space<vmem>>[vector<16xi32>], vector<16xf32>,
      %parallel_loop3A_239 = arith.addf %parallel_loop3A_233, %parallel_loop3A_238 : vector<16xf32>
      %parallel_loop3A_240 = arith.constant 4608 : i32
      %parallel_loop3A_241 = arith.addi %parallel_loop3A_240, %parallel_loop3A_187 : i32
      %parallel_loop3A_242 = arith.index_cast %parallel_loop3A_241 : i32 to index
      %parallel_loop3A_243 = tpu.vector_load %arg7[%parallel_loop3A_242] {strides = array<i32>} : memref<10240xi32, #tpu.memory_space<vmem>>, vector<16xi32>,
      %parallel_loop3A_244 = tpu.vector_load_idx %arg5[%parallel_loop3A_243] : memref<100000xf32, #tpu.memory_space<vmem>>[vector<16xi32>], vector<16xf32>,
      %parallel_loop3A_245 = arith.addf %parallel_loop3A_239, %parallel_loop3A_244 : vector<16xf32>
      %parallel_loop3A_246 = arith.constant 5120 : i32
      %parallel_loop3A_247 = arith.addi %parallel_loop3A_246, %parallel_loop3A_187 : i32
      %parallel_loop3A_248 = arith.index_cast %parallel_loop3A_247 : i32 to index
      %parallel_loop3A_249 = tpu.vector_load %arg7[%parallel_loop3A_248] {strides = array<i32>} : memref<10240xi32, #tpu.memory_space<vmem>>, vector<16xi32>,
      %parallel_loop3A_250 = tpu.vector_load_idx %arg5[%parallel_loop3A_249] : memref<100000xf32, #tpu.memory_space<vmem>>[vector<16xi32>], vector<16xf32>,
      %parallel_loop3A_251 = arith.constant 5632 : i32
      %parallel_loop3A_252 = arith.addi %parallel_loop3A_251, %parallel_loop3A_187 : i32
      %parallel_loop3A_253 = arith.index_cast %parallel_loop3A_252 : i32 to index
      %parallel_loop3A_254 = tpu.vector_load %arg7[%parallel_loop3A_253] {strides = array<i32>} : memref<10240xi32, #tpu.memory_space<vmem>>, vector<16xi32>,
      %parallel_loop3A_255 = tpu.vector_load_idx %arg5[%parallel_loop3A_254] : memref<100000xf32, #tpu.memory_space<vmem>>[vector<16xi32>], vector<16xf32>,
      %parallel_loop3A_256 = arith.addf %parallel_loop3A_250, %parallel_loop3A_255 : vector<16xf32>
      %parallel_loop3A_257 = arith.constant 6144 : i32
      %parallel_loop3A_258 = arith.addi %parallel_loop3A_257, %parallel_loop3A_187 : i32
      %parallel_loop3A_259 = arith.index_cast %parallel_loop3A_258 : i32 to index
      %parallel_loop3A_260 = tpu.vector_load %arg7[%parallel_loop3A_259] {strides = array<i32>} : memref<10240xi32, #tpu.memory_space<vmem>>, vector<16xi32>,
      %parallel_loop3A_261 = tpu.vector_load_idx %arg5[%parallel_loop3A_260] : memref<100000xf32, #tpu.memory_space<vmem>>[vector<16xi32>], vector<16xf32>,
      %parallel_loop3A_262 = arith.addf %parallel_loop3A_256, %parallel_loop3A_261 : vector<16xf32>
      %parallel_loop3A_263 = arith.constant 6656 : i32
      %parallel_loop3A_264 = arith.addi %parallel_loop3A_263, %parallel_loop3A_187 : i32
      %parallel_loop3A_265 = arith.index_cast %parallel_loop3A_264 : i32 to index
      %parallel_loop3A_266 = tpu.vector_load %arg7[%parallel_loop3A_265] {strides = array<i32>} : memref<10240xi32, #tpu.memory_space<vmem>>, vector<16xi32>,
      %parallel_loop3A_267 = tpu.vector_load_idx %arg5[%parallel_loop3A_266] : memref<100000xf32, #tpu.memory_space<vmem>>[vector<16xi32>], vector<16xf32>,
      %parallel_loop3A_268 = arith.addf %parallel_loop3A_262, %parallel_loop3A_267 : vector<16xf32>
      %parallel_loop3A_269 = arith.constant 7168 : i32
      %parallel_loop3A_270 = arith.addi %parallel_loop3A_269, %parallel_loop3A_187 : i32
      %parallel_loop3A_271 = arith.index_cast %parallel_loop3A_270 : i32 to index
      %parallel_loop3A_272 = tpu.vector_load %arg7[%parallel_loop3A_271] {strides = array<i32>} : memref<10240xi32, #tpu.memory_space<vmem>>, vector<16xi32>,
      %parallel_loop3A_273 = tpu.vector_load_idx %arg5[%parallel_loop3A_272] : memref<100000xf32, #tpu.memory_space<vmem>>[vector<16xi32>], vector<16xf32>,
      %parallel_loop3A_274 = arith.addf %parallel_loop3A_268, %parallel_loop3A_273 : vector<16xf32>
      %parallel_loop3A_275 = arith.constant 7680 : i32
      %parallel_loop3A_276 = arith.addi %parallel_loop3A_275, %parallel_loop3A_187 : i32
      %parallel_loop3A_277 = arith.index_cast %parallel_loop3A_276 : i32 to index
      %parallel_loop3A_278 = tpu.vector_load %arg7[%parallel_loop3A_277] {strides = array<i32>} : memref<10240xi32, #tpu.memory_space<vmem>>, vector<16xi32>,
      %parallel_loop3A_279 = tpu.vector_load_idx %arg5[%parallel_loop3A_278] : memref<100000xf32, #tpu.memory_space<vmem>>[vector<16xi32>], vector<16xf32>,
      %parallel_loop3A_280 = arith.constant 8192 : i32
      %parallel_loop3A_281 = arith.addi %parallel_loop3A_280, %parallel_loop3A_187 : i32
      %parallel_loop3A_282 = arith.index_cast %parallel_loop3A_281 : i32 to index
      %parallel_loop3A_283 = tpu.vector_load %arg7[%parallel_loop3A_282] {strides = array<i32>} : memref<10240xi32, #tpu.memory_space<vmem>>, vector<16xi32>,
      %parallel_loop3A_284 = tpu.vector_load_idx %arg5[%parallel_loop3A_283] : memref<100000xf32, #tpu.memory_space<vmem>>[vector<16xi32>], vector<16xf32>,
      %parallel_loop3A_285 = arith.addf %parallel_loop3A_279, %parallel_loop3A_284 : vector<16xf32>
      %parallel_loop3A_286 = arith.constant 8704 : i32
      %parallel_loop3A_287 = arith.addi %parallel_loop3A_286, %parallel_loop3A_187 : i32
      %parallel_loop3A_288 = arith.index_cast %parallel_loop3A_287 : i32 to index
      %parallel_loop3A_289 = tpu.vector_load %arg7[%parallel_loop3A_288] {strides = array<i32>} : memref<10240xi32, #tpu.memory_space<vmem>>, vector<16xi32>,
      %parallel_loop3A_290 = tpu.vector_load_idx %arg5[%parallel_loop3A_289] : memref<100000xf32, #tpu.memory_space<vmem>>[vector<16xi32>], vector<16xf32>,
      %parallel_loop3A_291 = arith.addf %parallel_loop3A_285, %parallel_loop3A_290 : vector<16xf32>
      %parallel_loop3A_292 = arith.constant 9216 : i32
      %parallel_loop3A_293 = arith.addi %parallel_loop3A_292, %parallel_loop3A_187 : i32
      %parallel_loop3A_294 = arith.index_cast %parallel_loop3A_293 : i32 to index
      %parallel_loop3A_295 = tpu.vector_load %arg7[%parallel_loop3A_294] {strides = array<i32>} : memref<10240xi32, #tpu.memory_space<vmem>>, vector<16xi32>,
      %parallel_loop3A_296 = tpu.vector_load_idx %arg5[%parallel_loop3A_295] : memref<100000xf32, #tpu.memory_space<vmem>>[vector<16xi32>], vector<16xf32>,
      %parallel_loop3A_297 = arith.addf %parallel_loop3A_291, %parallel_loop3A_296 : vector<16xf32>
      %parallel_loop3A_298 = arith.constant 9728 : i32
      %parallel_loop3A_299 = arith.addi %parallel_loop3A_298, %parallel_loop3A_187 : i32
      %parallel_loop3A_300 = arith.index_cast %parallel_loop3A_299 : i32 to index
      %parallel_loop3A_301 = tpu.vector_load %arg7[%parallel_loop3A_300] {strides = array<i32>} : memref<10240xi32, #tpu.memory_space<vmem>>, vector<16xi32>,
      %parallel_loop3A_302 = tpu.vector_load_idx %arg5[%parallel_loop3A_301] : memref<100000xf32, #tpu.memory_space<vmem>>[vector<16xi32>], vector<16xf32>,
      %parallel_loop3A_303 = arith.addf %parallel_loop3A_297, %parallel_loop3A_302 : vector<16xf32>
      %parallel_loop3A_304 = arith.addf %parallel_loop3A_216, %parallel_loop3A_245 : vector<16xf32>
      %parallel_loop3A_305 = arith.addf %parallel_loop3A_274, %parallel_loop3A_303 : vector<16xf32>
      %parallel_loop3A_306 = arith.addf %parallel_loop3A_304, %parallel_loop3A_305 : vector<16xf32>
      %parallel_loop3A_307 = arith.constant 2560 : i32
      %parallel_loop3A_308 = arith.addi %parallel_loop3A_307, %parallel_loop3A_187 : i32
      %parallel_loop3A_309 = arith.index_cast %parallel_loop3A_308 : i32 to index
      %parallel_loop3A_310 = tpu.vector_load %arg8[%parallel_loop3A_309] {strides = array<i32>} : memref<4096xf32, #tpu.memory_space<vmem>>, vector<16xf32>,
      tpu.vector_store %arg8[%parallel_loop3A_309], %parallel_loop3A_306 {strides = array<i32>} : memref<4096xf32, #tpu.memory_space<vmem>>, vector<16xf32>,
    } {sc.loop_unroll_factor = 2 : i64, sc.parallel_access}
    %dma_wait3A_91 = arith.constant 61440 : i32
    %dma_wait3A_92 = tpu.memref_slice %arg9[%dma_wait3A_91] : memref<81920xi32, #tpu.memory_space<vmem_shared>> -> memref<10240xi32, #tpu.memory_space<vmem_shared>>
    %dma_wait3A_93 = arith.constant 61440 : i32
    %dma_wait3A_94 = tpu.memref_slice %arg9[%dma_wait3A_93] : memref<81920xi32, #tpu.memory_space<vmem_shared>> -> memref<10240xi32, #tpu.memory_space<vmem_shared>>
    tpu.wait_dma2 semaphore(%arg10 : memref<!tpu.dma_semaphore, #tpu.memory_space<semaphore_mem>>) src(%dma_wait3A_94 : memref<10240xi32, #tpu.memory_space<vmem_shared>>) dst(%arg6 : memref<10240xi32, #tpu.memory_space<vmem>>)
    %dma_start3A_95 = arith.constant 71680 : i32
    %dma_start3A_96 = tpu.memref_slice %arg9[%dma_start3A_95] : memref<81920xi32, #tpu.memory_space<vmem_shared>> -> memref<10240xi32, #tpu.memory_space<vmem_shared>>
    %dma_start3A_97 = arith.constant 71680 : i32
    %dma_start3A_98 = tpu.memref_slice %arg9[%dma_start3A_97] : memref<81920xi32, #tpu.memory_space<vmem_shared>> -> memref<10240xi32, #tpu.memory_space<vmem_shared>>
    tpu.enqueue_dma source(%dma_start3A_98 : memref<10240xi32, #tpu.memory_space<vmem_shared>>) target(%arg7 : memref<10240xi32, #tpu.memory_space<vmem>>) target_semaphore(%arg10 : memref<!tpu.dma_semaphore, #tpu.memory_space<semaphore_mem>>)
    %parallel_loop3A_99 = arith.constant 0 : i32
    %parallel_loop3A_100 = arith.constant 32 : i32
    %parallel_loop3A_101 = arith.constant 1 : i32
    scf.for %parallel_loop3A_185 = %parallel_loop3A_99 to %parallel_loop3A_100 step %parallel_loop3A_101  : i32 {
      %parallel_loop3A_186 = arith.constant 16 : i32
      %parallel_loop3A_187 = arith.muli %parallel_loop3A_185, %parallel_loop3A_186 : i32
      %parallel_loop3A_188 = arith.constant 0 : i32
      %parallel_loop3A_189 = arith.addi %parallel_loop3A_188, %parallel_loop3A_187 : i32
      %parallel_loop3A_190 = arith.index_cast %parallel_loop3A_189 : i32 to index
      %parallel_loop3A_191 = tpu.vector_load %arg6[%parallel_loop3A_190] {strides = array<i32>} : memref<10240xi32, #tpu.memory_space<vmem>>, vector<16xi32>,
      %parallel_loop3A_192 = tpu.vector_load_idx %arg5[%parallel_loop3A_191] : memref<100000xf32, #tpu.memory_space<vmem>>[vector<16xi32>], vector<16xf32>,
      %parallel_loop3A_193 = arith.constant 512 : i32
      %parallel_loop3A_194 = arith.addi %parallel_loop3A_193, %parallel_loop3A_187 : i32
      %parallel_loop3A_195 = arith.index_cast %parallel_loop3A_194 : i32 to index
      %parallel_loop3A_196 = tpu.vector_load %arg6[%parallel_loop3A_195] {strides = array<i32>} : memref<10240xi32, #tpu.memory_space<vmem>>, vector<16xi32>,
      %parallel_loop3A_197 = tpu.vector_load_idx %arg5[%parallel_loop3A_196] : memref<100000xf32, #tpu.memory_space<vmem>>[vector<16xi32>], vector<16xf32>,
      %parallel_loop3A_198 = arith.addf %parallel_loop3A_192, %parallel_loop3A_197 : vector<16xf32>
      %parallel_loop3A_199 = arith.constant 1024 : i32
      %parallel_loop3A_200 = arith.addi %parallel_loop3A_199, %parallel_loop3A_187 : i32
      %parallel_loop3A_201 = arith.index_cast %parallel_loop3A_200 : i32 to index
      %parallel_loop3A_202 = tpu.vector_load %arg6[%parallel_loop3A_201] {strides = array<i32>} : memref<10240xi32, #tpu.memory_space<vmem>>, vector<16xi32>,
      %parallel_loop3A_203 = tpu.vector_load_idx %arg5[%parallel_loop3A_202] : memref<100000xf32, #tpu.memory_space<vmem>>[vector<16xi32>], vector<16xf32>,
      %parallel_loop3A_204 = arith.addf %parallel_loop3A_198, %parallel_loop3A_203 : vector<16xf32>
      %parallel_loop3A_205 = arith.constant 1536 : i32
      %parallel_loop3A_206 = arith.addi %parallel_loop3A_205, %parallel_loop3A_187 : i32
      %parallel_loop3A_207 = arith.index_cast %parallel_loop3A_206 : i32 to index
      %parallel_loop3A_208 = tpu.vector_load %arg6[%parallel_loop3A_207] {strides = array<i32>} : memref<10240xi32, #tpu.memory_space<vmem>>, vector<16xi32>,
      %parallel_loop3A_209 = tpu.vector_load_idx %arg5[%parallel_loop3A_208] : memref<100000xf32, #tpu.memory_space<vmem>>[vector<16xi32>], vector<16xf32>,
      %parallel_loop3A_210 = arith.addf %parallel_loop3A_204, %parallel_loop3A_209 : vector<16xf32>
      %parallel_loop3A_211 = arith.constant 2048 : i32
      %parallel_loop3A_212 = arith.addi %parallel_loop3A_211, %parallel_loop3A_187 : i32
      %parallel_loop3A_213 = arith.index_cast %parallel_loop3A_212 : i32 to index
      %parallel_loop3A_214 = tpu.vector_load %arg6[%parallel_loop3A_213] {strides = array<i32>} : memref<10240xi32, #tpu.memory_space<vmem>>, vector<16xi32>,
      %parallel_loop3A_215 = tpu.vector_load_idx %arg5[%parallel_loop3A_214] : memref<100000xf32, #tpu.memory_space<vmem>>[vector<16xi32>], vector<16xf32>,
      %parallel_loop3A_216 = arith.addf %parallel_loop3A_210, %parallel_loop3A_215 : vector<16xf32>
      %parallel_loop3A_217 = arith.constant 2560 : i32
      %parallel_loop3A_218 = arith.addi %parallel_loop3A_217, %parallel_loop3A_187 : i32
      %parallel_loop3A_219 = arith.index_cast %parallel_loop3A_218 : i32 to index
      %parallel_loop3A_220 = tpu.vector_load %arg6[%parallel_loop3A_219] {strides = array<i32>} : memref<10240xi32, #tpu.memory_space<vmem>>, vector<16xi32>,
      %parallel_loop3A_221 = tpu.vector_load_idx %arg5[%parallel_loop3A_220] : memref<100000xf32, #tpu.memory_space<vmem>>[vector<16xi32>], vector<16xf32>,
      %parallel_loop3A_222 = arith.constant 3072 : i32
      %parallel_loop3A_223 = arith.addi %parallel_loop3A_222, %parallel_loop3A_187 : i32
      %parallel_loop3A_224 = arith.index_cast %parallel_loop3A_223 : i32 to index
      %parallel_loop3A_225 = tpu.vector_load %arg6[%parallel_loop3A_224] {strides = array<i32>} : memref<10240xi32, #tpu.memory_space<vmem>>, vector<16xi32>,
      %parallel_loop3A_226 = tpu.vector_load_idx %arg5[%parallel_loop3A_225] : memref<100000xf32, #tpu.memory_space<vmem>>[vector<16xi32>], vector<16xf32>,
      %parallel_loop3A_227 = arith.addf %parallel_loop3A_221, %parallel_loop3A_226 : vector<16xf32>
      %parallel_loop3A_228 = arith.constant 3584 : i32
      %parallel_loop3A_229 = arith.addi %parallel_loop3A_228, %parallel_loop3A_187 : i32
      %parallel_loop3A_230 = arith.index_cast %parallel_loop3A_229 : i32 to index
      %parallel_loop3A_231 = tpu.vector_load %arg6[%parallel_loop3A_230] {strides = array<i32>} : memref<10240xi32, #tpu.memory_space<vmem>>, vector<16xi32>,
      %parallel_loop3A_232 = tpu.vector_load_idx %arg5[%parallel_loop3A_231] : memref<100000xf32, #tpu.memory_space<vmem>>[vector<16xi32>], vector<16xf32>,
      %parallel_loop3A_233 = arith.addf %parallel_loop3A_227, %parallel_loop3A_232 : vector<16xf32>
      %parallel_loop3A_234 = arith.constant 4096 : i32
      %parallel_loop3A_235 = arith.addi %parallel_loop3A_234, %parallel_loop3A_187 : i32
      %parallel_loop3A_236 = arith.index_cast %parallel_loop3A_235 : i32 to index
      %parallel_loop3A_237 = tpu.vector_load %arg6[%parallel_loop3A_236] {strides = array<i32>} : memref<10240xi32, #tpu.memory_space<vmem>>, vector<16xi32>,
      %parallel_loop3A_238 = tpu.vector_load_idx %arg5[%parallel_loop3A_237] : memref<100000xf32, #tpu.memory_space<vmem>>[vector<16xi32>], vector<16xf32>,
      %parallel_loop3A_239 = arith.addf %parallel_loop3A_233, %parallel_loop3A_238 : vector<16xf32>
      %parallel_loop3A_240 = arith.constant 4608 : i32
      %parallel_loop3A_241 = arith.addi %parallel_loop3A_240, %parallel_loop3A_187 : i32
      %parallel_loop3A_242 = arith.index_cast %parallel_loop3A_241 : i32 to index
      %parallel_loop3A_243 = tpu.vector_load %arg6[%parallel_loop3A_242] {strides = array<i32>} : memref<10240xi32, #tpu.memory_space<vmem>>, vector<16xi32>,
      %parallel_loop3A_244 = tpu.vector_load_idx %arg5[%parallel_loop3A_243] : memref<100000xf32, #tpu.memory_space<vmem>>[vector<16xi32>], vector<16xf32>,
      %parallel_loop3A_245 = arith.addf %parallel_loop3A_239, %parallel_loop3A_244 : vector<16xf32>
      %parallel_loop3A_246 = arith.constant 5120 : i32
      %parallel_loop3A_247 = arith.addi %parallel_loop3A_246, %parallel_loop3A_187 : i32
      %parallel_loop3A_248 = arith.index_cast %parallel_loop3A_247 : i32 to index
      %parallel_loop3A_249 = tpu.vector_load %arg6[%parallel_loop3A_248] {strides = array<i32>} : memref<10240xi32, #tpu.memory_space<vmem>>, vector<16xi32>,
      %parallel_loop3A_250 = tpu.vector_load_idx %arg5[%parallel_loop3A_249] : memref<100000xf32, #tpu.memory_space<vmem>>[vector<16xi32>], vector<16xf32>,
      %parallel_loop3A_251 = arith.constant 5632 : i32
      %parallel_loop3A_252 = arith.addi %parallel_loop3A_251, %parallel_loop3A_187 : i32
      %parallel_loop3A_253 = arith.index_cast %parallel_loop3A_252 : i32 to index
      %parallel_loop3A_254 = tpu.vector_load %arg6[%parallel_loop3A_253] {strides = array<i32>} : memref<10240xi32, #tpu.memory_space<vmem>>, vector<16xi32>,
      %parallel_loop3A_255 = tpu.vector_load_idx %arg5[%parallel_loop3A_254] : memref<100000xf32, #tpu.memory_space<vmem>>[vector<16xi32>], vector<16xf32>,
      %parallel_loop3A_256 = arith.addf %parallel_loop3A_250, %parallel_loop3A_255 : vector<16xf32>
      %parallel_loop3A_257 = arith.constant 6144 : i32
      %parallel_loop3A_258 = arith.addi %parallel_loop3A_257, %parallel_loop3A_187 : i32
      %parallel_loop3A_259 = arith.index_cast %parallel_loop3A_258 : i32 to index
      %parallel_loop3A_260 = tpu.vector_load %arg6[%parallel_loop3A_259] {strides = array<i32>} : memref<10240xi32, #tpu.memory_space<vmem>>, vector<16xi32>,
      %parallel_loop3A_261 = tpu.vector_load_idx %arg5[%parallel_loop3A_260] : memref<100000xf32, #tpu.memory_space<vmem>>[vector<16xi32>], vector<16xf32>,
      %parallel_loop3A_262 = arith.addf %parallel_loop3A_256, %parallel_loop3A_261 : vector<16xf32>
      %parallel_loop3A_263 = arith.constant 6656 : i32
      %parallel_loop3A_264 = arith.addi %parallel_loop3A_263, %parallel_loop3A_187 : i32
      %parallel_loop3A_265 = arith.index_cast %parallel_loop3A_264 : i32 to index
      %parallel_loop3A_266 = tpu.vector_load %arg6[%parallel_loop3A_265] {strides = array<i32>} : memref<10240xi32, #tpu.memory_space<vmem>>, vector<16xi32>,
      %parallel_loop3A_267 = tpu.vector_load_idx %arg5[%parallel_loop3A_266] : memref<100000xf32, #tpu.memory_space<vmem>>[vector<16xi32>], vector<16xf32>,
      %parallel_loop3A_268 = arith.addf %parallel_loop3A_262, %parallel_loop3A_267 : vector<16xf32>
      %parallel_loop3A_269 = arith.constant 7168 : i32
      %parallel_loop3A_270 = arith.addi %parallel_loop3A_269, %parallel_loop3A_187 : i32
      %parallel_loop3A_271 = arith.index_cast %parallel_loop3A_270 : i32 to index
      %parallel_loop3A_272 = tpu.vector_load %arg6[%parallel_loop3A_271] {strides = array<i32>} : memref<10240xi32, #tpu.memory_space<vmem>>, vector<16xi32>,
      %parallel_loop3A_273 = tpu.vector_load_idx %arg5[%parallel_loop3A_272] : memref<100000xf32, #tpu.memory_space<vmem>>[vector<16xi32>], vector<16xf32>,
      %parallel_loop3A_274 = arith.addf %parallel_loop3A_268, %parallel_loop3A_273 : vector<16xf32>
      %parallel_loop3A_275 = arith.constant 7680 : i32
      %parallel_loop3A_276 = arith.addi %parallel_loop3A_275, %parallel_loop3A_187 : i32
      %parallel_loop3A_277 = arith.index_cast %parallel_loop3A_276 : i32 to index
      %parallel_loop3A_278 = tpu.vector_load %arg6[%parallel_loop3A_277] {strides = array<i32>} : memref<10240xi32, #tpu.memory_space<vmem>>, vector<16xi32>,
      %parallel_loop3A_279 = tpu.vector_load_idx %arg5[%parallel_loop3A_278] : memref<100000xf32, #tpu.memory_space<vmem>>[vector<16xi32>], vector<16xf32>,
      %parallel_loop3A_280 = arith.constant 8192 : i32
      %parallel_loop3A_281 = arith.addi %parallel_loop3A_280, %parallel_loop3A_187 : i32
      %parallel_loop3A_282 = arith.index_cast %parallel_loop3A_281 : i32 to index
      %parallel_loop3A_283 = tpu.vector_load %arg6[%parallel_loop3A_282] {strides = array<i32>} : memref<10240xi32, #tpu.memory_space<vmem>>, vector<16xi32>,
      %parallel_loop3A_284 = tpu.vector_load_idx %arg5[%parallel_loop3A_283] : memref<100000xf32, #tpu.memory_space<vmem>>[vector<16xi32>], vector<16xf32>,
      %parallel_loop3A_285 = arith.addf %parallel_loop3A_279, %parallel_loop3A_284 : vector<16xf32>
      %parallel_loop3A_286 = arith.constant 8704 : i32
      %parallel_loop3A_287 = arith.addi %parallel_loop3A_286, %parallel_loop3A_187 : i32
      %parallel_loop3A_288 = arith.index_cast %parallel_loop3A_287 : i32 to index
      %parallel_loop3A_289 = tpu.vector_load %arg6[%parallel_loop3A_288] {strides = array<i32>} : memref<10240xi32, #tpu.memory_space<vmem>>, vector<16xi32>,
      %parallel_loop3A_290 = tpu.vector_load_idx %arg5[%parallel_loop3A_289] : memref<100000xf32, #tpu.memory_space<vmem>>[vector<16xi32>], vector<16xf32>,
      %parallel_loop3A_291 = arith.addf %parallel_loop3A_285, %parallel_loop3A_290 : vector<16xf32>
      %parallel_loop3A_292 = arith.constant 9216 : i32
      %parallel_loop3A_293 = arith.addi %parallel_loop3A_292, %parallel_loop3A_187 : i32
      %parallel_loop3A_294 = arith.index_cast %parallel_loop3A_293 : i32 to index
      %parallel_loop3A_295 = tpu.vector_load %arg6[%parallel_loop3A_294] {strides = array<i32>} : memref<10240xi32, #tpu.memory_space<vmem>>, vector<16xi32>,
      %parallel_loop3A_296 = tpu.vector_load_idx %arg5[%parallel_loop3A_295] : memref<100000xf32, #tpu.memory_space<vmem>>[vector<16xi32>], vector<16xf32>,
      %parallel_loop3A_297 = arith.addf %parallel_loop3A_291, %parallel_loop3A_296 : vector<16xf32>
      %parallel_loop3A_298 = arith.constant 9728 : i32
      %parallel_loop3A_299 = arith.addi %parallel_loop3A_298, %parallel_loop3A_187 : i32
      %parallel_loop3A_300 = arith.index_cast %parallel_loop3A_299 : i32 to index
      %parallel_loop3A_301 = tpu.vector_load %arg6[%parallel_loop3A_300] {strides = array<i32>} : memref<10240xi32, #tpu.memory_space<vmem>>, vector<16xi32>,
      %parallel_loop3A_302 = tpu.vector_load_idx %arg5[%parallel_loop3A_301] : memref<100000xf32, #tpu.memory_space<vmem>>[vector<16xi32>], vector<16xf32>,
      %parallel_loop3A_303 = arith.addf %parallel_loop3A_297, %parallel_loop3A_302 : vector<16xf32>
      %parallel_loop3A_304 = arith.addf %parallel_loop3A_216, %parallel_loop3A_245 : vector<16xf32>
      %parallel_loop3A_305 = arith.addf %parallel_loop3A_274, %parallel_loop3A_303 : vector<16xf32>
      %parallel_loop3A_306 = arith.addf %parallel_loop3A_304, %parallel_loop3A_305 : vector<16xf32>
      %parallel_loop3A_307 = arith.constant 3072 : i32
      %parallel_loop3A_308 = arith.addi %parallel_loop3A_307, %parallel_loop3A_187 : i32
      %parallel_loop3A_309 = arith.index_cast %parallel_loop3A_308 : i32 to index
      %parallel_loop3A_310 = tpu.vector_load %arg8[%parallel_loop3A_309] {strides = array<i32>} : memref<4096xf32, #tpu.memory_space<vmem>>, vector<16xf32>,
      tpu.vector_store %arg8[%parallel_loop3A_309], %parallel_loop3A_306 {strides = array<i32>} : memref<4096xf32, #tpu.memory_space<vmem>>, vector<16xf32>,
    } {sc.loop_unroll_factor = 2 : i64, sc.parallel_access}
    %dma_wait3A_102 = arith.constant 71680 : i32
    %dma_wait3A_103 = tpu.memref_slice %arg9[%dma_wait3A_102] : memref<81920xi32, #tpu.memory_space<vmem_shared>> -> memref<10240xi32, #tpu.memory_space<vmem_shared>>
    %dma_wait3A_104 = arith.constant 71680 : i32
    %dma_wait3A_105 = tpu.memref_slice %arg9[%dma_wait3A_104] : memref<81920xi32, #tpu.memory_space<vmem_shared>> -> memref<10240xi32, #tpu.memory_space<vmem_shared>>
    tpu.wait_dma2 semaphore(%arg10 : memref<!tpu.dma_semaphore, #tpu.memory_space<semaphore_mem>>) src(%dma_wait3A_105 : memref<10240xi32, #tpu.memory_space<vmem_shared>>) dst(%arg7 : memref<10240xi32, #tpu.memory_space<vmem>>)
    %parallel_loop3A_106 = arith.constant 0 : i32
    %parallel_loop3A_107 = arith.constant 32 : i32
    %parallel_loop3A_108 = arith.constant 1 : i32
    scf.for %parallel_loop3A_185 = %parallel_loop3A_106 to %parallel_loop3A_107 step %parallel_loop3A_108  : i32 {
      %parallel_loop3A_186 = arith.constant 16 : i32
      %parallel_loop3A_187 = arith.muli %parallel_loop3A_185, %parallel_loop3A_186 : i32
      %parallel_loop3A_188 = arith.constant 0 : i32
      %parallel_loop3A_189 = arith.addi %parallel_loop3A_188, %parallel_loop3A_187 : i32
      %parallel_loop3A_190 = arith.index_cast %parallel_loop3A_189 : i32 to index
      %parallel_loop3A_191 = tpu.vector_load %arg7[%parallel_loop3A_190] {strides = array<i32>} : memref<10240xi32, #tpu.memory_space<vmem>>, vector<16xi32>,
      %parallel_loop3A_192 = tpu.vector_load_idx %arg5[%parallel_loop3A_191] : memref<100000xf32, #tpu.memory_space<vmem>>[vector<16xi32>], vector<16xf32>,
      %parallel_loop3A_193 = arith.constant 512 : i32
      %parallel_loop3A_194 = arith.addi %parallel_loop3A_193, %parallel_loop3A_187 : i32
      %parallel_loop3A_195 = arith.index_cast %parallel_loop3A_194 : i32 to index
      %parallel_loop3A_196 = tpu.vector_load %arg7[%parallel_loop3A_195] {strides = array<i32>} : memref<10240xi32, #tpu.memory_space<vmem>>, vector<16xi32>,
      %parallel_loop3A_197 = tpu.vector_load_idx %arg5[%parallel_loop3A_196] : memref<100000xf32, #tpu.memory_space<vmem>>[vector<16xi32>], vector<16xf32>,
      %parallel_loop3A_198 = arith.addf %parallel_loop3A_192, %parallel_loop3A_197 : vector<16xf32>
      %parallel_loop3A_199 = arith.constant 1024 : i32
      %parallel_loop3A_200 = arith.addi %parallel_loop3A_199, %parallel_loop3A_187 : i32
      %parallel_loop3A_201 = arith.index_cast %parallel_loop3A_200 : i32 to index
      %parallel_loop3A_202 = tpu.vector_load %arg7[%parallel_loop3A_201] {strides = array<i32>} : memref<10240xi32, #tpu.memory_space<vmem>>, vector<16xi32>,
      %parallel_loop3A_203 = tpu.vector_load_idx %arg5[%parallel_loop3A_202] : memref<100000xf32, #tpu.memory_space<vmem>>[vector<16xi32>], vector<16xf32>,
      %parallel_loop3A_204 = arith.addf %parallel_loop3A_198, %parallel_loop3A_203 : vector<16xf32>
      %parallel_loop3A_205 = arith.constant 1536 : i32
      %parallel_loop3A_206 = arith.addi %parallel_loop3A_205, %parallel_loop3A_187 : i32
      %parallel_loop3A_207 = arith.index_cast %parallel_loop3A_206 : i32 to index
      %parallel_loop3A_208 = tpu.vector_load %arg7[%parallel_loop3A_207] {strides = array<i32>} : memref<10240xi32, #tpu.memory_space<vmem>>, vector<16xi32>,
      %parallel_loop3A_209 = tpu.vector_load_idx %arg5[%parallel_loop3A_208] : memref<100000xf32, #tpu.memory_space<vmem>>[vector<16xi32>], vector<16xf32>,
      %parallel_loop3A_210 = arith.addf %parallel_loop3A_204, %parallel_loop3A_209 : vector<16xf32>
      %parallel_loop3A_211 = arith.constant 2048 : i32
      %parallel_loop3A_212 = arith.addi %parallel_loop3A_211, %parallel_loop3A_187 : i32
      %parallel_loop3A_213 = arith.index_cast %parallel_loop3A_212 : i32 to index
      %parallel_loop3A_214 = tpu.vector_load %arg7[%parallel_loop3A_213] {strides = array<i32>} : memref<10240xi32, #tpu.memory_space<vmem>>, vector<16xi32>,
      %parallel_loop3A_215 = tpu.vector_load_idx %arg5[%parallel_loop3A_214] : memref<100000xf32, #tpu.memory_space<vmem>>[vector<16xi32>], vector<16xf32>,
      %parallel_loop3A_216 = arith.addf %parallel_loop3A_210, %parallel_loop3A_215 : vector<16xf32>
      %parallel_loop3A_217 = arith.constant 2560 : i32
      %parallel_loop3A_218 = arith.addi %parallel_loop3A_217, %parallel_loop3A_187 : i32
      %parallel_loop3A_219 = arith.index_cast %parallel_loop3A_218 : i32 to index
      %parallel_loop3A_220 = tpu.vector_load %arg7[%parallel_loop3A_219] {strides = array<i32>} : memref<10240xi32, #tpu.memory_space<vmem>>, vector<16xi32>,
      %parallel_loop3A_221 = tpu.vector_load_idx %arg5[%parallel_loop3A_220] : memref<100000xf32, #tpu.memory_space<vmem>>[vector<16xi32>], vector<16xf32>,
      %parallel_loop3A_222 = arith.constant 3072 : i32
      %parallel_loop3A_223 = arith.addi %parallel_loop3A_222, %parallel_loop3A_187 : i32
      %parallel_loop3A_224 = arith.index_cast %parallel_loop3A_223 : i32 to index
      %parallel_loop3A_225 = tpu.vector_load %arg7[%parallel_loop3A_224] {strides = array<i32>} : memref<10240xi32, #tpu.memory_space<vmem>>, vector<16xi32>,
      %parallel_loop3A_226 = tpu.vector_load_idx %arg5[%parallel_loop3A_225] : memref<100000xf32, #tpu.memory_space<vmem>>[vector<16xi32>], vector<16xf32>,
      %parallel_loop3A_227 = arith.addf %parallel_loop3A_221, %parallel_loop3A_226 : vector<16xf32>
      %parallel_loop3A_228 = arith.constant 3584 : i32
      %parallel_loop3A_229 = arith.addi %parallel_loop3A_228, %parallel_loop3A_187 : i32
      %parallel_loop3A_230 = arith.index_cast %parallel_loop3A_229 : i32 to index
      %parallel_loop3A_231 = tpu.vector_load %arg7[%parallel_loop3A_230] {strides = array<i32>} : memref<10240xi32, #tpu.memory_space<vmem>>, vector<16xi32>,
      %parallel_loop3A_232 = tpu.vector_load_idx %arg5[%parallel_loop3A_231] : memref<100000xf32, #tpu.memory_space<vmem>>[vector<16xi32>], vector<16xf32>,
      %parallel_loop3A_233 = arith.addf %parallel_loop3A_227, %parallel_loop3A_232 : vector<16xf32>
      %parallel_loop3A_234 = arith.constant 4096 : i32
      %parallel_loop3A_235 = arith.addi %parallel_loop3A_234, %parallel_loop3A_187 : i32
      %parallel_loop3A_236 = arith.index_cast %parallel_loop3A_235 : i32 to index
      %parallel_loop3A_237 = tpu.vector_load %arg7[%parallel_loop3A_236] {strides = array<i32>} : memref<10240xi32, #tpu.memory_space<vmem>>, vector<16xi32>,
      %parallel_loop3A_238 = tpu.vector_load_idx %arg5[%parallel_loop3A_237] : memref<100000xf32, #tpu.memory_space<vmem>>[vector<16xi32>], vector<16xf32>,
      %parallel_loop3A_239 = arith.addf %parallel_loop3A_233, %parallel_loop3A_238 : vector<16xf32>
      %parallel_loop3A_240 = arith.constant 4608 : i32
      %parallel_loop3A_241 = arith.addi %parallel_loop3A_240, %parallel_loop3A_187 : i32
      %parallel_loop3A_242 = arith.index_cast %parallel_loop3A_241 : i32 to index
      %parallel_loop3A_243 = tpu.vector_load %arg7[%parallel_loop3A_242] {strides = array<i32>} : memref<10240xi32, #tpu.memory_space<vmem>>, vector<16xi32>,
      %parallel_loop3A_244 = tpu.vector_load_idx %arg5[%parallel_loop3A_243] : memref<100000xf32, #tpu.memory_space<vmem>>[vector<16xi32>], vector<16xf32>,
      %parallel_loop3A_245 = arith.addf %parallel_loop3A_239, %parallel_loop3A_244 : vector<16xf32>
      %parallel_loop3A_246 = arith.constant 5120 : i32
      %parallel_loop3A_247 = arith.addi %parallel_loop3A_246, %parallel_loop3A_187 : i32
      %parallel_loop3A_248 = arith.index_cast %parallel_loop3A_247 : i32 to index
      %parallel_loop3A_249 = tpu.vector_load %arg7[%parallel_loop3A_248] {strides = array<i32>} : memref<10240xi32, #tpu.memory_space<vmem>>, vector<16xi32>,
      %parallel_loop3A_250 = tpu.vector_load_idx %arg5[%parallel_loop3A_249] : memref<100000xf32, #tpu.memory_space<vmem>>[vector<16xi32>], vector<16xf32>,
      %parallel_loop3A_251 = arith.constant 5632 : i32
      %parallel_loop3A_252 = arith.addi %parallel_loop3A_251, %parallel_loop3A_187 : i32
      %parallel_loop3A_253 = arith.index_cast %parallel_loop3A_252 : i32 to index
      %parallel_loop3A_254 = tpu.vector_load %arg7[%parallel_loop3A_253] {strides = array<i32>} : memref<10240xi32, #tpu.memory_space<vmem>>, vector<16xi32>,
      %parallel_loop3A_255 = tpu.vector_load_idx %arg5[%parallel_loop3A_254] : memref<100000xf32, #tpu.memory_space<vmem>>[vector<16xi32>], vector<16xf32>,
      %parallel_loop3A_256 = arith.addf %parallel_loop3A_250, %parallel_loop3A_255 : vector<16xf32>
      %parallel_loop3A_257 = arith.constant 6144 : i32
      %parallel_loop3A_258 = arith.addi %parallel_loop3A_257, %parallel_loop3A_187 : i32
      %parallel_loop3A_259 = arith.index_cast %parallel_loop3A_258 : i32 to index
      %parallel_loop3A_260 = tpu.vector_load %arg7[%parallel_loop3A_259] {strides = array<i32>} : memref<10240xi32, #tpu.memory_space<vmem>>, vector<16xi32>,
      %parallel_loop3A_261 = tpu.vector_load_idx %arg5[%parallel_loop3A_260] : memref<100000xf32, #tpu.memory_space<vmem>>[vector<16xi32>], vector<16xf32>,
      %parallel_loop3A_262 = arith.addf %parallel_loop3A_256, %parallel_loop3A_261 : vector<16xf32>
      %parallel_loop3A_263 = arith.constant 6656 : i32
      %parallel_loop3A_264 = arith.addi %parallel_loop3A_263, %parallel_loop3A_187 : i32
      %parallel_loop3A_265 = arith.index_cast %parallel_loop3A_264 : i32 to index
      %parallel_loop3A_266 = tpu.vector_load %arg7[%parallel_loop3A_265] {strides = array<i32>} : memref<10240xi32, #tpu.memory_space<vmem>>, vector<16xi32>,
      %parallel_loop3A_267 = tpu.vector_load_idx %arg5[%parallel_loop3A_266] : memref<100000xf32, #tpu.memory_space<vmem>>[vector<16xi32>], vector<16xf32>,
      %parallel_loop3A_268 = arith.addf %parallel_loop3A_262, %parallel_loop3A_267 : vector<16xf32>
      %parallel_loop3A_269 = arith.constant 7168 : i32
      %parallel_loop3A_270 = arith.addi %parallel_loop3A_269, %parallel_loop3A_187 : i32
      %parallel_loop3A_271 = arith.index_cast %parallel_loop3A_270 : i32 to index
      %parallel_loop3A_272 = tpu.vector_load %arg7[%parallel_loop3A_271] {strides = array<i32>} : memref<10240xi32, #tpu.memory_space<vmem>>, vector<16xi32>,
      %parallel_loop3A_273 = tpu.vector_load_idx %arg5[%parallel_loop3A_272] : memref<100000xf32, #tpu.memory_space<vmem>>[vector<16xi32>], vector<16xf32>,
      %parallel_loop3A_274 = arith.addf %parallel_loop3A_268, %parallel_loop3A_273 : vector<16xf32>
      %parallel_loop3A_275 = arith.constant 7680 : i32
      %parallel_loop3A_276 = arith.addi %parallel_loop3A_275, %parallel_loop3A_187 : i32
      %parallel_loop3A_277 = arith.index_cast %parallel_loop3A_276 : i32 to index
      %parallel_loop3A_278 = tpu.vector_load %arg7[%parallel_loop3A_277] {strides = array<i32>} : memref<10240xi32, #tpu.memory_space<vmem>>, vector<16xi32>,
      %parallel_loop3A_279 = tpu.vector_load_idx %arg5[%parallel_loop3A_278] : memref<100000xf32, #tpu.memory_space<vmem>>[vector<16xi32>], vector<16xf32>,
      %parallel_loop3A_280 = arith.constant 8192 : i32
      %parallel_loop3A_281 = arith.addi %parallel_loop3A_280, %parallel_loop3A_187 : i32
      %parallel_loop3A_282 = arith.index_cast %parallel_loop3A_281 : i32 to index
      %parallel_loop3A_283 = tpu.vector_load %arg7[%parallel_loop3A_282] {strides = array<i32>} : memref<10240xi32, #tpu.memory_space<vmem>>, vector<16xi32>,
      %parallel_loop3A_284 = tpu.vector_load_idx %arg5[%parallel_loop3A_283] : memref<100000xf32, #tpu.memory_space<vmem>>[vector<16xi32>], vector<16xf32>,
      %parallel_loop3A_285 = arith.addf %parallel_loop3A_279, %parallel_loop3A_284 : vector<16xf32>
      %parallel_loop3A_286 = arith.constant 8704 : i32
      %parallel_loop3A_287 = arith.addi %parallel_loop3A_286, %parallel_loop3A_187 : i32
      %parallel_loop3A_288 = arith.index_cast %parallel_loop3A_287 : i32 to index
      %parallel_loop3A_289 = tpu.vector_load %arg7[%parallel_loop3A_288] {strides = array<i32>} : memref<10240xi32, #tpu.memory_space<vmem>>, vector<16xi32>,
      %parallel_loop3A_290 = tpu.vector_load_idx %arg5[%parallel_loop3A_289] : memref<100000xf32, #tpu.memory_space<vmem>>[vector<16xi32>], vector<16xf32>,
      %parallel_loop3A_291 = arith.addf %parallel_loop3A_285, %parallel_loop3A_290 : vector<16xf32>
      %parallel_loop3A_292 = arith.constant 9216 : i32
      %parallel_loop3A_293 = arith.addi %parallel_loop3A_292, %parallel_loop3A_187 : i32
      %parallel_loop3A_294 = arith.index_cast %parallel_loop3A_293 : i32 to index
      %parallel_loop3A_295 = tpu.vector_load %arg7[%parallel_loop3A_294] {strides = array<i32>} : memref<10240xi32, #tpu.memory_space<vmem>>, vector<16xi32>,
      %parallel_loop3A_296 = tpu.vector_load_idx %arg5[%parallel_loop3A_295] : memref<100000xf32, #tpu.memory_space<vmem>>[vector<16xi32>], vector<16xf32>,
      %parallel_loop3A_297 = arith.addf %parallel_loop3A_291, %parallel_loop3A_296 : vector<16xf32>
      %parallel_loop3A_298 = arith.constant 9728 : i32
      %parallel_loop3A_299 = arith.addi %parallel_loop3A_298, %parallel_loop3A_187 : i32
      %parallel_loop3A_300 = arith.index_cast %parallel_loop3A_299 : i32 to index
      %parallel_loop3A_301 = tpu.vector_load %arg7[%parallel_loop3A_300] {strides = array<i32>} : memref<10240xi32, #tpu.memory_space<vmem>>, vector<16xi32>,
      %parallel_loop3A_302 = tpu.vector_load_idx %arg5[%parallel_loop3A_301] : memref<100000xf32, #tpu.memory_space<vmem>>[vector<16xi32>], vector<16xf32>,
      %parallel_loop3A_303 = arith.addf %parallel_loop3A_297, %parallel_loop3A_302 : vector<16xf32>
      %parallel_loop3A_304 = arith.addf %parallel_loop3A_216, %parallel_loop3A_245 : vector<16xf32>
      %parallel_loop3A_305 = arith.addf %parallel_loop3A_274, %parallel_loop3A_303 : vector<16xf32>
      %parallel_loop3A_306 = arith.addf %parallel_loop3A_304, %parallel_loop3A_305 : vector<16xf32>
      %parallel_loop3A_307 = arith.constant 3584 : i32
      %parallel_loop3A_308 = arith.addi %parallel_loop3A_307, %parallel_loop3A_187 : i32
      %parallel_loop3A_309 = arith.index_cast %parallel_loop3A_308 : i32 to index
      %parallel_loop3A_310 = tpu.vector_load %arg8[%parallel_loop3A_309] {strides = array<i32>} : memref<4096xf32, #tpu.memory_space<vmem>>, vector<16xf32>,
      tpu.vector_store %arg8[%parallel_loop3A_309], %parallel_loop3A_306 {strides = array<i32>} : memref<4096xf32, #tpu.memory_space<vmem>>, vector<16xf32>,
    } {sc.loop_unroll_factor = 2 : i64, sc.parallel_access}
    "tpu.region"() ({
      %run_scoped3A = tpu.sem_alloc : memref<!tpu.dma_semaphore, #tpu.memory_space<semaphore_mem>>
      %dma_start3A_185 = arith.constant 0 : i32
      %dma_start3A_186 = tpu.memref_slice %arg4[%add3A_16, %dma_start3A_185] : memref<64x4096xf32, #tpu.memory_space<hbm>> -> memref<1x4096xf32, #tpu.memory_space<hbm>>
      %dma_start3A_187 = tpu.memref_squeeze %dma_start3A_186 : memref<1x4096xf32, #tpu.memory_space<hbm>> -> memref<4096xf32, #tpu.memory_space<hbm>>
      %dma_start3A_188 = arith.constant 0 : i32
      %dma_start3A_189 = tpu.memref_slice %arg4[%add3A_16, %dma_start3A_188] : memref<64x4096xf32, #tpu.memory_space<hbm>> -> memref<1x4096xf32, #tpu.memory_space<hbm>>
      %dma_start3A_190 = tpu.memref_squeeze %dma_start3A_189 : memref<1x4096xf32, #tpu.memory_space<hbm>> -> memref<4096xf32, #tpu.memory_space<hbm>>
      tpu.enqueue_dma source(%arg8 : memref<4096xf32, #tpu.memory_space<vmem>>) target(%dma_start3A_190 : memref<4096xf32, #tpu.memory_space<hbm>>) target_semaphore(%run_scoped3A : memref<!tpu.dma_semaphore, #tpu.memory_space<semaphore_mem>>)
      %dma_wait3A_191 = arith.constant 0 : i32
      %dma_wait3A_192 = tpu.memref_slice %arg4[%add3A_16, %dma_wait3A_191] : memref<64x4096xf32, #tpu.memory_space<hbm>> -> memref<1x4096xf32, #tpu.memory_space<hbm>>
      %dma_wait3A_193 = tpu.memref_squeeze %dma_wait3A_192 : memref<1x4096xf32, #tpu.memory_space<hbm>> -> memref<4096xf32, #tpu.memory_space<hbm>>
      %dma_wait3A_194 = arith.constant 0 : i32
      %dma_wait3A_195 = tpu.memref_slice %arg4[%add3A_16, %dma_wait3A_194] : memref<64x4096xf32, #tpu.memory_space<hbm>> -> memref<1x4096xf32, #tpu.memory_space<hbm>>
      %dma_wait3A_196 = tpu.memref_squeeze %dma_wait3A_195 : memref<1x4096xf32, #tpu.memory_space<hbm>> -> memref<4096xf32, #tpu.memory_space<hbm>>
      tpu.wait_dma2 semaphore(%run_scoped3A : memref<!tpu.dma_semaphore, #tpu.memory_space<semaphore_mem>>) src(%arg8 : memref<4096xf32, #tpu.memory_space<vmem>>) dst(%dma_wait3A_196 : memref<4096xf32, #tpu.memory_space<hbm>>)
      tpu.yield
    }) : () -> ()
    %mul3A_109 = arith.constant 2 : i32
    %mul3A_110 = arith.muli %add3A, %mul3A_109 : i32
    %add3A_111 = arith.constant 1 : i32
    %add3A_112 = arith.addi %mul3A_110, %add3A_111 : i32
    "tpu.region"() ({
      %run_scoped3A = tpu.sem_alloc : memref<!tpu.dma_semaphore, #tpu.memory_space<semaphore_mem>>
      %dma_start3A_185 = arith.constant 0 : i32
      %dma_start3A_186 = tpu.memref_slice %arg3[%add3A_112, %dma_start3A_185] : memref<64x100000xf32, #tpu.memory_space<hbm>> -> memref<1x100000xf32, #tpu.memory_space<hbm>>
      %dma_start3A_187 = tpu.memref_squeeze %dma_start3A_186 : memref<1x100000xf32, #tpu.memory_space<hbm>> -> memref<100000xf32, #tpu.memory_space<hbm>>
      %dma_start3A_188 = arith.constant 0 : i32
      %dma_start3A_189 = tpu.memref_slice %arg3[%add3A_112, %dma_start3A_188] : memref<64x100000xf32, #tpu.memory_space<hbm>> -> memref<1x100000xf32, #tpu.memory_space<hbm>>
      %dma_start3A_190 = tpu.memref_squeeze %dma_start3A_189 : memref<1x100000xf32, #tpu.memory_space<hbm>> -> memref<100000xf32, #tpu.memory_space<hbm>>
      tpu.enqueue_dma source(%dma_start3A_190 : memref<100000xf32, #tpu.memory_space<hbm>>) target(%arg5 : memref<100000xf32, #tpu.memory_space<vmem>>) target_semaphore(%run_scoped3A : memref<!tpu.dma_semaphore, #tpu.memory_space<semaphore_mem>>)
      %dma_wait3A_191 = arith.constant 0 : i32
      %dma_wait3A_192 = tpu.memref_slice %arg3[%add3A_112, %dma_wait3A_191] : memref<64x100000xf32, #tpu.memory_space<hbm>> -> memref<1x100000xf32, #tpu.memory_space<hbm>>
      %dma_wait3A_193 = tpu.memref_squeeze %dma_wait3A_192 : memref<1x100000xf32, #tpu.memory_space<hbm>> -> memref<100000xf32, #tpu.memory_space<hbm>>
      %dma_wait3A_194 = arith.constant 0 : i32
      %dma_wait3A_195 = tpu.memref_slice %arg3[%add3A_112, %dma_wait3A_194] : memref<64x100000xf32, #tpu.memory_space<hbm>> -> memref<1x100000xf32, #tpu.memory_space<hbm>>
      %dma_wait3A_196 = tpu.memref_squeeze %dma_wait3A_195 : memref<1x100000xf32, #tpu.memory_space<hbm>> -> memref<100000xf32, #tpu.memory_space<hbm>>
      tpu.wait_dma2 semaphore(%run_scoped3A : memref<!tpu.dma_semaphore, #tpu.memory_space<semaphore_mem>>) src(%dma_wait3A_196 : memref<100000xf32, #tpu.memory_space<hbm>>) dst(%arg5 : memref<100000xf32, #tpu.memory_space<vmem>>)
      tpu.yield
    }) : () -> ()
    %parallel_loop3A_113 = arith.constant 0 : i32
    %parallel_loop3A_114 = arith.constant 32 : i32
    %parallel_loop3A_115 = arith.constant 1 : i32
    scf.for %parallel_loop3A_185 = %parallel_loop3A_113 to %parallel_loop3A_114 step %parallel_loop3A_115  : i32 {
      %parallel_loop3A_186 = arith.constant 16 : i32
      %parallel_loop3A_187 = arith.muli %parallel_loop3A_185, %parallel_loop3A_186 : i32
      %parallel_loop3A_188 = arith.constant 0 : i32
      %parallel_loop3A_189 = arith.addi %parallel_loop3A_188, %parallel_loop3A_187 : i32
      %parallel_loop3A_190 = arith.index_cast %parallel_loop3A_189 : i32 to index
      %parallel_loop3A_191 = tpu.vector_load %arg7[%parallel_loop3A_190] {strides = array<i32>} : memref<10240xi32, #tpu.memory_space<vmem>>, vector<16xi32>,
      %parallel_loop3A_192 = tpu.vector_load_idx %arg5[%parallel_loop3A_191] : memref<100000xf32, #tpu.memory_space<vmem>>[vector<16xi32>], vector<16xf32>,
      %parallel_loop3A_193 = arith.constant 512 : i32
      %parallel_loop3A_194 = arith.addi %parallel_loop3A_193, %parallel_loop3A_187 : i32
      %parallel_loop3A_195 = arith.index_cast %parallel_loop3A_194 : i32 to index
      %parallel_loop3A_196 = tpu.vector_load %arg7[%parallel_loop3A_195] {strides = array<i32>} : memref<10240xi32, #tpu.memory_space<vmem>>, vector<16xi32>,
      %parallel_loop3A_197 = tpu.vector_load_idx %arg5[%parallel_loop3A_196] : memref<100000xf32, #tpu.memory_space<vmem>>[vector<16xi32>], vector<16xf32>,
      %parallel_loop3A_198 = arith.addf %parallel_loop3A_192, %parallel_loop3A_197 : vector<16xf32>
      %parallel_loop3A_199 = arith.constant 1024 : i32
      %parallel_loop3A_200 = arith.addi %parallel_loop3A_199, %parallel_loop3A_187 : i32
      %parallel_loop3A_201 = arith.index_cast %parallel_loop3A_200 : i32 to index
      %parallel_loop3A_202 = tpu.vector_load %arg7[%parallel_loop3A_201] {strides = array<i32>} : memref<10240xi32, #tpu.memory_space<vmem>>, vector<16xi32>,
      %parallel_loop3A_203 = tpu.vector_load_idx %arg5[%parallel_loop3A_202] : memref<100000xf32, #tpu.memory_space<vmem>>[vector<16xi32>], vector<16xf32>,
      %parallel_loop3A_204 = arith.addf %parallel_loop3A_198, %parallel_loop3A_203 : vector<16xf32>
      %parallel_loop3A_205 = arith.constant 1536 : i32
      %parallel_loop3A_206 = arith.addi %parallel_loop3A_205, %parallel_loop3A_187 : i32
      %parallel_loop3A_207 = arith.index_cast %parallel_loop3A_206 : i32 to index
      %parallel_loop3A_208 = tpu.vector_load %arg7[%parallel_loop3A_207] {strides = array<i32>} : memref<10240xi32, #tpu.memory_space<vmem>>, vector<16xi32>,
      %parallel_loop3A_209 = tpu.vector_load_idx %arg5[%parallel_loop3A_208] : memref<100000xf32, #tpu.memory_space<vmem>>[vector<16xi32>], vector<16xf32>,
      %parallel_loop3A_210 = arith.addf %parallel_loop3A_204, %parallel_loop3A_209 : vector<16xf32>
      %parallel_loop3A_211 = arith.constant 2048 : i32
      %parallel_loop3A_212 = arith.addi %parallel_loop3A_211, %parallel_loop3A_187 : i32
      %parallel_loop3A_213 = arith.index_cast %parallel_loop3A_212 : i32 to index
      %parallel_loop3A_214 = tpu.vector_load %arg7[%parallel_loop3A_213] {strides = array<i32>} : memref<10240xi32, #tpu.memory_space<vmem>>, vector<16xi32>,
      %parallel_loop3A_215 = tpu.vector_load_idx %arg5[%parallel_loop3A_214] : memref<100000xf32, #tpu.memory_space<vmem>>[vector<16xi32>], vector<16xf32>,
      %parallel_loop3A_216 = arith.addf %parallel_loop3A_210, %parallel_loop3A_215 : vector<16xf32>
      %parallel_loop3A_217 = arith.constant 2560 : i32
      %parallel_loop3A_218 = arith.addi %parallel_loop3A_217, %parallel_loop3A_187 : i32
      %parallel_loop3A_219 = arith.index_cast %parallel_loop3A_218 : i32 to index
      %parallel_loop3A_220 = tpu.vector_load %arg7[%parallel_loop3A_219] {strides = array<i32>} : memref<10240xi32, #tpu.memory_space<vmem>>, vector<16xi32>,
      %parallel_loop3A_221 = tpu.vector_load_idx %arg5[%parallel_loop3A_220] : memref<100000xf32, #tpu.memory_space<vmem>>[vector<16xi32>], vector<16xf32>,
      %parallel_loop3A_222 = arith.constant 3072 : i32
      %parallel_loop3A_223 = arith.addi %parallel_loop3A_222, %parallel_loop3A_187 : i32
      %parallel_loop3A_224 = arith.index_cast %parallel_loop3A_223 : i32 to index
      %parallel_loop3A_225 = tpu.vector_load %arg7[%parallel_loop3A_224] {strides = array<i32>} : memref<10240xi32, #tpu.memory_space<vmem>>, vector<16xi32>,
      %parallel_loop3A_226 = tpu.vector_load_idx %arg5[%parallel_loop3A_225] : memref<100000xf32, #tpu.memory_space<vmem>>[vector<16xi32>], vector<16xf32>,
      %parallel_loop3A_227 = arith.addf %parallel_loop3A_221, %parallel_loop3A_226 : vector<16xf32>
      %parallel_loop3A_228 = arith.constant 3584 : i32
      %parallel_loop3A_229 = arith.addi %parallel_loop3A_228, %parallel_loop3A_187 : i32
      %parallel_loop3A_230 = arith.index_cast %parallel_loop3A_229 : i32 to index
      %parallel_loop3A_231 = tpu.vector_load %arg7[%parallel_loop3A_230] {strides = array<i32>} : memref<10240xi32, #tpu.memory_space<vmem>>, vector<16xi32>,
      %parallel_loop3A_232 = tpu.vector_load_idx %arg5[%parallel_loop3A_231] : memref<100000xf32, #tpu.memory_space<vmem>>[vector<16xi32>], vector<16xf32>,
      %parallel_loop3A_233 = arith.addf %parallel_loop3A_227, %parallel_loop3A_232 : vector<16xf32>
      %parallel_loop3A_234 = arith.constant 4096 : i32
      %parallel_loop3A_235 = arith.addi %parallel_loop3A_234, %parallel_loop3A_187 : i32
      %parallel_loop3A_236 = arith.index_cast %parallel_loop3A_235 : i32 to index
      %parallel_loop3A_237 = tpu.vector_load %arg7[%parallel_loop3A_236] {strides = array<i32>} : memref<10240xi32, #tpu.memory_space<vmem>>, vector<16xi32>,
      %parallel_loop3A_238 = tpu.vector_load_idx %arg5[%parallel_loop3A_237] : memref<100000xf32, #tpu.memory_space<vmem>>[vector<16xi32>], vector<16xf32>,
      %parallel_loop3A_239 = arith.addf %parallel_loop3A_233, %parallel_loop3A_238 : vector<16xf32>
      %parallel_loop3A_240 = arith.constant 4608 : i32
      %parallel_loop3A_241 = arith.addi %parallel_loop3A_240, %parallel_loop3A_187 : i32
      %parallel_loop3A_242 = arith.index_cast %parallel_loop3A_241 : i32 to index
      %parallel_loop3A_243 = tpu.vector_load %arg7[%parallel_loop3A_242] {strides = array<i32>} : memref<10240xi32, #tpu.memory_space<vmem>>, vector<16xi32>,
      %parallel_loop3A_244 = tpu.vector_load_idx %arg5[%parallel_loop3A_243] : memref<100000xf32, #tpu.memory_space<vmem>>[vector<16xi32>], vector<16xf32>,
      %parallel_loop3A_245 = arith.addf %parallel_loop3A_239, %parallel_loop3A_244 : vector<16xf32>
      %parallel_loop3A_246 = arith.constant 5120 : i32
      %parallel_loop3A_247 = arith.addi %parallel_loop3A_246, %parallel_loop3A_187 : i32
      %parallel_loop3A_248 = arith.index_cast %parallel_loop3A_247 : i32 to index
      %parallel_loop3A_249 = tpu.vector_load %arg7[%parallel_loop3A_248] {strides = array<i32>} : memref<10240xi32, #tpu.memory_space<vmem>>, vector<16xi32>,
      %parallel_loop3A_250 = tpu.vector_load_idx %arg5[%parallel_loop3A_249] : memref<100000xf32, #tpu.memory_space<vmem>>[vector<16xi32>], vector<16xf32>,
      %parallel_loop3A_251 = arith.constant 5632 : i32
      %parallel_loop3A_252 = arith.addi %parallel_loop3A_251, %parallel_loop3A_187 : i32
      %parallel_loop3A_253 = arith.index_cast %parallel_loop3A_252 : i32 to index
      %parallel_loop3A_254 = tpu.vector_load %arg7[%parallel_loop3A_253] {strides = array<i32>} : memref<10240xi32, #tpu.memory_space<vmem>>, vector<16xi32>,
      %parallel_loop3A_255 = tpu.vector_load_idx %arg5[%parallel_loop3A_254] : memref<100000xf32, #tpu.memory_space<vmem>>[vector<16xi32>], vector<16xf32>,
      %parallel_loop3A_256 = arith.addf %parallel_loop3A_250, %parallel_loop3A_255 : vector<16xf32>
      %parallel_loop3A_257 = arith.constant 6144 : i32
      %parallel_loop3A_258 = arith.addi %parallel_loop3A_257, %parallel_loop3A_187 : i32
      %parallel_loop3A_259 = arith.index_cast %parallel_loop3A_258 : i32 to index
      %parallel_loop3A_260 = tpu.vector_load %arg7[%parallel_loop3A_259] {strides = array<i32>} : memref<10240xi32, #tpu.memory_space<vmem>>, vector<16xi32>,
      %parallel_loop3A_261 = tpu.vector_load_idx %arg5[%parallel_loop3A_260] : memref<100000xf32, #tpu.memory_space<vmem>>[vector<16xi32>], vector<16xf32>,
      %parallel_loop3A_262 = arith.addf %parallel_loop3A_256, %parallel_loop3A_261 : vector<16xf32>
      %parallel_loop3A_263 = arith.constant 6656 : i32
      %parallel_loop3A_264 = arith.addi %parallel_loop3A_263, %parallel_loop3A_187 : i32
      %parallel_loop3A_265 = arith.index_cast %parallel_loop3A_264 : i32 to index
      %parallel_loop3A_266 = tpu.vector_load %arg7[%parallel_loop3A_265] {strides = array<i32>} : memref<10240xi32, #tpu.memory_space<vmem>>, vector<16xi32>,
      %parallel_loop3A_267 = tpu.vector_load_idx %arg5[%parallel_loop3A_266] : memref<100000xf32, #tpu.memory_space<vmem>>[vector<16xi32>], vector<16xf32>,
      %parallel_loop3A_268 = arith.addf %parallel_loop3A_262, %parallel_loop3A_267 : vector<16xf32>
      %parallel_loop3A_269 = arith.constant 7168 : i32
      %parallel_loop3A_270 = arith.addi %parallel_loop3A_269, %parallel_loop3A_187 : i32
      %parallel_loop3A_271 = arith.index_cast %parallel_loop3A_270 : i32 to index
      %parallel_loop3A_272 = tpu.vector_load %arg7[%parallel_loop3A_271] {strides = array<i32>} : memref<10240xi32, #tpu.memory_space<vmem>>, vector<16xi32>,
      %parallel_loop3A_273 = tpu.vector_load_idx %arg5[%parallel_loop3A_272] : memref<100000xf32, #tpu.memory_space<vmem>>[vector<16xi32>], vector<16xf32>,
      %parallel_loop3A_274 = arith.addf %parallel_loop3A_268, %parallel_loop3A_273 : vector<16xf32>
      %parallel_loop3A_275 = arith.constant 7680 : i32
      %parallel_loop3A_276 = arith.addi %parallel_loop3A_275, %parallel_loop3A_187 : i32
      %parallel_loop3A_277 = arith.index_cast %parallel_loop3A_276 : i32 to index
      %parallel_loop3A_278 = tpu.vector_load %arg7[%parallel_loop3A_277] {strides = array<i32>} : memref<10240xi32, #tpu.memory_space<vmem>>, vector<16xi32>,
      %parallel_loop3A_279 = tpu.vector_load_idx %arg5[%parallel_loop3A_278] : memref<100000xf32, #tpu.memory_space<vmem>>[vector<16xi32>], vector<16xf32>,
      %parallel_loop3A_280 = arith.constant 8192 : i32
      %parallel_loop3A_281 = arith.addi %parallel_loop3A_280, %parallel_loop3A_187 : i32
      %parallel_loop3A_282 = arith.index_cast %parallel_loop3A_281 : i32 to index
      %parallel_loop3A_283 = tpu.vector_load %arg7[%parallel_loop3A_282] {strides = array<i32>} : memref<10240xi32, #tpu.memory_space<vmem>>, vector<16xi32>,
      %parallel_loop3A_284 = tpu.vector_load_idx %arg5[%parallel_loop3A_283] : memref<100000xf32, #tpu.memory_space<vmem>>[vector<16xi32>], vector<16xf32>,
      %parallel_loop3A_285 = arith.addf %parallel_loop3A_279, %parallel_loop3A_284 : vector<16xf32>
      %parallel_loop3A_286 = arith.constant 8704 : i32
      %parallel_loop3A_287 = arith.addi %parallel_loop3A_286, %parallel_loop3A_187 : i32
      %parallel_loop3A_288 = arith.index_cast %parallel_loop3A_287 : i32 to index
      %parallel_loop3A_289 = tpu.vector_load %arg7[%parallel_loop3A_288] {strides = array<i32>} : memref<10240xi32, #tpu.memory_space<vmem>>, vector<16xi32>,
      %parallel_loop3A_290 = tpu.vector_load_idx %arg5[%parallel_loop3A_289] : memref<100000xf32, #tpu.memory_space<vmem>>[vector<16xi32>], vector<16xf32>,
      %parallel_loop3A_291 = arith.addf %parallel_loop3A_285, %parallel_loop3A_290 : vector<16xf32>
      %parallel_loop3A_292 = arith.constant 9216 : i32
      %parallel_loop3A_293 = arith.addi %parallel_loop3A_292, %parallel_loop3A_187 : i32
      %parallel_loop3A_294 = arith.index_cast %parallel_loop3A_293 : i32 to index
      %parallel_loop3A_295 = tpu.vector_load %arg7[%parallel_loop3A_294] {strides = array<i32>} : memref<10240xi32, #tpu.memory_space<vmem>>, vector<16xi32>,
      %parallel_loop3A_296 = tpu.vector_load_idx %arg5[%parallel_loop3A_295] : memref<100000xf32, #tpu.memory_space<vmem>>[vector<16xi32>], vector<16xf32>,
      %parallel_loop3A_297 = arith.addf %parallel_loop3A_291, %parallel_loop3A_296 : vector<16xf32>
      %parallel_loop3A_298 = arith.constant 9728 : i32
      %parallel_loop3A_299 = arith.addi %parallel_loop3A_298, %parallel_loop3A_187 : i32
      %parallel_loop3A_300 = arith.index_cast %parallel_loop3A_299 : i32 to index
      %parallel_loop3A_301 = tpu.vector_load %arg7[%parallel_loop3A_300] {strides = array<i32>} : memref<10240xi32, #tpu.memory_space<vmem>>, vector<16xi32>,
      %parallel_loop3A_302 = tpu.vector_load_idx %arg5[%parallel_loop3A_301] : memref<100000xf32, #tpu.memory_space<vmem>>[vector<16xi32>], vector<16xf32>,
      %parallel_loop3A_303 = arith.addf %parallel_loop3A_297, %parallel_loop3A_302 : vector<16xf32>
      %parallel_loop3A_304 = arith.addf %parallel_loop3A_216, %parallel_loop3A_245 : vector<16xf32>
      %parallel_loop3A_305 = arith.addf %parallel_loop3A_274, %parallel_loop3A_303 : vector<16xf32>
      %parallel_loop3A_306 = arith.addf %parallel_loop3A_304, %parallel_loop3A_305 : vector<16xf32>
      %parallel_loop3A_307 = arith.constant 3584 : i32
      %parallel_loop3A_308 = arith.addi %parallel_loop3A_307, %parallel_loop3A_187 : i32
      %parallel_loop3A_309 = arith.index_cast %parallel_loop3A_308 : i32 to index
      %parallel_loop3A_310 = tpu.vector_load %arg8[%parallel_loop3A_309] {strides = array<i32>} : memref<4096xf32, #tpu.memory_space<vmem>>, vector<16xf32>,
      tpu.vector_store %arg8[%parallel_loop3A_309], %parallel_loop3A_306 {strides = array<i32>} : memref<4096xf32, #tpu.memory_space<vmem>>, vector<16xf32>,
    } {sc.loop_unroll_factor = 2 : i64, sc.parallel_access}
    %dma_start3A_116 = arith.constant 51200 : i32
    %dma_start3A_117 = tpu.memref_slice %arg9[%dma_start3A_116] : memref<81920xi32, #tpu.memory_space<vmem_shared>> -> memref<10240xi32, #tpu.memory_space<vmem_shared>>
    %dma_start3A_118 = arith.constant 51200 : i32
    %dma_start3A_119 = tpu.memref_slice %arg9[%dma_start3A_118] : memref<81920xi32, #tpu.memory_space<vmem_shared>> -> memref<10240xi32, #tpu.memory_space<vmem_shared>>
    tpu.enqueue_dma source(%dma_start3A_119 : memref<10240xi32, #tpu.memory_space<vmem_shared>>) target(%arg7 : memref<10240xi32, #tpu.memory_space<vmem>>) target_semaphore(%arg10 : memref<!tpu.dma_semaphore, #tpu.memory_space<semaphore_mem>>)
    %parallel_loop3A_120 = arith.constant 0 : i32
    %parallel_loop3A_121 = arith.constant 32 : i32
    %parallel_loop3A_122 = arith.constant 1 : i32
    scf.for %parallel_loop3A_185 = %parallel_loop3A_120 to %parallel_loop3A_121 step %parallel_loop3A_122  : i32 {
      %parallel_loop3A_186 = arith.constant 16 : i32
      %parallel_loop3A_187 = arith.muli %parallel_loop3A_185, %parallel_loop3A_186 : i32
      %parallel_loop3A_188 = arith.constant 0 : i32
      %parallel_loop3A_189 = arith.addi %parallel_loop3A_188, %parallel_loop3A_187 : i32
      %parallel_loop3A_190 = arith.index_cast %parallel_loop3A_189 : i32 to index
      %parallel_loop3A_191 = tpu.vector_load %arg6[%parallel_loop3A_190] {strides = array<i32>} : memref<10240xi32, #tpu.memory_space<vmem>>, vector<16xi32>,
      %parallel_loop3A_192 = tpu.vector_load_idx %arg5[%parallel_loop3A_191] : memref<100000xf32, #tpu.memory_space<vmem>>[vector<16xi32>], vector<16xf32>,
      %parallel_loop3A_193 = arith.constant 512 : i32
      %parallel_loop3A_194 = arith.addi %parallel_loop3A_193, %parallel_loop3A_187 : i32
      %parallel_loop3A_195 = arith.index_cast %parallel_loop3A_194 : i32 to index
      %parallel_loop3A_196 = tpu.vector_load %arg6[%parallel_loop3A_195] {strides = array<i32>} : memref<10240xi32, #tpu.memory_space<vmem>>, vector<16xi32>,
      %parallel_loop3A_197 = tpu.vector_load_idx %arg5[%parallel_loop3A_196] : memref<100000xf32, #tpu.memory_space<vmem>>[vector<16xi32>], vector<16xf32>,
      %parallel_loop3A_198 = arith.addf %parallel_loop3A_192, %parallel_loop3A_197 : vector<16xf32>
      %parallel_loop3A_199 = arith.constant 1024 : i32
      %parallel_loop3A_200 = arith.addi %parallel_loop3A_199, %parallel_loop3A_187 : i32
      %parallel_loop3A_201 = arith.index_cast %parallel_loop3A_200 : i32 to index
      %parallel_loop3A_202 = tpu.vector_load %arg6[%parallel_loop3A_201] {strides = array<i32>} : memref<10240xi32, #tpu.memory_space<vmem>>, vector<16xi32>,
      %parallel_loop3A_203 = tpu.vector_load_idx %arg5[%parallel_loop3A_202] : memref<100000xf32, #tpu.memory_space<vmem>>[vector<16xi32>], vector<16xf32>,
      %parallel_loop3A_204 = arith.addf %parallel_loop3A_198, %parallel_loop3A_203 : vector<16xf32>
      %parallel_loop3A_205 = arith.constant 1536 : i32
      %parallel_loop3A_206 = arith.addi %parallel_loop3A_205, %parallel_loop3A_187 : i32
      %parallel_loop3A_207 = arith.index_cast %parallel_loop3A_206 : i32 to index
      %parallel_loop3A_208 = tpu.vector_load %arg6[%parallel_loop3A_207] {strides = array<i32>} : memref<10240xi32, #tpu.memory_space<vmem>>, vector<16xi32>,
      %parallel_loop3A_209 = tpu.vector_load_idx %arg5[%parallel_loop3A_208] : memref<100000xf32, #tpu.memory_space<vmem>>[vector<16xi32>], vector<16xf32>,
      %parallel_loop3A_210 = arith.addf %parallel_loop3A_204, %parallel_loop3A_209 : vector<16xf32>
      %parallel_loop3A_211 = arith.constant 2048 : i32
      %parallel_loop3A_212 = arith.addi %parallel_loop3A_211, %parallel_loop3A_187 : i32
      %parallel_loop3A_213 = arith.index_cast %parallel_loop3A_212 : i32 to index
      %parallel_loop3A_214 = tpu.vector_load %arg6[%parallel_loop3A_213] {strides = array<i32>} : memref<10240xi32, #tpu.memory_space<vmem>>, vector<16xi32>,
      %parallel_loop3A_215 = tpu.vector_load_idx %arg5[%parallel_loop3A_214] : memref<100000xf32, #tpu.memory_space<vmem>>[vector<16xi32>], vector<16xf32>,
      %parallel_loop3A_216 = arith.addf %parallel_loop3A_210, %parallel_loop3A_215 : vector<16xf32>
      %parallel_loop3A_217 = arith.constant 2560 : i32
      %parallel_loop3A_218 = arith.addi %parallel_loop3A_217, %parallel_loop3A_187 : i32
      %parallel_loop3A_219 = arith.index_cast %parallel_loop3A_218 : i32 to index
      %parallel_loop3A_220 = tpu.vector_load %arg6[%parallel_loop3A_219] {strides = array<i32>} : memref<10240xi32, #tpu.memory_space<vmem>>, vector<16xi32>,
      %parallel_loop3A_221 = tpu.vector_load_idx %arg5[%parallel_loop3A_220] : memref<100000xf32, #tpu.memory_space<vmem>>[vector<16xi32>], vector<16xf32>,
      %parallel_loop3A_222 = arith.constant 3072 : i32
      %parallel_loop3A_223 = arith.addi %parallel_loop3A_222, %parallel_loop3A_187 : i32
      %parallel_loop3A_224 = arith.index_cast %parallel_loop3A_223 : i32 to index
      %parallel_loop3A_225 = tpu.vector_load %arg6[%parallel_loop3A_224] {strides = array<i32>} : memref<10240xi32, #tpu.memory_space<vmem>>, vector<16xi32>,
      %parallel_loop3A_226 = tpu.vector_load_idx %arg5[%parallel_loop3A_225] : memref<100000xf32, #tpu.memory_space<vmem>>[vector<16xi32>], vector<16xf32>,
      %parallel_loop3A_227 = arith.addf %parallel_loop3A_221, %parallel_loop3A_226 : vector<16xf32>
      %parallel_loop3A_228 = arith.constant 3584 : i32
      %parallel_loop3A_229 = arith.addi %parallel_loop3A_228, %parallel_loop3A_187 : i32
      %parallel_loop3A_230 = arith.index_cast %parallel_loop3A_229 : i32 to index
      %parallel_loop3A_231 = tpu.vector_load %arg6[%parallel_loop3A_230] {strides = array<i32>} : memref<10240xi32, #tpu.memory_space<vmem>>, vector<16xi32>,
      %parallel_loop3A_232 = tpu.vector_load_idx %arg5[%parallel_loop3A_231] : memref<100000xf32, #tpu.memory_space<vmem>>[vector<16xi32>], vector<16xf32>,
      %parallel_loop3A_233 = arith.addf %parallel_loop3A_227, %parallel_loop3A_232 : vector<16xf32>
      %parallel_loop3A_234 = arith.constant 4096 : i32
      %parallel_loop3A_235 = arith.addi %parallel_loop3A_234, %parallel_loop3A_187 : i32
      %parallel_loop3A_236 = arith.index_cast %parallel_loop3A_235 : i32 to index
      %parallel_loop3A_237 = tpu.vector_load %arg6[%parallel_loop3A_236] {strides = array<i32>} : memref<10240xi32, #tpu.memory_space<vmem>>, vector<16xi32>,
      %parallel_loop3A_238 = tpu.vector_load_idx %arg5[%parallel_loop3A_237] : memref<100000xf32, #tpu.memory_space<vmem>>[vector<16xi32>], vector<16xf32>,
      %parallel_loop3A_239 = arith.addf %parallel_loop3A_233, %parallel_loop3A_238 : vector<16xf32>
      %parallel_loop3A_240 = arith.constant 4608 : i32
      %parallel_loop3A_241 = arith.addi %parallel_loop3A_240, %parallel_loop3A_187 : i32
      %parallel_loop3A_242 = arith.index_cast %parallel_loop3A_241 : i32 to index
      %parallel_loop3A_243 = tpu.vector_load %arg6[%parallel_loop3A_242] {strides = array<i32>} : memref<10240xi32, #tpu.memory_space<vmem>>, vector<16xi32>,
      %parallel_loop3A_244 = tpu.vector_load_idx %arg5[%parallel_loop3A_243] : memref<100000xf32, #tpu.memory_space<vmem>>[vector<16xi32>], vector<16xf32>,
      %parallel_loop3A_245 = arith.addf %parallel_loop3A_239, %parallel_loop3A_244 : vector<16xf32>
      %parallel_loop3A_246 = arith.constant 5120 : i32
      %parallel_loop3A_247 = arith.addi %parallel_loop3A_246, %parallel_loop3A_187 : i32
      %parallel_loop3A_248 = arith.index_cast %parallel_loop3A_247 : i32 to index
      %parallel_loop3A_249 = tpu.vector_load %arg6[%parallel_loop3A_248] {strides = array<i32>} : memref<10240xi32, #tpu.memory_space<vmem>>, vector<16xi32>,
      %parallel_loop3A_250 = tpu.vector_load_idx %arg5[%parallel_loop3A_249] : memref<100000xf32, #tpu.memory_space<vmem>>[vector<16xi32>], vector<16xf32>,
      %parallel_loop3A_251 = arith.constant 5632 : i32
      %parallel_loop3A_252 = arith.addi %parallel_loop3A_251, %parallel_loop3A_187 : i32
      %parallel_loop3A_253 = arith.index_cast %parallel_loop3A_252 : i32 to index
      %parallel_loop3A_254 = tpu.vector_load %arg6[%parallel_loop3A_253] {strides = array<i32>} : memref<10240xi32, #tpu.memory_space<vmem>>, vector<16xi32>,
      %parallel_loop3A_255 = tpu.vector_load_idx %arg5[%parallel_loop3A_254] : memref<100000xf32, #tpu.memory_space<vmem>>[vector<16xi32>], vector<16xf32>,
      %parallel_loop3A_256 = arith.addf %parallel_loop3A_250, %parallel_loop3A_255 : vector<16xf32>
      %parallel_loop3A_257 = arith.constant 6144 : i32
      %parallel_loop3A_258 = arith.addi %parallel_loop3A_257, %parallel_loop3A_187 : i32
      %parallel_loop3A_259 = arith.index_cast %parallel_loop3A_258 : i32 to index
      %parallel_loop3A_260 = tpu.vector_load %arg6[%parallel_loop3A_259] {strides = array<i32>} : memref<10240xi32, #tpu.memory_space<vmem>>, vector<16xi32>,
      %parallel_loop3A_261 = tpu.vector_load_idx %arg5[%parallel_loop3A_260] : memref<100000xf32, #tpu.memory_space<vmem>>[vector<16xi32>], vector<16xf32>,
      %parallel_loop3A_262 = arith.addf %parallel_loop3A_256, %parallel_loop3A_261 : vector<16xf32>
      %parallel_loop3A_263 = arith.constant 6656 : i32
      %parallel_loop3A_264 = arith.addi %parallel_loop3A_263, %parallel_loop3A_187 : i32
      %parallel_loop3A_265 = arith.index_cast %parallel_loop3A_264 : i32 to index
      %parallel_loop3A_266 = tpu.vector_load %arg6[%parallel_loop3A_265] {strides = array<i32>} : memref<10240xi32, #tpu.memory_space<vmem>>, vector<16xi32>,
      %parallel_loop3A_267 = tpu.vector_load_idx %arg5[%parallel_loop3A_266] : memref<100000xf32, #tpu.memory_space<vmem>>[vector<16xi32>], vector<16xf32>,
      %parallel_loop3A_268 = arith.addf %parallel_loop3A_262, %parallel_loop3A_267 : vector<16xf32>
      %parallel_loop3A_269 = arith.constant 7168 : i32
      %parallel_loop3A_270 = arith.addi %parallel_loop3A_269, %parallel_loop3A_187 : i32
      %parallel_loop3A_271 = arith.index_cast %parallel_loop3A_270 : i32 to index
      %parallel_loop3A_272 = tpu.vector_load %arg6[%parallel_loop3A_271] {strides = array<i32>} : memref<10240xi32, #tpu.memory_space<vmem>>, vector<16xi32>,
      %parallel_loop3A_273 = tpu.vector_load_idx %arg5[%parallel_loop3A_272] : memref<100000xf32, #tpu.memory_space<vmem>>[vector<16xi32>], vector<16xf32>,
      %parallel_loop3A_274 = arith.addf %parallel_loop3A_268, %parallel_loop3A_273 : vector<16xf32>
      %parallel_loop3A_275 = arith.constant 7680 : i32
      %parallel_loop3A_276 = arith.addi %parallel_loop3A_275, %parallel_loop3A_187 : i32
      %parallel_loop3A_277 = arith.index_cast %parallel_loop3A_276 : i32 to index
      %parallel_loop3A_278 = tpu.vector_load %arg6[%parallel_loop3A_277] {strides = array<i32>} : memref<10240xi32, #tpu.memory_space<vmem>>, vector<16xi32>,
      %parallel_loop3A_279 = tpu.vector_load_idx %arg5[%parallel_loop3A_278] : memref<100000xf32, #tpu.memory_space<vmem>>[vector<16xi32>], vector<16xf32>,
      %parallel_loop3A_280 = arith.constant 8192 : i32
      %parallel_loop3A_281 = arith.addi %parallel_loop3A_280, %parallel_loop3A_187 : i32
      %parallel_loop3A_282 = arith.index_cast %parallel_loop3A_281 : i32 to index
      %parallel_loop3A_283 = tpu.vector_load %arg6[%parallel_loop3A_282] {strides = array<i32>} : memref<10240xi32, #tpu.memory_space<vmem>>, vector<16xi32>,
      %parallel_loop3A_284 = tpu.vector_load_idx %arg5[%parallel_loop3A_283] : memref<100000xf32, #tpu.memory_space<vmem>>[vector<16xi32>], vector<16xf32>,
      %parallel_loop3A_285 = arith.addf %parallel_loop3A_279, %parallel_loop3A_284 : vector<16xf32>
      %parallel_loop3A_286 = arith.constant 8704 : i32
      %parallel_loop3A_287 = arith.addi %parallel_loop3A_286, %parallel_loop3A_187 : i32
      %parallel_loop3A_288 = arith.index_cast %parallel_loop3A_287 : i32 to index
      %parallel_loop3A_289 = tpu.vector_load %arg6[%parallel_loop3A_288] {strides = array<i32>} : memref<10240xi32, #tpu.memory_space<vmem>>, vector<16xi32>,
      %parallel_loop3A_290 = tpu.vector_load_idx %arg5[%parallel_loop3A_289] : memref<100000xf32, #tpu.memory_space<vmem>>[vector<16xi32>], vector<16xf32>,
      %parallel_loop3A_291 = arith.addf %parallel_loop3A_285, %parallel_loop3A_290 : vector<16xf32>
      %parallel_loop3A_292 = arith.constant 9216 : i32
      %parallel_loop3A_293 = arith.addi %parallel_loop3A_292, %parallel_loop3A_187 : i32
      %parallel_loop3A_294 = arith.index_cast %parallel_loop3A_293 : i32 to index
      %parallel_loop3A_295 = tpu.vector_load %arg6[%parallel_loop3A_294] {strides = array<i32>} : memref<10240xi32, #tpu.memory_space<vmem>>, vector<16xi32>,
      %parallel_loop3A_296 = tpu.vector_load_idx %arg5[%parallel_loop3A_295] : memref<100000xf32, #tpu.memory_space<vmem>>[vector<16xi32>], vector<16xf32>,
      %parallel_loop3A_297 = arith.addf %parallel_loop3A_291, %parallel_loop3A_296 : vector<16xf32>
      %parallel_loop3A_298 = arith.constant 9728 : i32
      %parallel_loop3A_299 = arith.addi %parallel_loop3A_298, %parallel_loop3A_187 : i32
      %parallel_loop3A_300 = arith.index_cast %parallel_loop3A_299 : i32 to index
      %parallel_loop3A_301 = tpu.vector_load %arg6[%parallel_loop3A_300] {strides = array<i32>} : memref<10240xi32, #tpu.memory_space<vmem>>, vector<16xi32>,
      %parallel_loop3A_302 = tpu.vector_load_idx %arg5[%parallel_loop3A_301] : memref<100000xf32, #tpu.memory_space<vmem>>[vector<16xi32>], vector<16xf32>,
      %parallel_loop3A_303 = arith.addf %parallel_loop3A_297, %parallel_loop3A_302 : vector<16xf32>
      %parallel_loop3A_304 = arith.addf %parallel_loop3A_216, %parallel_loop3A_245 : vector<16xf32>
      %parallel_loop3A_305 = arith.addf %parallel_loop3A_274, %parallel_loop3A_303 : vector<16xf32>
      %parallel_loop3A_306 = arith.addf %parallel_loop3A_304, %parallel_loop3A_305 : vector<16xf32>
      %parallel_loop3A_307 = arith.constant 3072 : i32
      %parallel_loop3A_308 = arith.addi %parallel_loop3A_307, %parallel_loop3A_187 : i32
      %parallel_loop3A_309 = arith.index_cast %parallel_loop3A_308 : i32 to index
      %parallel_loop3A_310 = tpu.vector_load %arg8[%parallel_loop3A_309] {strides = array<i32>} : memref<4096xf32, #tpu.memory_space<vmem>>, vector<16xf32>,
      tpu.vector_store %arg8[%parallel_loop3A_309], %parallel_loop3A_306 {strides = array<i32>} : memref<4096xf32, #tpu.memory_space<vmem>>, vector<16xf32>,
    } {sc.loop_unroll_factor = 2 : i64, sc.parallel_access}
    %dma_wait3A_123 = arith.constant 51200 : i32
    %dma_wait3A_124 = tpu.memref_slice %arg9[%dma_wait3A_123] : memref<81920xi32, #tpu.memory_space<vmem_shared>> -> memref<10240xi32, #tpu.memory_space<vmem_shared>>
    %dma_wait3A_125 = arith.constant 51200 : i32
    %dma_wait3A_126 = tpu.memref_slice %arg9[%dma_wait3A_125] : memref<81920xi32, #tpu.memory_space<vmem_shared>> -> memref<10240xi32, #tpu.memory_space<vmem_shared>>
    tpu.wait_dma2 semaphore(%arg10 : memref<!tpu.dma_semaphore, #tpu.memory_space<semaphore_mem>>) src(%dma_wait3A_126 : memref<10240xi32, #tpu.memory_space<vmem_shared>>) dst(%arg7 : memref<10240xi32, #tpu.memory_space<vmem>>)
    %dma_start3A_127 = arith.constant 40960 : i32
    %dma_start3A_128 = tpu.memref_slice %arg9[%dma_start3A_127] : memref<81920xi32, #tpu.memory_space<vmem_shared>> -> memref<10240xi32, #tpu.memory_space<vmem_shared>>
    %dma_start3A_129 = arith.constant 40960 : i32
    %dma_start3A_130 = tpu.memref_slice %arg9[%dma_start3A_129] : memref<81920xi32, #tpu.memory_space<vmem_shared>> -> memref<10240xi32, #tpu.memory_space<vmem_shared>>
    tpu.enqueue_dma source(%dma_start3A_130 : memref<10240xi32, #tpu.memory_space<vmem_shared>>) target(%arg6 : memref<10240xi32, #tpu.memory_space<vmem>>) target_semaphore(%arg10 : memref<!tpu.dma_semaphore, #tpu.memory_space<semaphore_mem>>)
    %parallel_loop3A_131 = arith.constant 0 : i32
    %parallel_loop3A_132 = arith.constant 32 : i32
    %parallel_loop3A_133 = arith.constant 1 : i32
    scf.for %parallel_loop3A_185 = %parallel_loop3A_131 to %parallel_loop3A_132 step %parallel_loop3A_133  : i32 {
      %parallel_loop3A_186 = arith.constant 16 : i32
      %parallel_loop3A_187 = arith.muli %parallel_loop3A_185, %parallel_loop3A_186 : i32
      %parallel_loop3A_188 = arith.constant 0 : i32
      %parallel_loop3A_189 = arith.addi %parallel_loop3A_188, %parallel_loop3A_187 : i32
      %parallel_loop3A_190 = arith.index_cast %parallel_loop3A_189 : i32 to index
      %parallel_loop3A_191 = tpu.vector_load %arg7[%parallel_loop3A_190] {strides = array<i32>} : memref<10240xi32, #tpu.memory_space<vmem>>, vector<16xi32>,
      %parallel_loop3A_192 = tpu.vector_load_idx %arg5[%parallel_loop3A_191] : memref<100000xf32, #tpu.memory_space<vmem>>[vector<16xi32>], vector<16xf32>,
      %parallel_loop3A_193 = arith.constant 512 : i32
      %parallel_loop3A_194 = arith.addi %parallel_loop3A_193, %parallel_loop3A_187 : i32
      %parallel_loop3A_195 = arith.index_cast %parallel_loop3A_194 : i32 to index
      %parallel_loop3A_196 = tpu.vector_load %arg7[%parallel_loop3A_195] {strides = array<i32>} : memref<10240xi32, #tpu.memory_space<vmem>>, vector<16xi32>,
      %parallel_loop3A_197 = tpu.vector_load_idx %arg5[%parallel_loop3A_196] : memref<100000xf32, #tpu.memory_space<vmem>>[vector<16xi32>], vector<16xf32>,
      %parallel_loop3A_198 = arith.addf %parallel_loop3A_192, %parallel_loop3A_197 : vector<16xf32>
      %parallel_loop3A_199 = arith.constant 1024 : i32
      %parallel_loop3A_200 = arith.addi %parallel_loop3A_199, %parallel_loop3A_187 : i32
      %parallel_loop3A_201 = arith.index_cast %parallel_loop3A_200 : i32 to index
      %parallel_loop3A_202 = tpu.vector_load %arg7[%parallel_loop3A_201] {strides = array<i32>} : memref<10240xi32, #tpu.memory_space<vmem>>, vector<16xi32>,
      %parallel_loop3A_203 = tpu.vector_load_idx %arg5[%parallel_loop3A_202] : memref<100000xf32, #tpu.memory_space<vmem>>[vector<16xi32>], vector<16xf32>,
      %parallel_loop3A_204 = arith.addf %parallel_loop3A_198, %parallel_loop3A_203 : vector<16xf32>
      %parallel_loop3A_205 = arith.constant 1536 : i32
      %parallel_loop3A_206 = arith.addi %parallel_loop3A_205, %parallel_loop3A_187 : i32
      %parallel_loop3A_207 = arith.index_cast %parallel_loop3A_206 : i32 to index
      %parallel_loop3A_208 = tpu.vector_load %arg7[%parallel_loop3A_207] {strides = array<i32>} : memref<10240xi32, #tpu.memory_space<vmem>>, vector<16xi32>,
      %parallel_loop3A_209 = tpu.vector_load_idx %arg5[%parallel_loop3A_208] : memref<100000xf32, #tpu.memory_space<vmem>>[vector<16xi32>], vector<16xf32>,
      %parallel_loop3A_210 = arith.addf %parallel_loop3A_204, %parallel_loop3A_209 : vector<16xf32>
      %parallel_loop3A_211 = arith.constant 2048 : i32
      %parallel_loop3A_212 = arith.addi %parallel_loop3A_211, %parallel_loop3A_187 : i32
      %parallel_loop3A_213 = arith.index_cast %parallel_loop3A_212 : i32 to index
      %parallel_loop3A_214 = tpu.vector_load %arg7[%parallel_loop3A_213] {strides = array<i32>} : memref<10240xi32, #tpu.memory_space<vmem>>, vector<16xi32>,
      %parallel_loop3A_215 = tpu.vector_load_idx %arg5[%parallel_loop3A_214] : memref<100000xf32, #tpu.memory_space<vmem>>[vector<16xi32>], vector<16xf32>,
      %parallel_loop3A_216 = arith.addf %parallel_loop3A_210, %parallel_loop3A_215 : vector<16xf32>
      %parallel_loop3A_217 = arith.constant 2560 : i32
      %parallel_loop3A_218 = arith.addi %parallel_loop3A_217, %parallel_loop3A_187 : i32
      %parallel_loop3A_219 = arith.index_cast %parallel_loop3A_218 : i32 to index
      %parallel_loop3A_220 = tpu.vector_load %arg7[%parallel_loop3A_219] {strides = array<i32>} : memref<10240xi32, #tpu.memory_space<vmem>>, vector<16xi32>,
      %parallel_loop3A_221 = tpu.vector_load_idx %arg5[%parallel_loop3A_220] : memref<100000xf32, #tpu.memory_space<vmem>>[vector<16xi32>], vector<16xf32>,
      %parallel_loop3A_222 = arith.constant 3072 : i32
      %parallel_loop3A_223 = arith.addi %parallel_loop3A_222, %parallel_loop3A_187 : i32
      %parallel_loop3A_224 = arith.index_cast %parallel_loop3A_223 : i32 to index
      %parallel_loop3A_225 = tpu.vector_load %arg7[%parallel_loop3A_224] {strides = array<i32>} : memref<10240xi32, #tpu.memory_space<vmem>>, vector<16xi32>,
      %parallel_loop3A_226 = tpu.vector_load_idx %arg5[%parallel_loop3A_225] : memref<100000xf32, #tpu.memory_space<vmem>>[vector<16xi32>], vector<16xf32>,
      %parallel_loop3A_227 = arith.addf %parallel_loop3A_221, %parallel_loop3A_226 : vector<16xf32>
      %parallel_loop3A_228 = arith.constant 3584 : i32
      %parallel_loop3A_229 = arith.addi %parallel_loop3A_228, %parallel_loop3A_187 : i32
      %parallel_loop3A_230 = arith.index_cast %parallel_loop3A_229 : i32 to index
      %parallel_loop3A_231 = tpu.vector_load %arg7[%parallel_loop3A_230] {strides = array<i32>} : memref<10240xi32, #tpu.memory_space<vmem>>, vector<16xi32>,
      %parallel_loop3A_232 = tpu.vector_load_idx %arg5[%parallel_loop3A_231] : memref<100000xf32, #tpu.memory_space<vmem>>[vector<16xi32>], vector<16xf32>,
      %parallel_loop3A_233 = arith.addf %parallel_loop3A_227, %parallel_loop3A_232 : vector<16xf32>
      %parallel_loop3A_234 = arith.constant 4096 : i32
      %parallel_loop3A_235 = arith.addi %parallel_loop3A_234, %parallel_loop3A_187 : i32
      %parallel_loop3A_236 = arith.index_cast %parallel_loop3A_235 : i32 to index
      %parallel_loop3A_237 = tpu.vector_load %arg7[%parallel_loop3A_236] {strides = array<i32>} : memref<10240xi32, #tpu.memory_space<vmem>>, vector<16xi32>,
      %parallel_loop3A_238 = tpu.vector_load_idx %arg5[%parallel_loop3A_237] : memref<100000xf32, #tpu.memory_space<vmem>>[vector<16xi32>], vector<16xf32>,
      %parallel_loop3A_239 = arith.addf %parallel_loop3A_233, %parallel_loop3A_238 : vector<16xf32>
      %parallel_loop3A_240 = arith.constant 4608 : i32
      %parallel_loop3A_241 = arith.addi %parallel_loop3A_240, %parallel_loop3A_187 : i32
      %parallel_loop3A_242 = arith.index_cast %parallel_loop3A_241 : i32 to index
      %parallel_loop3A_243 = tpu.vector_load %arg7[%parallel_loop3A_242] {strides = array<i32>} : memref<10240xi32, #tpu.memory_space<vmem>>, vector<16xi32>,
      %parallel_loop3A_244 = tpu.vector_load_idx %arg5[%parallel_loop3A_243] : memref<100000xf32, #tpu.memory_space<vmem>>[vector<16xi32>], vector<16xf32>,
      %parallel_loop3A_245 = arith.addf %parallel_loop3A_239, %parallel_loop3A_244 : vector<16xf32>
      %parallel_loop3A_246 = arith.constant 5120 : i32
      %parallel_loop3A_247 = arith.addi %parallel_loop3A_246, %parallel_loop3A_187 : i32
      %parallel_loop3A_248 = arith.index_cast %parallel_loop3A_247 : i32 to index
      %parallel_loop3A_249 = tpu.vector_load %arg7[%parallel_loop3A_248] {strides = array<i32>} : memref<10240xi32, #tpu.memory_space<vmem>>, vector<16xi32>,
      %parallel_loop3A_250 = tpu.vector_load_idx %arg5[%parallel_loop3A_249] : memref<100000xf32, #tpu.memory_space<vmem>>[vector<16xi32>], vector<16xf32>,
      %parallel_loop3A_251 = arith.constant 5632 : i32
      %parallel_loop3A_252 = arith.addi %parallel_loop3A_251, %parallel_loop3A_187 : i32
      %parallel_loop3A_253 = arith.index_cast %parallel_loop3A_252 : i32 to index
      %parallel_loop3A_254 = tpu.vector_load %arg7[%parallel_loop3A_253] {strides = array<i32>} : memref<10240xi32, #tpu.memory_space<vmem>>, vector<16xi32>,
      %parallel_loop3A_255 = tpu.vector_load_idx %arg5[%parallel_loop3A_254] : memref<100000xf32, #tpu.memory_space<vmem>>[vector<16xi32>], vector<16xf32>,
      %parallel_loop3A_256 = arith.addf %parallel_loop3A_250, %parallel_loop3A_255 : vector<16xf32>
      %parallel_loop3A_257 = arith.constant 6144 : i32
      %parallel_loop3A_258 = arith.addi %parallel_loop3A_257, %parallel_loop3A_187 : i32
      %parallel_loop3A_259 = arith.index_cast %parallel_loop3A_258 : i32 to index
      %parallel_loop3A_260 = tpu.vector_load %arg7[%parallel_loop3A_259] {strides = array<i32>} : memref<10240xi32, #tpu.memory_space<vmem>>, vector<16xi32>,
      %parallel_loop3A_261 = tpu.vector_load_idx %arg5[%parallel_loop3A_260] : memref<100000xf32, #tpu.memory_space<vmem>>[vector<16xi32>], vector<16xf32>,
      %parallel_loop3A_262 = arith.addf %parallel_loop3A_256, %parallel_loop3A_261 : vector<16xf32>
      %parallel_loop3A_263 = arith.constant 6656 : i32
      %parallel_loop3A_264 = arith.addi %parallel_loop3A_263, %parallel_loop3A_187 : i32
      %parallel_loop3A_265 = arith.index_cast %parallel_loop3A_264 : i32 to index
      %parallel_loop3A_266 = tpu.vector_load %arg7[%parallel_loop3A_265] {strides = array<i32>} : memref<10240xi32, #tpu.memory_space<vmem>>, vector<16xi32>,
      %parallel_loop3A_267 = tpu.vector_load_idx %arg5[%parallel_loop3A_266] : memref<100000xf32, #tpu.memory_space<vmem>>[vector<16xi32>], vector<16xf32>,
      %parallel_loop3A_268 = arith.addf %parallel_loop3A_262, %parallel_loop3A_267 : vector<16xf32>
      %parallel_loop3A_269 = arith.constant 7168 : i32
      %parallel_loop3A_270 = arith.addi %parallel_loop3A_269, %parallel_loop3A_187 : i32
      %parallel_loop3A_271 = arith.index_cast %parallel_loop3A_270 : i32 to index
      %parallel_loop3A_272 = tpu.vector_load %arg7[%parallel_loop3A_271] {strides = array<i32>} : memref<10240xi32, #tpu.memory_space<vmem>>, vector<16xi32>,
      %parallel_loop3A_273 = tpu.vector_load_idx %arg5[%parallel_loop3A_272] : memref<100000xf32, #tpu.memory_space<vmem>>[vector<16xi32>], vector<16xf32>,
      %parallel_loop3A_274 = arith.addf %parallel_loop3A_268, %parallel_loop3A_273 : vector<16xf32>
      %parallel_loop3A_275 = arith.constant 7680 : i32
      %parallel_loop3A_276 = arith.addi %parallel_loop3A_275, %parallel_loop3A_187 : i32
      %parallel_loop3A_277 = arith.index_cast %parallel_loop3A_276 : i32 to index
      %parallel_loop3A_278 = tpu.vector_load %arg7[%parallel_loop3A_277] {strides = array<i32>} : memref<10240xi32, #tpu.memory_space<vmem>>, vector<16xi32>,
      %parallel_loop3A_279 = tpu.vector_load_idx %arg5[%parallel_loop3A_278] : memref<100000xf32, #tpu.memory_space<vmem>>[vector<16xi32>], vector<16xf32>,
      %parallel_loop3A_280 = arith.constant 8192 : i32
      %parallel_loop3A_281 = arith.addi %parallel_loop3A_280, %parallel_loop3A_187 : i32
      %parallel_loop3A_282 = arith.index_cast %parallel_loop3A_281 : i32 to index
      %parallel_loop3A_283 = tpu.vector_load %arg7[%parallel_loop3A_282] {strides = array<i32>} : memref<10240xi32, #tpu.memory_space<vmem>>, vector<16xi32>,
      %parallel_loop3A_284 = tpu.vector_load_idx %arg5[%parallel_loop3A_283] : memref<100000xf32, #tpu.memory_space<vmem>>[vector<16xi32>], vector<16xf32>,
      %parallel_loop3A_285 = arith.addf %parallel_loop3A_279, %parallel_loop3A_284 : vector<16xf32>
      %parallel_loop3A_286 = arith.constant 8704 : i32
      %parallel_loop3A_287 = arith.addi %parallel_loop3A_286, %parallel_loop3A_187 : i32
      %parallel_loop3A_288 = arith.index_cast %parallel_loop3A_287 : i32 to index
      %parallel_loop3A_289 = tpu.vector_load %arg7[%parallel_loop3A_288] {strides = array<i32>} : memref<10240xi32, #tpu.memory_space<vmem>>, vector<16xi32>,
      %parallel_loop3A_290 = tpu.vector_load_idx %arg5[%parallel_loop3A_289] : memref<100000xf32, #tpu.memory_space<vmem>>[vector<16xi32>], vector<16xf32>,
      %parallel_loop3A_291 = arith.addf %parallel_loop3A_285, %parallel_loop3A_290 : vector<16xf32>
      %parallel_loop3A_292 = arith.constant 9216 : i32
      %parallel_loop3A_293 = arith.addi %parallel_loop3A_292, %parallel_loop3A_187 : i32
      %parallel_loop3A_294 = arith.index_cast %parallel_loop3A_293 : i32 to index
      %parallel_loop3A_295 = tpu.vector_load %arg7[%parallel_loop3A_294] {strides = array<i32>} : memref<10240xi32, #tpu.memory_space<vmem>>, vector<16xi32>,
      %parallel_loop3A_296 = tpu.vector_load_idx %arg5[%parallel_loop3A_295] : memref<100000xf32, #tpu.memory_space<vmem>>[vector<16xi32>], vector<16xf32>,
      %parallel_loop3A_297 = arith.addf %parallel_loop3A_291, %parallel_loop3A_296 : vector<16xf32>
      %parallel_loop3A_298 = arith.constant 9728 : i32
      %parallel_loop3A_299 = arith.addi %parallel_loop3A_298, %parallel_loop3A_187 : i32
      %parallel_loop3A_300 = arith.index_cast %parallel_loop3A_299 : i32 to index
      %parallel_loop3A_301 = tpu.vector_load %arg7[%parallel_loop3A_300] {strides = array<i32>} : memref<10240xi32, #tpu.memory_space<vmem>>, vector<16xi32>,
      %parallel_loop3A_302 = tpu.vector_load_idx %arg5[%parallel_loop3A_301] : memref<100000xf32, #tpu.memory_space<vmem>>[vector<16xi32>], vector<16xf32>,
      %parallel_loop3A_303 = arith.addf %parallel_loop3A_297, %parallel_loop3A_302 : vector<16xf32>
      %parallel_loop3A_304 = arith.addf %parallel_loop3A_216, %parallel_loop3A_245 : vector<16xf32>
      %parallel_loop3A_305 = arith.addf %parallel_loop3A_274, %parallel_loop3A_303 : vector<16xf32>
      %parallel_loop3A_306 = arith.addf %parallel_loop3A_304, %parallel_loop3A_305 : vector<16xf32>
      %parallel_loop3A_307 = arith.constant 2560 : i32
      %parallel_loop3A_308 = arith.addi %parallel_loop3A_307, %parallel_loop3A_187 : i32
      %parallel_loop3A_309 = arith.index_cast %parallel_loop3A_308 : i32 to index
      %parallel_loop3A_310 = tpu.vector_load %arg8[%parallel_loop3A_309] {strides = array<i32>} : memref<4096xf32, #tpu.memory_space<vmem>>, vector<16xf32>,
      tpu.vector_store %arg8[%parallel_loop3A_309], %parallel_loop3A_306 {strides = array<i32>} : memref<4096xf32, #tpu.memory_space<vmem>>, vector<16xf32>,
    } {sc.loop_unroll_factor = 2 : i64, sc.parallel_access}
    %dma_wait3A_134 = arith.constant 40960 : i32
    %dma_wait3A_135 = tpu.memref_slice %arg9[%dma_wait3A_134] : memref<81920xi32, #tpu.memory_space<vmem_shared>> -> memref<10240xi32, #tpu.memory_space<vmem_shared>>
    %dma_wait3A_136 = arith.constant 40960 : i32
    %dma_wait3A_137 = tpu.memref_slice %arg9[%dma_wait3A_136] : memref<81920xi32, #tpu.memory_space<vmem_shared>> -> memref<10240xi32, #tpu.memory_space<vmem_shared>>
    tpu.wait_dma2 semaphore(%arg10 : memref<!tpu.dma_semaphore, #tpu.memory_space<semaphore_mem>>) src(%dma_wait3A_137 : memref<10240xi32, #tpu.memory_space<vmem_shared>>) dst(%arg6 : memref<10240xi32, #tpu.memory_space<vmem>>)
    %dma_start3A_138 = arith.constant 30720 : i32
    %dma_start3A_139 = tpu.memref_slice %arg9[%dma_start3A_138] : memref<81920xi32, #tpu.memory_space<vmem_shared>> -> memref<10240xi32, #tpu.memory_space<vmem_shared>>
    %dma_start3A_140 = arith.constant 30720 : i32
    %dma_start3A_141 = tpu.memref_slice %arg9[%dma_start3A_140] : memref<81920xi32, #tpu.memory_space<vmem_shared>> -> memref<10240xi32, #tpu.memory_space<vmem_shared>>
    tpu.enqueue_dma source(%dma_start3A_141 : memref<10240xi32, #tpu.memory_space<vmem_shared>>) target(%arg7 : memref<10240xi32, #tpu.memory_space<vmem>>) target_semaphore(%arg10 : memref<!tpu.dma_semaphore, #tpu.memory_space<semaphore_mem>>)
    %parallel_loop3A_142 = arith.constant 0 : i32
    %parallel_loop3A_143 = arith.constant 32 : i32
    %parallel_loop3A_144 = arith.constant 1 : i32
    scf.for %parallel_loop3A_185 = %parallel_loop3A_142 to %parallel_loop3A_143 step %parallel_loop3A_144  : i32 {
      %parallel_loop3A_186 = arith.constant 16 : i32
      %parallel_loop3A_187 = arith.muli %parallel_loop3A_185, %parallel_loop3A_186 : i32
      %parallel_loop3A_188 = arith.constant 0 : i32
      %parallel_loop3A_189 = arith.addi %parallel_loop3A_188, %parallel_loop3A_187 : i32
      %parallel_loop3A_190 = arith.index_cast %parallel_loop3A_189 : i32 to index
      %parallel_loop3A_191 = tpu.vector_load %arg6[%parallel_loop3A_190] {strides = array<i32>} : memref<10240xi32, #tpu.memory_space<vmem>>, vector<16xi32>,
      %parallel_loop3A_192 = tpu.vector_load_idx %arg5[%parallel_loop3A_191] : memref<100000xf32, #tpu.memory_space<vmem>>[vector<16xi32>], vector<16xf32>,
      %parallel_loop3A_193 = arith.constant 512 : i32
      %parallel_loop3A_194 = arith.addi %parallel_loop3A_193, %parallel_loop3A_187 : i32
      %parallel_loop3A_195 = arith.index_cast %parallel_loop3A_194 : i32 to index
      %parallel_loop3A_196 = tpu.vector_load %arg6[%parallel_loop3A_195] {strides = array<i32>} : memref<10240xi32, #tpu.memory_space<vmem>>, vector<16xi32>,
      %parallel_loop3A_197 = tpu.vector_load_idx %arg5[%parallel_loop3A_196] : memref<100000xf32, #tpu.memory_space<vmem>>[vector<16xi32>], vector<16xf32>,
      %parallel_loop3A_198 = arith.addf %parallel_loop3A_192, %parallel_loop3A_197 : vector<16xf32>
      %parallel_loop3A_199 = arith.constant 1024 : i32
      %parallel_loop3A_200 = arith.addi %parallel_loop3A_199, %parallel_loop3A_187 : i32
      %parallel_loop3A_201 = arith.index_cast %parallel_loop3A_200 : i32 to index
      %parallel_loop3A_202 = tpu.vector_load %arg6[%parallel_loop3A_201] {strides = array<i32>} : memref<10240xi32, #tpu.memory_space<vmem>>, vector<16xi32>,
      %parallel_loop3A_203 = tpu.vector_load_idx %arg5[%parallel_loop3A_202] : memref<100000xf32, #tpu.memory_space<vmem>>[vector<16xi32>], vector<16xf32>,
      %parallel_loop3A_204 = arith.addf %parallel_loop3A_198, %parallel_loop3A_203 : vector<16xf32>
      %parallel_loop3A_205 = arith.constant 1536 : i32
      %parallel_loop3A_206 = arith.addi %parallel_loop3A_205, %parallel_loop3A_187 : i32
      %parallel_loop3A_207 = arith.index_cast %parallel_loop3A_206 : i32 to index
      %parallel_loop3A_208 = tpu.vector_load %arg6[%parallel_loop3A_207] {strides = array<i32>} : memref<10240xi32, #tpu.memory_space<vmem>>, vector<16xi32>,
      %parallel_loop3A_209 = tpu.vector_load_idx %arg5[%parallel_loop3A_208] : memref<100000xf32, #tpu.memory_space<vmem>>[vector<16xi32>], vector<16xf32>,
      %parallel_loop3A_210 = arith.addf %parallel_loop3A_204, %parallel_loop3A_209 : vector<16xf32>
      %parallel_loop3A_211 = arith.constant 2048 : i32
      %parallel_loop3A_212 = arith.addi %parallel_loop3A_211, %parallel_loop3A_187 : i32
      %parallel_loop3A_213 = arith.index_cast %parallel_loop3A_212 : i32 to index
      %parallel_loop3A_214 = tpu.vector_load %arg6[%parallel_loop3A_213] {strides = array<i32>} : memref<10240xi32, #tpu.memory_space<vmem>>, vector<16xi32>,
      %parallel_loop3A_215 = tpu.vector_load_idx %arg5[%parallel_loop3A_214] : memref<100000xf32, #tpu.memory_space<vmem>>[vector<16xi32>], vector<16xf32>,
      %parallel_loop3A_216 = arith.addf %parallel_loop3A_210, %parallel_loop3A_215 : vector<16xf32>
      %parallel_loop3A_217 = arith.constant 2560 : i32
      %parallel_loop3A_218 = arith.addi %parallel_loop3A_217, %parallel_loop3A_187 : i32
      %parallel_loop3A_219 = arith.index_cast %parallel_loop3A_218 : i32 to index
      %parallel_loop3A_220 = tpu.vector_load %arg6[%parallel_loop3A_219] {strides = array<i32>} : memref<10240xi32, #tpu.memory_space<vmem>>, vector<16xi32>,
      %parallel_loop3A_221 = tpu.vector_load_idx %arg5[%parallel_loop3A_220] : memref<100000xf32, #tpu.memory_space<vmem>>[vector<16xi32>], vector<16xf32>,
      %parallel_loop3A_222 = arith.constant 3072 : i32
      %parallel_loop3A_223 = arith.addi %parallel_loop3A_222, %parallel_loop3A_187 : i32
      %parallel_loop3A_224 = arith.index_cast %parallel_loop3A_223 : i32 to index
      %parallel_loop3A_225 = tpu.vector_load %arg6[%parallel_loop3A_224] {strides = array<i32>} : memref<10240xi32, #tpu.memory_space<vmem>>, vector<16xi32>,
      %parallel_loop3A_226 = tpu.vector_load_idx %arg5[%parallel_loop3A_225] : memref<100000xf32, #tpu.memory_space<vmem>>[vector<16xi32>], vector<16xf32>,
      %parallel_loop3A_227 = arith.addf %parallel_loop3A_221, %parallel_loop3A_226 : vector<16xf32>
      %parallel_loop3A_228 = arith.constant 3584 : i32
      %parallel_loop3A_229 = arith.addi %parallel_loop3A_228, %parallel_loop3A_187 : i32
      %parallel_loop3A_230 = arith.index_cast %parallel_loop3A_229 : i32 to index
      %parallel_loop3A_231 = tpu.vector_load %arg6[%parallel_loop3A_230] {strides = array<i32>} : memref<10240xi32, #tpu.memory_space<vmem>>, vector<16xi32>,
      %parallel_loop3A_232 = tpu.vector_load_idx %arg5[%parallel_loop3A_231] : memref<100000xf32, #tpu.memory_space<vmem>>[vector<16xi32>], vector<16xf32>,
      %parallel_loop3A_233 = arith.addf %parallel_loop3A_227, %parallel_loop3A_232 : vector<16xf32>
      %parallel_loop3A_234 = arith.constant 4096 : i32
      %parallel_loop3A_235 = arith.addi %parallel_loop3A_234, %parallel_loop3A_187 : i32
      %parallel_loop3A_236 = arith.index_cast %parallel_loop3A_235 : i32 to index
      %parallel_loop3A_237 = tpu.vector_load %arg6[%parallel_loop3A_236] {strides = array<i32>} : memref<10240xi32, #tpu.memory_space<vmem>>, vector<16xi32>,
      %parallel_loop3A_238 = tpu.vector_load_idx %arg5[%parallel_loop3A_237] : memref<100000xf32, #tpu.memory_space<vmem>>[vector<16xi32>], vector<16xf32>,
      %parallel_loop3A_239 = arith.addf %parallel_loop3A_233, %parallel_loop3A_238 : vector<16xf32>
      %parallel_loop3A_240 = arith.constant 4608 : i32
      %parallel_loop3A_241 = arith.addi %parallel_loop3A_240, %parallel_loop3A_187 : i32
      %parallel_loop3A_242 = arith.index_cast %parallel_loop3A_241 : i32 to index
      %parallel_loop3A_243 = tpu.vector_load %arg6[%parallel_loop3A_242] {strides = array<i32>} : memref<10240xi32, #tpu.memory_space<vmem>>, vector<16xi32>,
      %parallel_loop3A_244 = tpu.vector_load_idx %arg5[%parallel_loop3A_243] : memref<100000xf32, #tpu.memory_space<vmem>>[vector<16xi32>], vector<16xf32>,
      %parallel_loop3A_245 = arith.addf %parallel_loop3A_239, %parallel_loop3A_244 : vector<16xf32>
      %parallel_loop3A_246 = arith.constant 5120 : i32
      %parallel_loop3A_247 = arith.addi %parallel_loop3A_246, %parallel_loop3A_187 : i32
      %parallel_loop3A_248 = arith.index_cast %parallel_loop3A_247 : i32 to index
      %parallel_loop3A_249 = tpu.vector_load %arg6[%parallel_loop3A_248] {strides = array<i32>} : memref<10240xi32, #tpu.memory_space<vmem>>, vector<16xi32>,
      %parallel_loop3A_250 = tpu.vector_load_idx %arg5[%parallel_loop3A_249] : memref<100000xf32, #tpu.memory_space<vmem>>[vector<16xi32>], vector<16xf32>,
      %parallel_loop3A_251 = arith.constant 5632 : i32
      %parallel_loop3A_252 = arith.addi %parallel_loop3A_251, %parallel_loop3A_187 : i32
      %parallel_loop3A_253 = arith.index_cast %parallel_loop3A_252 : i32 to index
      %parallel_loop3A_254 = tpu.vector_load %arg6[%parallel_loop3A_253] {strides = array<i32>} : memref<10240xi32, #tpu.memory_space<vmem>>, vector<16xi32>,
      %parallel_loop3A_255 = tpu.vector_load_idx %arg5[%parallel_loop3A_254] : memref<100000xf32, #tpu.memory_space<vmem>>[vector<16xi32>], vector<16xf32>,
      %parallel_loop3A_256 = arith.addf %parallel_loop3A_250, %parallel_loop3A_255 : vector<16xf32>
      %parallel_loop3A_257 = arith.constant 6144 : i32
      %parallel_loop3A_258 = arith.addi %parallel_loop3A_257, %parallel_loop3A_187 : i32
      %parallel_loop3A_259 = arith.index_cast %parallel_loop3A_258 : i32 to index
      %parallel_loop3A_260 = tpu.vector_load %arg6[%parallel_loop3A_259] {strides = array<i32>} : memref<10240xi32, #tpu.memory_space<vmem>>, vector<16xi32>,
      %parallel_loop3A_261 = tpu.vector_load_idx %arg5[%parallel_loop3A_260] : memref<100000xf32, #tpu.memory_space<vmem>>[vector<16xi32>], vector<16xf32>,
      %parallel_loop3A_262 = arith.addf %parallel_loop3A_256, %parallel_loop3A_261 : vector<16xf32>
      %parallel_loop3A_263 = arith.constant 6656 : i32
      %parallel_loop3A_264 = arith.addi %parallel_loop3A_263, %parallel_loop3A_187 : i32
      %parallel_loop3A_265 = arith.index_cast %parallel_loop3A_264 : i32 to index
      %parallel_loop3A_266 = tpu.vector_load %arg6[%parallel_loop3A_265] {strides = array<i32>} : memref<10240xi32, #tpu.memory_space<vmem>>, vector<16xi32>,
      %parallel_loop3A_267 = tpu.vector_load_idx %arg5[%parallel_loop3A_266] : memref<100000xf32, #tpu.memory_space<vmem>>[vector<16xi32>], vector<16xf32>,
      %parallel_loop3A_268 = arith.addf %parallel_loop3A_262, %parallel_loop3A_267 : vector<16xf32>
      %parallel_loop3A_269 = arith.constant 7168 : i32
      %parallel_loop3A_270 = arith.addi %parallel_loop3A_269, %parallel_loop3A_187 : i32
      %parallel_loop3A_271 = arith.index_cast %parallel_loop3A_270 : i32 to index
      %parallel_loop3A_272 = tpu.vector_load %arg6[%parallel_loop3A_271] {strides = array<i32>} : memref<10240xi32, #tpu.memory_space<vmem>>, vector<16xi32>,
      %parallel_loop3A_273 = tpu.vector_load_idx %arg5[%parallel_loop3A_272] : memref<100000xf32, #tpu.memory_space<vmem>>[vector<16xi32>], vector<16xf32>,
      %parallel_loop3A_274 = arith.addf %parallel_loop3A_268, %parallel_loop3A_273 : vector<16xf32>
      %parallel_loop3A_275 = arith.constant 7680 : i32
      %parallel_loop3A_276 = arith.addi %parallel_loop3A_275, %parallel_loop3A_187 : i32
      %parallel_loop3A_277 = arith.index_cast %parallel_loop3A_276 : i32 to index
      %parallel_loop3A_278 = tpu.vector_load %arg6[%parallel_loop3A_277] {strides = array<i32>} : memref<10240xi32, #tpu.memory_space<vmem>>, vector<16xi32>,
      %parallel_loop3A_279 = tpu.vector_load_idx %arg5[%parallel_loop3A_278] : memref<100000xf32, #tpu.memory_space<vmem>>[vector<16xi32>], vector<16xf32>,
      %parallel_loop3A_280 = arith.constant 8192 : i32
      %parallel_loop3A_281 = arith.addi %parallel_loop3A_280, %parallel_loop3A_187 : i32
      %parallel_loop3A_282 = arith.index_cast %parallel_loop3A_281 : i32 to index
      %parallel_loop3A_283 = tpu.vector_load %arg6[%parallel_loop3A_282] {strides = array<i32>} : memref<10240xi32, #tpu.memory_space<vmem>>, vector<16xi32>,
      %parallel_loop3A_284 = tpu.vector_load_idx %arg5[%parallel_loop3A_283] : memref<100000xf32, #tpu.memory_space<vmem>>[vector<16xi32>], vector<16xf32>,
      %parallel_loop3A_285 = arith.addf %parallel_loop3A_279, %parallel_loop3A_284 : vector<16xf32>
      %parallel_loop3A_286 = arith.constant 8704 : i32
      %parallel_loop3A_287 = arith.addi %parallel_loop3A_286, %parallel_loop3A_187 : i32
      %parallel_loop3A_288 = arith.index_cast %parallel_loop3A_287 : i32 to index
      %parallel_loop3A_289 = tpu.vector_load %arg6[%parallel_loop3A_288] {strides = array<i32>} : memref<10240xi32, #tpu.memory_space<vmem>>, vector<16xi32>,
      %parallel_loop3A_290 = tpu.vector_load_idx %arg5[%parallel_loop3A_289] : memref<100000xf32, #tpu.memory_space<vmem>>[vector<16xi32>], vector<16xf32>,
      %parallel_loop3A_291 = arith.addf %parallel_loop3A_285, %parallel_loop3A_290 : vector<16xf32>
      %parallel_loop3A_292 = arith.constant 9216 : i32
      %parallel_loop3A_293 = arith.addi %parallel_loop3A_292, %parallel_loop3A_187 : i32
      %parallel_loop3A_294 = arith.index_cast %parallel_loop3A_293 : i32 to index
      %parallel_loop3A_295 = tpu.vector_load %arg6[%parallel_loop3A_294] {strides = array<i32>} : memref<10240xi32, #tpu.memory_space<vmem>>, vector<16xi32>,
      %parallel_loop3A_296 = tpu.vector_load_idx %arg5[%parallel_loop3A_295] : memref<100000xf32, #tpu.memory_space<vmem>>[vector<16xi32>], vector<16xf32>,
      %parallel_loop3A_297 = arith.addf %parallel_loop3A_291, %parallel_loop3A_296 : vector<16xf32>
      %parallel_loop3A_298 = arith.constant 9728 : i32
      %parallel_loop3A_299 = arith.addi %parallel_loop3A_298, %parallel_loop3A_187 : i32
      %parallel_loop3A_300 = arith.index_cast %parallel_loop3A_299 : i32 to index
      %parallel_loop3A_301 = tpu.vector_load %arg6[%parallel_loop3A_300] {strides = array<i32>} : memref<10240xi32, #tpu.memory_space<vmem>>, vector<16xi32>,
      %parallel_loop3A_302 = tpu.vector_load_idx %arg5[%parallel_loop3A_301] : memref<100000xf32, #tpu.memory_space<vmem>>[vector<16xi32>], vector<16xf32>,
      %parallel_loop3A_303 = arith.addf %parallel_loop3A_297, %parallel_loop3A_302 : vector<16xf32>
      %parallel_loop3A_304 = arith.addf %parallel_loop3A_216, %parallel_loop3A_245 : vector<16xf32>
      %parallel_loop3A_305 = arith.addf %parallel_loop3A_274, %parallel_loop3A_303 : vector<16xf32>
      %parallel_loop3A_306 = arith.addf %parallel_loop3A_304, %parallel_loop3A_305 : vector<16xf32>
      %parallel_loop3A_307 = arith.constant 2048 : i32
      %parallel_loop3A_308 = arith.addi %parallel_loop3A_307, %parallel_loop3A_187 : i32
      %parallel_loop3A_309 = arith.index_cast %parallel_loop3A_308 : i32 to index
      %parallel_loop3A_310 = tpu.vector_load %arg8[%parallel_loop3A_309] {strides = array<i32>} : memref<4096xf32, #tpu.memory_space<vmem>>, vector<16xf32>,
      tpu.vector_store %arg8[%parallel_loop3A_309], %parallel_loop3A_306 {strides = array<i32>} : memref<4096xf32, #tpu.memory_space<vmem>>, vector<16xf32>,
    } {sc.loop_unroll_factor = 2 : i64, sc.parallel_access}
    %dma_wait3A_145 = arith.constant 30720 : i32
    %dma_wait3A_146 = tpu.memref_slice %arg9[%dma_wait3A_145] : memref<81920xi32, #tpu.memory_space<vmem_shared>> -> memref<10240xi32, #tpu.memory_space<vmem_shared>>
    %dma_wait3A_147 = arith.constant 30720 : i32
    %dma_wait3A_148 = tpu.memref_slice %arg9[%dma_wait3A_147] : memref<81920xi32, #tpu.memory_space<vmem_shared>> -> memref<10240xi32, #tpu.memory_space<vmem_shared>>
    tpu.wait_dma2 semaphore(%arg10 : memref<!tpu.dma_semaphore, #tpu.memory_space<semaphore_mem>>) src(%dma_wait3A_148 : memref<10240xi32, #tpu.memory_space<vmem_shared>>) dst(%arg7 : memref<10240xi32, #tpu.memory_space<vmem>>)
    %dma_start3A_149 = arith.constant 20480 : i32
    %dma_start3A_150 = tpu.memref_slice %arg9[%dma_start3A_149] : memref<81920xi32, #tpu.memory_space<vmem_shared>> -> memref<10240xi32, #tpu.memory_space<vmem_shared>>
    %dma_start3A_151 = arith.constant 20480 : i32
    %dma_start3A_152 = tpu.memref_slice %arg9[%dma_start3A_151] : memref<81920xi32, #tpu.memory_space<vmem_shared>> -> memref<10240xi32, #tpu.memory_space<vmem_shared>>
    tpu.enqueue_dma source(%dma_start3A_152 : memref<10240xi32, #tpu.memory_space<vmem_shared>>) target(%arg6 : memref<10240xi32, #tpu.memory_space<vmem>>) target_semaphore(%arg10 : memref<!tpu.dma_semaphore, #tpu.memory_space<semaphore_mem>>)
    %parallel_loop3A_153 = arith.constant 0 : i32
    %parallel_loop3A_154 = arith.constant 32 : i32
    %parallel_loop3A_155 = arith.constant 1 : i32
    scf.for %parallel_loop3A_185 = %parallel_loop3A_153 to %parallel_loop3A_154 step %parallel_loop3A_155  : i32 {
      %parallel_loop3A_186 = arith.constant 16 : i32
      %parallel_loop3A_187 = arith.muli %parallel_loop3A_185, %parallel_loop3A_186 : i32
      %parallel_loop3A_188 = arith.constant 0 : i32
      %parallel_loop3A_189 = arith.addi %parallel_loop3A_188, %parallel_loop3A_187 : i32
      %parallel_loop3A_190 = arith.index_cast %parallel_loop3A_189 : i32 to index
      %parallel_loop3A_191 = tpu.vector_load %arg7[%parallel_loop3A_190] {strides = array<i32>} : memref<10240xi32, #tpu.memory_space<vmem>>, vector<16xi32>,
      %parallel_loop3A_192 = tpu.vector_load_idx %arg5[%parallel_loop3A_191] : memref<100000xf32, #tpu.memory_space<vmem>>[vector<16xi32>], vector<16xf32>,
      %parallel_loop3A_193 = arith.constant 512 : i32
      %parallel_loop3A_194 = arith.addi %parallel_loop3A_193, %parallel_loop3A_187 : i32
      %parallel_loop3A_195 = arith.index_cast %parallel_loop3A_194 : i32 to index
      %parallel_loop3A_196 = tpu.vector_load %arg7[%parallel_loop3A_195] {strides = array<i32>} : memref<10240xi32, #tpu.memory_space<vmem>>, vector<16xi32>,
      %parallel_loop3A_197 = tpu.vector_load_idx %arg5[%parallel_loop3A_196] : memref<100000xf32, #tpu.memory_space<vmem>>[vector<16xi32>], vector<16xf32>,
      %parallel_loop3A_198 = arith.addf %parallel_loop3A_192, %parallel_loop3A_197 : vector<16xf32>
      %parallel_loop3A_199 = arith.constant 1024 : i32
      %parallel_loop3A_200 = arith.addi %parallel_loop3A_199, %parallel_loop3A_187 : i32
      %parallel_loop3A_201 = arith.index_cast %parallel_loop3A_200 : i32 to index
      %parallel_loop3A_202 = tpu.vector_load %arg7[%parallel_loop3A_201] {strides = array<i32>} : memref<10240xi32, #tpu.memory_space<vmem>>, vector<16xi32>,
      %parallel_loop3A_203 = tpu.vector_load_idx %arg5[%parallel_loop3A_202] : memref<100000xf32, #tpu.memory_space<vmem>>[vector<16xi32>], vector<16xf32>,
      %parallel_loop3A_204 = arith.addf %parallel_loop3A_198, %parallel_loop3A_203 : vector<16xf32>
      %parallel_loop3A_205 = arith.constant 1536 : i32
      %parallel_loop3A_206 = arith.addi %parallel_loop3A_205, %parallel_loop3A_187 : i32
      %parallel_loop3A_207 = arith.index_cast %parallel_loop3A_206 : i32 to index
      %parallel_loop3A_208 = tpu.vector_load %arg7[%parallel_loop3A_207] {strides = array<i32>} : memref<10240xi32, #tpu.memory_space<vmem>>, vector<16xi32>,
      %parallel_loop3A_209 = tpu.vector_load_idx %arg5[%parallel_loop3A_208] : memref<100000xf32, #tpu.memory_space<vmem>>[vector<16xi32>], vector<16xf32>,
      %parallel_loop3A_210 = arith.addf %parallel_loop3A_204, %parallel_loop3A_209 : vector<16xf32>
      %parallel_loop3A_211 = arith.constant 2048 : i32
      %parallel_loop3A_212 = arith.addi %parallel_loop3A_211, %parallel_loop3A_187 : i32
      %parallel_loop3A_213 = arith.index_cast %parallel_loop3A_212 : i32 to index
      %parallel_loop3A_214 = tpu.vector_load %arg7[%parallel_loop3A_213] {strides = array<i32>} : memref<10240xi32, #tpu.memory_space<vmem>>, vector<16xi32>,
      %parallel_loop3A_215 = tpu.vector_load_idx %arg5[%parallel_loop3A_214] : memref<100000xf32, #tpu.memory_space<vmem>>[vector<16xi32>], vector<16xf32>,
      %parallel_loop3A_216 = arith.addf %parallel_loop3A_210, %parallel_loop3A_215 : vector<16xf32>
      %parallel_loop3A_217 = arith.constant 2560 : i32
      %parallel_loop3A_218 = arith.addi %parallel_loop3A_217, %parallel_loop3A_187 : i32
      %parallel_loop3A_219 = arith.index_cast %parallel_loop3A_218 : i32 to index
      %parallel_loop3A_220 = tpu.vector_load %arg7[%parallel_loop3A_219] {strides = array<i32>} : memref<10240xi32, #tpu.memory_space<vmem>>, vector<16xi32>,
      %parallel_loop3A_221 = tpu.vector_load_idx %arg5[%parallel_loop3A_220] : memref<100000xf32, #tpu.memory_space<vmem>>[vector<16xi32>], vector<16xf32>,
      %parallel_loop3A_222 = arith.constant 3072 : i32
      %parallel_loop3A_223 = arith.addi %parallel_loop3A_222, %parallel_loop3A_187 : i32
      %parallel_loop3A_224 = arith.index_cast %parallel_loop3A_223 : i32 to index
      %parallel_loop3A_225 = tpu.vector_load %arg7[%parallel_loop3A_224] {strides = array<i32>} : memref<10240xi32, #tpu.memory_space<vmem>>, vector<16xi32>,
      %parallel_loop3A_226 = tpu.vector_load_idx %arg5[%parallel_loop3A_225] : memref<100000xf32, #tpu.memory_space<vmem>>[vector<16xi32>], vector<16xf32>,
      %parallel_loop3A_227 = arith.addf %parallel_loop3A_221, %parallel_loop3A_226 : vector<16xf32>
      %parallel_loop3A_228 = arith.constant 3584 : i32
      %parallel_loop3A_229 = arith.addi %parallel_loop3A_228, %parallel_loop3A_187 : i32
      %parallel_loop3A_230 = arith.index_cast %parallel_loop3A_229 : i32 to index
      %parallel_loop3A_231 = tpu.vector_load %arg7[%parallel_loop3A_230] {strides = array<i32>} : memref<10240xi32, #tpu.memory_space<vmem>>, vector<16xi32>,
      %parallel_loop3A_232 = tpu.vector_load_idx %arg5[%parallel_loop3A_231] : memref<100000xf32, #tpu.memory_space<vmem>>[vector<16xi32>], vector<16xf32>,
      %parallel_loop3A_233 = arith.addf %parallel_loop3A_227, %parallel_loop3A_232 : vector<16xf32>
      %parallel_loop3A_234 = arith.constant 4096 : i32
      %parallel_loop3A_235 = arith.addi %parallel_loop3A_234, %parallel_loop3A_187 : i32
      %parallel_loop3A_236 = arith.index_cast %parallel_loop3A_235 : i32 to index
      %parallel_loop3A_237 = tpu.vector_load %arg7[%parallel_loop3A_236] {strides = array<i32>} : memref<10240xi32, #tpu.memory_space<vmem>>, vector<16xi32>,
      %parallel_loop3A_238 = tpu.vector_load_idx %arg5[%parallel_loop3A_237] : memref<100000xf32, #tpu.memory_space<vmem>>[vector<16xi32>], vector<16xf32>,
      %parallel_loop3A_239 = arith.addf %parallel_loop3A_233, %parallel_loop3A_238 : vector<16xf32>
      %parallel_loop3A_240 = arith.constant 4608 : i32
      %parallel_loop3A_241 = arith.addi %parallel_loop3A_240, %parallel_loop3A_187 : i32
      %parallel_loop3A_242 = arith.index_cast %parallel_loop3A_241 : i32 to index
      %parallel_loop3A_243 = tpu.vector_load %arg7[%parallel_loop3A_242] {strides = array<i32>} : memref<10240xi32, #tpu.memory_space<vmem>>, vector<16xi32>,
      %parallel_loop3A_244 = tpu.vector_load_idx %arg5[%parallel_loop3A_243] : memref<100000xf32, #tpu.memory_space<vmem>>[vector<16xi32>], vector<16xf32>,
      %parallel_loop3A_245 = arith.addf %parallel_loop3A_239, %parallel_loop3A_244 : vector<16xf32>
      %parallel_loop3A_246 = arith.constant 5120 : i32
      %parallel_loop3A_247 = arith.addi %parallel_loop3A_246, %parallel_loop3A_187 : i32
      %parallel_loop3A_248 = arith.index_cast %parallel_loop3A_247 : i32 to index
      %parallel_loop3A_249 = tpu.vector_load %arg7[%parallel_loop3A_248] {strides = array<i32>} : memref<10240xi32, #tpu.memory_space<vmem>>, vector<16xi32>,
      %parallel_loop3A_250 = tpu.vector_load_idx %arg5[%parallel_loop3A_249] : memref<100000xf32, #tpu.memory_space<vmem>>[vector<16xi32>], vector<16xf32>,
      %parallel_loop3A_251 = arith.constant 5632 : i32
      %parallel_loop3A_252 = arith.addi %parallel_loop3A_251, %parallel_loop3A_187 : i32
      %parallel_loop3A_253 = arith.index_cast %parallel_loop3A_252 : i32 to index
      %parallel_loop3A_254 = tpu.vector_load %arg7[%parallel_loop3A_253] {strides = array<i32>} : memref<10240xi32, #tpu.memory_space<vmem>>, vector<16xi32>,
      %parallel_loop3A_255 = tpu.vector_load_idx %arg5[%parallel_loop3A_254] : memref<100000xf32, #tpu.memory_space<vmem>>[vector<16xi32>], vector<16xf32>,
      %parallel_loop3A_256 = arith.addf %parallel_loop3A_250, %parallel_loop3A_255 : vector<16xf32>
      %parallel_loop3A_257 = arith.constant 6144 : i32
      %parallel_loop3A_258 = arith.addi %parallel_loop3A_257, %parallel_loop3A_187 : i32
      %parallel_loop3A_259 = arith.index_cast %parallel_loop3A_258 : i32 to index
      %parallel_loop3A_260 = tpu.vector_load %arg7[%parallel_loop3A_259] {strides = array<i32>} : memref<10240xi32, #tpu.memory_space<vmem>>, vector<16xi32>,
      %parallel_loop3A_261 = tpu.vector_load_idx %arg5[%parallel_loop3A_260] : memref<100000xf32, #tpu.memory_space<vmem>>[vector<16xi32>], vector<16xf32>,
      %parallel_loop3A_262 = arith.addf %parallel_loop3A_256, %parallel_loop3A_261 : vector<16xf32>
      %parallel_loop3A_263 = arith.constant 6656 : i32
      %parallel_loop3A_264 = arith.addi %parallel_loop3A_263, %parallel_loop3A_187 : i32
      %parallel_loop3A_265 = arith.index_cast %parallel_loop3A_264 : i32 to index
      %parallel_loop3A_266 = tpu.vector_load %arg7[%parallel_loop3A_265] {strides = array<i32>} : memref<10240xi32, #tpu.memory_space<vmem>>, vector<16xi32>,
      %parallel_loop3A_267 = tpu.vector_load_idx %arg5[%parallel_loop3A_266] : memref<100000xf32, #tpu.memory_space<vmem>>[vector<16xi32>], vector<16xf32>,
      %parallel_loop3A_268 = arith.addf %parallel_loop3A_262, %parallel_loop3A_267 : vector<16xf32>
      %parallel_loop3A_269 = arith.constant 7168 : i32
      %parallel_loop3A_270 = arith.addi %parallel_loop3A_269, %parallel_loop3A_187 : i32
      %parallel_loop3A_271 = arith.index_cast %parallel_loop3A_270 : i32 to index
      %parallel_loop3A_272 = tpu.vector_load %arg7[%parallel_loop3A_271] {strides = array<i32>} : memref<10240xi32, #tpu.memory_space<vmem>>, vector<16xi32>,
      %parallel_loop3A_273 = tpu.vector_load_idx %arg5[%parallel_loop3A_272] : memref<100000xf32, #tpu.memory_space<vmem>>[vector<16xi32>], vector<16xf32>,
      %parallel_loop3A_274 = arith.addf %parallel_loop3A_268, %parallel_loop3A_273 : vector<16xf32>
      %parallel_loop3A_275 = arith.constant 7680 : i32
      %parallel_loop3A_276 = arith.addi %parallel_loop3A_275, %parallel_loop3A_187 : i32
      %parallel_loop3A_277 = arith.index_cast %parallel_loop3A_276 : i32 to index
      %parallel_loop3A_278 = tpu.vector_load %arg7[%parallel_loop3A_277] {strides = array<i32>} : memref<10240xi32, #tpu.memory_space<vmem>>, vector<16xi32>,
      %parallel_loop3A_279 = tpu.vector_load_idx %arg5[%parallel_loop3A_278] : memref<100000xf32, #tpu.memory_space<vmem>>[vector<16xi32>], vector<16xf32>,
      %parallel_loop3A_280 = arith.constant 8192 : i32
      %parallel_loop3A_281 = arith.addi %parallel_loop3A_280, %parallel_loop3A_187 : i32
      %parallel_loop3A_282 = arith.index_cast %parallel_loop3A_281 : i32 to index
      %parallel_loop3A_283 = tpu.vector_load %arg7[%parallel_loop3A_282] {strides = array<i32>} : memref<10240xi32, #tpu.memory_space<vmem>>, vector<16xi32>,
      %parallel_loop3A_284 = tpu.vector_load_idx %arg5[%parallel_loop3A_283] : memref<100000xf32, #tpu.memory_space<vmem>>[vector<16xi32>], vector<16xf32>,
      %parallel_loop3A_285 = arith.addf %parallel_loop3A_279, %parallel_loop3A_284 : vector<16xf32>
      %parallel_loop3A_286 = arith.constant 8704 : i32
      %parallel_loop3A_287 = arith.addi %parallel_loop3A_286, %parallel_loop3A_187 : i32
      %parallel_loop3A_288 = arith.index_cast %parallel_loop3A_287 : i32 to index
      %parallel_loop3A_289 = tpu.vector_load %arg7[%parallel_loop3A_288] {strides = array<i32>} : memref<10240xi32, #tpu.memory_space<vmem>>, vector<16xi32>,
      %parallel_loop3A_290 = tpu.vector_load_idx %arg5[%parallel_loop3A_289] : memref<100000xf32, #tpu.memory_space<vmem>>[vector<16xi32>], vector<16xf32>,
      %parallel_loop3A_291 = arith.addf %parallel_loop3A_285, %parallel_loop3A_290 : vector<16xf32>
      %parallel_loop3A_292 = arith.constant 9216 : i32
      %parallel_loop3A_293 = arith.addi %parallel_loop3A_292, %parallel_loop3A_187 : i32
      %parallel_loop3A_294 = arith.index_cast %parallel_loop3A_293 : i32 to index
      %parallel_loop3A_295 = tpu.vector_load %arg7[%parallel_loop3A_294] {strides = array<i32>} : memref<10240xi32, #tpu.memory_space<vmem>>, vector<16xi32>,
      %parallel_loop3A_296 = tpu.vector_load_idx %arg5[%parallel_loop3A_295] : memref<100000xf32, #tpu.memory_space<vmem>>[vector<16xi32>], vector<16xf32>,
      %parallel_loop3A_297 = arith.addf %parallel_loop3A_291, %parallel_loop3A_296 : vector<16xf32>
      %parallel_loop3A_298 = arith.constant 9728 : i32
      %parallel_loop3A_299 = arith.addi %parallel_loop3A_298, %parallel_loop3A_187 : i32
      %parallel_loop3A_300 = arith.index_cast %parallel_loop3A_299 : i32 to index
      %parallel_loop3A_301 = tpu.vector_load %arg7[%parallel_loop3A_300] {strides = array<i32>} : memref<10240xi32, #tpu.memory_space<vmem>>, vector<16xi32>,
      %parallel_loop3A_302 = tpu.vector_load_idx %arg5[%parallel_loop3A_301] : memref<100000xf32, #tpu.memory_space<vmem>>[vector<16xi32>], vector<16xf32>,
      %parallel_loop3A_303 = arith.addf %parallel_loop3A_297, %parallel_loop3A_302 : vector<16xf32>
      %parallel_loop3A_304 = arith.addf %parallel_loop3A_216, %parallel_loop3A_245 : vector<16xf32>
      %parallel_loop3A_305 = arith.addf %parallel_loop3A_274, %parallel_loop3A_303 : vector<16xf32>
      %parallel_loop3A_306 = arith.addf %parallel_loop3A_304, %parallel_loop3A_305 : vector<16xf32>
      %parallel_loop3A_307 = arith.constant 1536 : i32
      %parallel_loop3A_308 = arith.addi %parallel_loop3A_307, %parallel_loop3A_187 : i32
      %parallel_loop3A_309 = arith.index_cast %parallel_loop3A_308 : i32 to index
      %parallel_loop3A_310 = tpu.vector_load %arg8[%parallel_loop3A_309] {strides = array<i32>} : memref<4096xf32, #tpu.memory_space<vmem>>, vector<16xf32>,
      tpu.vector_store %arg8[%parallel_loop3A_309], %parallel_loop3A_306 {strides = array<i32>} : memref<4096xf32, #tpu.memory_space<vmem>>, vector<16xf32>,
    } {sc.loop_unroll_factor = 2 : i64, sc.parallel_access}
    %dma_wait3A_156 = arith.constant 20480 : i32
    %dma_wait3A_157 = tpu.memref_slice %arg9[%dma_wait3A_156] : memref<81920xi32, #tpu.memory_space<vmem_shared>> -> memref<10240xi32, #tpu.memory_space<vmem_shared>>
    %dma_wait3A_158 = arith.constant 20480 : i32
    %dma_wait3A_159 = tpu.memref_slice %arg9[%dma_wait3A_158] : memref<81920xi32, #tpu.memory_space<vmem_shared>> -> memref<10240xi32, #tpu.memory_space<vmem_shared>>
    tpu.wait_dma2 semaphore(%arg10 : memref<!tpu.dma_semaphore, #tpu.memory_space<semaphore_mem>>) src(%dma_wait3A_159 : memref<10240xi32, #tpu.memory_space<vmem_shared>>) dst(%arg6 : memref<10240xi32, #tpu.memory_space<vmem>>)
    %dma_start3A_160 = arith.constant 10240 : i32
    %dma_start3A_161 = tpu.memref_slice %arg9[%dma_start3A_160] : memref<81920xi32, #tpu.memory_space<vmem_shared>> -> memref<10240xi32, #tpu.memory_space<vmem_shared>>
    %dma_start3A_162 = arith.constant 10240 : i32
    %dma_start3A_163 = tpu.memref_slice %arg9[%dma_start3A_162] : memref<81920xi32, #tpu.memory_space<vmem_shared>> -> memref<10240xi32, #tpu.memory_space<vmem_shared>>
    tpu.enqueue_dma source(%dma_start3A_163 : memref<10240xi32, #tpu.memory_space<vmem_shared>>) target(%arg7 : memref<10240xi32, #tpu.memory_space<vmem>>) target_semaphore(%arg10 : memref<!tpu.dma_semaphore, #tpu.memory_space<semaphore_mem>>)
    %parallel_loop3A_164 = arith.constant 0 : i32
    %parallel_loop3A_165 = arith.constant 32 : i32
    %parallel_loop3A_166 = arith.constant 1 : i32
    scf.for %parallel_loop3A_185 = %parallel_loop3A_164 to %parallel_loop3A_165 step %parallel_loop3A_166  : i32 {
      %parallel_loop3A_186 = arith.constant 16 : i32
      %parallel_loop3A_187 = arith.muli %parallel_loop3A_185, %parallel_loop3A_186 : i32
      %parallel_loop3A_188 = arith.constant 0 : i32
      %parallel_loop3A_189 = arith.addi %parallel_loop3A_188, %parallel_loop3A_187 : i32
      %parallel_loop3A_190 = arith.index_cast %parallel_loop3A_189 : i32 to index
      %parallel_loop3A_191 = tpu.vector_load %arg6[%parallel_loop3A_190] {strides = array<i32>} : memref<10240xi32, #tpu.memory_space<vmem>>, vector<16xi32>,
      %parallel_loop3A_192 = tpu.vector_load_idx %arg5[%parallel_loop3A_191] : memref<100000xf32, #tpu.memory_space<vmem>>[vector<16xi32>], vector<16xf32>,
      %parallel_loop3A_193 = arith.constant 512 : i32
      %parallel_loop3A_194 = arith.addi %parallel_loop3A_193, %parallel_loop3A_187 : i32
      %parallel_loop3A_195 = arith.index_cast %parallel_loop3A_194 : i32 to index
      %parallel_loop3A_196 = tpu.vector_load %arg6[%parallel_loop3A_195] {strides = array<i32>} : memref<10240xi32, #tpu.memory_space<vmem>>, vector<16xi32>,
      %parallel_loop3A_197 = tpu.vector_load_idx %arg5[%parallel_loop3A_196] : memref<100000xf32, #tpu.memory_space<vmem>>[vector<16xi32>], vector<16xf32>,
      %parallel_loop3A_198 = arith.addf %parallel_loop3A_192, %parallel_loop3A_197 : vector<16xf32>
      %parallel_loop3A_199 = arith.constant 1024 : i32
      %parallel_loop3A_200 = arith.addi %parallel_loop3A_199, %parallel_loop3A_187 : i32
      %parallel_loop3A_201 = arith.index_cast %parallel_loop3A_200 : i32 to index
      %parallel_loop3A_202 = tpu.vector_load %arg6[%parallel_loop3A_201] {strides = array<i32>} : memref<10240xi32, #tpu.memory_space<vmem>>, vector<16xi32>,
      %parallel_loop3A_203 = tpu.vector_load_idx %arg5[%parallel_loop3A_202] : memref<100000xf32, #tpu.memory_space<vmem>>[vector<16xi32>], vector<16xf32>,
      %parallel_loop3A_204 = arith.addf %parallel_loop3A_198, %parallel_loop3A_203 : vector<16xf32>
      %parallel_loop3A_205 = arith.constant 1536 : i32
      %parallel_loop3A_206 = arith.addi %parallel_loop3A_205, %parallel_loop3A_187 : i32
      %parallel_loop3A_207 = arith.index_cast %parallel_loop3A_206 : i32 to index
      %parallel_loop3A_208 = tpu.vector_load %arg6[%parallel_loop3A_207] {strides = array<i32>} : memref<10240xi32, #tpu.memory_space<vmem>>, vector<16xi32>,
      %parallel_loop3A_209 = tpu.vector_load_idx %arg5[%parallel_loop3A_208] : memref<100000xf32, #tpu.memory_space<vmem>>[vector<16xi32>], vector<16xf32>,
      %parallel_loop3A_210 = arith.addf %parallel_loop3A_204, %parallel_loop3A_209 : vector<16xf32>
      %parallel_loop3A_211 = arith.constant 2048 : i32
      %parallel_loop3A_212 = arith.addi %parallel_loop3A_211, %parallel_loop3A_187 : i32
      %parallel_loop3A_213 = arith.index_cast %parallel_loop3A_212 : i32 to index
      %parallel_loop3A_214 = tpu.vector_load %arg6[%parallel_loop3A_213] {strides = array<i32>} : memref<10240xi32, #tpu.memory_space<vmem>>, vector<16xi32>,
      %parallel_loop3A_215 = tpu.vector_load_idx %arg5[%parallel_loop3A_214] : memref<100000xf32, #tpu.memory_space<vmem>>[vector<16xi32>], vector<16xf32>,
      %parallel_loop3A_216 = arith.addf %parallel_loop3A_210, %parallel_loop3A_215 : vector<16xf32>
      %parallel_loop3A_217 = arith.constant 2560 : i32
      %parallel_loop3A_218 = arith.addi %parallel_loop3A_217, %parallel_loop3A_187 : i32
      %parallel_loop3A_219 = arith.index_cast %parallel_loop3A_218 : i32 to index
      %parallel_loop3A_220 = tpu.vector_load %arg6[%parallel_loop3A_219] {strides = array<i32>} : memref<10240xi32, #tpu.memory_space<vmem>>, vector<16xi32>,
      %parallel_loop3A_221 = tpu.vector_load_idx %arg5[%parallel_loop3A_220] : memref<100000xf32, #tpu.memory_space<vmem>>[vector<16xi32>], vector<16xf32>,
      %parallel_loop3A_222 = arith.constant 3072 : i32
      %parallel_loop3A_223 = arith.addi %parallel_loop3A_222, %parallel_loop3A_187 : i32
      %parallel_loop3A_224 = arith.index_cast %parallel_loop3A_223 : i32 to index
      %parallel_loop3A_225 = tpu.vector_load %arg6[%parallel_loop3A_224] {strides = array<i32>} : memref<10240xi32, #tpu.memory_space<vmem>>, vector<16xi32>,
      %parallel_loop3A_226 = tpu.vector_load_idx %arg5[%parallel_loop3A_225] : memref<100000xf32, #tpu.memory_space<vmem>>[vector<16xi32>], vector<16xf32>,
      %parallel_loop3A_227 = arith.addf %parallel_loop3A_221, %parallel_loop3A_226 : vector<16xf32>
      %parallel_loop3A_228 = arith.constant 3584 : i32
      %parallel_loop3A_229 = arith.addi %parallel_loop3A_228, %parallel_loop3A_187 : i32
      %parallel_loop3A_230 = arith.index_cast %parallel_loop3A_229 : i32 to index
      %parallel_loop3A_231 = tpu.vector_load %arg6[%parallel_loop3A_230] {strides = array<i32>} : memref<10240xi32, #tpu.memory_space<vmem>>, vector<16xi32>,
      %parallel_loop3A_232 = tpu.vector_load_idx %arg5[%parallel_loop3A_231] : memref<100000xf32, #tpu.memory_space<vmem>>[vector<16xi32>], vector<16xf32>,
      %parallel_loop3A_233 = arith.addf %parallel_loop3A_227, %parallel_loop3A_232 : vector<16xf32>
      %parallel_loop3A_234 = arith.constant 4096 : i32
      %parallel_loop3A_235 = arith.addi %parallel_loop3A_234, %parallel_loop3A_187 : i32
      %parallel_loop3A_236 = arith.index_cast %parallel_loop3A_235 : i32 to index
      %parallel_loop3A_237 = tpu.vector_load %arg6[%parallel_loop3A_236] {strides = array<i32>} : memref<10240xi32, #tpu.memory_space<vmem>>, vector<16xi32>,
      %parallel_loop3A_238 = tpu.vector_load_idx %arg5[%parallel_loop3A_237] : memref<100000xf32, #tpu.memory_space<vmem>>[vector<16xi32>], vector<16xf32>,
      %parallel_loop3A_239 = arith.addf %parallel_loop3A_233, %parallel_loop3A_238 : vector<16xf32>
      %parallel_loop3A_240 = arith.constant 4608 : i32
      %parallel_loop3A_241 = arith.addi %parallel_loop3A_240, %parallel_loop3A_187 : i32
      %parallel_loop3A_242 = arith.index_cast %parallel_loop3A_241 : i32 to index
      %parallel_loop3A_243 = tpu.vector_load %arg6[%parallel_loop3A_242] {strides = array<i32>} : memref<10240xi32, #tpu.memory_space<vmem>>, vector<16xi32>,
      %parallel_loop3A_244 = tpu.vector_load_idx %arg5[%parallel_loop3A_243] : memref<100000xf32, #tpu.memory_space<vmem>>[vector<16xi32>], vector<16xf32>,
      %parallel_loop3A_245 = arith.addf %parallel_loop3A_239, %parallel_loop3A_244 : vector<16xf32>
      %parallel_loop3A_246 = arith.constant 5120 : i32
      %parallel_loop3A_247 = arith.addi %parallel_loop3A_246, %parallel_loop3A_187 : i32
      %parallel_loop3A_248 = arith.index_cast %parallel_loop3A_247 : i32 to index
      %parallel_loop3A_249 = tpu.vector_load %arg6[%parallel_loop3A_248] {strides = array<i32>} : memref<10240xi32, #tpu.memory_space<vmem>>, vector<16xi32>,
      %parallel_loop3A_250 = tpu.vector_load_idx %arg5[%parallel_loop3A_249] : memref<100000xf32, #tpu.memory_space<vmem>>[vector<16xi32>], vector<16xf32>,
      %parallel_loop3A_251 = arith.constant 5632 : i32
      %parallel_loop3A_252 = arith.addi %parallel_loop3A_251, %parallel_loop3A_187 : i32
      %parallel_loop3A_253 = arith.index_cast %parallel_loop3A_252 : i32 to index
      %parallel_loop3A_254 = tpu.vector_load %arg6[%parallel_loop3A_253] {strides = array<i32>} : memref<10240xi32, #tpu.memory_space<vmem>>, vector<16xi32>,
      %parallel_loop3A_255 = tpu.vector_load_idx %arg5[%parallel_loop3A_254] : memref<100000xf32, #tpu.memory_space<vmem>>[vector<16xi32>], vector<16xf32>,
      %parallel_loop3A_256 = arith.addf %parallel_loop3A_250, %parallel_loop3A_255 : vector<16xf32>
      %parallel_loop3A_257 = arith.constant 6144 : i32
      %parallel_loop3A_258 = arith.addi %parallel_loop3A_257, %parallel_loop3A_187 : i32
      %parallel_loop3A_259 = arith.index_cast %parallel_loop3A_258 : i32 to index
      %parallel_loop3A_260 = tpu.vector_load %arg6[%parallel_loop3A_259] {strides = array<i32>} : memref<10240xi32, #tpu.memory_space<vmem>>, vector<16xi32>,
      %parallel_loop3A_261 = tpu.vector_load_idx %arg5[%parallel_loop3A_260] : memref<100000xf32, #tpu.memory_space<vmem>>[vector<16xi32>], vector<16xf32>,
      %parallel_loop3A_262 = arith.addf %parallel_loop3A_256, %parallel_loop3A_261 : vector<16xf32>
      %parallel_loop3A_263 = arith.constant 6656 : i32
      %parallel_loop3A_264 = arith.addi %parallel_loop3A_263, %parallel_loop3A_187 : i32
      %parallel_loop3A_265 = arith.index_cast %parallel_loop3A_264 : i32 to index
      %parallel_loop3A_266 = tpu.vector_load %arg6[%parallel_loop3A_265] {strides = array<i32>} : memref<10240xi32, #tpu.memory_space<vmem>>, vector<16xi32>,
      %parallel_loop3A_267 = tpu.vector_load_idx %arg5[%parallel_loop3A_266] : memref<100000xf32, #tpu.memory_space<vmem>>[vector<16xi32>], vector<16xf32>,
      %parallel_loop3A_268 = arith.addf %parallel_loop3A_262, %parallel_loop3A_267 : vector<16xf32>
      %parallel_loop3A_269 = arith.constant 7168 : i32
      %parallel_loop3A_270 = arith.addi %parallel_loop3A_269, %parallel_loop3A_187 : i32
      %parallel_loop3A_271 = arith.index_cast %parallel_loop3A_270 : i32 to index
      %parallel_loop3A_272 = tpu.vector_load %arg6[%parallel_loop3A_271] {strides = array<i32>} : memref<10240xi32, #tpu.memory_space<vmem>>, vector<16xi32>,
      %parallel_loop3A_273 = tpu.vector_load_idx %arg5[%parallel_loop3A_272] : memref<100000xf32, #tpu.memory_space<vmem>>[vector<16xi32>], vector<16xf32>,
      %parallel_loop3A_274 = arith.addf %parallel_loop3A_268, %parallel_loop3A_273 : vector<16xf32>
      %parallel_loop3A_275 = arith.constant 7680 : i32
      %parallel_loop3A_276 = arith.addi %parallel_loop3A_275, %parallel_loop3A_187 : i32
      %parallel_loop3A_277 = arith.index_cast %parallel_loop3A_276 : i32 to index
      %parallel_loop3A_278 = tpu.vector_load %arg6[%parallel_loop3A_277] {strides = array<i32>} : memref<10240xi32, #tpu.memory_space<vmem>>, vector<16xi32>,
      %parallel_loop3A_279 = tpu.vector_load_idx %arg5[%parallel_loop3A_278] : memref<100000xf32, #tpu.memory_space<vmem>>[vector<16xi32>], vector<16xf32>,
      %parallel_loop3A_280 = arith.constant 8192 : i32
      %parallel_loop3A_281 = arith.addi %parallel_loop3A_280, %parallel_loop3A_187 : i32
      %parallel_loop3A_282 = arith.index_cast %parallel_loop3A_281 : i32 to index
      %parallel_loop3A_283 = tpu.vector_load %arg6[%parallel_loop3A_282] {strides = array<i32>} : memref<10240xi32, #tpu.memory_space<vmem>>, vector<16xi32>,
      %parallel_loop3A_284 = tpu.vector_load_idx %arg5[%parallel_loop3A_283] : memref<100000xf32, #tpu.memory_space<vmem>>[vector<16xi32>], vector<16xf32>,
      %parallel_loop3A_285 = arith.addf %parallel_loop3A_279, %parallel_loop3A_284 : vector<16xf32>
      %parallel_loop3A_286 = arith.constant 8704 : i32
      %parallel_loop3A_287 = arith.addi %parallel_loop3A_286, %parallel_loop3A_187 : i32
      %parallel_loop3A_288 = arith.index_cast %parallel_loop3A_287 : i32 to index
      %parallel_loop3A_289 = tpu.vector_load %arg6[%parallel_loop3A_288] {strides = array<i32>} : memref<10240xi32, #tpu.memory_space<vmem>>, vector<16xi32>,
      %parallel_loop3A_290 = tpu.vector_load_idx %arg5[%parallel_loop3A_289] : memref<100000xf32, #tpu.memory_space<vmem>>[vector<16xi32>], vector<16xf32>,
      %parallel_loop3A_291 = arith.addf %parallel_loop3A_285, %parallel_loop3A_290 : vector<16xf32>
      %parallel_loop3A_292 = arith.constant 9216 : i32
      %parallel_loop3A_293 = arith.addi %parallel_loop3A_292, %parallel_loop3A_187 : i32
      %parallel_loop3A_294 = arith.index_cast %parallel_loop3A_293 : i32 to index
      %parallel_loop3A_295 = tpu.vector_load %arg6[%parallel_loop3A_294] {strides = array<i32>} : memref<10240xi32, #tpu.memory_space<vmem>>, vector<16xi32>,
      %parallel_loop3A_296 = tpu.vector_load_idx %arg5[%parallel_loop3A_295] : memref<100000xf32, #tpu.memory_space<vmem>>[vector<16xi32>], vector<16xf32>,
      %parallel_loop3A_297 = arith.addf %parallel_loop3A_291, %parallel_loop3A_296 : vector<16xf32>
      %parallel_loop3A_298 = arith.constant 9728 : i32
      %parallel_loop3A_299 = arith.addi %parallel_loop3A_298, %parallel_loop3A_187 : i32
      %parallel_loop3A_300 = arith.index_cast %parallel_loop3A_299 : i32 to index
      %parallel_loop3A_301 = tpu.vector_load %arg6[%parallel_loop3A_300] {strides = array<i32>} : memref<10240xi32, #tpu.memory_space<vmem>>, vector<16xi32>,
      %parallel_loop3A_302 = tpu.vector_load_idx %arg5[%parallel_loop3A_301] : memref<100000xf32, #tpu.memory_space<vmem>>[vector<16xi32>], vector<16xf32>,
      %parallel_loop3A_303 = arith.addf %parallel_loop3A_297, %parallel_loop3A_302 : vector<16xf32>
      %parallel_loop3A_304 = arith.addf %parallel_loop3A_216, %parallel_loop3A_245 : vector<16xf32>
      %parallel_loop3A_305 = arith.addf %parallel_loop3A_274, %parallel_loop3A_303 : vector<16xf32>
      %parallel_loop3A_306 = arith.addf %parallel_loop3A_304, %parallel_loop3A_305 : vector<16xf32>
      %parallel_loop3A_307 = arith.constant 1024 : i32
      %parallel_loop3A_308 = arith.addi %parallel_loop3A_307, %parallel_loop3A_187 : i32
      %parallel_loop3A_309 = arith.index_cast %parallel_loop3A_308 : i32 to index
      %parallel_loop3A_310 = tpu.vector_load %arg8[%parallel_loop3A_309] {strides = array<i32>} : memref<4096xf32, #tpu.memory_space<vmem>>, vector<16xf32>,
      tpu.vector_store %arg8[%parallel_loop3A_309], %parallel_loop3A_306 {strides = array<i32>} : memref<4096xf32, #tpu.memory_space<vmem>>, vector<16xf32>,
    } {sc.loop_unroll_factor = 2 : i64, sc.parallel_access}
    %dma_wait3A_167 = arith.constant 10240 : i32
    %dma_wait3A_168 = tpu.memref_slice %arg9[%dma_wait3A_167] : memref<81920xi32, #tpu.memory_space<vmem_shared>> -> memref<10240xi32, #tpu.memory_space<vmem_shared>>
    %dma_wait3A_169 = arith.constant 10240 : i32
    %dma_wait3A_170 = tpu.memref_slice %arg9[%dma_wait3A_169] : memref<81920xi32, #tpu.memory_space<vmem_shared>> -> memref<10240xi32, #tpu.memory_space<vmem_shared>>
    tpu.wait_dma2 semaphore(%arg10 : memref<!tpu.dma_semaphore, #tpu.memory_space<semaphore_mem>>) src(%dma_wait3A_170 : memref<10240xi32, #tpu.memory_space<vmem_shared>>) dst(%arg7 : memref<10240xi32, #tpu.memory_space<vmem>>)
    %dma_start3A_171 = arith.constant 0 : i32
    %dma_start3A_172 = tpu.memref_slice %arg9[%dma_start3A_171] : memref<81920xi32, #tpu.memory_space<vmem_shared>> -> memref<10240xi32, #tpu.memory_space<vmem_shared>>
    %dma_start3A_173 = arith.constant 0 : i32
    %dma_start3A_174 = tpu.memref_slice %arg9[%dma_start3A_173] : memref<81920xi32, #tpu.memory_space<vmem_shared>> -> memref<10240xi32, #tpu.memory_space<vmem_shared>>
    tpu.enqueue_dma source(%dma_start3A_174 : memref<10240xi32, #tpu.memory_space<vmem_shared>>) target(%arg6 : memref<10240xi32, #tpu.memory_space<vmem>>) target_semaphore(%arg10 : memref<!tpu.dma_semaphore, #tpu.memory_space<semaphore_mem>>)
    %parallel_loop3A_175 = arith.constant 0 : i32
    %parallel_loop3A_176 = arith.constant 32 : i32
    %parallel_loop3A_177 = arith.constant 1 : i32
    scf.for %parallel_loop3A_185 = %parallel_loop3A_175 to %parallel_loop3A_176 step %parallel_loop3A_177  : i32 {
      %parallel_loop3A_186 = arith.constant 16 : i32
      %parallel_loop3A_187 = arith.muli %parallel_loop3A_185, %parallel_loop3A_186 : i32
      %parallel_loop3A_188 = arith.constant 0 : i32
      %parallel_loop3A_189 = arith.addi %parallel_loop3A_188, %parallel_loop3A_187 : i32
      %parallel_loop3A_190 = arith.index_cast %parallel_loop3A_189 : i32 to index
      %parallel_loop3A_191 = tpu.vector_load %arg7[%parallel_loop3A_190] {strides = array<i32>} : memref<10240xi32, #tpu.memory_space<vmem>>, vector<16xi32>,
      %parallel_loop3A_192 = tpu.vector_load_idx %arg5[%parallel_loop3A_191] : memref<100000xf32, #tpu.memory_space<vmem>>[vector<16xi32>], vector<16xf32>,
      %parallel_loop3A_193 = arith.constant 512 : i32
      %parallel_loop3A_194 = arith.addi %parallel_loop3A_193, %parallel_loop3A_187 : i32
      %parallel_loop3A_195 = arith.index_cast %parallel_loop3A_194 : i32 to index
      %parallel_loop3A_196 = tpu.vector_load %arg7[%parallel_loop3A_195] {strides = array<i32>} : memref<10240xi32, #tpu.memory_space<vmem>>, vector<16xi32>,
      %parallel_loop3A_197 = tpu.vector_load_idx %arg5[%parallel_loop3A_196] : memref<100000xf32, #tpu.memory_space<vmem>>[vector<16xi32>], vector<16xf32>,
      %parallel_loop3A_198 = arith.addf %parallel_loop3A_192, %parallel_loop3A_197 : vector<16xf32>
      %parallel_loop3A_199 = arith.constant 1024 : i32
      %parallel_loop3A_200 = arith.addi %parallel_loop3A_199, %parallel_loop3A_187 : i32
      %parallel_loop3A_201 = arith.index_cast %parallel_loop3A_200 : i32 to index
      %parallel_loop3A_202 = tpu.vector_load %arg7[%parallel_loop3A_201] {strides = array<i32>} : memref<10240xi32, #tpu.memory_space<vmem>>, vector<16xi32>,
      %parallel_loop3A_203 = tpu.vector_load_idx %arg5[%parallel_loop3A_202] : memref<100000xf32, #tpu.memory_space<vmem>>[vector<16xi32>], vector<16xf32>,
      %parallel_loop3A_204 = arith.addf %parallel_loop3A_198, %parallel_loop3A_203 : vector<16xf32>
      %parallel_loop3A_205 = arith.constant 1536 : i32
      %parallel_loop3A_206 = arith.addi %parallel_loop3A_205, %parallel_loop3A_187 : i32
      %parallel_loop3A_207 = arith.index_cast %parallel_loop3A_206 : i32 to index
      %parallel_loop3A_208 = tpu.vector_load %arg7[%parallel_loop3A_207] {strides = array<i32>} : memref<10240xi32, #tpu.memory_space<vmem>>, vector<16xi32>,
      %parallel_loop3A_209 = tpu.vector_load_idx %arg5[%parallel_loop3A_208] : memref<100000xf32, #tpu.memory_space<vmem>>[vector<16xi32>], vector<16xf32>,
      %parallel_loop3A_210 = arith.addf %parallel_loop3A_204, %parallel_loop3A_209 : vector<16xf32>
      %parallel_loop3A_211 = arith.constant 2048 : i32
      %parallel_loop3A_212 = arith.addi %parallel_loop3A_211, %parallel_loop3A_187 : i32
      %parallel_loop3A_213 = arith.index_cast %parallel_loop3A_212 : i32 to index
      %parallel_loop3A_214 = tpu.vector_load %arg7[%parallel_loop3A_213] {strides = array<i32>} : memref<10240xi32, #tpu.memory_space<vmem>>, vector<16xi32>,
      %parallel_loop3A_215 = tpu.vector_load_idx %arg5[%parallel_loop3A_214] : memref<100000xf32, #tpu.memory_space<vmem>>[vector<16xi32>], vector<16xf32>,
      %parallel_loop3A_216 = arith.addf %parallel_loop3A_210, %parallel_loop3A_215 : vector<16xf32>
      %parallel_loop3A_217 = arith.constant 2560 : i32
      %parallel_loop3A_218 = arith.addi %parallel_loop3A_217, %parallel_loop3A_187 : i32
      %parallel_loop3A_219 = arith.index_cast %parallel_loop3A_218 : i32 to index
      %parallel_loop3A_220 = tpu.vector_load %arg7[%parallel_loop3A_219] {strides = array<i32>} : memref<10240xi32, #tpu.memory_space<vmem>>, vector<16xi32>,
      %parallel_loop3A_221 = tpu.vector_load_idx %arg5[%parallel_loop3A_220] : memref<100000xf32, #tpu.memory_space<vmem>>[vector<16xi32>], vector<16xf32>,
      %parallel_loop3A_222 = arith.constant 3072 : i32
      %parallel_loop3A_223 = arith.addi %parallel_loop3A_222, %parallel_loop3A_187 : i32
      %parallel_loop3A_224 = arith.index_cast %parallel_loop3A_223 : i32 to index
      %parallel_loop3A_225 = tpu.vector_load %arg7[%parallel_loop3A_224] {strides = array<i32>} : memref<10240xi32, #tpu.memory_space<vmem>>, vector<16xi32>,
      %parallel_loop3A_226 = tpu.vector_load_idx %arg5[%parallel_loop3A_225] : memref<100000xf32, #tpu.memory_space<vmem>>[vector<16xi32>], vector<16xf32>,
      %parallel_loop3A_227 = arith.addf %parallel_loop3A_221, %parallel_loop3A_226 : vector<16xf32>
      %parallel_loop3A_228 = arith.constant 3584 : i32
      %parallel_loop3A_229 = arith.addi %parallel_loop3A_228, %parallel_loop3A_187 : i32
      %parallel_loop3A_230 = arith.index_cast %parallel_loop3A_229 : i32 to index
      %parallel_loop3A_231 = tpu.vector_load %arg7[%parallel_loop3A_230] {strides = array<i32>} : memref<10240xi32, #tpu.memory_space<vmem>>, vector<16xi32>,
      %parallel_loop3A_232 = tpu.vector_load_idx %arg5[%parallel_loop3A_231] : memref<100000xf32, #tpu.memory_space<vmem>>[vector<16xi32>], vector<16xf32>,
      %parallel_loop3A_233 = arith.addf %parallel_loop3A_227, %parallel_loop3A_232 : vector<16xf32>
      %parallel_loop3A_234 = arith.constant 4096 : i32
      %parallel_loop3A_235 = arith.addi %parallel_loop3A_234, %parallel_loop3A_187 : i32
      %parallel_loop3A_236 = arith.index_cast %parallel_loop3A_235 : i32 to index
      %parallel_loop3A_237 = tpu.vector_load %arg7[%parallel_loop3A_236] {strides = array<i32>} : memref<10240xi32, #tpu.memory_space<vmem>>, vector<16xi32>,
      %parallel_loop3A_238 = tpu.vector_load_idx %arg5[%parallel_loop3A_237] : memref<100000xf32, #tpu.memory_space<vmem>>[vector<16xi32>], vector<16xf32>,
      %parallel_loop3A_239 = arith.addf %parallel_loop3A_233, %parallel_loop3A_238 : vector<16xf32>
      %parallel_loop3A_240 = arith.constant 4608 : i32
      %parallel_loop3A_241 = arith.addi %parallel_loop3A_240, %parallel_loop3A_187 : i32
      %parallel_loop3A_242 = arith.index_cast %parallel_loop3A_241 : i32 to index
      %parallel_loop3A_243 = tpu.vector_load %arg7[%parallel_loop3A_242] {strides = array<i32>} : memref<10240xi32, #tpu.memory_space<vmem>>, vector<16xi32>,
      %parallel_loop3A_244 = tpu.vector_load_idx %arg5[%parallel_loop3A_243] : memref<100000xf32, #tpu.memory_space<vmem>>[vector<16xi32>], vector<16xf32>,
      %parallel_loop3A_245 = arith.addf %parallel_loop3A_239, %parallel_loop3A_244 : vector<16xf32>
      %parallel_loop3A_246 = arith.constant 5120 : i32
      %parallel_loop3A_247 = arith.addi %parallel_loop3A_246, %parallel_loop3A_187 : i32
      %parallel_loop3A_248 = arith.index_cast %parallel_loop3A_247 : i32 to index
      %parallel_loop3A_249 = tpu.vector_load %arg7[%parallel_loop3A_248] {strides = array<i32>} : memref<10240xi32, #tpu.memory_space<vmem>>, vector<16xi32>,
      %parallel_loop3A_250 = tpu.vector_load_idx %arg5[%parallel_loop3A_249] : memref<100000xf32, #tpu.memory_space<vmem>>[vector<16xi32>], vector<16xf32>,
      %parallel_loop3A_251 = arith.constant 5632 : i32
      %parallel_loop3A_252 = arith.addi %parallel_loop3A_251, %parallel_loop3A_187 : i32
      %parallel_loop3A_253 = arith.index_cast %parallel_loop3A_252 : i32 to index
      %parallel_loop3A_254 = tpu.vector_load %arg7[%parallel_loop3A_253] {strides = array<i32>} : memref<10240xi32, #tpu.memory_space<vmem>>, vector<16xi32>,
      %parallel_loop3A_255 = tpu.vector_load_idx %arg5[%parallel_loop3A_254] : memref<100000xf32, #tpu.memory_space<vmem>>[vector<16xi32>], vector<16xf32>,
      %parallel_loop3A_256 = arith.addf %parallel_loop3A_250, %parallel_loop3A_255 : vector<16xf32>
      %parallel_loop3A_257 = arith.constant 6144 : i32
      %parallel_loop3A_258 = arith.addi %parallel_loop3A_257, %parallel_loop3A_187 : i32
      %parallel_loop3A_259 = arith.index_cast %parallel_loop3A_258 : i32 to index
      %parallel_loop3A_260 = tpu.vector_load %arg7[%parallel_loop3A_259] {strides = array<i32>} : memref<10240xi32, #tpu.memory_space<vmem>>, vector<16xi32>,
      %parallel_loop3A_261 = tpu.vector_load_idx %arg5[%parallel_loop3A_260] : memref<100000xf32, #tpu.memory_space<vmem>>[vector<16xi32>], vector<16xf32>,
      %parallel_loop3A_262 = arith.addf %parallel_loop3A_256, %parallel_loop3A_261 : vector<16xf32>
      %parallel_loop3A_263 = arith.constant 6656 : i32
      %parallel_loop3A_264 = arith.addi %parallel_loop3A_263, %parallel_loop3A_187 : i32
      %parallel_loop3A_265 = arith.index_cast %parallel_loop3A_264 : i32 to index
      %parallel_loop3A_266 = tpu.vector_load %arg7[%parallel_loop3A_265] {strides = array<i32>} : memref<10240xi32, #tpu.memory_space<vmem>>, vector<16xi32>,
      %parallel_loop3A_267 = tpu.vector_load_idx %arg5[%parallel_loop3A_266] : memref<100000xf32, #tpu.memory_space<vmem>>[vector<16xi32>], vector<16xf32>,
      %parallel_loop3A_268 = arith.addf %parallel_loop3A_262, %parallel_loop3A_267 : vector<16xf32>
      %parallel_loop3A_269 = arith.constant 7168 : i32
      %parallel_loop3A_270 = arith.addi %parallel_loop3A_269, %parallel_loop3A_187 : i32
      %parallel_loop3A_271 = arith.index_cast %parallel_loop3A_270 : i32 to index
      %parallel_loop3A_272 = tpu.vector_load %arg7[%parallel_loop3A_271] {strides = array<i32>} : memref<10240xi32, #tpu.memory_space<vmem>>, vector<16xi32>,
      %parallel_loop3A_273 = tpu.vector_load_idx %arg5[%parallel_loop3A_272] : memref<100000xf32, #tpu.memory_space<vmem>>[vector<16xi32>], vector<16xf32>,
      %parallel_loop3A_274 = arith.addf %parallel_loop3A_268, %parallel_loop3A_273 : vector<16xf32>
      %parallel_loop3A_275 = arith.constant 7680 : i32
      %parallel_loop3A_276 = arith.addi %parallel_loop3A_275, %parallel_loop3A_187 : i32
      %parallel_loop3A_277 = arith.index_cast %parallel_loop3A_276 : i32 to index
      %parallel_loop3A_278 = tpu.vector_load %arg7[%parallel_loop3A_277] {strides = array<i32>} : memref<10240xi32, #tpu.memory_space<vmem>>, vector<16xi32>,
      %parallel_loop3A_279 = tpu.vector_load_idx %arg5[%parallel_loop3A_278] : memref<100000xf32, #tpu.memory_space<vmem>>[vector<16xi32>], vector<16xf32>,
      %parallel_loop3A_280 = arith.constant 8192 : i32
      %parallel_loop3A_281 = arith.addi %parallel_loop3A_280, %parallel_loop3A_187 : i32
      %parallel_loop3A_282 = arith.index_cast %parallel_loop3A_281 : i32 to index
      %parallel_loop3A_283 = tpu.vector_load %arg7[%parallel_loop3A_282] {strides = array<i32>} : memref<10240xi32, #tpu.memory_space<vmem>>, vector<16xi32>,
      %parallel_loop3A_284 = tpu.vector_load_idx %arg5[%parallel_loop3A_283] : memref<100000xf32, #tpu.memory_space<vmem>>[vector<16xi32>], vector<16xf32>,
      %parallel_loop3A_285 = arith.addf %parallel_loop3A_279, %parallel_loop3A_284 : vector<16xf32>
      %parallel_loop3A_286 = arith.constant 8704 : i32
      %parallel_loop3A_287 = arith.addi %parallel_loop3A_286, %parallel_loop3A_187 : i32
      %parallel_loop3A_288 = arith.index_cast %parallel_loop3A_287 : i32 to index
      %parallel_loop3A_289 = tpu.vector_load %arg7[%parallel_loop3A_288] {strides = array<i32>} : memref<10240xi32, #tpu.memory_space<vmem>>, vector<16xi32>,
      %parallel_loop3A_290 = tpu.vector_load_idx %arg5[%parallel_loop3A_289] : memref<100000xf32, #tpu.memory_space<vmem>>[vector<16xi32>], vector<16xf32>,
      %parallel_loop3A_291 = arith.addf %parallel_loop3A_285, %parallel_loop3A_290 : vector<16xf32>
      %parallel_loop3A_292 = arith.constant 9216 : i32
      %parallel_loop3A_293 = arith.addi %parallel_loop3A_292, %parallel_loop3A_187 : i32
      %parallel_loop3A_294 = arith.index_cast %parallel_loop3A_293 : i32 to index
      %parallel_loop3A_295 = tpu.vector_load %arg7[%parallel_loop3A_294] {strides = array<i32>} : memref<10240xi32, #tpu.memory_space<vmem>>, vector<16xi32>,
      %parallel_loop3A_296 = tpu.vector_load_idx %arg5[%parallel_loop3A_295] : memref<100000xf32, #tpu.memory_space<vmem>>[vector<16xi32>], vector<16xf32>,
      %parallel_loop3A_297 = arith.addf %parallel_loop3A_291, %parallel_loop3A_296 : vector<16xf32>
      %parallel_loop3A_298 = arith.constant 9728 : i32
      %parallel_loop3A_299 = arith.addi %parallel_loop3A_298, %parallel_loop3A_187 : i32
      %parallel_loop3A_300 = arith.index_cast %parallel_loop3A_299 : i32 to index
      %parallel_loop3A_301 = tpu.vector_load %arg7[%parallel_loop3A_300] {strides = array<i32>} : memref<10240xi32, #tpu.memory_space<vmem>>, vector<16xi32>,
      %parallel_loop3A_302 = tpu.vector_load_idx %arg5[%parallel_loop3A_301] : memref<100000xf32, #tpu.memory_space<vmem>>[vector<16xi32>], vector<16xf32>,
      %parallel_loop3A_303 = arith.addf %parallel_loop3A_297, %parallel_loop3A_302 : vector<16xf32>
      %parallel_loop3A_304 = arith.addf %parallel_loop3A_216, %parallel_loop3A_245 : vector<16xf32>
      %parallel_loop3A_305 = arith.addf %parallel_loop3A_274, %parallel_loop3A_303 : vector<16xf32>
      %parallel_loop3A_306 = arith.addf %parallel_loop3A_304, %parallel_loop3A_305 : vector<16xf32>
      %parallel_loop3A_307 = arith.constant 512 : i32
      %parallel_loop3A_308 = arith.addi %parallel_loop3A_307, %parallel_loop3A_187 : i32
      %parallel_loop3A_309 = arith.index_cast %parallel_loop3A_308 : i32 to index
      %parallel_loop3A_310 = tpu.vector_load %arg8[%parallel_loop3A_309] {strides = array<i32>} : memref<4096xf32, #tpu.memory_space<vmem>>, vector<16xf32>,
      tpu.vector_store %arg8[%parallel_loop3A_309], %parallel_loop3A_306 {strides = array<i32>} : memref<4096xf32, #tpu.memory_space<vmem>>, vector<16xf32>,
    } {sc.loop_unroll_factor = 2 : i64, sc.parallel_access}
    %dma_wait3A_178 = arith.constant 0 : i32
    %dma_wait3A_179 = tpu.memref_slice %arg9[%dma_wait3A_178] : memref<81920xi32, #tpu.memory_space<vmem_shared>> -> memref<10240xi32, #tpu.memory_space<vmem_shared>>
    %dma_wait3A_180 = arith.constant 0 : i32
    %dma_wait3A_181 = tpu.memref_slice %arg9[%dma_wait3A_180] : memref<81920xi32, #tpu.memory_space<vmem_shared>> -> memref<10240xi32, #tpu.memory_space<vmem_shared>>
    tpu.wait_dma2 semaphore(%arg10 : memref<!tpu.dma_semaphore, #tpu.memory_space<semaphore_mem>>) src(%dma_wait3A_181 : memref<10240xi32, #tpu.memory_space<vmem_shared>>) dst(%arg6 : memref<10240xi32, #tpu.memory_space<vmem>>)
    %parallel_loop3A_182 = arith.constant 0 : i32
    %parallel_loop3A_183 = arith.constant 32 : i32
    %parallel_loop3A_184 = arith.constant 1 : i32
    scf.for %parallel_loop3A_185 = %parallel_loop3A_182 to %parallel_loop3A_183 step %parallel_loop3A_184  : i32 {
      %parallel_loop3A_186 = arith.constant 16 : i32
      %parallel_loop3A_187 = arith.muli %parallel_loop3A_185, %parallel_loop3A_186 : i32
      %parallel_loop3A_188 = arith.constant 0 : i32
      %parallel_loop3A_189 = arith.addi %parallel_loop3A_188, %parallel_loop3A_187 : i32
      %parallel_loop3A_190 = arith.index_cast %parallel_loop3A_189 : i32 to index
      %parallel_loop3A_191 = tpu.vector_load %arg6[%parallel_loop3A_190] {strides = array<i32>} : memref<10240xi32, #tpu.memory_space<vmem>>, vector<16xi32>,
      %parallel_loop3A_192 = tpu.vector_load_idx %arg5[%parallel_loop3A_191] : memref<100000xf32, #tpu.memory_space<vmem>>[vector<16xi32>], vector<16xf32>,
      %parallel_loop3A_193 = arith.constant 512 : i32
      %parallel_loop3A_194 = arith.addi %parallel_loop3A_193, %parallel_loop3A_187 : i32
      %parallel_loop3A_195 = arith.index_cast %parallel_loop3A_194 : i32 to index
      %parallel_loop3A_196 = tpu.vector_load %arg6[%parallel_loop3A_195] {strides = array<i32>} : memref<10240xi32, #tpu.memory_space<vmem>>, vector<16xi32>,
      %parallel_loop3A_197 = tpu.vector_load_idx %arg5[%parallel_loop3A_196] : memref<100000xf32, #tpu.memory_space<vmem>>[vector<16xi32>], vector<16xf32>,
      %parallel_loop3A_198 = arith.addf %parallel_loop3A_192, %parallel_loop3A_197 : vector<16xf32>
      %parallel_loop3A_199 = arith.constant 1024 : i32
      %parallel_loop3A_200 = arith.addi %parallel_loop3A_199, %parallel_loop3A_187 : i32
      %parallel_loop3A_201 = arith.index_cast %parallel_loop3A_200 : i32 to index
      %parallel_loop3A_202 = tpu.vector_load %arg6[%parallel_loop3A_201] {strides = array<i32>} : memref<10240xi32, #tpu.memory_space<vmem>>, vector<16xi32>,
      %parallel_loop3A_203 = tpu.vector_load_idx %arg5[%parallel_loop3A_202] : memref<100000xf32, #tpu.memory_space<vmem>>[vector<16xi32>], vector<16xf32>,
      %parallel_loop3A_204 = arith.addf %parallel_loop3A_198, %parallel_loop3A_203 : vector<16xf32>
      %parallel_loop3A_205 = arith.constant 1536 : i32
      %parallel_loop3A_206 = arith.addi %parallel_loop3A_205, %parallel_loop3A_187 : i32
      %parallel_loop3A_207 = arith.index_cast %parallel_loop3A_206 : i32 to index
      %parallel_loop3A_208 = tpu.vector_load %arg6[%parallel_loop3A_207] {strides = array<i32>} : memref<10240xi32, #tpu.memory_space<vmem>>, vector<16xi32>,
      %parallel_loop3A_209 = tpu.vector_load_idx %arg5[%parallel_loop3A_208] : memref<100000xf32, #tpu.memory_space<vmem>>[vector<16xi32>], vector<16xf32>,
      %parallel_loop3A_210 = arith.addf %parallel_loop3A_204, %parallel_loop3A_209 : vector<16xf32>
      %parallel_loop3A_211 = arith.constant 2048 : i32
      %parallel_loop3A_212 = arith.addi %parallel_loop3A_211, %parallel_loop3A_187 : i32
      %parallel_loop3A_213 = arith.index_cast %parallel_loop3A_212 : i32 to index
      %parallel_loop3A_214 = tpu.vector_load %arg6[%parallel_loop3A_213] {strides = array<i32>} : memref<10240xi32, #tpu.memory_space<vmem>>, vector<16xi32>,
      %parallel_loop3A_215 = tpu.vector_load_idx %arg5[%parallel_loop3A_214] : memref<100000xf32, #tpu.memory_space<vmem>>[vector<16xi32>], vector<16xf32>,
      %parallel_loop3A_216 = arith.addf %parallel_loop3A_210, %parallel_loop3A_215 : vector<16xf32>
      %parallel_loop3A_217 = arith.constant 2560 : i32
      %parallel_loop3A_218 = arith.addi %parallel_loop3A_217, %parallel_loop3A_187 : i32
      %parallel_loop3A_219 = arith.index_cast %parallel_loop3A_218 : i32 to index
      %parallel_loop3A_220 = tpu.vector_load %arg6[%parallel_loop3A_219] {strides = array<i32>} : memref<10240xi32, #tpu.memory_space<vmem>>, vector<16xi32>,
      %parallel_loop3A_221 = tpu.vector_load_idx %arg5[%parallel_loop3A_220] : memref<100000xf32, #tpu.memory_space<vmem>>[vector<16xi32>], vector<16xf32>,
      %parallel_loop3A_222 = arith.constant 3072 : i32
      %parallel_loop3A_223 = arith.addi %parallel_loop3A_222, %parallel_loop3A_187 : i32
      %parallel_loop3A_224 = arith.index_cast %parallel_loop3A_223 : i32 to index
      %parallel_loop3A_225 = tpu.vector_load %arg6[%parallel_loop3A_224] {strides = array<i32>} : memref<10240xi32, #tpu.memory_space<vmem>>, vector<16xi32>,
      %parallel_loop3A_226 = tpu.vector_load_idx %arg5[%parallel_loop3A_225] : memref<100000xf32, #tpu.memory_space<vmem>>[vector<16xi32>], vector<16xf32>,
      %parallel_loop3A_227 = arith.addf %parallel_loop3A_221, %parallel_loop3A_226 : vector<16xf32>
      %parallel_loop3A_228 = arith.constant 3584 : i32
      %parallel_loop3A_229 = arith.addi %parallel_loop3A_228, %parallel_loop3A_187 : i32
      %parallel_loop3A_230 = arith.index_cast %parallel_loop3A_229 : i32 to index
      %parallel_loop3A_231 = tpu.vector_load %arg6[%parallel_loop3A_230] {strides = array<i32>} : memref<10240xi32, #tpu.memory_space<vmem>>, vector<16xi32>,
      %parallel_loop3A_232 = tpu.vector_load_idx %arg5[%parallel_loop3A_231] : memref<100000xf32, #tpu.memory_space<vmem>>[vector<16xi32>], vector<16xf32>,
      %parallel_loop3A_233 = arith.addf %parallel_loop3A_227, %parallel_loop3A_232 : vector<16xf32>
      %parallel_loop3A_234 = arith.constant 4096 : i32
      %parallel_loop3A_235 = arith.addi %parallel_loop3A_234, %parallel_loop3A_187 : i32
      %parallel_loop3A_236 = arith.index_cast %parallel_loop3A_235 : i32 to index
      %parallel_loop3A_237 = tpu.vector_load %arg6[%parallel_loop3A_236] {strides = array<i32>} : memref<10240xi32, #tpu.memory_space<vmem>>, vector<16xi32>,
      %parallel_loop3A_238 = tpu.vector_load_idx %arg5[%parallel_loop3A_237] : memref<100000xf32, #tpu.memory_space<vmem>>[vector<16xi32>], vector<16xf32>,
      %parallel_loop3A_239 = arith.addf %parallel_loop3A_233, %parallel_loop3A_238 : vector<16xf32>
      %parallel_loop3A_240 = arith.constant 4608 : i32
      %parallel_loop3A_241 = arith.addi %parallel_loop3A_240, %parallel_loop3A_187 : i32
      %parallel_loop3A_242 = arith.index_cast %parallel_loop3A_241 : i32 to index
      %parallel_loop3A_243 = tpu.vector_load %arg6[%parallel_loop3A_242] {strides = array<i32>} : memref<10240xi32, #tpu.memory_space<vmem>>, vector<16xi32>,
      %parallel_loop3A_244 = tpu.vector_load_idx %arg5[%parallel_loop3A_243] : memref<100000xf32, #tpu.memory_space<vmem>>[vector<16xi32>], vector<16xf32>,
      %parallel_loop3A_245 = arith.addf %parallel_loop3A_239, %parallel_loop3A_244 : vector<16xf32>
      %parallel_loop3A_246 = arith.constant 5120 : i32
      %parallel_loop3A_247 = arith.addi %parallel_loop3A_246, %parallel_loop3A_187 : i32
      %parallel_loop3A_248 = arith.index_cast %parallel_loop3A_247 : i32 to index
      %parallel_loop3A_249 = tpu.vector_load %arg6[%parallel_loop3A_248] {strides = array<i32>} : memref<10240xi32, #tpu.memory_space<vmem>>, vector<16xi32>,
      %parallel_loop3A_250 = tpu.vector_load_idx %arg5[%parallel_loop3A_249] : memref<100000xf32, #tpu.memory_space<vmem>>[vector<16xi32>], vector<16xf32>,
      %parallel_loop3A_251 = arith.constant 5632 : i32
      %parallel_loop3A_252 = arith.addi %parallel_loop3A_251, %parallel_loop3A_187 : i32
      %parallel_loop3A_253 = arith.index_cast %parallel_loop3A_252 : i32 to index
      %parallel_loop3A_254 = tpu.vector_load %arg6[%parallel_loop3A_253] {strides = array<i32>} : memref<10240xi32, #tpu.memory_space<vmem>>, vector<16xi32>,
      %parallel_loop3A_255 = tpu.vector_load_idx %arg5[%parallel_loop3A_254] : memref<100000xf32, #tpu.memory_space<vmem>>[vector<16xi32>], vector<16xf32>,
      %parallel_loop3A_256 = arith.addf %parallel_loop3A_250, %parallel_loop3A_255 : vector<16xf32>
      %parallel_loop3A_257 = arith.constant 6144 : i32
      %parallel_loop3A_258 = arith.addi %parallel_loop3A_257, %parallel_loop3A_187 : i32
      %parallel_loop3A_259 = arith.index_cast %parallel_loop3A_258 : i32 to index
      %parallel_loop3A_260 = tpu.vector_load %arg6[%parallel_loop3A_259] {strides = array<i32>} : memref<10240xi32, #tpu.memory_space<vmem>>, vector<16xi32>,
      %parallel_loop3A_261 = tpu.vector_load_idx %arg5[%parallel_loop3A_260] : memref<100000xf32, #tpu.memory_space<vmem>>[vector<16xi32>], vector<16xf32>,
      %parallel_loop3A_262 = arith.addf %parallel_loop3A_256, %parallel_loop3A_261 : vector<16xf32>
      %parallel_loop3A_263 = arith.constant 6656 : i32
      %parallel_loop3A_264 = arith.addi %parallel_loop3A_263, %parallel_loop3A_187 : i32
      %parallel_loop3A_265 = arith.index_cast %parallel_loop3A_264 : i32 to index
      %parallel_loop3A_266 = tpu.vector_load %arg6[%parallel_loop3A_265] {strides = array<i32>} : memref<10240xi32, #tpu.memory_space<vmem>>, vector<16xi32>,
      %parallel_loop3A_267 = tpu.vector_load_idx %arg5[%parallel_loop3A_266] : memref<100000xf32, #tpu.memory_space<vmem>>[vector<16xi32>], vector<16xf32>,
      %parallel_loop3A_268 = arith.addf %parallel_loop3A_262, %parallel_loop3A_267 : vector<16xf32>
      %parallel_loop3A_269 = arith.constant 7168 : i32
      %parallel_loop3A_270 = arith.addi %parallel_loop3A_269, %parallel_loop3A_187 : i32
      %parallel_loop3A_271 = arith.index_cast %parallel_loop3A_270 : i32 to index
      %parallel_loop3A_272 = tpu.vector_load %arg6[%parallel_loop3A_271] {strides = array<i32>} : memref<10240xi32, #tpu.memory_space<vmem>>, vector<16xi32>,
      %parallel_loop3A_273 = tpu.vector_load_idx %arg5[%parallel_loop3A_272] : memref<100000xf32, #tpu.memory_space<vmem>>[vector<16xi32>], vector<16xf32>,
      %parallel_loop3A_274 = arith.addf %parallel_loop3A_268, %parallel_loop3A_273 : vector<16xf32>
      %parallel_loop3A_275 = arith.constant 7680 : i32
      %parallel_loop3A_276 = arith.addi %parallel_loop3A_275, %parallel_loop3A_187 : i32
      %parallel_loop3A_277 = arith.index_cast %parallel_loop3A_276 : i32 to index
      %parallel_loop3A_278 = tpu.vector_load %arg6[%parallel_loop3A_277] {strides = array<i32>} : memref<10240xi32, #tpu.memory_space<vmem>>, vector<16xi32>,
      %parallel_loop3A_279 = tpu.vector_load_idx %arg5[%parallel_loop3A_278] : memref<100000xf32, #tpu.memory_space<vmem>>[vector<16xi32>], vector<16xf32>,
      %parallel_loop3A_280 = arith.constant 8192 : i32
      %parallel_loop3A_281 = arith.addi %parallel_loop3A_280, %parallel_loop3A_187 : i32
      %parallel_loop3A_282 = arith.index_cast %parallel_loop3A_281 : i32 to index
      %parallel_loop3A_283 = tpu.vector_load %arg6[%parallel_loop3A_282] {strides = array<i32>} : memref<10240xi32, #tpu.memory_space<vmem>>, vector<16xi32>,
      %parallel_loop3A_284 = tpu.vector_load_idx %arg5[%parallel_loop3A_283] : memref<100000xf32, #tpu.memory_space<vmem>>[vector<16xi32>], vector<16xf32>,
      %parallel_loop3A_285 = arith.addf %parallel_loop3A_279, %parallel_loop3A_284 : vector<16xf32>
      %parallel_loop3A_286 = arith.constant 8704 : i32
      %parallel_loop3A_287 = arith.addi %parallel_loop3A_286, %parallel_loop3A_187 : i32
      %parallel_loop3A_288 = arith.index_cast %parallel_loop3A_287 : i32 to index
      %parallel_loop3A_289 = tpu.vector_load %arg6[%parallel_loop3A_288] {strides = array<i32>} : memref<10240xi32, #tpu.memory_space<vmem>>, vector<16xi32>,
      %parallel_loop3A_290 = tpu.vector_load_idx %arg5[%parallel_loop3A_289] : memref<100000xf32, #tpu.memory_space<vmem>>[vector<16xi32>], vector<16xf32>,
      %parallel_loop3A_291 = arith.addf %parallel_loop3A_285, %parallel_loop3A_290 : vector<16xf32>
      %parallel_loop3A_292 = arith.constant 9216 : i32
      %parallel_loop3A_293 = arith.addi %parallel_loop3A_292, %parallel_loop3A_187 : i32
      %parallel_loop3A_294 = arith.index_cast %parallel_loop3A_293 : i32 to index
      %parallel_loop3A_295 = tpu.vector_load %arg6[%parallel_loop3A_294] {strides = array<i32>} : memref<10240xi32, #tpu.memory_space<vmem>>, vector<16xi32>,
      %parallel_loop3A_296 = tpu.vector_load_idx %arg5[%parallel_loop3A_295] : memref<100000xf32, #tpu.memory_space<vmem>>[vector<16xi32>], vector<16xf32>,
      %parallel_loop3A_297 = arith.addf %parallel_loop3A_291, %parallel_loop3A_296 : vector<16xf32>
      %parallel_loop3A_298 = arith.constant 9728 : i32
      %parallel_loop3A_299 = arith.addi %parallel_loop3A_298, %parallel_loop3A_187 : i32
      %parallel_loop3A_300 = arith.index_cast %parallel_loop3A_299 : i32 to index
      %parallel_loop3A_301 = tpu.vector_load %arg6[%parallel_loop3A_300] {strides = array<i32>} : memref<10240xi32, #tpu.memory_space<vmem>>, vector<16xi32>,
      %parallel_loop3A_302 = tpu.vector_load_idx %arg5[%parallel_loop3A_301] : memref<100000xf32, #tpu.memory_space<vmem>>[vector<16xi32>], vector<16xf32>,
      %parallel_loop3A_303 = arith.addf %parallel_loop3A_297, %parallel_loop3A_302 : vector<16xf32>
      %parallel_loop3A_304 = arith.addf %parallel_loop3A_216, %parallel_loop3A_245 : vector<16xf32>
      %parallel_loop3A_305 = arith.addf %parallel_loop3A_274, %parallel_loop3A_303 : vector<16xf32>
      %parallel_loop3A_306 = arith.addf %parallel_loop3A_304, %parallel_loop3A_305 : vector<16xf32>
      %parallel_loop3A_307 = arith.constant 0 : i32
      %parallel_loop3A_308 = arith.addi %parallel_loop3A_307, %parallel_loop3A_187 : i32
      %parallel_loop3A_309 = arith.index_cast %parallel_loop3A_308 : i32 to index
      %parallel_loop3A_310 = tpu.vector_load %arg8[%parallel_loop3A_309] {strides = array<i32>} : memref<4096xf32, #tpu.memory_space<vmem>>, vector<16xf32>,
      tpu.vector_store %arg8[%parallel_loop3A_309], %parallel_loop3A_306 {strides = array<i32>} : memref<4096xf32, #tpu.memory_space<vmem>>, vector<16xf32>,
    } {sc.loop_unroll_factor = 2 : i64, sc.parallel_access}
    "tpu.region"() ({
      %run_scoped3A = tpu.sem_alloc : memref<!tpu.dma_semaphore, #tpu.memory_space<semaphore_mem>>
      %dma_start3A_185 = arith.constant 0 : i32
      %dma_start3A_186 = tpu.memref_slice %arg4[%add3A_112, %dma_start3A_185] : memref<64x4096xf32, #tpu.memory_space<hbm>> -> memref<1x4096xf32, #tpu.memory_space<hbm>>
      %dma_start3A_187 = tpu.memref_squeeze %dma_start3A_186 : memref<1x4096xf32, #tpu.memory_space<hbm>> -> memref<4096xf32, #tpu.memory_space<hbm>>
      %dma_start3A_188 = arith.constant 0 : i32
      %dma_start3A_189 = tpu.memref_slice %arg4[%add3A_112, %dma_start3A_188] : memref<64x4096xf32, #tpu.memory_space<hbm>> -> memref<1x4096xf32, #tpu.memory_space<hbm>>
      %dma_start3A_190 = tpu.memref_squeeze %dma_start3A_189 : memref<1x4096xf32, #tpu.memory_space<hbm>> -> memref<4096xf32, #tpu.memory_space<hbm>>
      tpu.enqueue_dma source(%arg8 : memref<4096xf32, #tpu.memory_space<vmem>>) target(%dma_start3A_190 : memref<4096xf32, #tpu.memory_space<hbm>>) target_semaphore(%run_scoped3A : memref<!tpu.dma_semaphore, #tpu.memory_space<semaphore_mem>>)
      %dma_wait3A_191 = arith.constant 0 : i32
      %dma_wait3A_192 = tpu.memref_slice %arg4[%add3A_112, %dma_wait3A_191] : memref<64x4096xf32, #tpu.memory_space<hbm>> -> memref<1x4096xf32, #tpu.memory_space<hbm>>
      %dma_wait3A_193 = tpu.memref_squeeze %dma_wait3A_192 : memref<1x4096xf32, #tpu.memory_space<hbm>> -> memref<4096xf32, #tpu.memory_space<hbm>>
      %dma_wait3A_194 = arith.constant 0 : i32
      %dma_wait3A_195 = tpu.memref_slice %arg4[%add3A_112, %dma_wait3A_194] : memref<64x4096xf32, #tpu.memory_space<hbm>> -> memref<1x4096xf32, #tpu.memory_space<hbm>>
      %dma_wait3A_196 = tpu.memref_squeeze %dma_wait3A_195 : memref<1x4096xf32, #tpu.memory_space<hbm>> -> memref<4096xf32, #tpu.memory_space<hbm>>
      tpu.wait_dma2 semaphore(%run_scoped3A : memref<!tpu.dma_semaphore, #tpu.memory_space<semaphore_mem>>) src(%arg8 : memref<4096xf32, #tpu.memory_space<vmem>>) dst(%dma_wait3A_196 : memref<4096xf32, #tpu.memory_space<hbm>>)
      tpu.yield
    }) : () -> ()
    return
  }
}

</mosaic_0001>

<sc_bundles>
// kernel: _bag.3.cloned.1.call-start
scs
__scs_entry_jumppad:
0x0: {  	(pc) =	sbr.rel $0x88, $3  }
0x1: {  	(tag) =	ssettag $0x0;
	lr =	simm.s32 $0x1  }
0x2: {  	[smem:$0x3F9F] =	sst lr;
	_ =	strace $0xD0000000  }
0x3: {  	_ = 	snop  }
0x4: {  	_ = 	snop  }
0x5: {  	_ = 	snop  }
0x6: {  	_ = 	snop  }
0x7: {  	_ = 	snop  }
__scs_overlays_trampoline_lowered:
0x8: {  	[smem:$0x3FAE] =	sst s0  }
0x9: {  	[smem:$0x3FAF] =	sst s1  }
0xa: {  	[smem:$0x3FB0] =	sst s2  }
0xb: {  	[smem:$0x3FB1] =	sst s3  }
0xc: {  	[smem:$0x3FB2] =	sst s4  }
0xd: {  	[smem:$0x3FB3] =	sst s5  }
0xe: {  	[smem:$0x3FB4] =	sst s6  }
0xf: {  	[smem:$0x3FB5] =	sst s7  }
0x10: {  	[smem:$0x3FB6] =	sst s8  }
0x11: {  	[smem:$0x3FB7] =	sst s9;
	s0 =	simm.s32 @!p0 $0x0  }
0x12: {  	s1 =	sld [smem:$0x3F9D];
	s0 =	simm.s32 @p0 $0x1  }
0x13: {  	[smem:$0x3FB8] =	sst s0;
	s0 =	simm.s32 @!p1 $0x0  }
0x14: {  	s2 =	sld [smem:$0x3F9C];
	s0 =	simm.s32 @p1 $0x1  }
0x15: {  	[smem:$0x3FB9] =	sst s0;
	s0 =	simm.s32 @!p2 $0x0  }
0x16: {  	s3 =	sld [smem:$0x3FDB];
	s0 =	simm.s32 @p2 $0x1  }
0x17: {  	s4 =	simm.s32 $0x1BF5;
	[smem:$0x3FBB] =	sst s0  }
0x18: {  	s0 =	sld [smem:$0x3F9E];
	_ =	swait.ge [sflag:s4], $0x0  }
0x19: {  	s7 =	sld [smem:$0x3F9F]  }
0x1a: {  	s8 =	sadd.s32 $0xFFFFE003, lr  }
0x1b: {  	s9 =	sadd.s32 $0xFFFFFEF7, lr;
	s5 =	simm.s32 $0xFFFFFFFF;
	p2 =	slt.u32 s8, $0xFFFFF086  }
0x1c: {  	p1 =	slt.u32 s9, $0xF7A;
	s5 =	simm.s32 @!p2 $0x0  }
0x1d: {  	s5 =	simm.s32 @p1 $0x1;
	p0 =	seq.s32 s7, s2  }
0x1e: {  	s7 =	smul.u32 @!p0 $0xF7A, s2;
	p2 =	seq.s32 @!p0 s5, $0x0  }
0x1f: {  	s9 =	smul.u32 $0xF7A, s1;
	s8 =	simm.s32 @!p0 $0x1BF5;
	p2 =	por !p2, p0  }
0x20: {  	[sflag:s8] =	ssyncset.s32 @!p0 $0xFFFFF086;
	s6 =	sadd.s32 @!p0 s3, s7;
	s7 =	simm.s32 @!p0 $0x108  }
0x21: {  	s3 =	sadd.s32 s3, s9;
	s6 =	sadd.s32 @!p0 $0x88, s6;
	s7 =	simm.s32 @p2 $0x1082  }
0x22: {  	[simem:s7], [sflag:s8] =	dma.local @!p0 [hbm:s6], $0xF7A  }
0x23: {  	s9 =	sor.u32 $0xD0000000, s2;
	s6 =	simm.s32 $0x108;
	_ =	swait.ge @!p0 [sflag:s8], $0x0  }
0x24: {  	s3 =	sadd.s32 $0x88, s3;
	s6 =	simm.s32 @!p1 $0x1082;
	[sflag:s4] =	ssyncset.s32 $0xFFFFF086  }
0x25: {  	[simem:s6], [sflag:s4] =	dma.local [hbm:s3], $0xF7A  }
0x26: {  	[smem:$0x3F9F] =	sst s1;
	(tag) =	ssettag s2;
	_ =	strace s9  }
0x27: {  	s1 =	sld [smem:$0x3FAF]  }
0x28: {  	s2 =	sld [smem:$0x3FB0]  }
0x29: {  	s4 =	sld [smem:$0x3FB2]  }
0x2a: {  	p0 =	seq.s32 s5, $0x0;
	s5 =	sld [smem:$0x3FB3]  }
0x2b: {  	s6 =	sld [smem:$0x3FB4]  }
0x2c: {  	s7 =	sld [smem:$0x3FB5]  }
0x2d: {  	s3 =	simm.s32 $0x108;
	s8 =	sld [smem:$0x3FB6]  }
0x2e: {  	s3 =	simm.s32 @!p0 $0x1082;
	s9 =	sld [smem:$0x3FB7]  }
0x2f: {  	lr =	sadd.s32 s0, s3;
	s0 =	sld [smem:$0x3FAE]  }
0x30: {  	s3 =	sld [smem:$0x3FB1]  }
0x31: {  	[smem:$0x3FBA] =	sst s10  }
0x32: {  	s10 =	sld [smem:$0x3FB8];
	_ =	sdelay $0x3  }
0x33: {  	p0 =	seq.s32 s10, $0x1;
	s10 =	sld [smem:$0x3FBA];
	_ =	sdelay $0x3  }
0x34: {  	[smem:$0x3FBA] =	sst s10  }
0x35: {  	s10 =	sld [smem:$0x3FB9];
	_ =	sdelay $0x3  }
0x36: {  	p1 =	seq.s32 s10, $0x1;
	s10 =	sld [smem:$0x3FBA];
	_ =	sdelay $0x3  }
0x37: {  	[smem:$0x3FBA] =	sst s10  }
0x38: {  	s10 =	sld [smem:$0x3FBB]  }
0x39: {  	_ = 	snop;
	(pc) =	sbr.ind lr, $3  }
0x3a: {  	_ = 	snop  }
0x3b: {  	_ = 	snop  }
0x3c: {  	p2 =	seq.s32 s10, $0x1;
	s10 =	sld [smem:$0x3FBA]  }
0x3d: {  	_ =	shalt  }
0x3e: {  	_ =	shalt  }
0x3f: {  	_ =	shalt  }
0x40: {  	_ =	shalt  }
0x41: {  	_ =	shalt  }
0x42: {  	_ =	shalt  }
0x43: {  	_ =	shalt  }
0x44: {  	_ =	shalt  }
0x45: {  	_ =	shalt  }
0x46: {  	_ =	shalt  }
0x47: {  	_ =	shalt  }
0x48: {  	_ =	shalt  }
0x49: {  	_ =	shalt  }
0x4a: {  	_ =	shalt  }
0x4b: {  	_ =	shalt  }
0x4c: {  	_ =	shalt  }
0x4d: {  	_ =	shalt  }
0x4e: {  	_ =	shalt  }
0x4f: {  	_ =	shalt  }
0x50: {  	_ =	shalt  }
0x51: {  	_ =	shalt  }
0x52: {  	_ =	shalt  }
0x53: {  	_ =	shalt  }
0x54: {  	_ =	shalt  }
0x55: {  	_ =	shalt  }
0x56: {  	_ =	shalt  }
0x57: {  	_ =	shalt  }
0x58: {  	_ =	shalt  }
0x59: {  	_ =	shalt  }
0x5a: {  	_ =	shalt  }
0x5b: {  	_ =	shalt  }
0x5c: {  	_ =	shalt  }
0x5d: {  	_ =	shalt  }
0x5e: {  	_ =	shalt  }
0x5f: {  	_ =	shalt  }
0x60: {  	_ =	shalt  }
0x61: {  	_ =	shalt  }
0x62: {  	_ =	shalt  }
0x63: {  	_ =	shalt  }
0x64: {  	_ =	shalt  }
0x65: {  	_ =	shalt  }
0x66: {  	_ =	shalt  }
0x67: {  	_ =	shalt  }
0x68: {  	_ =	shalt  }
0x69: {  	_ =	shalt  }
0x6a: {  	_ =	shalt  }
0x6b: {  	_ =	shalt  }
0x6c: {  	_ =	shalt  }
0x6d: {  	_ =	shalt  }
0x6e: {  	_ =	shalt  }
0x6f: {  	_ =	shalt  }
0x70: {  	_ =	shalt  }
0x71: {  	_ =	shalt  }
0x72: {  	_ =	shalt  }
0x73: {  	_ =	shalt  }
0x74: {  	_ =	shalt  }
0x75: {  	_ =	shalt  }
0x76: {  	_ =	shalt  }
0x77: {  	_ =	shalt  }
0x78: {  	_ =	shalt  }
0x79: {  	_ =	shalt  }
0x7a: {  	_ =	shalt  }
0x7b: {  	_ =	shalt  }
0x7c: {  	_ =	shalt  }
0x7d: {  	_ =	shalt  }
0x7e: {  	_ =	shalt  }
0x7f: {  	_ =	shalt  }
0x80: {  	_ =	shalt  }
0x81: {  	_ =	shalt  }
0x82: {  	_ =	shalt  }
0x83: {  	_ =	shalt  }
0x84: {  	_ =	shalt  }
0x85: {  	_ =	shalt  }
0x86: {  	_ =	shalt  }
0x87: {  	_ =	shalt  }
.Lfunc_end0:
.L_simem_size_0:
called_computation_lowered:
.L_overlay_start_0:
0x88: {  	s2 =	sld [smem:$0x3FD9]  }
0x89: {  	s3 =	sld [smem:$0x3FFE];
	_ =	sdelay $0x1  }
0x8a: {  	s1 =	srdreg.scid  }
0x8b: {  	s0 =	sand.u32 $0x1, s1  }
0x8c: {  	s18 =	sshll.u32 s0, $0xA;
	s2 =	sadd.s32 s3, s2  }
0x8d: {  	s2 =	sadd.s32 s2, s18  }
0x8e: {  	[smem:$0x3FC6] =	sst s2  }
0x8f: {  	_ = 	snop  }
0x90: {  	s2 =	sld [smem:$0x3FC9]  }
0x91: {  	s19 =	sld [smem:$0x3FC8]  }
0x92: {  	s4 =	sld [smem:$0x3FD0];
	(tm) =	ssettm $0x1  }
0x93: {  	s5 =	sld [smem:$0x3FFB];
	_ =	sdelay $0x3  }
0x94: {  	_ =	strace s5  }
0x95: {  	s5 =	sld [smem:$0x3FFC];
	_ =	sdelay $0x3  }
0x96: {  	_ =	strace s5  }
0x97: {  	s5 =	sld [smem:$0x3FFD];
	_ =	sdelay $0x3  }
0x98: {  	_ =	strace s5  }
0x99: {  	_ =	strace $0x8FFFFFFF  }
0x9a: {  	s20 =	sld [smem:$0x3FDB];
	_ =	sdelay $0x1  }
0x9b: {  	s6 =	simm.s32 $_scs_section_size  }
0x9c: {  	s7 =	simm.s32 $_size__tile_overlayer_lowered;
	s8 =	simm.s32 $_tile_overlayer_lowered  }
0x9d: {  	s23 =	simm.s32 $0x1BFF;
	s22 =	sshll.u32 s8, $0x1;
	s5 =	sadd.s32 s6, s20  }
0x9e: {  	s9 =	simm.s32 $0x0;
	s21 =	sshll.u32 s7, $0x1;
	s7 =	sadd.s32 s22, s5  }
0x9f: {  	[timem:s9], [sflag:s23] =	dma.local [hbm:s7], s21  }
0xa0: {  	_ =	swait.ge [sflag:s23], s21  }
0xa1: {  	s6 =	ssub.s32 $0x0, s21;
	[sflag:s23] =	ssyncset.done $0x0  }
0xa2: {  	[sflag:s23] =	ssyncadd.s32 s6;
	_ =	sdelay $0x1  }
0xa3: {  	s24 =	simm.s32 $0x1B8B  }
0xa4: {  	_ =	swait.ge [sflag:s24], $0x1  }
0xa5: {  	[sflag:s24] =	ssyncset.done $0x0  }
0xa6: {  	s25 =	simm.s32 $0x1B8E;
	[sflag:s24] =	ssyncadd.s32 $0xFFFFFFFF  }
0xa7: {  	s26 =	simm.s32 $execute0_lowered;
	[smem:$0x3FD2] =	sst s25  }
0xa8: {  	s6 =	sshll.u32 s26, $0x1;
	_ =	strace $0x80000046;
	[dreg:$0x1] =	wrdreg $0xFFFFFFFF  }
0xa9: {  	s28 =	simm.s32 $_size_execute0_lowered;
	s5 =	sadd.s32 s5, s6;
	[dreg:$0x0] =	wrdreg $0x0  }
0xaa: {  	s6 =	sshll.u32 s28, $0x1;
	[dreg:$0x2] =	wrdreg s5  }
0xab: {  	[dreg:$0x3] =	wrdreg s6  }
0xac: {  	[dreg:$0x4] =	wrdreg $0xC0  }
0xad: {  	_ =	task [dreg:s9], $0x5FFFF  }
0xae: {  	[dreg:$0x1] =	wrdreg $0xFFFFFFFF  }
0xaf: {  	[dreg:$0x0] =	wrdreg $0x60  }
0xb0: {  	[dreg:$0x2] =	wrdreg s2  }
0xb1: {  	[dreg:$0x3] =	wrdreg s19  }
0xb2: {  	[dreg:$0x4] =	wrdreg s4  }
0xb3: {  	[dreg:$0x5] =	wrdreg $0x1E7000  }
0xb4: {  	[dreg:$0x6] =	wrdreg $0x9  }
0xb5: {  	_ =	task.clear_ibuf [dreg:s9], $0x7FFFF;
	_ =	strace $0x90000046  }
0xb6: {  	s29 =	simm.s32 $0x9;
	_ =	strace $0x80000048  }
0xb7: {  	_ =	swait.ge [sflag:s29], $0x1  }
0xb8: {  	[sflag:s29] =	ssyncadd.s32 $0xFFFFFFFF  }
0xb9: {  	_ =	strace $0x90000048  }
0xba: {  	_ =	sfence  }
0xbb: {  	s30 =	sld [smem:$0x0];
	_ =	sdelay $0x2  }
0xbc: {  	s31 =	sshll.u32 s1, $0xD;
	s1 =	sshrl.u32 s1, $0x2  }
0xbd: {  	s3 =	sand.u32 $0x4000, s31;
	s1 =	sadd.s32 s1, s30  }
0xbe: {  	s0 =	sor.u32 s3, s0;
	s1 =	sshll.u32 s1, $0x11  }
0xbf: {  	s0 =	sor.u32 s1, s0  }
0xc0: {  	s0 =	sadd.s32 $0x8F2B, s0  }
0xc1: {  	[sflag:s0] =	ssyncadd.remote.s32 $0x1  }
0xc2: {  	_ =	sfence.sel $0xFFFF  }
0xc3: {  	[dreg:$0x0] =	wrdreg $0xFFFFFFFF;
	(pc) =	sbr.abs _section_cstart, $3  }
0xc4: {  	[dreg:$0x1] =	wrdreg $0xFFFFFFFF  }
0xc5: {  	_ =	task.clear_ibuf [dreg:s9], $0x2FFFF;
	_ =	strace $0x9FFFFFFF  }
0xc6: {  	(tm) =	ssettm $0x7FFFFFFF  }
0xc7: {  	_ =	shalt  }
tec
execute0_lowered:
.L_overlay_start_1:
0x0: {  	(tag) =	ssettag $0x1  }
0x1: {  	s0 =	rddreg [dreg:$0x0]  }
0x2: {  	s15 =	rddreg [dreg:$0x1]  }
0x3: {  	s16 =	rddreg [dreg:$0x2]  }
0x4: {  	s2 =	rddreg [dreg:$0x3];
	s3 =	simm.s32 $0x0;
	s4 =	srdreg.scid  }
0x5: {  	s1 =	stileid.u32;
	s21 =	simm.s32 $0x2;
	s22 =	simm.s32 $0x1AF00  }
0x6: {  	s23 =	simm.s32 $0x1;
	s24 =	simm.s32 $0x1D700;
	s25 =	simm.s32 $0x0  }
0x7: {  	s4 =	sand.u32 $0x1, s4;
	s5 =	sshll.u32 s1, $0x9;
	s13 =	sshrl.u32 s1, $0x1  }
0x8: {  	[smem:$0x7FF] =	sst s3;
	s28 =	smul.u32 $0x2800, s1;
	s8 =	sadd.s32 $0x5000, s2  }
0x9: {  	s9 =	sadd.s32 $0x7800, s2;
	s10 =	sadd.s32 $0xA000, s2;
	s11 =	sadd.s32 $0xC800, s2  }
0xa: {  	s12 =	sadd.s32 $0xF000, s2;
	p0 =	sgt.u32 s1, $0x7;
	s6 =	sshll.u32 s4, $0x8  }
0xb: {  	s5 =	sand.u32 $0x200, s5;
	s14 =	smul.u32 $0xC3800, s13;
	s4 =	ssub.s32 $0x2, s4  }
0xc: {  	_ =	strace $0x80000047;
	s30 =	sshll.u32 s13, $0xF;
	s13 =	sadd.s32 $0x11800, s2  }
0xd: {  	s17 =	sor.u32 s6, s5;
	s7 =	sshrl.u32 s4, $0x1;
	s29 =	sshrl.u32 s28, $0x3  }
0xe: {  	s6 =	sadd.s32 s28, s2;
	s5 =	sor.u32 s14, s17;
	s18 =	ssub.s32 s4, s7  }
0xf: {  	s7 =	sadd.s32 $0x2800, s2;
	s19 =	sor.u32 s30, s17;
	s17 =	sor.u32 $0x80, s17  }
0x10: {  	s5 =	sshrl.u32 s5, $0x3;
	s19 =	sshrl.u32 s19, $0x3;
	s20 =	sor.u32 s14, s17  }
0x11: {  	s4 =	sadd.s32 s15, s5;
	s5 =	sadd.s32 s0, s29;
	s0 =	sor.u32 s30, s17  }
0x12: {  	v0 =	vlaneseq.u32;
	s14 =	sadd.s32 s16, s19;
	s31 =	sshrl.u32 s20, $0x3;
	s17 =	smax.u32 s18, $0x1  }
0x13: {  	v0 =	vmul.u32 $0x14, v0;
	s18 =	simm.s32 $0x80;
	s19 =	simm.s32 $0x400;
	s0 =	sshrl.u32 s0, $0x3  }
0x14: {  	s20 =	simm.s32 $0x18700;
	s15 =	sadd.s32 s15, s31;
	s16 =	sadd.s32 s16, s0  }
.LBB2_1:
.Ltmp0:
0x15: {  	(pc) =	sbr.rel @p0 .LBB2_5-.Ltmp0, $2  }
0x16: {  	_ =	sdelay $0x2  }
0x17: {  	[tilespmem:s3], [sflag:$0x1] =	stream.strided.gather [hbm4b:s4+s18], $0x18700, s19, s18, $0x38;
	[tilespmem:$0x1FB00] =	vst v63  }
0x18: {  	s0 =	simm.s32 $0x0  }
0x19: {  	s26 =	simm.s32 $0x0;
	v1 =	vadd.s32 s0, v0  }
0x1a: {  	[tilespmem:s20], [sflag:$0x2] =	stream.linear.gather [hbm4b:s5+s26], $0x2800, $0x38;
	[tilespmem:$0x1FB00] =	vst v63  }
0x1b: {  	_ =	swait.ge [sflag:s21], $0x2800  }
0x1c: {  	[sflag:s21] =	ssyncset.done $0x0  }
0x1d: {  	[sflag:s21] =	ssyncadd.s32 $0xFFFFD800  }
0x1e: {  	s0 =	simm.s32 $0x1;
	v1 =	vld.idx.msk [tilespmem:v1+s20+$0x0], $0xffff  }
0x1f: {  	v2 =	vadd.s32 s0, v0;
	_ =	sdelay $0x2  }
0x20: {  	s28 =	simm.s32 $0x1AF00  }
0x21: {  	[tilespmem:s28+$0x0] =	vst v1  }
0x22: {  	s0 =	simm.s32 $0x2;
	v1 =	vld.idx.msk [tilespmem:v2+s20+$0x0], $0xffff  }
0x23: {  	v2 =	vadd.s32 s0, v0;
	_ =	sdelay $0x2  }
0x24: {  	s30 =	sand.u32 $0x1F0, s26  }
0x25: {  	[tilespmem:s30+$0x1B100] =	vst v1  }
0x26: {  	s0 =	simm.s32 $0x3;
	v1 =	vld.idx.msk [tilespmem:v2+s20+$0x0], $0xffff  }
0x27: {  	v2 =	vadd.s32 s0, v0;
	_ =	sdelay $0x3  }
0x28: {  	[tilespmem:s30+$0x1B300] =	vst v1  }
0x29: {  	s0 =	simm.s32 $0x4;
	v1 =	vld.idx.msk [tilespmem:v2+s20+$0x0], $0xffff  }
0x2a: {  	v2 =	vadd.s32 s0, v0;
	_ =	sdelay $0x3  }
0x2b: {  	[tilespmem:s30+$0x1B500] =	vst v1  }
0x2c: {  	s0 =	simm.s32 $0x5;
	v1 =	vld.idx.msk [tilespmem:v2+s20+$0x0], $0xffff  }
0x2d: {  	v2 =	vadd.s32 s0, v0;
	_ =	sdelay $0x3  }
0x2e: {  	[tilespmem:s30+$0x1B700] =	vst v1  }
0x2f: {  	s0 =	simm.s32 $0x6;
	v1 =	vld.idx.msk [tilespmem:v2+s20+$0x0], $0xffff  }
0x30: {  	v2 =	vadd.s32 s0, v0;
	_ =	sdelay $0x3  }
0x31: {  	[tilespmem:s30+$0x1B900] =	vst v1  }
0x32: {  	s0 =	simm.s32 $0x7;
	v1 =	vld.idx.msk [tilespmem:v2+s20+$0x0], $0xffff  }
0x33: {  	v2 =	vadd.s32 s0, v0;
	_ =	sdelay $0x3  }
0x34: {  	[tilespmem:s30+$0x1BB00] =	vst v1  }
0x35: {  	s0 =	simm.s32 $0x8;
	v1 =	vld.idx.msk [tilespmem:v2+s20+$0x0], $0xffff  }
0x36: {  	v2 =	vadd.s32 s0, v0;
	_ =	sdelay $0x3  }
0x37: {  	[tilespmem:s30+$0x1BD00] =	vst v1  }
0x38: {  	s0 =	simm.s32 $0x9;
	v1 =	vld.idx.msk [tilespmem:v2+s20+$0x0], $0xffff  }
0x39: {  	v2 =	vadd.s32 s0, v0;
	_ =	sdelay $0x3  }
0x3a: {  	[tilespmem:s30+$0x1BF00] =	vst v1  }
0x3b: {  	s0 =	simm.s32 $0xA;
	v1 =	vld.idx.msk [tilespmem:v2+s20+$0x0], $0xffff  }
0x3c: {  	v2 =	vadd.s32 s0, v0;
	_ =	sdelay $0x3  }
0x3d: {  	[tilespmem:s30+$0x1C100] =	vst v1  }
0x3e: {  	s0 =	simm.s32 $0xB;
	v1 =	vld.idx.msk [tilespmem:v2+s20+$0x0], $0xffff  }
0x3f: {  	v2 =	vadd.s32 s0, v0;
	_ =	sdelay $0x3  }
0x40: {  	[tilespmem:s30+$0x1C300] =	vst v1  }
0x41: {  	s0 =	simm.s32 $0xC;
	v1 =	vld.idx.msk [tilespmem:v2+s20+$0x0], $0xffff  }
0x42: {  	v2 =	vadd.s32 s0, v0;
	_ =	sdelay $0x3  }
0x43: {  	[tilespmem:s30+$0x1C500] =	vst v1  }
0x44: {  	s0 =	simm.s32 $0xD;
	v1 =	vld.idx.msk [tilespmem:v2+s20+$0x0], $0xffff  }
0x45: {  	v2 =	vadd.s32 s0, v0;
	_ =	sdelay $0x3  }
0x46: {  	[tilespmem:s30+$0x1C700] =	vst v1  }
0x47: {  	s0 =	simm.s32 $0xE;
	v1 =	vld.idx.msk [tilespmem:v2+s20+$0x0], $0xffff  }
0x48: {  	v2 =	vadd.s32 s0, v0;
	_ =	sdelay $0x3  }
0x49: {  	[tilespmem:s30+$0x1C900] =	vst v1  }
0x4a: {  	s0 =	simm.s32 $0xF;
	v1 =	vld.idx.msk [tilespmem:v2+s20+$0x0], $0xffff  }
0x4b: {  	v2 =	vadd.s32 s0, v0;
	_ =	sdelay $0x3  }
0x4c: {  	[tilespmem:s30+$0x1CB00] =	vst v1  }
0x4d: {  	s0 =	simm.s32 $0x10;
	v1 =	vld.idx.msk [tilespmem:v2+s20+$0x0], $0xffff  }
0x4e: {  	v2 =	vadd.s32 s0, v0;
	_ =	sdelay $0x3  }
0x4f: {  	[tilespmem:s30+$0x1CD00] =	vst v1  }
0x50: {  	s0 =	simm.s32 $0x11;
	v1 =	vld.idx.msk [tilespmem:v2+s20+$0x0], $0xffff  }
0x51: {  	v2 =	vadd.s32 s0, v0;
	_ =	sdelay $0x3  }
0x52: {  	[tilespmem:s30+$0x1CF00] =	vst v1  }
0x53: {  	s0 =	simm.s32 $0x12;
	v1 =	vld.idx.msk [tilespmem:v2+s20+$0x0], $0xffff  }
0x54: {  	v2 =	vadd.s32 s0, v0;
	_ =	sdelay $0x3  }
0x55: {  	[tilespmem:s30+$0x1D100] =	vst v1  }
0x56: {  	s0 =	simm.s32 $0x13;
	v1 =	vld.idx.msk [tilespmem:v2+s20+$0x0], $0xffff  }
0x57: {  	v2 =	vadd.s32 s0, v0;
	_ =	sdelay $0x3  }
0x58: {  	[tilespmem:s30+$0x1D300] =	vst v1  }
0x59: {  	s29 =	simm.s32 $0x153;
	s31 =	simm.s32 $0x293;
	s0 =	simm.s32 $0x140;
	v1 =	vld.idx.msk [tilespmem:v2+s20+$0x0], $0xffff  }
.LBB2_3:
0x5a: {  	p1 =	sne.s32 s31, $0x26D3;
	v2 =	vadd.s32 s0, v0;
	_ =	sdelay $0x3  }
0x5b: {  	[tilespmem:s30+$0x1D500] =	vst v1  }
0x5c: {  	v1 =	vld.idx.msk [tilespmem:v2+s20+$0x0], $0xffff  }
0x5d: {  	s0 =	sadd.s32 $0xFFFFFFEE, s29  }
0x5e: {  	v2 =	vadd.s32 s0, v0;
	_ =	sdelay $0x2  }
0x5f: {  	s28 =	sadd.s32 $0x10, s28  }
0x60: {  	[tilespmem:s28+$0x0] =	vst v1  }
0x61: {  	v1 =	vld.idx.msk [tilespmem:v2+s20+$0x0], $0xffff  }
0x62: {  	s0 =	sadd.s32 $0xFFFFFFEF, s29  }
0x63: {  	v2 =	vadd.s32 s0, v0;
	_ =	sdelay $0x1  }
0x64: {  	s26 =	sadd.s32 $0x10, s26  }
0x65: {  	s30 =	sand.u32 $0x1F0, s26  }
0x66: {  	[tilespmem:s30+$0x1B100] =	vst v1  }
0x67: {  	v1 =	vld.idx.msk [tilespmem:v2+s20+$0x0], $0xffff  }
0x68: {  	s0 =	sadd.s32 $0xFFFFFFF0, s29  }
0x69: {  	v2 =	vadd.s32 s0, v0;
	_ =	sdelay $0x3  }
0x6a: {  	[tilespmem:s30+$0x1B300] =	vst v1  }
0x6b: {  	v1 =	vld.idx.msk [tilespmem:v2+s20+$0x0], $0xffff  }
0x6c: {  	s0 =	sadd.s32 $0xFFFFFFF1, s29  }
0x6d: {  	v2 =	vadd.s32 s0, v0;
	_ =	sdelay $0x3  }
0x6e: {  	[tilespmem:s30+$0x1B500] =	vst v1  }
0x6f: {  	v1 =	vld.idx.msk [tilespmem:v2+s20+$0x0], $0xffff  }
0x70: {  	s0 =	sadd.s32 $0xFFFFFFF2, s29  }
0x71: {  	v2 =	vadd.s32 s0, v0;
	_ =	sdelay $0x3  }
0x72: {  	[tilespmem:s30+$0x1B700] =	vst v1  }
0x73: {  	v1 =	vld.idx.msk [tilespmem:v2+s20+$0x0], $0xffff  }
0x74: {  	s0 =	sadd.s32 $0xFFFFFFF3, s29  }
0x75: {  	v2 =	vadd.s32 s0, v0;
	_ =	sdelay $0x3  }
0x76: {  	[tilespmem:s30+$0x1B900] =	vst v1  }
0x77: {  	v1 =	vld.idx.msk [tilespmem:v2+s20+$0x0], $0xffff  }
0x78: {  	s0 =	sadd.s32 $0xFFFFFFF4, s29  }
0x79: {  	v2 =	vadd.s32 s0, v0;
	_ =	sdelay $0x3  }
0x7a: {  	[tilespmem:s30+$0x1BB00] =	vst v1  }
0x7b: {  	v1 =	vld.idx.msk [tilespmem:v2+s20+$0x0], $0xffff  }
0x7c: {  	s0 =	sadd.s32 $0xFFFFFFF5, s29  }
0x7d: {  	v2 =	vadd.s32 s0, v0;
	_ =	sdelay $0x3  }
0x7e: {  	[tilespmem:s30+$0x1BD00] =	vst v1  }
0x7f: {  	v1 =	vld.idx.msk [tilespmem:v2+s20+$0x0], $0xffff  }
0x80: {  	s0 =	sadd.s32 $0xFFFFFFF6, s29  }
0x81: {  	v2 =	vadd.s32 s0, v0;
	_ =	sdelay $0x3  }
0x82: {  	[tilespmem:s30+$0x1BF00] =	vst v1  }
0x83: {  	v1 =	vld.idx.msk [tilespmem:v2+s20+$0x0], $0xffff  }
0x84: {  	s0 =	sadd.s32 $0xFFFFFFF7, s29  }
0x85: {  	v2 =	vadd.s32 s0, v0;
	_ =	sdelay $0x3  }
0x86: {  	[tilespmem:s30+$0x1C100] =	vst v1  }
0x87: {  	v1 =	vld.idx.msk [tilespmem:v2+s20+$0x0], $0xffff  }
0x88: {  	s0 =	sadd.s32 $0xFFFFFFF8, s29  }
0x89: {  	v2 =	vadd.s32 s0, v0;
	_ =	sdelay $0x3  }
0x8a: {  	[tilespmem:s30+$0x1C300] =	vst v1  }
0x8b: {  	v1 =	vld.idx.msk [tilespmem:v2+s20+$0x0], $0xffff  }
0x8c: {  	s0 =	sadd.s32 $0xFFFFFFF9, s29  }
0x8d: {  	v2 =	vadd.s32 s0, v0;
	_ =	sdelay $0x3  }
0x8e: {  	[tilespmem:s30+$0x1C500] =	vst v1  }
0x8f: {  	v1 =	vld.idx.msk [tilespmem:v2+s20+$0x0], $0xffff  }
0x90: {  	s0 =	sadd.s32 $0xFFFFFFFA, s29  }
0x91: {  	v2 =	vadd.s32 s0, v0;
	_ =	sdelay $0x3  }
0x92: {  	[tilespmem:s30+$0x1C700] =	vst v1  }
0x93: {  	v1 =	vld.idx.msk [tilespmem:v2+s20+$0x0], $0xffff  }
0x94: {  	s0 =	sadd.s32 $0xFFFFFFFB, s29  }
0x95: {  	v2 =	vadd.s32 s0, v0;
	_ =	sdelay $0x3  }
0x96: {  	[tilespmem:s30+$0x1C900] =	vst v1  }
0x97: {  	v1 =	vld.idx.msk [tilespmem:v2+s20+$0x0], $0xffff  }
0x98: {  	s0 =	sadd.s32 $0xFFFFFFFC, s29  }
0x99: {  	v2 =	vadd.s32 s0, v0;
	_ =	sdelay $0x3  }
0x9a: {  	[tilespmem:s30+$0x1CB00] =	vst v1  }
0x9b: {  	v1 =	vld.idx.msk [tilespmem:v2+s20+$0x0], $0xffff  }
0x9c: {  	s0 =	sadd.s32 $0xFFFFFFFD, s29  }
0x9d: {  	v2 =	vadd.s32 s0, v0;
	_ =	sdelay $0x3  }
0x9e: {  	[tilespmem:s30+$0x1CD00] =	vst v1  }
0x9f: {  	v1 =	vld.idx.msk [tilespmem:v2+s20+$0x0], $0xffff  }
0xa0: {  	s0 =	sadd.s32 $0xFFFFFFFE, s29  }
0xa1: {  	v2 =	vadd.s32 s0, v0;
	_ =	sdelay $0x3  }
0xa2: {  	[tilespmem:s30+$0x1CF00] =	vst v1  }
0xa3: {  	v1 =	vld.idx.msk [tilespmem:v2+s20+$0x0], $0xffff  }
0xa4: {  	s0 =	sadd.s32 $0xFFFFFFFF, s29  }
0xa5: {  	v2 =	vadd.s32 s0, v0;
	_ =	sdelay $0x3  }
0xa6: {  	[tilespmem:s30+$0x1D100] =	vst v1  }
0xa7: {  	v1 =	vld.idx.msk [tilespmem:v2+s20+$0x0], $0xffff;
	_ =	sdelay $0x1  }
0xa8: {  	v2 =	vadd.s32 s29, v0;
	s29 =	smov.u32 s31;
	_ =	sdelay $0x1  }
.Ltmp1:
0xa9: {  	(pc) =	sbr.rel @p1 .LBB2_3-.Ltmp1, $4  }
0xaa: {  	_ = 	snop  }
0xab: {  	[tilespmem:s30+$0x1D300] =	vst v1  }
0xac: {  	v1 =	vld.idx.msk [tilespmem:v2+s20+$0x0], $0xffff  }
0xad: {  	s31 =	sadd.s32 $0x140, s31;
	s0 =	sadd.s32 $0xFFFFFFED, s29  }
0xae: {  	v2 =	vadd.s32 s0, v0;
	_ =	sdelay $0x3  }
0xaf: {  	[tilespmem:s30+$0x1D500] =	vst v1  }
0xb0: {  	s30 =	sadd.s32 $0xFFFFFFEE, s29;
	v1 =	vld.idx.msk [tilespmem:v2+s20+$0x0], $0xffff  }
0xb1: {  	v2 =	vadd.s32 s30, v0;
	_ =	sdelay $0x2  }
0xb2: {  	s31 =	sadd.s32 $0x10, s28  }
0xb3: {  	[tilespmem:s31+$0x0] =	vst v1  }
0xb4: {  	s28 =	sadd.s32 $0xFFFFFFEF, s29;
	v1 =	vld.idx.msk [tilespmem:v2+s20+$0x0], $0xffff  }
0xb5: {  	v2 =	vadd.s32 s28, v0;
	_ =	sdelay $0x1  }
0xb6: {  	s30 =	sadd.s32 $0x10, s26  }
0xb7: {  	s26 =	sand.u32 $0x1F0, s30  }
0xb8: {  	[tilespmem:s26+$0x1B100] =	vst v1  }
0xb9: {  	s31 =	sadd.s32 $0xFFFFFFF0, s29;
	v1 =	vld.idx.msk [tilespmem:v2+s20+$0x0], $0xffff  }
0xba: {  	v2 =	vadd.s32 s31, v0;
	_ =	sdelay $0x3  }
0xbb: {  	[tilespmem:s26+$0x1B300] =	vst v1  }
0xbc: {  	s28 =	sadd.s32 $0xFFFFFFF1, s29;
	v1 =	vld.idx.msk [tilespmem:v2+s20+$0x0], $0xffff  }
0xbd: {  	v2 =	vadd.s32 s28, v0;
	_ =	sdelay $0x3  }
0xbe: {  	[tilespmem:s26+$0x1B500] =	vst v1  }
0xbf: {  	s30 =	sadd.s32 $0xFFFFFFF2, s29;
	v1 =	vld.idx.msk [tilespmem:v2+s20+$0x0], $0xffff  }
0xc0: {  	v2 =	vadd.s32 s30, v0;
	_ =	sdelay $0x3  }
0xc1: {  	[tilespmem:s26+$0x1B700] =	vst v1  }
0xc2: {  	s31 =	sadd.s32 $0xFFFFFFF3, s29;
	v1 =	vld.idx.msk [tilespmem:v2+s20+$0x0], $0xffff  }
0xc3: {  	v2 =	vadd.s32 s31, v0;
	_ =	sdelay $0x3  }
0xc4: {  	[tilespmem:s26+$0x1B900] =	vst v1  }
0xc5: {  	s28 =	sadd.s32 $0xFFFFFFF4, s29;
	v1 =	vld.idx.msk [tilespmem:v2+s20+$0x0], $0xffff  }
0xc6: {  	v2 =	vadd.s32 s28, v0;
	_ =	sdelay $0x3  }
0xc7: {  	[tilespmem:s26+$0x1BB00] =	vst v1  }
0xc8: {  	s30 =	sadd.s32 $0xFFFFFFF5, s29;
	v1 =	vld.idx.msk [tilespmem:v2+s20+$0x0], $0xffff  }
0xc9: {  	v2 =	vadd.s32 s30, v0;
	_ =	sdelay $0x3  }
0xca: {  	[tilespmem:s26+$0x1BD00] =	vst v1  }
0xcb: {  	s31 =	sadd.s32 $0xFFFFFFF6, s29;
	v1 =	vld.idx.msk [tilespmem:v2+s20+$0x0], $0xffff  }
0xcc: {  	v2 =	vadd.s32 s31, v0;
	_ =	sdelay $0x3  }
0xcd: {  	[tilespmem:s26+$0x1BF00] =	vst v1  }
0xce: {  	s28 =	sadd.s32 $0xFFFFFFF7, s29;
	v1 =	vld.idx.msk [tilespmem:v2+s20+$0x0], $0xffff  }
0xcf: {  	v2 =	vadd.s32 s28, v0;
	_ =	sdelay $0x3  }
0xd0: {  	[tilespmem:s26+$0x1C100] =	vst v1  }
0xd1: {  	s30 =	sadd.s32 $0xFFFFFFF8, s29;
	v1 =	vld.idx.msk [tilespmem:v2+s20+$0x0], $0xffff  }
0xd2: {  	v2 =	vadd.s32 s30, v0;
	_ =	sdelay $0x3  }
0xd3: {  	[tilespmem:s26+$0x1C300] =	vst v1  }
0xd4: {  	s31 =	sadd.s32 $0xFFFFFFF9, s29;
	v1 =	vld.idx.msk [tilespmem:v2+s20+$0x0], $0xffff  }
0xd5: {  	v2 =	vadd.s32 s31, v0;
	_ =	sdelay $0x3  }
0xd6: {  	[tilespmem:s26+$0x1C500] =	vst v1  }
0xd7: {  	s28 =	sadd.s32 $0xFFFFFFFA, s29;
	v1 =	vld.idx.msk [tilespmem:v2+s20+$0x0], $0xffff  }
0xd8: {  	v2 =	vadd.s32 s28, v0;
	_ =	sdelay $0x3  }
0xd9: {  	[tilespmem:s26+$0x1C700] =	vst v1  }
0xda: {  	s30 =	sadd.s32 $0xFFFFFFFB, s29;
	v1 =	vld.idx.msk [tilespmem:v2+s20+$0x0], $0xffff  }
0xdb: {  	v2 =	vadd.s32 s30, v0;
	_ =	sdelay $0x3  }
0xdc: {  	[tilespmem:s26+$0x1C900] =	vst v1  }
0xdd: {  	s31 =	sadd.s32 $0xFFFFFFFC, s29;
	v1 =	vld.idx.msk [tilespmem:v2+s20+$0x0], $0xffff  }
0xde: {  	v2 =	vadd.s32 s31, v0;
	_ =	sdelay $0x3  }
0xdf: {  	[tilespmem:s26+$0x1CB00] =	vst v1  }
0xe0: {  	s28 =	sadd.s32 $0xFFFFFFFD, s29;
	v1 =	vld.idx.msk [tilespmem:v2+s20+$0x0], $0xffff  }
0xe1: {  	v2 =	vadd.s32 s28, v0;
	_ =	sdelay $0x3  }
0xe2: {  	[tilespmem:s26+$0x1CD00] =	vst v1  }
0xe3: {  	s30 =	sadd.s32 $0xFFFFFFFE, s29;
	v1 =	vld.idx.msk [tilespmem:v2+s20+$0x0], $0xffff  }
0xe4: {  	v2 =	vadd.s32 s30, v0;
	_ =	sdelay $0x3  }
0xe5: {  	[tilespmem:s26+$0x1CF00] =	vst v1  }
0xe6: {  	s31 =	sadd.s32 $0xFFFFFFFF, s29;
	v1 =	vld.idx.msk [tilespmem:v2+s20+$0x0], $0xffff  }
0xe7: {  	v2 =	vadd.s32 s31, v0;
	_ =	sdelay $0x3  }
0xe8: {  	[tilespmem:s26+$0x1D100] =	vst v1  }
0xe9: {  	v1 =	vld.idx.msk [tilespmem:v2+s20+$0x0], $0xffff  }
0xea: {  	v2 =	vadd.s32 s29, v0;
	_ =	sdelay $0x3  }
0xeb: {  	[tilespmem:s26+$0x1D300] =	vst v1  }
0xec: {  	v1 =	vld.idx.msk [tilespmem:v2+s20+$0x0], $0xffff;
	_ =	sdelay $0x4  }
0xed: {  	[tilespmem:s26+$0x1D500] =	vst v1  }
0xee: {  	[spmem:s6] =	stream.linear.scatter [tilespmem:s22], [sflag:$0x2], $0x2800, $0x38;
	[tilespmem:$0x1FB00] =	vst v63  }
0xef: {  	_ =	swait.ge [sflag:s21], $0x2800  }
0xf0: {  	[sflag:s21] =	ssyncset.done $0x0  }
0xf1: {  	[sflag:s21] =	ssyncadd.s32 $0xFFFFD800  }
.LBB2_5:
0xf2: {  	[bflag:$0x0] =	sbarrier.arrive $0xFFFF  }
0xf3: {  	_ =	swait.ge [sflag:s23], $0x18700  }
0xf4: {  	[sflag:s23] =	ssyncset.done $0x0  }
0xf5: {  	[sflag:s23] =	ssyncadd.s32 $0xFFFE7900  }
0xf6: {  	[tilespmem:s20], [sflag:$0x1] =	stream.linear.gather [spmem:s2], $0x2800, $0x38;
	[tilespmem:$0x1FB00] =	vst v63  }
0xf7: {  	_ =	swait.ge [sflag:s23], $0x2800  }
0xf8: {  	[sflag:s23] =	ssyncset.done $0x0  }
0xf9: {  	s26 =	simm.s32 $0x19B10;
	s0 =	simm.s32 $0x0;
	[sflag:s23] =	ssyncadd.s32 $0xFFFFD800  }
0xfa: {  	[tilespmem:s22], [sflag:$0x1] =	stream.linear.gather [spmem:s7], $0x2800, $0x38;
	[tilespmem:$0x1FB00] =	vst v63  }
0xfb: {  	s0 =	sand.u32 $0x1E0, s0;
	v1 =	vld [tilespmem:s26+$0xFFFFEBF0]  }
0xfc: {  	v2 =	vld [tilespmem:s0+$0x18F00]  }
0xfd: {  	v3 =	vld [tilespmem:s0+$0x19900]  }
0xfe: {  	v4 =	vld [tilespmem:s0+$0x1A300]  }
0xff: {  	v5 =	vld [tilespmem:s0+$0x1AD00]  }
0x100: {  	v6 =	vld [tilespmem:s0+$0x18D00]  }
0x101: {  	v7 =	vld [tilespmem:s0+$0x19700]  }
0x102: {  	v8 =	vld [tilespmem:s0+$0x1A100]  }
0x103: {  	v9 =	vld [tilespmem:s0+$0x1AB00]  }
0x104: {  	v10 =	vld [tilespmem:s0+$0x18B00]  }
0x105: {  	v11 =	vld [tilespmem:s0+$0x19500]  }
0x106: {  	v12 =	vld [tilespmem:s0+$0x19F00]  }
0x107: {  	v13 =	vld [tilespmem:s0+$0x1A900]  }
0x108: {  	v14 =	vld [tilespmem:s0+$0x18900]  }
0x109: {  	v15 =	vld [tilespmem:s0+$0x19100]  }
0x10a: {  	v16 =	vld [tilespmem:s0+$0x19300]  }
0x10b: {  	v17 =	vld [tilespmem:s0+$0x19B00]  }
0x10c: {  	v18 =	vld [tilespmem:s0+$0x19D00]  }
0x10d: {  	v19 =	vld [tilespmem:s0+$0x1A500]  }
0x10e: {  	v20 =	vld [tilespmem:s0+$0x1A700]  }
0x10f: {  	v21 =	vld [tilespmem:s26+$0xFFFFEC00]  }
0x110: {  	v22 =	vld [tilespmem:s26+$0xFFFFEE00]  }
0x111: {  	v23 =	vld [tilespmem:s26+$0xFFFFF600]  }
0x112: {  	v24 =	vld [tilespmem:s26+$0xFFFFF800]  }
0x113: {  	v25 =	vld [tilespmem:s26+$0x0]  }
0x114: {  	v26 =	vld [tilespmem:s26+$0x200]  }
0x115: {  	v27 =	vld [tilespmem:s26+$0xA00]  }
0x116: {  	v28 =	vld [tilespmem:s26+$0xC00]  }
0x117: {  	v29 =	vld [tilespmem:s26+$0xFFFFF000]  }
0x118: {  	v30 =	vld [tilespmem:s26+$0xFFFFFA00]  }
0x119: {  	v31 =	vld [tilespmem:s26+$0x400]  }
0x11a: {  	v32 =	vld [tilespmem:s26+$0xE00]  }
0x11b: {  	v33 =	vld [tilespmem:s26+$0xFFFFF200]  }
0x11c: {  	v34 =	vld [tilespmem:s26+$0xFFFFFC00]  }
0x11d: {  	v35 =	vld [tilespmem:s26+$0x600]  }
0x11e: {  	v36 =	vld [tilespmem:s26+$0x1000]  }
0x11f: {  	v58 =	vld [tilespmem:s26+$0xFFFFF400]  }
0x120: {  	v59 =	vld [tilespmem:s26+$0x800]  }
0x121: {  	v60 =	vld [tilespmem:s26+$0x1200]  }
0x122: {  	v1 =	vld.idx.msk [tilespmem:v1+s3+$0x0], $0xffff  }
0x123: {  	v2 =	vld.idx.msk [tilespmem:v2+s3+$0x0], $0xffff  }
0x124: {  	v3 =	vld.idx.msk [tilespmem:v3+s3+$0x0], $0xffff  }
0x125: {  	v6 =	vld.idx.msk [tilespmem:v6+s3+$0x0], $0xffff  }
0x126: {  	v7 =	vld.idx.msk [tilespmem:v7+s3+$0x0], $0xffff  }
0x127: {  	v10 =	vld.idx.msk [tilespmem:v10+s3+$0x0], $0xffff  }
0x128: {  	v11 =	vld.idx.msk [tilespmem:v11+s3+$0x0], $0xffff  }
0x129: {  	v14 =	vld.idx.msk [tilespmem:v14+s3+$0x0], $0xffff  }
0x12a: {  	v15 =	vld.idx.msk [tilespmem:v15+s3+$0x0], $0xffff  }
0x12b: {  	v16 =	vld.idx.msk [tilespmem:v16+s3+$0x0], $0xffff  }
0x12c: {  	v17 =	vld.idx.msk [tilespmem:v17+s3+$0x0], $0xffff  }
0x12d: {  	v18 =	vld.idx.msk [tilespmem:v18+s3+$0x0], $0xffff  }
0x12e: {  	v19 =	vld.idx.msk [tilespmem:v19+s3+$0x0], $0xffff  }
0x12f: {  	v20 =	vld.idx.msk [tilespmem:v20+s3+$0x0], $0xffff  }
0x130: {  	v12 =	vld.idx.msk [tilespmem:v12+s3+$0x0], $0xffff  }
0x131: {  	v13 =	vld.idx.msk [tilespmem:v13+s3+$0x0], $0xffff  }
0x132: {  	v8 =	vld.idx.msk [tilespmem:v8+s3+$0x0], $0xffff  }
0x133: {  	v9 =	vld.idx.msk [tilespmem:v9+s3+$0x0], $0xffff  }
0x134: {  	v4 =	vld.idx.msk [tilespmem:v4+s3+$0x0], $0xffff  }
0x135: {  	v5 =	vld.idx.msk [tilespmem:v5+s3+$0x0], $0xffff  }
0x136: {  	v21 =	vld.idx.msk [tilespmem:v21+s3+$0x0], $0xffff  }
0x137: {  	v22 =	vld.idx.msk [tilespmem:v22+s3+$0x0], $0xffff  }
0x138: {  	v23 =	vld.idx.msk [tilespmem:v23+s3+$0x0], $0xffff  }
0x139: {  	v24 =	vld.idx.msk [tilespmem:v24+s3+$0x0], $0xffff  }
0x13a: {  	v25 =	vld.idx.msk [tilespmem:v25+s3+$0x0], $0xffff  }
0x13b: {  	v26 =	vld.idx.msk [tilespmem:v26+s3+$0x0], $0xffff;
	v1 =	vadd.f32 v14, v1;
	v54 =	vadd.f32 v16, v15  }
0x13c: {  	v27 =	vld.idx.msk [tilespmem:v27+s3+$0x0], $0xffff;
	v56 =	vadd.f32 v18, v17;
	v57 =	vadd.f32 v20, v19  }
0x13d: {  	v55 =	vld.idx.msk [tilespmem:v28+s3+$0x0], $0xffff;
	v1 =	vadd.f32 v10, v1;
	v10 =	vadd.f32 v11, v54  }
0x13e: {  	v61 =	vld.idx.msk [tilespmem:v34+s3+$0x0], $0xffff;
	v12 =	vadd.f32 v12, v56;
	v13 =	vadd.f32 v13, v57  }
0x13f: {  	v11 =	vld [tilespmem:s26+$0xFFFFFE00];
	v1 =	vadd.f32 v6, v1;
	v6 =	vadd.f32 v7, v10  }
0x140: {  	v7 =	vadd.f32 v8, v12;
	v8 =	vadd.f32 v9, v13;
	v9 =	vld.idx.msk [tilespmem:v29+s3+$0x0], $0xffff  }
0x141: {  	v10 =	vld.idx.msk [tilespmem:v33+s3+$0x0], $0xffff;
	v1 =	vadd.f32 v2, v1;
	v2 =	vadd.f32 v3, v6  }
0x142: {  	v6 =	vld.idx.msk [tilespmem:v30+s3+$0x0], $0xffff;
	v3 =	vadd.f32 v4, v7;
	v4 =	vadd.f32 v5, v8  }
0x143: {  	v5 =	vld.idx.msk [tilespmem:v31+s3+$0x0], $0xffff  }
0x144: {  	v8 =	vld.idx.msk [tilespmem:v32+s3+$0x0], $0xffff;
	v1 =	vadd.f32 v2, v1;
	v2 =	vadd.f32 v4, v3  }
0x145: {  	v7 =	vadd.f32 v24, v23;
	v3 =	vld.idx.msk [tilespmem:v58+s3+$0x0], $0xffff  }
0x146: {  	v4 =	vadd.f32 v22, v21;
	v62 =	vadd.f32 v2, v1;
	v1 =	vld.idx.msk [tilespmem:v35+s3+$0x0], $0xffff  }
0x147: {  	v63 =	vadd.f32 v26, v25;
	v15 =	vadd.f32 v55, v27;
	v2 =	vld.idx.msk [tilespmem:v36+s3+$0x0], $0xffff  }
0x148: {  	v9 =	vadd.f32 v9, v4;
	v4 =	vld.idx.msk [tilespmem:v11+s3+$0x0], $0xffff;
	v6 =	vadd.f32 v6, v7  }
0x149: {  	s26 =	simm.s32 $0x1D710;
	v7 =	vadd.f32 v5, v63;
	v8 =	vadd.f32 v8, v15;
	v5 =	vld.idx.msk [tilespmem:v59+s3+$0x0], $0xffff  }
0x14a: {  	s28 =	simm.s32 $0x0;
	s29 =	simm.s32 $0x19B30;
	s30 =	simm.s32 $0x20;
	[tilespmem:s26+$0xFFFFFFF0] =	vst v62;
	v9 =	vadd.f32 v10, v9;
	v10 =	vadd.f32 v61, v6;
	v6 =	vld.idx.msk [tilespmem:v60+s3+$0x0], $0xffff  }
.LBB2_6:
0x14b: {  	v11 =	vld [tilespmem:s29+$0xFFFFEBF0];
	s0 =	sand.u32 $0x1E0, s30;
	v1 =	vadd.f32 v1, v7  }
0x14c: {  	v2 =	vadd.f32 v2, v8;
	v7 =	vld [tilespmem:s0+$0x18F00]  }
0x14d: {  	v3 =	vadd.f32 v3, v9;
	v8 =	vld [tilespmem:s0+$0x19900]  }
0x14e: {  	v4 =	vadd.f32 v4, v10;
	v9 =	vld [tilespmem:s0+$0x1A300]  }
0x14f: {  	v1 =	vadd.f32 v5, v1;
	v10 =	vld [tilespmem:s0+$0x1AD00]  }
0x150: {  	v2 =	vadd.f32 v6, v2;
	v3 =	vadd.f32 v4, v3;
	v5 =	vld [tilespmem:s0+$0x18D00]  }
0x151: {  	v4 =	vld [tilespmem:s0+$0x19700]  }
0x152: {  	v1 =	vadd.f32 v2, v1;
	v6 =	vld [tilespmem:s0+$0x1A100]  }
0x153: {  	v2 =	vld [tilespmem:s0+$0x1AB00]  }
0x154: {  	v1 =	vadd.f32 v1, v3;
	v12 =	vld [tilespmem:s0+$0x18B00]  }
0x155: {  	v3 =	vld [tilespmem:s0+$0x19500]  }
0x156: {  	v13 =	vld [tilespmem:s0+$0x19F00];
	[tilespmem:s26+$0x0] =	vst v1  }
0x157: {  	v1 =	vld [tilespmem:s0+$0x1A900]  }
0x158: {  	v14 =	vld [tilespmem:s0+$0x18900]  }
0x159: {  	v15 =	vld [tilespmem:s0+$0x19100]  }
0x15a: {  	v16 =	vld [tilespmem:s0+$0x19300]  }
0x15b: {  	v17 =	vld [tilespmem:s0+$0x19B00]  }
0x15c: {  	v18 =	vld [tilespmem:s0+$0x19D00]  }
0x15d: {  	v19 =	vld [tilespmem:s0+$0x1A500]  }
0x15e: {  	v20 =	vld [tilespmem:s0+$0x1A700]  }
0x15f: {  	v11 =	vld.idx.msk [tilespmem:v11+s3+$0x0], $0xffff  }
0x160: {  	v7 =	vld.idx.msk [tilespmem:v7+s3+$0x0], $0xffff  }
0x161: {  	v8 =	vld.idx.msk [tilespmem:v8+s3+$0x0], $0xffff  }
0x162: {  	v5 =	vld.idx.msk [tilespmem:v5+s3+$0x0], $0xffff  }
0x163: {  	s28 =	sadd.s32 $0x2, s28;
	v4 =	vld.idx.msk [tilespmem:v4+s3+$0x0], $0xffff  }
0x164: {  	p1 =	slt.u32 s28, $0x1E;
	v12 =	vld.idx.msk [tilespmem:v12+s3+$0x0], $0xffff  }
0x165: {  	v3 =	vld.idx.msk [tilespmem:v3+s3+$0x0], $0xffff  }
0x166: {  	v14 =	vld.idx.msk [tilespmem:v14+s3+$0x0], $0xffff  }
0x167: {  	v15 =	vld.idx.msk [tilespmem:v15+s3+$0x0], $0xffff  }
0x168: {  	v16 =	vld.idx.msk [tilespmem:v16+s3+$0x0], $0xffff  }
0x169: {  	v17 =	vld.idx.msk [tilespmem:v17+s3+$0x0], $0xffff  }
0x16a: {  	v18 =	vld.idx.msk [tilespmem:v18+s3+$0x0], $0xffff  }
0x16b: {  	v19 =	vld.idx.msk [tilespmem:v19+s3+$0x0], $0xffff  }
0x16c: {  	v20 =	vld.idx.msk [tilespmem:v20+s3+$0x0], $0xffff  }
0x16d: {  	v13 =	vld.idx.msk [tilespmem:v13+s3+$0x0], $0xffff  }
0x16e: {  	v1 =	vld.idx.msk [tilespmem:v1+s3+$0x0], $0xffff  }
0x16f: {  	v6 =	vld.idx.msk [tilespmem:v6+s3+$0x0], $0xffff  }
0x170: {  	v2 =	vld.idx.msk [tilespmem:v2+s3+$0x0], $0xffff  }
0x171: {  	v11 =	vadd.f32 v14, v11;
	v14 =	vadd.f32 v16, v15;
	v9 =	vld.idx.msk [tilespmem:v9+s3+$0x0], $0xffff  }
0x172: {  	v15 =	vadd.f32 v18, v17;
	v16 =	vadd.f32 v20, v19;
	v10 =	vld.idx.msk [tilespmem:v10+s3+$0x0], $0xffff  }
0x173: {  	v11 =	vadd.f32 v12, v11;
	v3 =	vadd.f32 v3, v14;
	v12 =	vld [tilespmem:s29+$0xFFFFEC00]  }
0x174: {  	v13 =	vadd.f32 v13, v15;
	v1 =	vadd.f32 v1, v16;
	v14 =	vld [tilespmem:s29+$0xFFFFEE00]  }
0x175: {  	v5 =	vadd.f32 v5, v11;
	v3 =	vadd.f32 v4, v3;
	v4 =	vld [tilespmem:s29+$0xFFFFF600]  }
0x176: {  	v6 =	vadd.f32 v6, v13;
	v1 =	vadd.f32 v2, v1;
	v2 =	vld [tilespmem:s29+$0xFFFFF800]  }
0x177: {  	v5 =	vadd.f32 v7, v5;
	v3 =	vadd.f32 v8, v3;
	v7 =	vld [tilespmem:s29+$0x0]  }
0x178: {  	v6 =	vadd.f32 v9, v6;
	v1 =	vadd.f32 v10, v1;
	v8 =	vld [tilespmem:s29+$0x200]  }
0x179: {  	v9 =	vld [tilespmem:s29+$0xA00]  }
0x17a: {  	v3 =	vadd.f32 v3, v5;
	v1 =	vadd.f32 v1, v6;
	v5 =	vld [tilespmem:s29+$0xC00]  }
0x17b: {  	v6 =	vld [tilespmem:s29+$0xFFFFF000]  }
0x17c: {  	v1 =	vadd.f32 v1, v3;
	v3 =	vld [tilespmem:s29+$0xFFFFFA00]  }
0x17d: {  	s26 =	sadd.s32 $0x20, s26;
	v10 =	vld [tilespmem:s29+$0x400]  }
0x17e: {  	[tilespmem:s26+$0xFFFFFFF0] =	vst v1;
	v1 =	vld [tilespmem:s29+$0xE00]  }
0x17f: {  	v11 =	vld [tilespmem:s29+$0xFFFFF200]  }
0x180: {  	v13 =	vld [tilespmem:s29+$0xFFFFFC00]  }
0x181: {  	v15 =	vld [tilespmem:s29+$0x600]  }
0x182: {  	v16 =	vld [tilespmem:s29+$0x1000]  }
0x183: {  	v12 =	vld.idx.msk [tilespmem:v12+s3+$0x0], $0xffff  }
0x184: {  	v14 =	vld.idx.msk [tilespmem:v14+s3+$0x0], $0xffff  }
0x185: {  	v4 =	vld.idx.msk [tilespmem:v4+s3+$0x0], $0xffff  }
0x186: {  	v2 =	vld.idx.msk [tilespmem:v2+s3+$0x0], $0xffff  }
0x187: {  	v7 =	vld.idx.msk [tilespmem:v7+s3+$0x0], $0xffff  }
0x188: {  	v8 =	vld.idx.msk [tilespmem:v8+s3+$0x0], $0xffff  }
0x189: {  	v9 =	vld.idx.msk [tilespmem:v9+s3+$0x0], $0xffff  }
0x18a: {  	v12 =	vadd.f32 v14, v12;
	v5 =	vld.idx.msk [tilespmem:v5+s3+$0x0], $0xffff  }
0x18b: {  	v14 =	vld [tilespmem:s29+$0xFFFFF400]  }
0x18c: {  	v2 =	vadd.f32 v2, v4;
	v4 =	vld [tilespmem:s29+$0xFFFFFE00]  }
0x18d: {  	v17 =	vld [tilespmem:s29+$0x800]  }
0x18e: {  	v7 =	vadd.f32 v8, v7;
	v18 =	vld [tilespmem:s29+$0x1200]  }
0x18f: {  	v6 =	vld.idx.msk [tilespmem:v6+s3+$0x0], $0xffff  }
0x190: {  	v5 =	vadd.f32 v5, v9;
	v3 =	vld.idx.msk [tilespmem:v3+s3+$0x0], $0xffff  }
0x191: {  	v8 =	vld.idx.msk [tilespmem:v10+s3+$0x0], $0xffff  }
0x192: {  	v9 =	vld.idx.msk [tilespmem:v1+s3+$0x0], $0xffff  }
0x193: {  	v10 =	vld.idx.msk [tilespmem:v11+s3+$0x0], $0xffff  }
0x194: {  	v11 =	vld.idx.msk [tilespmem:v13+s3+$0x0], $0xffff  }
0x195: {  	v6 =	vadd.f32 v6, v12;
	v1 =	vld.idx.msk [tilespmem:v15+s3+$0x0], $0xffff  }
.Ltmp2:
0x196: {  	v12 =	vadd.f32 v3, v2;
	v2 =	vld.idx.msk [tilespmem:v16+s3+$0x0], $0xffff;
	(pc) =	sbr.rel @p1 .LBB2_6-.Ltmp2, $4  }
0x197: {  	v7 =	vadd.f32 v8, v7;
	v3 =	vld.idx.msk [tilespmem:v14+s3+$0x0], $0xffff  }
0x198: {  	v8 =	vadd.f32 v9, v5;
	v4 =	vld.idx.msk [tilespmem:v4+s3+$0x0], $0xffff  }
0x199: {  	v9 =	vadd.f32 v10, v6;
	v5 =	vld.idx.msk [tilespmem:v17+s3+$0x0], $0xffff  }
0x19a: {  	s30 =	sadd.s32 $0x20, s30;
	s29 =	sadd.s32 $0x20, s29;
	v10 =	vadd.f32 v11, v12;
	v6 =	vld.idx.msk [tilespmem:v18+s3+$0x0], $0xffff  }
0x19b: {  	_ =	sdelay $0x1  }
0x19c: {  	v1 =	vadd.f32 v1, v7;
	v2 =	vadd.f32 v2, v8  }
0x19d: {  	v3 =	vadd.f32 v3, v9;
	v4 =	vadd.f32 v4, v10  }
0x19e: {  	v1 =	vadd.f32 v5, v1;
	v2 =	vadd.f32 v6, v2;
	_ =	sdelay $0x1  }
0x19f: {  	v3 =	vadd.f32 v4, v3;
	v1 =	vadd.f32 v2, v1;
	_ =	sdelay $0x1  }
0x1a0: {  	v1 =	vadd.f32 v1, v3;
	_ =	sdelay $0x1  }
0x1a1: {  	[tilespmem:s26+$0x0] =	vst v1  }
0x1a2: {  	_ =	swait.ge [sflag:s23], $0x2800  }
0x1a3: {  	[sflag:s23] =	ssyncset.done $0x0  }
0x1a4: {  	s28 =	simm.s32 $0x1C310;
	[sflag:s23] =	ssyncadd.s32 $0xFFFFD800  }
0x1a5: {  	[tilespmem:s20], [sflag:$0x1] =	stream.linear.gather [spmem:s8], $0x2800, $0x38;
	[tilespmem:$0x1FB00] =	vst v63  }
0x1a6: {  	s26 =	simm.s32 $0x0;
	v1 =	vld [tilespmem:s28+$0xFFFFEBF0]  }
0x1a7: {  	s0 =	sand.u32 $0x1E0, s26;
	v2 =	vld [tilespmem:s28+$0xFFFFEDF0]  }
0x1a8: {  	v3 =	vld [tilespmem:s0+$0x1B700]  }
0x1a9: {  	v4 =	vld [tilespmem:s0+$0x1C100]  }
0x1aa: {  	v5 =	vld [tilespmem:s0+$0x1CB00]  }
0x1ab: {  	v6 =	vld [tilespmem:s0+$0x1D500]  }
0x1ac: {  	v7 =	vld [tilespmem:s0+$0x1B500]  }
0x1ad: {  	v8 =	vld [tilespmem:s0+$0x1BF00]  }
0x1ae: {  	v9 =	vld [tilespmem:s0+$0x1C900]  }
0x1af: {  	v10 =	vld [tilespmem:s0+$0x1D300]  }
0x1b0: {  	v11 =	vld [tilespmem:s0+$0x1B300]  }
0x1b1: {  	v12 =	vld [tilespmem:s0+$0x1BD00]  }
0x1b2: {  	v13 =	vld [tilespmem:s0+$0x1C700]  }
0x1b3: {  	v14 =	vld [tilespmem:s0+$0x1D100]  }
0x1b4: {  	v15 =	vld [tilespmem:s0+$0x1B900]  }
0x1b5: {  	v16 =	vld [tilespmem:s0+$0x1BB00]  }
0x1b6: {  	v17 =	vld [tilespmem:s0+$0x1C300]  }
0x1b7: {  	v18 =	vld [tilespmem:s0+$0x1C500]  }
0x1b8: {  	v19 =	vld [tilespmem:s0+$0x1CD00]  }
0x1b9: {  	v20 =	vld [tilespmem:s0+$0x1CF00]  }
0x1ba: {  	v21 =	vld [tilespmem:s28+$0xFFFFEC00]  }
0x1bb: {  	v22 =	vld [tilespmem:s28+$0xFFFFEE00]  }
0x1bc: {  	v23 =	vld [tilespmem:s28+$0xFFFFF600]  }
0x1bd: {  	v24 =	vld [tilespmem:s28+$0xFFFFF800]  }
0x1be: {  	v25 =	vld [tilespmem:s28+$0x0]  }
0x1bf: {  	v26 =	vld [tilespmem:s28+$0x200]  }
0x1c0: {  	v27 =	vld [tilespmem:s28+$0xA00]  }
0x1c1: {  	v28 =	vld [tilespmem:s28+$0xC00]  }
0x1c2: {  	v29 =	vld [tilespmem:s28+$0xFFFFF000]  }
0x1c3: {  	v30 =	vld [tilespmem:s28+$0xFFFFFA00]  }
0x1c4: {  	v31 =	vld [tilespmem:s28+$0x400]  }
0x1c5: {  	v32 =	vld [tilespmem:s28+$0xE00]  }
0x1c6: {  	v33 =	vld [tilespmem:s28+$0xFFFFF200]  }
0x1c7: {  	v34 =	vld [tilespmem:s28+$0xFFFFFC00]  }
0x1c8: {  	v35 =	vld [tilespmem:s28+$0x600]  }
0x1c9: {  	v36 =	vld [tilespmem:s28+$0x1000]  }
0x1ca: {  	v55 =	vld [tilespmem:s28+$0xFFFFF400]  }
0x1cb: {  	v58 =	vld [tilespmem:s28+$0x800]  }
0x1cc: {  	v59 =	vld [tilespmem:s28+$0x1200]  }
0x1cd: {  	v1 =	vld.idx.msk [tilespmem:v1+s3+$0x0], $0xffff  }
0x1ce: {  	v2 =	vld.idx.msk [tilespmem:v2+s3+$0x0], $0xffff  }
0x1cf: {  	v3 =	vld.idx.msk [tilespmem:v3+s3+$0x0], $0xffff  }
0x1d0: {  	v4 =	vld.idx.msk [tilespmem:v4+s3+$0x0], $0xffff  }
0x1d1: {  	v7 =	vld.idx.msk [tilespmem:v7+s3+$0x0], $0xffff  }
0x1d2: {  	v8 =	vld.idx.msk [tilespmem:v8+s3+$0x0], $0xffff  }
0x1d3: {  	v11 =	vld.idx.msk [tilespmem:v11+s3+$0x0], $0xffff  }
0x1d4: {  	v12 =	vld.idx.msk [tilespmem:v12+s3+$0x0], $0xffff  }
0x1d5: {  	v15 =	vld.idx.msk [tilespmem:v15+s3+$0x0], $0xffff  }
0x1d6: {  	v16 =	vld.idx.msk [tilespmem:v16+s3+$0x0], $0xffff  }
0x1d7: {  	v17 =	vld.idx.msk [tilespmem:v17+s3+$0x0], $0xffff  }
0x1d8: {  	v18 =	vld.idx.msk [tilespmem:v18+s3+$0x0], $0xffff  }
0x1d9: {  	v19 =	vld.idx.msk [tilespmem:v19+s3+$0x0], $0xffff  }
0x1da: {  	v20 =	vld.idx.msk [tilespmem:v20+s3+$0x0], $0xffff  }
0x1db: {  	v13 =	vld.idx.msk [tilespmem:v13+s3+$0x0], $0xffff  }
0x1dc: {  	v14 =	vld.idx.msk [tilespmem:v14+s3+$0x0], $0xffff  }
0x1dd: {  	v9 =	vld.idx.msk [tilespmem:v9+s3+$0x0], $0xffff  }
0x1de: {  	v10 =	vld.idx.msk [tilespmem:v10+s3+$0x0], $0xffff  }
0x1df: {  	v5 =	vld.idx.msk [tilespmem:v5+s3+$0x0], $0xffff  }
0x1e0: {  	v6 =	vld.idx.msk [tilespmem:v6+s3+$0x0], $0xffff  }
0x1e1: {  	v21 =	vld.idx.msk [tilespmem:v21+s3+$0x0], $0xffff  }
0x1e2: {  	v22 =	vld.idx.msk [tilespmem:v22+s3+$0x0], $0xffff  }
0x1e3: {  	v23 =	vld.idx.msk [tilespmem:v23+s3+$0x0], $0xffff  }
0x1e4: {  	v24 =	vld.idx.msk [tilespmem:v24+s3+$0x0], $0xffff  }
0x1e5: {  	v25 =	vld.idx.msk [tilespmem:v25+s3+$0x0], $0xffff  }
0x1e6: {  	v26 =	vld.idx.msk [tilespmem:v26+s3+$0x0], $0xffff;
	v1 =	vadd.f32 v2, v1;
	v2 =	vadd.f32 v16, v15  }
0x1e7: {  	v27 =	vld.idx.msk [tilespmem:v27+s3+$0x0], $0xffff;
	v53 =	vadd.f32 v18, v17;
	v54 =	vadd.f32 v20, v19  }
0x1e8: {  	v52 =	vld.idx.msk [tilespmem:v28+s3+$0x0], $0xffff;
	v1 =	vadd.f32 v11, v1;
	v2 =	vadd.f32 v12, v2  }
0x1e9: {  	v60 =	vld.idx.msk [tilespmem:v34+s3+$0x0], $0xffff;
	v56 =	vadd.f32 v13, v53;
	v57 =	vadd.f32 v14, v54  }
0x1ea: {  	v11 =	vld [tilespmem:s28+$0xFFFFFE00];
	v1 =	vadd.f32 v7, v1;
	v2 =	vadd.f32 v8, v2  }
0x1eb: {  	v7 =	vadd.f32 v9, v56;
	v8 =	vadd.f32 v10, v57;
	v9 =	vld.idx.msk [tilespmem:v29+s3+$0x0], $0xffff  }
0x1ec: {  	v10 =	vld.idx.msk [tilespmem:v33+s3+$0x0], $0xffff;
	v1 =	vadd.f32 v3, v1;
	v2 =	vadd.f32 v4, v2  }
0x1ed: {  	v4 =	vld.idx.msk [tilespmem:v30+s3+$0x0], $0xffff;
	v3 =	vadd.f32 v5, v7;
	v5 =	vadd.f32 v6, v8  }
0x1ee: {  	v6 =	vld.idx.msk [tilespmem:v31+s3+$0x0], $0xffff  }
0x1ef: {  	v7 =	vld.idx.msk [tilespmem:v32+s3+$0x0], $0xffff;
	v1 =	vadd.f32 v2, v1;
	v2 =	vadd.f32 v5, v3  }
0x1f0: {  	v8 =	vadd.f32 v24, v23;
	v3 =	vld.idx.msk [tilespmem:v55+s3+$0x0], $0xffff  }
0x1f1: {  	v5 =	vadd.f32 v22, v21;
	v61 =	vadd.f32 v2, v1;
	v1 =	vld.idx.msk [tilespmem:v35+s3+$0x0], $0xffff  }
0x1f2: {  	v62 =	vadd.f32 v26, v25;
	v15 =	vadd.f32 v52, v27;
	v2 =	vld.idx.msk [tilespmem:v36+s3+$0x0], $0xffff  }
0x1f3: {  	v9 =	vadd.f32 v9, v5;
	v5 =	vld.idx.msk [tilespmem:v58+s3+$0x0], $0xffff;
	v63 =	vadd.f32 v4, v8  }
0x1f4: {  	s28 =	simm.s32 $0x1D910;
	v4 =	vld.idx.msk [tilespmem:v11+s3+$0x0], $0xffff;
	v8 =	vadd.f32 v6, v62;
	v7 =	vadd.f32 v7, v15  }
0x1f5: {  	s29 =	simm.s32 $0x0;
	s30 =	simm.s32 $0x1C330;
	v6 =	vld.idx.msk [tilespmem:v59+s3+$0x0], $0xffff;
	[tilespmem:s28+$0xFFFFFFF0] =	vst v61;
	v9 =	vadd.f32 v10, v9;
	v10 =	vadd.f32 v60, v63  }
.LBB2_8:
0x1f6: {  	v11 =	vld [tilespmem:s30+$0xFFFFEBF0];
	v1 =	vadd.f32 v1, v8;
	s26 =	sadd.s32 $0x20, s26  }
0x1f7: {  	v2 =	vadd.f32 v2, v7;
	v8 =	vld [tilespmem:s30+$0xFFFFEDF0];
	s0 =	sand.u32 $0x1E0, s26  }
0x1f8: {  	v3 =	vadd.f32 v3, v9;
	v7 =	vld [tilespmem:s0+$0x1B700]  }
0x1f9: {  	v4 =	vadd.f32 v4, v10;
	v9 =	vld [tilespmem:s0+$0x1C100]  }
0x1fa: {  	v1 =	vadd.f32 v5, v1;
	v10 =	vld [tilespmem:s0+$0x1CB00]  }
0x1fb: {  	v2 =	vadd.f32 v6, v2;
	v3 =	vadd.f32 v4, v3;
	v5 =	vld [tilespmem:s0+$0x1D500]  }
0x1fc: {  	v4 =	vld [tilespmem:s0+$0x1B500]  }
0x1fd: {  	v1 =	vadd.f32 v2, v1;
	v6 =	vld [tilespmem:s0+$0x1BF00]  }
0x1fe: {  	v2 =	vld [tilespmem:s0+$0x1C900]  }
0x1ff: {  	v1 =	vadd.f32 v1, v3;
	v12 =	vld [tilespmem:s0+$0x1D300]  }
0x200: {  	v3 =	vld [tilespmem:s0+$0x1B300]  }
0x201: {  	v13 =	vld [tilespmem:s0+$0x1BD00];
	[tilespmem:s28+$0x0] =	vst v1  }
0x202: {  	v1 =	vld [tilespmem:s0+$0x1C700]  }
0x203: {  	v14 =	vld [tilespmem:s0+$0x1D100]  }
0x204: {  	v15 =	vld [tilespmem:s0+$0x1B900]  }
0x205: {  	v16 =	vld [tilespmem:s0+$0x1BB00]  }
0x206: {  	v17 =	vld [tilespmem:s0+$0x1C300]  }
0x207: {  	v18 =	vld [tilespmem:s0+$0x1C500]  }
0x208: {  	v19 =	vld [tilespmem:s0+$0x1CD00]  }
0x209: {  	v20 =	vld [tilespmem:s0+$0x1CF00]  }
0x20a: {  	v11 =	vld.idx.msk [tilespmem:v11+s3+$0x0], $0xffff  }
0x20b: {  	v8 =	vld.idx.msk [tilespmem:v8+s3+$0x0], $0xffff  }
0x20c: {  	v7 =	vld.idx.msk [tilespmem:v7+s3+$0x0], $0xffff  }
0x20d: {  	v9 =	vld.idx.msk [tilespmem:v9+s3+$0x0], $0xffff  }
0x20e: {  	s29 =	sadd.s32 $0x2, s29;
	v4 =	vld.idx.msk [tilespmem:v4+s3+$0x0], $0xffff  }
0x20f: {  	p1 =	slt.u32 s29, $0x1E;
	v6 =	vld.idx.msk [tilespmem:v6+s3+$0x0], $0xffff  }
0x210: {  	v3 =	vld.idx.msk [tilespmem:v3+s3+$0x0], $0xffff  }
0x211: {  	v13 =	vld.idx.msk [tilespmem:v13+s3+$0x0], $0xffff  }
0x212: {  	v15 =	vld.idx.msk [tilespmem:v15+s3+$0x0], $0xffff  }
0x213: {  	v16 =	vld.idx.msk [tilespmem:v16+s3+$0x0], $0xffff  }
0x214: {  	v17 =	vld.idx.msk [tilespmem:v17+s3+$0x0], $0xffff  }
0x215: {  	v18 =	vld.idx.msk [tilespmem:v18+s3+$0x0], $0xffff  }
0x216: {  	v19 =	vld.idx.msk [tilespmem:v19+s3+$0x0], $0xffff  }
0x217: {  	v20 =	vld.idx.msk [tilespmem:v20+s3+$0x0], $0xffff  }
0x218: {  	v1 =	vld.idx.msk [tilespmem:v1+s3+$0x0], $0xffff  }
0x219: {  	v14 =	vld.idx.msk [tilespmem:v14+s3+$0x0], $0xffff  }
0x21a: {  	v2 =	vld.idx.msk [tilespmem:v2+s3+$0x0], $0xffff  }
0x21b: {  	v12 =	vld.idx.msk [tilespmem:v12+s3+$0x0], $0xffff  }
0x21c: {  	v8 =	vadd.f32 v8, v11;
	v11 =	vadd.f32 v16, v15;
	v10 =	vld.idx.msk [tilespmem:v10+s3+$0x0], $0xffff  }
0x21d: {  	v15 =	vadd.f32 v18, v17;
	v16 =	vadd.f32 v20, v19;
	v5 =	vld.idx.msk [tilespmem:v5+s3+$0x0], $0xffff  }
0x21e: {  	v3 =	vadd.f32 v3, v8;
	v8 =	vadd.f32 v13, v11;
	v11 =	vld [tilespmem:s30+$0xFFFFEC00]  }
0x21f: {  	v1 =	vadd.f32 v1, v15;
	v13 =	vadd.f32 v14, v16;
	v14 =	vld [tilespmem:s30+$0xFFFFEE00]  }
0x220: {  	v3 =	vadd.f32 v4, v3;
	v4 =	vadd.f32 v6, v8;
	v6 =	vld [tilespmem:s30+$0xFFFFF600]  }
0x221: {  	v1 =	vadd.f32 v2, v1;
	v2 =	vadd.f32 v12, v13;
	v8 =	vld [tilespmem:s30+$0xFFFFF800]  }
0x222: {  	v3 =	vadd.f32 v7, v3;
	v4 =	vadd.f32 v9, v4;
	v7 =	vld [tilespmem:s30+$0x0]  }
0x223: {  	v1 =	vadd.f32 v10, v1;
	v2 =	vadd.f32 v5, v2;
	v5 =	vld [tilespmem:s30+$0x200]  }
0x224: {  	v9 =	vld [tilespmem:s30+$0xA00]  }
0x225: {  	v3 =	vadd.f32 v4, v3;
	v1 =	vadd.f32 v2, v1;
	v2 =	vld [tilespmem:s30+$0xC00]  }
0x226: {  	v4 =	vld [tilespmem:s30+$0xFFFFF000]  }
0x227: {  	v1 =	vadd.f32 v1, v3;
	v3 =	vld [tilespmem:s30+$0xFFFFFA00]  }
0x228: {  	s28 =	sadd.s32 $0x20, s28;
	v10 =	vld [tilespmem:s30+$0x400]  }
0x229: {  	[tilespmem:s28+$0xFFFFFFF0] =	vst v1;
	v1 =	vld [tilespmem:s30+$0xE00]  }
0x22a: {  	v12 =	vld [tilespmem:s30+$0xFFFFF200]  }
0x22b: {  	v13 =	vld [tilespmem:s30+$0xFFFFFC00]  }
0x22c: {  	v15 =	vld [tilespmem:s30+$0x600]  }
0x22d: {  	v16 =	vld [tilespmem:s30+$0x1000]  }
0x22e: {  	v11 =	vld.idx.msk [tilespmem:v11+s3+$0x0], $0xffff  }
0x22f: {  	v14 =	vld.idx.msk [tilespmem:v14+s3+$0x0], $0xffff  }
0x230: {  	v6 =	vld.idx.msk [tilespmem:v6+s3+$0x0], $0xffff  }
0x231: {  	v8 =	vld.idx.msk [tilespmem:v8+s3+$0x0], $0xffff  }
0x232: {  	v7 =	vld.idx.msk [tilespmem:v7+s3+$0x0], $0xffff  }
0x233: {  	v5 =	vld.idx.msk [tilespmem:v5+s3+$0x0], $0xffff  }
0x234: {  	v9 =	vld.idx.msk [tilespmem:v9+s3+$0x0], $0xffff  }
0x235: {  	v11 =	vadd.f32 v14, v11;
	v2 =	vld.idx.msk [tilespmem:v2+s3+$0x0], $0xffff  }
0x236: {  	v14 =	vld [tilespmem:s30+$0xFFFFF400]  }
0x237: {  	v6 =	vadd.f32 v8, v6;
	v17 =	vld [tilespmem:s30+$0xFFFFFE00]  }
0x238: {  	v18 =	vld [tilespmem:s30+$0x800]  }
0x239: {  	v5 =	vadd.f32 v5, v7;
	v19 =	vld [tilespmem:s30+$0x1200]  }
0x23a: {  	v4 =	vld.idx.msk [tilespmem:v4+s3+$0x0], $0xffff  }
0x23b: {  	v7 =	vadd.f32 v2, v9;
	v3 =	vld.idx.msk [tilespmem:v3+s3+$0x0], $0xffff  }
0x23c: {  	v8 =	vld.idx.msk [tilespmem:v10+s3+$0x0], $0xffff  }
0x23d: {  	v9 =	vld.idx.msk [tilespmem:v1+s3+$0x0], $0xffff  }
0x23e: {  	v10 =	vld.idx.msk [tilespmem:v12+s3+$0x0], $0xffff  }
0x23f: {  	v12 =	vld.idx.msk [tilespmem:v13+s3+$0x0], $0xffff  }
0x240: {  	v11 =	vadd.f32 v4, v11;
	v1 =	vld.idx.msk [tilespmem:v15+s3+$0x0], $0xffff  }
.Ltmp3:
0x241: {  	v6 =	vadd.f32 v3, v6;
	v2 =	vld.idx.msk [tilespmem:v16+s3+$0x0], $0xffff;
	(pc) =	sbr.rel @p1 .LBB2_8-.Ltmp3, $4  }
0x242: {  	v8 =	vadd.f32 v8, v5;
	v3 =	vld.idx.msk [tilespmem:v14+s3+$0x0], $0xffff  }
0x243: {  	v7 =	vadd.f32 v9, v7;
	v4 =	vld.idx.msk [tilespmem:v17+s3+$0x0], $0xffff  }
0x244: {  	v9 =	vadd.f32 v10, v11;
	v5 =	vld.idx.msk [tilespmem:v18+s3+$0x0], $0xffff  }
0x245: {  	s30 =	sadd.s32 $0x20, s30;
	v10 =	vadd.f32 v12, v6;
	v6 =	vld.idx.msk [tilespmem:v19+s3+$0x0], $0xffff  }
0x246: {  	_ =	sdelay $0x1  }
0x247: {  	v1 =	vadd.f32 v1, v8;
	v2 =	vadd.f32 v2, v7  }
0x248: {  	v3 =	vadd.f32 v3, v9;
	v4 =	vadd.f32 v4, v10  }
0x249: {  	v1 =	vadd.f32 v5, v1;
	v2 =	vadd.f32 v6, v2;
	_ =	sdelay $0x1  }
0x24a: {  	v3 =	vadd.f32 v4, v3;
	v1 =	vadd.f32 v2, v1;
	_ =	sdelay $0x1  }
0x24b: {  	v1 =	vadd.f32 v1, v3;
	_ =	sdelay $0x1  }
0x24c: {  	[tilespmem:s28+$0x0] =	vst v1  }
0x24d: {  	_ =	swait.ge [sflag:s23], $0x2800  }
0x24e: {  	[sflag:s23] =	ssyncset.done $0x0  }
0x24f: {  	s28 =	simm.s32 $0x19B10;
	[sflag:s23] =	ssyncadd.s32 $0xFFFFD800  }
0x250: {  	[tilespmem:s22], [sflag:$0x1] =	stream.linear.gather [spmem:s9], $0x2800, $0x38;
	[tilespmem:$0x1FB00] =	vst v63  }
0x251: {  	s26 =	simm.s32 $0x0;
	v1 =	vld [tilespmem:s28+$0xFFFFEFF0]  }
0x252: {  	s0 =	sand.u32 $0x1E0, s26;
	v2 =	vld [tilespmem:s28+$0xFFFFEBF0]  }
0x253: {  	v3 =	vld [tilespmem:s0+$0x18F00]  }
0x254: {  	v4 =	vld [tilespmem:s0+$0x19900]  }
0x255: {  	v5 =	vld [tilespmem:s0+$0x1A300]  }
0x256: {  	v6 =	vld [tilespmem:s0+$0x1AD00]  }
0x257: {  	v7 =	vld [tilespmem:s0+$0x18D00]  }
0x258: {  	v8 =	vld [tilespmem:s0+$0x19700]  }
0x259: {  	v9 =	vld [tilespmem:s0+$0x1A100]  }
0x25a: {  	v10 =	vld [tilespmem:s0+$0x1AB00]  }
0x25b: {  	v11 =	vld [tilespmem:s0+$0x19500]  }
0x25c: {  	v12 =	vld [tilespmem:s0+$0x19F00]  }
0x25d: {  	v13 =	vld [tilespmem:s0+$0x1A900]  }
0x25e: {  	v14 =	vld [tilespmem:s0+$0x18900]  }
0x25f: {  	v15 =	vld [tilespmem:s0+$0x19100]  }
0x260: {  	v16 =	vld [tilespmem:s0+$0x19300]  }
0x261: {  	v17 =	vld [tilespmem:s0+$0x19B00]  }
0x262: {  	v18 =	vld [tilespmem:s0+$0x19D00]  }
0x263: {  	v19 =	vld [tilespmem:s0+$0x1A500]  }
0x264: {  	v20 =	vld [tilespmem:s0+$0x1A700]  }
0x265: {  	v21 =	vld [tilespmem:s28+$0xFFFFEC00]  }
0x266: {  	v22 =	vld [tilespmem:s28+$0xFFFFEE00]  }
0x267: {  	v23 =	vld [tilespmem:s28+$0xFFFFF600]  }
0x268: {  	v24 =	vld [tilespmem:s28+$0xFFFFF800]  }
0x269: {  	v25 =	vld [tilespmem:s28+$0x0]  }
0x26a: {  	v26 =	vld [tilespmem:s28+$0x200]  }
0x26b: {  	v27 =	vld [tilespmem:s28+$0xA00]  }
0x26c: {  	v28 =	vld [tilespmem:s28+$0xC00]  }
0x26d: {  	v29 =	vld [tilespmem:s28+$0xFFFFF000]  }
0x26e: {  	v30 =	vld [tilespmem:s28+$0xFFFFFA00]  }
0x26f: {  	v31 =	vld [tilespmem:s28+$0x400]  }
0x270: {  	v32 =	vld [tilespmem:s28+$0xE00]  }
0x271: {  	v33 =	vld [tilespmem:s28+$0xFFFFF200]  }
0x272: {  	v34 =	vld [tilespmem:s28+$0xFFFFFC00]  }
0x273: {  	v35 =	vld [tilespmem:s28+$0x600]  }
0x274: {  	v36 =	vld [tilespmem:s28+$0x1000]  }
0x275: {  	v57 =	vld [tilespmem:s28+$0xFFFFF400]  }
0x276: {  	v58 =	vld [tilespmem:s28+$0x800]  }
0x277: {  	v59 =	vld [tilespmem:s28+$0x1200]  }
0x278: {  	v1 =	vld.idx.msk [tilespmem:v1+s3+$0x0], $0xffff  }
0x279: {  	v2 =	vld.idx.msk [tilespmem:v2+s3+$0x0], $0xffff  }
0x27a: {  	v3 =	vld.idx.msk [tilespmem:v3+s3+$0x0], $0xffff  }
0x27b: {  	v4 =	vld.idx.msk [tilespmem:v4+s3+$0x0], $0xffff  }
0x27c: {  	v7 =	vld.idx.msk [tilespmem:v7+s3+$0x0], $0xffff  }
0x27d: {  	v8 =	vld.idx.msk [tilespmem:v8+s3+$0x0], $0xffff  }
0x27e: {  	v11 =	vld.idx.msk [tilespmem:v11+s3+$0x0], $0xffff  }
0x27f: {  	v14 =	vld.idx.msk [tilespmem:v14+s3+$0x0], $0xffff  }
0x280: {  	v15 =	vld.idx.msk [tilespmem:v15+s3+$0x0], $0xffff  }
0x281: {  	v16 =	vld.idx.msk [tilespmem:v16+s3+$0x0], $0xffff  }
0x282: {  	v17 =	vld.idx.msk [tilespmem:v17+s3+$0x0], $0xffff  }
0x283: {  	v18 =	vld.idx.msk [tilespmem:v18+s3+$0x0], $0xffff  }
0x284: {  	v19 =	vld.idx.msk [tilespmem:v19+s3+$0x0], $0xffff  }
0x285: {  	v20 =	vld.idx.msk [tilespmem:v20+s3+$0x0], $0xffff  }
0x286: {  	v12 =	vld.idx.msk [tilespmem:v12+s3+$0x0], $0xffff  }
0x287: {  	v13 =	vld.idx.msk [tilespmem:v13+s3+$0x0], $0xffff  }
0x288: {  	v9 =	vld.idx.msk [tilespmem:v9+s3+$0x0], $0xffff  }
0x289: {  	v10 =	vld.idx.msk [tilespmem:v10+s3+$0x0], $0xffff  }
0x28a: {  	v5 =	vld.idx.msk [tilespmem:v5+s3+$0x0], $0xffff  }
0x28b: {  	v6 =	vld.idx.msk [tilespmem:v6+s3+$0x0], $0xffff  }
0x28c: {  	v21 =	vld.idx.msk [tilespmem:v21+s3+$0x0], $0xffff  }
0x28d: {  	v22 =	vld.idx.msk [tilespmem:v22+s3+$0x0], $0xffff  }
0x28e: {  	v23 =	vld.idx.msk [tilespmem:v23+s3+$0x0], $0xffff  }
0x28f: {  	v24 =	vld.idx.msk [tilespmem:v24+s3+$0x0], $0xffff  }
0x290: {  	v25 =	vld.idx.msk [tilespmem:v25+s3+$0x0], $0xffff  }
0x291: {  	v26 =	vld.idx.msk [tilespmem:v26+s3+$0x0], $0xffff;
	v2 =	vadd.f32 v14, v2;
	v53 =	vadd.f32 v16, v15  }
0x292: {  	v27 =	vld.idx.msk [tilespmem:v27+s3+$0x0], $0xffff;
	v55 =	vadd.f32 v18, v17;
	v56 =	vadd.f32 v20, v19  }
0x293: {  	v54 =	vld.idx.msk [tilespmem:v28+s3+$0x0], $0xffff;
	v1 =	vadd.f32 v1, v2;
	v2 =	vadd.f32 v11, v53  }
0x294: {  	v60 =	vld.idx.msk [tilespmem:v34+s3+$0x0], $0xffff;
	v12 =	vadd.f32 v12, v55;
	v13 =	vadd.f32 v13, v56  }
0x295: {  	v11 =	vld [tilespmem:s28+$0xFFFFFE00];
	v1 =	vadd.f32 v7, v1;
	v2 =	vadd.f32 v8, v2  }
0x296: {  	v7 =	vadd.f32 v9, v12;
	v8 =	vadd.f32 v10, v13;
	v9 =	vld.idx.msk [tilespmem:v29+s3+$0x0], $0xffff  }
0x297: {  	v10 =	vld.idx.msk [tilespmem:v33+s3+$0x0], $0xffff;
	v1 =	vadd.f32 v3, v1;
	v2 =	vadd.f32 v4, v2  }
0x298: {  	v4 =	vld.idx.msk [tilespmem:v30+s3+$0x0], $0xffff;
	v3 =	vadd.f32 v5, v7;
	v5 =	vadd.f32 v6, v8  }
0x299: {  	v6 =	vld.idx.msk [tilespmem:v31+s3+$0x0], $0xffff  }
0x29a: {  	v7 =	vld.idx.msk [tilespmem:v32+s3+$0x0], $0xffff;
	v1 =	vadd.f32 v2, v1;
	v2 =	vadd.f32 v5, v3  }
0x29b: {  	v8 =	vadd.f32 v24, v23;
	v3 =	vld.idx.msk [tilespmem:v57+s3+$0x0], $0xffff  }
0x29c: {  	v5 =	vadd.f32 v22, v21;
	v61 =	vadd.f32 v2, v1;
	v1 =	vld.idx.msk [tilespmem:v35+s3+$0x0], $0xffff  }
0x29d: {  	v62 =	vadd.f32 v26, v25;
	v15 =	vadd.f32 v54, v27;
	v2 =	vld.idx.msk [tilespmem:v36+s3+$0x0], $0xffff  }
0x29e: {  	v9 =	vadd.f32 v9, v5;
	v5 =	vld.idx.msk [tilespmem:v58+s3+$0x0], $0xffff;
	v63 =	vadd.f32 v4, v8  }
0x29f: {  	s28 =	simm.s32 $0x1DB10;
	v4 =	vld.idx.msk [tilespmem:v11+s3+$0x0], $0xffff;
	v8 =	vadd.f32 v6, v62;
	v7 =	vadd.f32 v7, v15  }
0x2a0: {  	s29 =	simm.s32 $0x0;
	s30 =	simm.s32 $0x19B30;
	v6 =	vld.idx.msk [tilespmem:v59+s3+$0x0], $0xffff;
	[tilespmem:s28+$0xFFFFFFF0] =	vst v61;
	v9 =	vadd.f32 v10, v9;
	v10 =	vadd.f32 v60, v63  }
.LBB2_10:
0x2a1: {  	v11 =	vld [tilespmem:s30+$0xFFFFEFF0];
	v1 =	vadd.f32 v1, v8;
	s26 =	sadd.s32 $0x20, s26  }
0x2a2: {  	v2 =	vadd.f32 v2, v7;
	v8 =	vld [tilespmem:s30+$0xFFFFEBF0];
	s0 =	sand.u32 $0x1E0, s26  }
0x2a3: {  	v3 =	vadd.f32 v3, v9;
	v7 =	vld [tilespmem:s0+$0x18F00]  }
0x2a4: {  	v4 =	vadd.f32 v4, v10;
	v9 =	vld [tilespmem:s0+$0x19900]  }
0x2a5: {  	v1 =	vadd.f32 v5, v1;
	v10 =	vld [tilespmem:s0+$0x1A300]  }
0x2a6: {  	v2 =	vadd.f32 v6, v2;
	v3 =	vadd.f32 v4, v3;
	v5 =	vld [tilespmem:s0+$0x1AD00]  }
0x2a7: {  	v4 =	vld [tilespmem:s0+$0x18D00]  }
0x2a8: {  	v1 =	vadd.f32 v2, v1;
	v6 =	vld [tilespmem:s0+$0x19700]  }
0x2a9: {  	v2 =	vld [tilespmem:s0+$0x1A100]  }
0x2aa: {  	v1 =	vadd.f32 v1, v3;
	v12 =	vld [tilespmem:s0+$0x1AB00]  }
0x2ab: {  	v3 =	vld [tilespmem:s0+$0x19500]  }
0x2ac: {  	v13 =	vld [tilespmem:s0+$0x19F00];
	[tilespmem:s28+$0x0] =	vst v1  }
0x2ad: {  	v1 =	vld [tilespmem:s0+$0x1A900]  }
0x2ae: {  	v14 =	vld [tilespmem:s0+$0x18900]  }
0x2af: {  	v15 =	vld [tilespmem:s0+$0x19100]  }
0x2b0: {  	v16 =	vld [tilespmem:s0+$0x19300]  }
0x2b1: {  	v17 =	vld [tilespmem:s0+$0x19B00]  }
0x2b2: {  	v18 =	vld [tilespmem:s0+$0x19D00]  }
0x2b3: {  	v19 =	vld [tilespmem:s0+$0x1A500]  }
0x2b4: {  	v20 =	vld [tilespmem:s0+$0x1A700]  }
0x2b5: {  	v11 =	vld.idx.msk [tilespmem:v11+s3+$0x0], $0xffff  }
0x2b6: {  	v8 =	vld.idx.msk [tilespmem:v8+s3+$0x0], $0xffff  }
0x2b7: {  	v7 =	vld.idx.msk [tilespmem:v7+s3+$0x0], $0xffff  }
0x2b8: {  	v9 =	vld.idx.msk [tilespmem:v9+s3+$0x0], $0xffff  }
0x2b9: {  	s29 =	sadd.s32 $0x2, s29;
	v4 =	vld.idx.msk [tilespmem:v4+s3+$0x0], $0xffff  }
0x2ba: {  	p1 =	slt.u32 s29, $0x1E;
	v6 =	vld.idx.msk [tilespmem:v6+s3+$0x0], $0xffff  }
0x2bb: {  	v3 =	vld.idx.msk [tilespmem:v3+s3+$0x0], $0xffff  }
0x2bc: {  	v14 =	vld.idx.msk [tilespmem:v14+s3+$0x0], $0xffff  }
0x2bd: {  	v15 =	vld.idx.msk [tilespmem:v15+s3+$0x0], $0xffff  }
0x2be: {  	v16 =	vld.idx.msk [tilespmem:v16+s3+$0x0], $0xffff  }
0x2bf: {  	v17 =	vld.idx.msk [tilespmem:v17+s3+$0x0], $0xffff  }
0x2c0: {  	v18 =	vld.idx.msk [tilespmem:v18+s3+$0x0], $0xffff  }
0x2c1: {  	v19 =	vld.idx.msk [tilespmem:v19+s3+$0x0], $0xffff  }
0x2c2: {  	v20 =	vld.idx.msk [tilespmem:v20+s3+$0x0], $0xffff  }
0x2c3: {  	v13 =	vld.idx.msk [tilespmem:v13+s3+$0x0], $0xffff  }
0x2c4: {  	v1 =	vld.idx.msk [tilespmem:v1+s3+$0x0], $0xffff  }
0x2c5: {  	v2 =	vld.idx.msk [tilespmem:v2+s3+$0x0], $0xffff  }
0x2c6: {  	v12 =	vld.idx.msk [tilespmem:v12+s3+$0x0], $0xffff  }
0x2c7: {  	v8 =	vadd.f32 v14, v8;
	v14 =	vadd.f32 v16, v15;
	v10 =	vld.idx.msk [tilespmem:v10+s3+$0x0], $0xffff  }
0x2c8: {  	v15 =	vadd.f32 v18, v17;
	v16 =	vadd.f32 v20, v19;
	v5 =	vld.idx.msk [tilespmem:v5+s3+$0x0], $0xffff  }
0x2c9: {  	v8 =	vadd.f32 v11, v8;
	v3 =	vadd.f32 v3, v14;
	v11 =	vld [tilespmem:s30+$0xFFFFEC00]  }
0x2ca: {  	v13 =	vadd.f32 v13, v15;
	v1 =	vadd.f32 v1, v16;
	v14 =	vld [tilespmem:s30+$0xFFFFEE00]  }
0x2cb: {  	v4 =	vadd.f32 v4, v8;
	v3 =	vadd.f32 v6, v3;
	v6 =	vld [tilespmem:s30+$0xFFFFF600]  }
0x2cc: {  	v2 =	vadd.f32 v2, v13;
	v1 =	vadd.f32 v12, v1;
	v8 =	vld [tilespmem:s30+$0xFFFFF800]  }
0x2cd: {  	v4 =	vadd.f32 v7, v4;
	v3 =	vadd.f32 v9, v3;
	v7 =	vld [tilespmem:s30+$0x0]  }
0x2ce: {  	v2 =	vadd.f32 v10, v2;
	v1 =	vadd.f32 v5, v1;
	v5 =	vld [tilespmem:s30+$0x200]  }
0x2cf: {  	v9 =	vld [tilespmem:s30+$0xA00]  }
0x2d0: {  	v3 =	vadd.f32 v3, v4;
	v1 =	vadd.f32 v1, v2;
	v2 =	vld [tilespmem:s30+$0xC00]  }
0x2d1: {  	v4 =	vld [tilespmem:s30+$0xFFFFF000]  }
0x2d2: {  	v1 =	vadd.f32 v1, v3;
	v3 =	vld [tilespmem:s30+$0xFFFFFA00]  }
0x2d3: {  	s28 =	sadd.s32 $0x20, s28;
	v10 =	vld [tilespmem:s30+$0x400]  }
0x2d4: {  	[tilespmem:s28+$0xFFFFFFF0] =	vst v1;
	v1 =	vld [tilespmem:s30+$0xE00]  }
0x2d5: {  	v12 =	vld [tilespmem:s30+$0xFFFFF200]  }
0x2d6: {  	v13 =	vld [tilespmem:s30+$0xFFFFFC00]  }
0x2d7: {  	v15 =	vld [tilespmem:s30+$0x600]  }
0x2d8: {  	v16 =	vld [tilespmem:s30+$0x1000]  }
0x2d9: {  	v11 =	vld.idx.msk [tilespmem:v11+s3+$0x0], $0xffff  }
0x2da: {  	v14 =	vld.idx.msk [tilespmem:v14+s3+$0x0], $0xffff  }
0x2db: {  	v6 =	vld.idx.msk [tilespmem:v6+s3+$0x0], $0xffff  }
0x2dc: {  	v8 =	vld.idx.msk [tilespmem:v8+s3+$0x0], $0xffff  }
0x2dd: {  	v7 =	vld.idx.msk [tilespmem:v7+s3+$0x0], $0xffff  }
0x2de: {  	v5 =	vld.idx.msk [tilespmem:v5+s3+$0x0], $0xffff  }
0x2df: {  	v9 =	vld.idx.msk [tilespmem:v9+s3+$0x0], $0xffff  }
0x2e0: {  	v11 =	vadd.f32 v14, v11;
	v2 =	vld.idx.msk [tilespmem:v2+s3+$0x0], $0xffff  }
0x2e1: {  	v14 =	vld [tilespmem:s30+$0xFFFFF400]  }
0x2e2: {  	v6 =	vadd.f32 v8, v6;
	v17 =	vld [tilespmem:s30+$0xFFFFFE00]  }
0x2e3: {  	v18 =	vld [tilespmem:s30+$0x800]  }
0x2e4: {  	v5 =	vadd.f32 v5, v7;
	v19 =	vld [tilespmem:s30+$0x1200]  }
0x2e5: {  	v4 =	vld.idx.msk [tilespmem:v4+s3+$0x0], $0xffff  }
0x2e6: {  	v7 =	vadd.f32 v2, v9;
	v3 =	vld.idx.msk [tilespmem:v3+s3+$0x0], $0xffff  }
0x2e7: {  	v8 =	vld.idx.msk [tilespmem:v10+s3+$0x0], $0xffff  }
0x2e8: {  	v9 =	vld.idx.msk [tilespmem:v1+s3+$0x0], $0xffff  }
0x2e9: {  	v10 =	vld.idx.msk [tilespmem:v12+s3+$0x0], $0xffff  }
0x2ea: {  	v12 =	vld.idx.msk [tilespmem:v13+s3+$0x0], $0xffff  }
0x2eb: {  	v11 =	vadd.f32 v4, v11;
	v1 =	vld.idx.msk [tilespmem:v15+s3+$0x0], $0xffff  }
.Ltmp4:
0x2ec: {  	v6 =	vadd.f32 v3, v6;
	v2 =	vld.idx.msk [tilespmem:v16+s3+$0x0], $0xffff;
	(pc) =	sbr.rel @p1 .LBB2_10-.Ltmp4, $4  }
0x2ed: {  	v8 =	vadd.f32 v8, v5;
	v3 =	vld.idx.msk [tilespmem:v14+s3+$0x0], $0xffff  }
0x2ee: {  	v7 =	vadd.f32 v9, v7;
	v4 =	vld.idx.msk [tilespmem:v17+s3+$0x0], $0xffff  }
0x2ef: {  	v9 =	vadd.f32 v10, v11;
	v5 =	vld.idx.msk [tilespmem:v18+s3+$0x0], $0xffff  }
0x2f0: {  	s30 =	sadd.s32 $0x20, s30;
	v10 =	vadd.f32 v12, v6;
	v6 =	vld.idx.msk [tilespmem:v19+s3+$0x0], $0xffff  }
0x2f1: {  	_ =	sdelay $0x1  }
0x2f2: {  	v1 =	vadd.f32 v1, v8;
	v2 =	vadd.f32 v2, v7  }
0x2f3: {  	v3 =	vadd.f32 v3, v9;
	v4 =	vadd.f32 v4, v10  }
0x2f4: {  	v1 =	vadd.f32 v5, v1;
	v2 =	vadd.f32 v6, v2;
	_ =	sdelay $0x1  }
0x2f5: {  	v3 =	vadd.f32 v4, v3;
	v1 =	vadd.f32 v2, v1;
	_ =	sdelay $0x1  }
0x2f6: {  	v1 =	vadd.f32 v1, v3;
	_ =	sdelay $0x1  }
0x2f7: {  	[tilespmem:s28+$0x0] =	vst v1  }
0x2f8: {  	_ =	swait.ge [sflag:s23], $0x2800  }
0x2f9: {  	[sflag:s23] =	ssyncset.done $0x0  }
0x2fa: {  	s28 =	simm.s32 $0x1C310;
	[sflag:s23] =	ssyncadd.s32 $0xFFFFD800  }
0x2fb: {  	[tilespmem:s20], [sflag:$0x1] =	stream.linear.gather [spmem:s10], $0x2800, $0x38;
	[tilespmem:$0x1FB00] =	vst v63  }
0x2fc: {  	s26 =	simm.s32 $0x0;
	v1 =	vld [tilespmem:s28+$0xFFFFF1F0]  }
0x2fd: {  	s0 =	sand.u32 $0x1E0, s26;
	v2 =	vld [tilespmem:s28+$0xFFFFEBF0]  }
0x2fe: {  	v3 =	vld [tilespmem:s0+$0x1B700]  }
0x2ff: {  	v4 =	vld [tilespmem:s0+$0x1C100]  }
0x300: {  	v5 =	vld [tilespmem:s0+$0x1CB00]  }
0x301: {  	v6 =	vld [tilespmem:s0+$0x1D500]  }
0x302: {  	v7 =	vld [tilespmem:s0+$0x1BF00]  }
0x303: {  	v8 =	vld [tilespmem:s0+$0x1C900]  }
0x304: {  	v9 =	vld [tilespmem:s0+$0x1D300]  }
0x305: {  	v10 =	vld [tilespmem:s0+$0x1B300]  }
0x306: {  	v11 =	vld [tilespmem:s0+$0x1BD00]  }
0x307: {  	v12 =	vld [tilespmem:s0+$0x1C700]  }
0x308: {  	v13 =	vld [tilespmem:s0+$0x1D100]  }
0x309: {  	v14 =	vld [tilespmem:s0+$0x1B100]  }
0x30a: {  	v15 =	vld [tilespmem:s0+$0x1B900]  }
0x30b: {  	v16 =	vld [tilespmem:s0+$0x1BB00]  }
0x30c: {  	v17 =	vld [tilespmem:s0+$0x1C300]  }
0x30d: {  	v18 =	vld [tilespmem:s0+$0x1C500]  }
0x30e: {  	v19 =	vld [tilespmem:s0+$0x1CD00]  }
0x30f: {  	v20 =	vld [tilespmem:s0+$0x1CF00]  }
0x310: {  	v21 =	vld [tilespmem:s28+$0xFFFFEC00]  }
0x311: {  	v22 =	vld [tilespmem:s28+$0xFFFFEE00]  }
0x312: {  	v23 =	vld [tilespmem:s28+$0xFFFFF600]  }
0x313: {  	v24 =	vld [tilespmem:s28+$0xFFFFF800]  }
0x314: {  	v25 =	vld [tilespmem:s28+$0x0]  }
0x315: {  	v26 =	vld [tilespmem:s28+$0x200]  }
0x316: {  	v27 =	vld [tilespmem:s28+$0xA00]  }
0x317: {  	v28 =	vld [tilespmem:s28+$0xC00]  }
0x318: {  	v29 =	vld [tilespmem:s28+$0xFFFFF000]  }
0x319: {  	v30 =	vld [tilespmem:s28+$0xFFFFFA00]  }
0x31a: {  	v31 =	vld [tilespmem:s28+$0x400]  }
0x31b: {  	v32 =	vld [tilespmem:s28+$0xE00]  }
0x31c: {  	v33 =	vld [tilespmem:s28+$0xFFFFF200]  }
0x31d: {  	v34 =	vld [tilespmem:s28+$0xFFFFFC00]  }
0x31e: {  	v35 =	vld [tilespmem:s28+$0x600]  }
0x31f: {  	v36 =	vld [tilespmem:s28+$0x1000]  }
0x320: {  	v57 =	vld [tilespmem:s28+$0xFFFFF400]  }
0x321: {  	v58 =	vld [tilespmem:s28+$0x800]  }
0x322: {  	v59 =	vld [tilespmem:s28+$0x1200]  }
0x323: {  	v1 =	vld.idx.msk [tilespmem:v1+s3+$0x0], $0xffff  }
0x324: {  	v2 =	vld.idx.msk [tilespmem:v2+s3+$0x0], $0xffff  }
0x325: {  	v3 =	vld.idx.msk [tilespmem:v3+s3+$0x0], $0xffff  }
0x326: {  	v4 =	vld.idx.msk [tilespmem:v4+s3+$0x0], $0xffff  }
0x327: {  	v7 =	vld.idx.msk [tilespmem:v7+s3+$0x0], $0xffff  }
0x328: {  	v10 =	vld.idx.msk [tilespmem:v10+s3+$0x0], $0xffff  }
0x329: {  	v11 =	vld.idx.msk [tilespmem:v11+s3+$0x0], $0xffff  }
0x32a: {  	v14 =	vld.idx.msk [tilespmem:v14+s3+$0x0], $0xffff  }
0x32b: {  	v15 =	vld.idx.msk [tilespmem:v15+s3+$0x0], $0xffff  }
0x32c: {  	v16 =	vld.idx.msk [tilespmem:v16+s3+$0x0], $0xffff  }
0x32d: {  	v17 =	vld.idx.msk [tilespmem:v17+s3+$0x0], $0xffff  }
0x32e: {  	v18 =	vld.idx.msk [tilespmem:v18+s3+$0x0], $0xffff  }
0x32f: {  	v19 =	vld.idx.msk [tilespmem:v19+s3+$0x0], $0xffff  }
0x330: {  	v20 =	vld.idx.msk [tilespmem:v20+s3+$0x0], $0xffff  }
0x331: {  	v12 =	vld.idx.msk [tilespmem:v12+s3+$0x0], $0xffff  }
0x332: {  	v13 =	vld.idx.msk [tilespmem:v13+s3+$0x0], $0xffff  }
0x333: {  	v8 =	vld.idx.msk [tilespmem:v8+s3+$0x0], $0xffff  }
0x334: {  	v9 =	vld.idx.msk [tilespmem:v9+s3+$0x0], $0xffff  }
0x335: {  	v5 =	vld.idx.msk [tilespmem:v5+s3+$0x0], $0xffff  }
0x336: {  	v6 =	vld.idx.msk [tilespmem:v6+s3+$0x0], $0xffff  }
0x337: {  	v21 =	vld.idx.msk [tilespmem:v21+s3+$0x0], $0xffff  }
0x338: {  	v22 =	vld.idx.msk [tilespmem:v22+s3+$0x0], $0xffff  }
0x339: {  	v23 =	vld.idx.msk [tilespmem:v23+s3+$0x0], $0xffff  }
0x33a: {  	v24 =	vld.idx.msk [tilespmem:v24+s3+$0x0], $0xffff  }
0x33b: {  	v25 =	vld.idx.msk [tilespmem:v25+s3+$0x0], $0xffff  }
0x33c: {  	v26 =	vld.idx.msk [tilespmem:v26+s3+$0x0], $0xffff;
	v2 =	vadd.f32 v14, v2;
	v53 =	vadd.f32 v16, v15  }
0x33d: {  	v27 =	vld.idx.msk [tilespmem:v27+s3+$0x0], $0xffff;
	v55 =	vadd.f32 v18, v17;
	v56 =	vadd.f32 v20, v19  }
0x33e: {  	v54 =	vld.idx.msk [tilespmem:v28+s3+$0x0], $0xffff;
	v2 =	vadd.f32 v10, v2;
	v10 =	vadd.f32 v11, v53  }
0x33f: {  	v60 =	vld.idx.msk [tilespmem:v34+s3+$0x0], $0xffff;
	v12 =	vadd.f32 v12, v55;
	v13 =	vadd.f32 v13, v56  }
0x340: {  	v11 =	vld [tilespmem:s28+$0xFFFFFE00];
	v1 =	vadd.f32 v1, v2;
	v2 =	vadd.f32 v7, v10  }
0x341: {  	v7 =	vadd.f32 v8, v12;
	v8 =	vadd.f32 v9, v13;
	v9 =	vld.idx.msk [tilespmem:v29+s3+$0x0], $0xffff  }
0x342: {  	v10 =	vld.idx.msk [tilespmem:v33+s3+$0x0], $0xffff;
	v1 =	vadd.f32 v3, v1;
	v2 =	vadd.f32 v4, v2  }
0x343: {  	v4 =	vld.idx.msk [tilespmem:v30+s3+$0x0], $0xffff;
	v3 =	vadd.f32 v5, v7;
	v5 =	vadd.f32 v6, v8  }
0x344: {  	v6 =	vld.idx.msk [tilespmem:v31+s3+$0x0], $0xffff  }
0x345: {  	v7 =	vld.idx.msk [tilespmem:v32+s3+$0x0], $0xffff;
	v1 =	vadd.f32 v2, v1;
	v2 =	vadd.f32 v5, v3  }
0x346: {  	v8 =	vadd.f32 v24, v23;
	v3 =	vld.idx.msk [tilespmem:v57+s3+$0x0], $0xffff  }
0x347: {  	v5 =	vadd.f32 v22, v21;
	v61 =	vadd.f32 v2, v1;
	v1 =	vld.idx.msk [tilespmem:v35+s3+$0x0], $0xffff  }
0x348: {  	v62 =	vadd.f32 v26, v25;
	v15 =	vadd.f32 v54, v27;
	v2 =	vld.idx.msk [tilespmem:v36+s3+$0x0], $0xffff  }
0x349: {  	v9 =	vadd.f32 v9, v5;
	v5 =	vld.idx.msk [tilespmem:v58+s3+$0x0], $0xffff;
	v63 =	vadd.f32 v4, v8  }
0x34a: {  	s28 =	simm.s32 $0x1DD10;
	v4 =	vld.idx.msk [tilespmem:v11+s3+$0x0], $0xffff;
	v8 =	vadd.f32 v6, v62;
	v7 =	vadd.f32 v7, v15  }
0x34b: {  	s29 =	simm.s32 $0x0;
	s30 =	simm.s32 $0x1C330;
	v6 =	vld.idx.msk [tilespmem:v59+s3+$0x0], $0xffff;
	[tilespmem:s28+$0xFFFFFFF0] =	vst v61;
	v9 =	vadd.f32 v10, v9;
	v10 =	vadd.f32 v60, v63  }
.LBB2_12:
0x34c: {  	v11 =	vld [tilespmem:s30+$0xFFFFF1F0];
	v1 =	vadd.f32 v1, v8;
	s26 =	sadd.s32 $0x20, s26  }
0x34d: {  	v2 =	vadd.f32 v2, v7;
	v8 =	vld [tilespmem:s30+$0xFFFFEBF0];
	s0 =	sand.u32 $0x1E0, s26  }
0x34e: {  	v3 =	vadd.f32 v3, v9;
	v7 =	vld [tilespmem:s0+$0x1B700]  }
0x34f: {  	v4 =	vadd.f32 v4, v10;
	v9 =	vld [tilespmem:s0+$0x1C100]  }
0x350: {  	v1 =	vadd.f32 v5, v1;
	v10 =	vld [tilespmem:s0+$0x1CB00]  }
0x351: {  	v2 =	vadd.f32 v6, v2;
	v3 =	vadd.f32 v4, v3;
	v5 =	vld [tilespmem:s0+$0x1D500]  }
0x352: {  	v4 =	vld [tilespmem:s0+$0x1BF00]  }
0x353: {  	v1 =	vadd.f32 v2, v1;
	v6 =	vld [tilespmem:s0+$0x1C900]  }
0x354: {  	v2 =	vld [tilespmem:s0+$0x1D300]  }
0x355: {  	v1 =	vadd.f32 v1, v3;
	v12 =	vld [tilespmem:s0+$0x1B300]  }
0x356: {  	v3 =	vld [tilespmem:s0+$0x1BD00]  }
0x357: {  	v13 =	vld [tilespmem:s0+$0x1C700];
	[tilespmem:s28+$0x0] =	vst v1  }
0x358: {  	v1 =	vld [tilespmem:s0+$0x1D100]  }
0x359: {  	v14 =	vld [tilespmem:s0+$0x1B100]  }
0x35a: {  	v15 =	vld [tilespmem:s0+$0x1B900]  }
0x35b: {  	v16 =	vld [tilespmem:s0+$0x1BB00]  }
0x35c: {  	v17 =	vld [tilespmem:s0+$0x1C300]  }
0x35d: {  	v18 =	vld [tilespmem:s0+$0x1C500]  }
0x35e: {  	v19 =	vld [tilespmem:s0+$0x1CD00]  }
0x35f: {  	v20 =	vld [tilespmem:s0+$0x1CF00]  }
0x360: {  	v11 =	vld.idx.msk [tilespmem:v11+s3+$0x0], $0xffff  }
0x361: {  	v8 =	vld.idx.msk [tilespmem:v8+s3+$0x0], $0xffff  }
0x362: {  	v7 =	vld.idx.msk [tilespmem:v7+s3+$0x0], $0xffff  }
0x363: {  	v9 =	vld.idx.msk [tilespmem:v9+s3+$0x0], $0xffff  }
0x364: {  	s29 =	sadd.s32 $0x2, s29;
	v4 =	vld.idx.msk [tilespmem:v4+s3+$0x0], $0xffff  }
0x365: {  	p1 =	slt.u32 s29, $0x1E;
	v12 =	vld.idx.msk [tilespmem:v12+s3+$0x0], $0xffff  }
0x366: {  	v3 =	vld.idx.msk [tilespmem:v3+s3+$0x0], $0xffff  }
0x367: {  	v14 =	vld.idx.msk [tilespmem:v14+s3+$0x0], $0xffff  }
0x368: {  	v15 =	vld.idx.msk [tilespmem:v15+s3+$0x0], $0xffff  }
0x369: {  	v16 =	vld.idx.msk [tilespmem:v16+s3+$0x0], $0xffff  }
0x36a: {  	v17 =	vld.idx.msk [tilespmem:v17+s3+$0x0], $0xffff  }
0x36b: {  	v18 =	vld.idx.msk [tilespmem:v18+s3+$0x0], $0xffff  }
0x36c: {  	v19 =	vld.idx.msk [tilespmem:v19+s3+$0x0], $0xffff  }
0x36d: {  	v20 =	vld.idx.msk [tilespmem:v20+s3+$0x0], $0xffff  }
0x36e: {  	v13 =	vld.idx.msk [tilespmem:v13+s3+$0x0], $0xffff  }
0x36f: {  	v1 =	vld.idx.msk [tilespmem:v1+s3+$0x0], $0xffff  }
0x370: {  	v6 =	vld.idx.msk [tilespmem:v6+s3+$0x0], $0xffff  }
0x371: {  	v2 =	vld.idx.msk [tilespmem:v2+s3+$0x0], $0xffff  }
0x372: {  	v8 =	vadd.f32 v14, v8;
	v14 =	vadd.f32 v16, v15;
	v10 =	vld.idx.msk [tilespmem:v10+s3+$0x0], $0xffff  }
0x373: {  	v15 =	vadd.f32 v18, v17;
	v16 =	vadd.f32 v20, v19;
	v5 =	vld.idx.msk [tilespmem:v5+s3+$0x0], $0xffff  }
0x374: {  	v8 =	vadd.f32 v12, v8;
	v3 =	vadd.f32 v3, v14;
	v12 =	vld [tilespmem:s30+$0xFFFFEC00]  }
0x375: {  	v13 =	vadd.f32 v13, v15;
	v1 =	vadd.f32 v1, v16;
	v14 =	vld [tilespmem:s30+$0xFFFFEE00]  }
0x376: {  	v8 =	vadd.f32 v11, v8;
	v3 =	vadd.f32 v4, v3;
	v4 =	vld [tilespmem:s30+$0xFFFFF600]  }
0x377: {  	v6 =	vadd.f32 v6, v13;
	v1 =	vadd.f32 v2, v1;
	v2 =	vld [tilespmem:s30+$0xFFFFF800]  }
0x378: {  	v7 =	vadd.f32 v7, v8;
	v3 =	vadd.f32 v9, v3;
	v8 =	vld [tilespmem:s30+$0x0]  }
0x379: {  	v6 =	vadd.f32 v10, v6;
	v1 =	vadd.f32 v5, v1;
	v5 =	vld [tilespmem:s30+$0x200]  }
0x37a: {  	v9 =	vld [tilespmem:s30+$0xA00]  }
0x37b: {  	v3 =	vadd.f32 v3, v7;
	v1 =	vadd.f32 v1, v6;
	v6 =	vld [tilespmem:s30+$0xC00]  }
0x37c: {  	v7 =	vld [tilespmem:s30+$0xFFFFF000]  }
0x37d: {  	v1 =	vadd.f32 v1, v3;
	v3 =	vld [tilespmem:s30+$0xFFFFFA00]  }
0x37e: {  	s28 =	sadd.s32 $0x20, s28;
	v10 =	vld [tilespmem:s30+$0x400]  }
0x37f: {  	[tilespmem:s28+$0xFFFFFFF0] =	vst v1;
	v1 =	vld [tilespmem:s30+$0xE00]  }
0x380: {  	v11 =	vld [tilespmem:s30+$0xFFFFF200]  }
0x381: {  	v13 =	vld [tilespmem:s30+$0xFFFFFC00]  }
0x382: {  	v15 =	vld [tilespmem:s30+$0x600]  }
0x383: {  	v16 =	vld [tilespmem:s30+$0x1000]  }
0x384: {  	v12 =	vld.idx.msk [tilespmem:v12+s3+$0x0], $0xffff  }
0x385: {  	v14 =	vld.idx.msk [tilespmem:v14+s3+$0x0], $0xffff  }
0x386: {  	v4 =	vld.idx.msk [tilespmem:v4+s3+$0x0], $0xffff  }
0x387: {  	v2 =	vld.idx.msk [tilespmem:v2+s3+$0x0], $0xffff  }
0x388: {  	v8 =	vld.idx.msk [tilespmem:v8+s3+$0x0], $0xffff  }
0x389: {  	v5 =	vld.idx.msk [tilespmem:v5+s3+$0x0], $0xffff  }
0x38a: {  	v9 =	vld.idx.msk [tilespmem:v9+s3+$0x0], $0xffff  }
0x38b: {  	v12 =	vadd.f32 v14, v12;
	v6 =	vld.idx.msk [tilespmem:v6+s3+$0x0], $0xffff  }
0x38c: {  	v14 =	vld [tilespmem:s30+$0xFFFFF400]  }
0x38d: {  	v2 =	vadd.f32 v2, v4;
	v4 =	vld [tilespmem:s30+$0xFFFFFE00]  }
0x38e: {  	v17 =	vld [tilespmem:s30+$0x800]  }
0x38f: {  	v5 =	vadd.f32 v5, v8;
	v18 =	vld [tilespmem:s30+$0x1200]  }
0x390: {  	v7 =	vld.idx.msk [tilespmem:v7+s3+$0x0], $0xffff  }
0x391: {  	v6 =	vadd.f32 v6, v9;
	v3 =	vld.idx.msk [tilespmem:v3+s3+$0x0], $0xffff  }
0x392: {  	v8 =	vld.idx.msk [tilespmem:v10+s3+$0x0], $0xffff  }
0x393: {  	v9 =	vld.idx.msk [tilespmem:v1+s3+$0x0], $0xffff  }
0x394: {  	v10 =	vld.idx.msk [tilespmem:v11+s3+$0x0], $0xffff  }
0x395: {  	v11 =	vld.idx.msk [tilespmem:v13+s3+$0x0], $0xffff  }
0x396: {  	v12 =	vadd.f32 v7, v12;
	v1 =	vld.idx.msk [tilespmem:v15+s3+$0x0], $0xffff  }
.Ltmp5:
0x397: {  	v13 =	vadd.f32 v3, v2;
	v2 =	vld.idx.msk [tilespmem:v16+s3+$0x0], $0xffff;
	(pc) =	sbr.rel @p1 .LBB2_12-.Ltmp5, $4  }
0x398: {  	v8 =	vadd.f32 v8, v5;
	v3 =	vld.idx.msk [tilespmem:v14+s3+$0x0], $0xffff  }
0x399: {  	v7 =	vadd.f32 v9, v6;
	v4 =	vld.idx.msk [tilespmem:v4+s3+$0x0], $0xffff  }
0x39a: {  	v9 =	vadd.f32 v10, v12;
	v5 =	vld.idx.msk [tilespmem:v17+s3+$0x0], $0xffff  }
0x39b: {  	s30 =	sadd.s32 $0x20, s30;
	v10 =	vadd.f32 v11, v13;
	v6 =	vld.idx.msk [tilespmem:v18+s3+$0x0], $0xffff  }
0x39c: {  	_ =	sdelay $0x1  }
0x39d: {  	v1 =	vadd.f32 v1, v8;
	v2 =	vadd.f32 v2, v7  }
0x39e: {  	v3 =	vadd.f32 v3, v9;
	v4 =	vadd.f32 v4, v10  }
0x39f: {  	v1 =	vadd.f32 v5, v1;
	v2 =	vadd.f32 v6, v2;
	_ =	sdelay $0x1  }
0x3a0: {  	v3 =	vadd.f32 v4, v3;
	v1 =	vadd.f32 v2, v1;
	_ =	sdelay $0x1  }
0x3a1: {  	v1 =	vadd.f32 v1, v3;
	_ =	sdelay $0x1  }
0x3a2: {  	[tilespmem:s28+$0x0] =	vst v1  }
0x3a3: {  	_ =	swait.ge [sflag:s23], $0x2800  }
0x3a4: {  	[sflag:s23] =	ssyncset.done $0x0  }
0x3a5: {  	s28 =	simm.s32 $0x19B10;
	[sflag:s23] =	ssyncadd.s32 $0xFFFFD800  }
0x3a6: {  	[tilespmem:s22], [sflag:$0x1] =	stream.linear.gather [spmem:s11], $0x2800, $0x38;
	[tilespmem:$0x1FB00] =	vst v63  }
0x3a7: {  	s26 =	simm.s32 $0x0;
	v1 =	vld [tilespmem:s28+$0xFFFFF3F0]  }
0x3a8: {  	s0 =	sand.u32 $0x1E0, s26;
	v2 =	vld [tilespmem:s28+$0xFFFFEBF0]  }
0x3a9: {  	v3 =	vld [tilespmem:s0+$0x19900]  }
0x3aa: {  	v4 =	vld [tilespmem:s0+$0x1A300]  }
0x3ab: {  	v5 =	vld [tilespmem:s0+$0x1AD00]  }
0x3ac: {  	v6 =	vld [tilespmem:s0+$0x18D00]  }
0x3ad: {  	v7 =	vld [tilespmem:s0+$0x19700]  }
0x3ae: {  	v8 =	vld [tilespmem:s0+$0x1A100]  }
0x3af: {  	v9 =	vld [tilespmem:s0+$0x1AB00]  }
0x3b0: {  	v10 =	vld [tilespmem:s0+$0x18B00]  }
0x3b1: {  	v11 =	vld [tilespmem:s0+$0x19500]  }
0x3b2: {  	v12 =	vld [tilespmem:s0+$0x19F00]  }
0x3b3: {  	v13 =	vld [tilespmem:s0+$0x1A900]  }
0x3b4: {  	v14 =	vld [tilespmem:s0+$0x18900]  }
0x3b5: {  	v15 =	vld [tilespmem:s0+$0x19100]  }
0x3b6: {  	v16 =	vld [tilespmem:s0+$0x19300]  }
0x3b7: {  	v17 =	vld [tilespmem:s0+$0x19B00]  }
0x3b8: {  	v18 =	vld [tilespmem:s0+$0x19D00]  }
0x3b9: {  	v19 =	vld [tilespmem:s0+$0x1A500]  }
0x3ba: {  	v20 =	vld [tilespmem:s0+$0x1A700]  }
0x3bb: {  	v21 =	vld [tilespmem:s28+$0xFFFFEC00]  }
0x3bc: {  	v22 =	vld [tilespmem:s28+$0xFFFFEE00]  }
0x3bd: {  	v23 =	vld [tilespmem:s28+$0xFFFFF600]  }
0x3be: {  	v24 =	vld [tilespmem:s28+$0xFFFFF800]  }
0x3bf: {  	v25 =	vld [tilespmem:s28+$0x0]  }
0x3c0: {  	v26 =	vld [tilespmem:s28+$0x200]  }
0x3c1: {  	v27 =	vld [tilespmem:s28+$0xA00]  }
0x3c2: {  	v28 =	vld [tilespmem:s28+$0xC00]  }
0x3c3: {  	v29 =	vld [tilespmem:s28+$0xFFFFF000]  }
0x3c4: {  	v30 =	vld [tilespmem:s28+$0xFFFFFA00]  }
0x3c5: {  	v31 =	vld [tilespmem:s28+$0x400]  }
0x3c6: {  	v32 =	vld [tilespmem:s28+$0xE00]  }
0x3c7: {  	v33 =	vld [tilespmem:s28+$0xFFFFF200]  }
0x3c8: {  	v34 =	vld [tilespmem:s28+$0xFFFFFC00]  }
0x3c9: {  	v35 =	vld [tilespmem:s28+$0x600]  }
0x3ca: {  	v36 =	vld [tilespmem:s28+$0x1000]  }
0x3cb: {  	v58 =	vld [tilespmem:s28+$0xFFFFF400]  }
0x3cc: {  	v59 =	vld [tilespmem:s28+$0x800]  }
0x3cd: {  	v60 =	vld [tilespmem:s28+$0x1200]  }
0x3ce: {  	v1 =	vld.idx.msk [tilespmem:v1+s3+$0x0], $0xffff  }
0x3cf: {  	v2 =	vld.idx.msk [tilespmem:v2+s3+$0x0], $0xffff  }
0x3d0: {  	v3 =	vld.idx.msk [tilespmem:v3+s3+$0x0], $0xffff  }
0x3d1: {  	v6 =	vld.idx.msk [tilespmem:v6+s3+$0x0], $0xffff  }
0x3d2: {  	v7 =	vld.idx.msk [tilespmem:v7+s3+$0x0], $0xffff  }
0x3d3: {  	v10 =	vld.idx.msk [tilespmem:v10+s3+$0x0], $0xffff  }
0x3d4: {  	v11 =	vld.idx.msk [tilespmem:v11+s3+$0x0], $0xffff  }
0x3d5: {  	v14 =	vld.idx.msk [tilespmem:v14+s3+$0x0], $0xffff  }
0x3d6: {  	v15 =	vld.idx.msk [tilespmem:v15+s3+$0x0], $0xffff  }
0x3d7: {  	v16 =	vld.idx.msk [tilespmem:v16+s3+$0x0], $0xffff  }
0x3d8: {  	v17 =	vld.idx.msk [tilespmem:v17+s3+$0x0], $0xffff  }
0x3d9: {  	v18 =	vld.idx.msk [tilespmem:v18+s3+$0x0], $0xffff  }
0x3da: {  	v19 =	vld.idx.msk [tilespmem:v19+s3+$0x0], $0xffff  }
0x3db: {  	v20 =	vld.idx.msk [tilespmem:v20+s3+$0x0], $0xffff  }
0x3dc: {  	v12 =	vld.idx.msk [tilespmem:v12+s3+$0x0], $0xffff  }
0x3dd: {  	v13 =	vld.idx.msk [tilespmem:v13+s3+$0x0], $0xffff  }
0x3de: {  	v8 =	vld.idx.msk [tilespmem:v8+s3+$0x0], $0xffff  }
0x3df: {  	v9 =	vld.idx.msk [tilespmem:v9+s3+$0x0], $0xffff  }
0x3e0: {  	v4 =	vld.idx.msk [tilespmem:v4+s3+$0x0], $0xffff  }
0x3e1: {  	v5 =	vld.idx.msk [tilespmem:v5+s3+$0x0], $0xffff  }
0x3e2: {  	v21 =	vld.idx.msk [tilespmem:v21+s3+$0x0], $0xffff  }
0x3e3: {  	v22 =	vld.idx.msk [tilespmem:v22+s3+$0x0], $0xffff  }
0x3e4: {  	v23 =	vld.idx.msk [tilespmem:v23+s3+$0x0], $0xffff  }
0x3e5: {  	v24 =	vld.idx.msk [tilespmem:v24+s3+$0x0], $0xffff  }
0x3e6: {  	v25 =	vld.idx.msk [tilespmem:v25+s3+$0x0], $0xffff  }
0x3e7: {  	v26 =	vld.idx.msk [tilespmem:v26+s3+$0x0], $0xffff;
	v2 =	vadd.f32 v14, v2;
	v54 =	vadd.f32 v16, v15  }
0x3e8: {  	v27 =	vld.idx.msk [tilespmem:v27+s3+$0x0], $0xffff;
	v56 =	vadd.f32 v18, v17;
	v57 =	vadd.f32 v20, v19  }
0x3e9: {  	v55 =	vld.idx.msk [tilespmem:v28+s3+$0x0], $0xffff;
	v2 =	vadd.f32 v10, v2;
	v10 =	vadd.f32 v11, v54  }
0x3ea: {  	v61 =	vld.idx.msk [tilespmem:v34+s3+$0x0], $0xffff;
	v12 =	vadd.f32 v12, v56;
	v13 =	vadd.f32 v13, v57  }
0x3eb: {  	v11 =	vld [tilespmem:s28+$0xFFFFFE00];
	v2 =	vadd.f32 v6, v2;
	v6 =	vadd.f32 v7, v10  }
0x3ec: {  	v7 =	vadd.f32 v8, v12;
	v8 =	vadd.f32 v9, v13;
	v9 =	vld.idx.msk [tilespmem:v29+s3+$0x0], $0xffff  }
0x3ed: {  	v10 =	vld.idx.msk [tilespmem:v33+s3+$0x0], $0xffff;
	v1 =	vadd.f32 v1, v2;
	v2 =	vadd.f32 v3, v6  }
0x3ee: {  	v6 =	vld.idx.msk [tilespmem:v30+s3+$0x0], $0xffff;
	v3 =	vadd.f32 v4, v7;
	v4 =	vadd.f32 v5, v8  }
0x3ef: {  	v5 =	vld.idx.msk [tilespmem:v31+s3+$0x0], $0xffff  }
0x3f0: {  	v7 =	vld.idx.msk [tilespmem:v32+s3+$0x0], $0xffff;
	v1 =	vadd.f32 v2, v1;
	v2 =	vadd.f32 v4, v3  }
0x3f1: {  	v8 =	vadd.f32 v24, v23;
	v3 =	vld.idx.msk [tilespmem:v58+s3+$0x0], $0xffff  }
0x3f2: {  	v4 =	vadd.f32 v22, v21;
	v62 =	vadd.f32 v2, v1;
	v1 =	vld.idx.msk [tilespmem:v35+s3+$0x0], $0xffff  }
0x3f3: {  	v63 =	vadd.f32 v26, v25;
	v15 =	vadd.f32 v55, v27;
	v2 =	vld.idx.msk [tilespmem:v36+s3+$0x0], $0xffff  }
0x3f4: {  	v9 =	vadd.f32 v9, v4;
	v4 =	vld.idx.msk [tilespmem:v11+s3+$0x0], $0xffff;
	v6 =	vadd.f32 v6, v8  }
0x3f5: {  	s28 =	simm.s32 $0x1DF10;
	v8 =	vadd.f32 v5, v63;
	v7 =	vadd.f32 v7, v15;
	v5 =	vld.idx.msk [tilespmem:v59+s3+$0x0], $0xffff  }
0x3f6: {  	s29 =	simm.s32 $0x0;
	s30 =	simm.s32 $0x19B30;
	[tilespmem:s28+$0xFFFFFFF0] =	vst v62;
	v9 =	vadd.f32 v10, v9;
	v10 =	vadd.f32 v61, v6;
	v6 =	vld.idx.msk [tilespmem:v60+s3+$0x0], $0xffff  }
.LBB2_14:
0x3f7: {  	v11 =	vld [tilespmem:s30+$0xFFFFF3F0];
	v1 =	vadd.f32 v1, v8;
	s26 =	sadd.s32 $0x20, s26  }
0x3f8: {  	v2 =	vadd.f32 v2, v7;
	v8 =	vld [tilespmem:s30+$0xFFFFEBF0];
	s0 =	sand.u32 $0x1E0, s26  }
0x3f9: {  	v3 =	vadd.f32 v3, v9;
	v7 =	vld [tilespmem:s0+$0x19900]  }
0x3fa: {  	v4 =	vadd.f32 v4, v10;
	v9 =	vld [tilespmem:s0+$0x1A300]  }
0x3fb: {  	v1 =	vadd.f32 v5, v1;
	v10 =	vld [tilespmem:s0+$0x1AD00]  }
0x3fc: {  	v2 =	vadd.f32 v6, v2;
	v3 =	vadd.f32 v4, v3;
	v5 =	vld [tilespmem:s0+$0x18D00]  }
0x3fd: {  	v4 =	vld [tilespmem:s0+$0x19700]  }
0x3fe: {  	v1 =	vadd.f32 v2, v1;
	v6 =	vld [tilespmem:s0+$0x1A100]  }
0x3ff: {  	v2 =	vld [tilespmem:s0+$0x1AB00]  }
0x400: {  	v1 =	vadd.f32 v1, v3;
	v12 =	vld [tilespmem:s0+$0x18B00]  }
0x401: {  	v3 =	vld [tilespmem:s0+$0x19500]  }
0x402: {  	v13 =	vld [tilespmem:s0+$0x19F00];
	[tilespmem:s28+$0x0] =	vst v1  }
0x403: {  	v1 =	vld [tilespmem:s0+$0x1A900]  }
0x404: {  	v14 =	vld [tilespmem:s0+$0x18900]  }
0x405: {  	v15 =	vld [tilespmem:s0+$0x19100]  }
0x406: {  	v16 =	vld [tilespmem:s0+$0x19300]  }
0x407: {  	v17 =	vld [tilespmem:s0+$0x19B00]  }
0x408: {  	v18 =	vld [tilespmem:s0+$0x19D00]  }
0x409: {  	v19 =	vld [tilespmem:s0+$0x1A500]  }
0x40a: {  	v20 =	vld [tilespmem:s0+$0x1A700]  }
0x40b: {  	v11 =	vld.idx.msk [tilespmem:v11+s3+$0x0], $0xffff  }
0x40c: {  	v8 =	vld.idx.msk [tilespmem:v8+s3+$0x0], $0xffff  }
0x40d: {  	v7 =	vld.idx.msk [tilespmem:v7+s3+$0x0], $0xffff  }
0x40e: {  	v5 =	vld.idx.msk [tilespmem:v5+s3+$0x0], $0xffff  }
0x40f: {  	s29 =	sadd.s32 $0x2, s29;
	v4 =	vld.idx.msk [tilespmem:v4+s3+$0x0], $0xffff  }
0x410: {  	p1 =	slt.u32 s29, $0x1E;
	v12 =	vld.idx.msk [tilespmem:v12+s3+$0x0], $0xffff  }
0x411: {  	v3 =	vld.idx.msk [tilespmem:v3+s3+$0x0], $0xffff  }
0x412: {  	v14 =	vld.idx.msk [tilespmem:v14+s3+$0x0], $0xffff  }
0x413: {  	v15 =	vld.idx.msk [tilespmem:v15+s3+$0x0], $0xffff  }
0x414: {  	v16 =	vld.idx.msk [tilespmem:v16+s3+$0x0], $0xffff  }
0x415: {  	v17 =	vld.idx.msk [tilespmem:v17+s3+$0x0], $0xffff  }
0x416: {  	v18 =	vld.idx.msk [tilespmem:v18+s3+$0x0], $0xffff  }
0x417: {  	v19 =	vld.idx.msk [tilespmem:v19+s3+$0x0], $0xffff  }
0x418: {  	v20 =	vld.idx.msk [tilespmem:v20+s3+$0x0], $0xffff  }
0x419: {  	v13 =	vld.idx.msk [tilespmem:v13+s3+$0x0], $0xffff  }
0x41a: {  	v1 =	vld.idx.msk [tilespmem:v1+s3+$0x0], $0xffff  }
0x41b: {  	v6 =	vld.idx.msk [tilespmem:v6+s3+$0x0], $0xffff  }
0x41c: {  	v2 =	vld.idx.msk [tilespmem:v2+s3+$0x0], $0xffff  }
0x41d: {  	v8 =	vadd.f32 v14, v8;
	v14 =	vadd.f32 v16, v15;
	v9 =	vld.idx.msk [tilespmem:v9+s3+$0x0], $0xffff  }
0x41e: {  	v15 =	vadd.f32 v18, v17;
	v16 =	vadd.f32 v20, v19;
	v10 =	vld.idx.msk [tilespmem:v10+s3+$0x0], $0xffff  }
0x41f: {  	v8 =	vadd.f32 v12, v8;
	v3 =	vadd.f32 v3, v14;
	v12 =	vld [tilespmem:s30+$0xFFFFEC00]  }
0x420: {  	v13 =	vadd.f32 v13, v15;
	v1 =	vadd.f32 v1, v16;
	v14 =	vld [tilespmem:s30+$0xFFFFEE00]  }
0x421: {  	v5 =	vadd.f32 v5, v8;
	v3 =	vadd.f32 v4, v3;
	v4 =	vld [tilespmem:s30+$0xFFFFF600]  }
0x422: {  	v6 =	vadd.f32 v6, v13;
	v1 =	vadd.f32 v2, v1;
	v2 =	vld [tilespmem:s30+$0xFFFFF800]  }
0x423: {  	v5 =	vadd.f32 v11, v5;
	v3 =	vadd.f32 v7, v3;
	v7 =	vld [tilespmem:s30+$0x0]  }
0x424: {  	v6 =	vadd.f32 v9, v6;
	v1 =	vadd.f32 v10, v1;
	v8 =	vld [tilespmem:s30+$0x200]  }
0x425: {  	v9 =	vld [tilespmem:s30+$0xA00]  }
0x426: {  	v3 =	vadd.f32 v3, v5;
	v1 =	vadd.f32 v1, v6;
	v5 =	vld [tilespmem:s30+$0xC00]  }
0x427: {  	v6 =	vld [tilespmem:s30+$0xFFFFF000]  }
0x428: {  	v1 =	vadd.f32 v1, v3;
	v3 =	vld [tilespmem:s30+$0xFFFFFA00]  }
0x429: {  	s28 =	sadd.s32 $0x20, s28;
	v10 =	vld [tilespmem:s30+$0x400]  }
0x42a: {  	[tilespmem:s28+$0xFFFFFFF0] =	vst v1;
	v1 =	vld [tilespmem:s30+$0xE00]  }
0x42b: {  	v11 =	vld [tilespmem:s30+$0xFFFFF200]  }
0x42c: {  	v13 =	vld [tilespmem:s30+$0xFFFFFC00]  }
0x42d: {  	v15 =	vld [tilespmem:s30+$0x600]  }
0x42e: {  	v16 =	vld [tilespmem:s30+$0x1000]  }
0x42f: {  	v12 =	vld.idx.msk [tilespmem:v12+s3+$0x0], $0xffff  }
0x430: {  	v14 =	vld.idx.msk [tilespmem:v14+s3+$0x0], $0xffff  }
0x431: {  	v4 =	vld.idx.msk [tilespmem:v4+s3+$0x0], $0xffff  }
0x432: {  	v2 =	vld.idx.msk [tilespmem:v2+s3+$0x0], $0xffff  }
0x433: {  	v7 =	vld.idx.msk [tilespmem:v7+s3+$0x0], $0xffff  }
0x434: {  	v8 =	vld.idx.msk [tilespmem:v8+s3+$0x0], $0xffff  }
0x435: {  	v9 =	vld.idx.msk [tilespmem:v9+s3+$0x0], $0xffff  }
0x436: {  	v12 =	vadd.f32 v14, v12;
	v5 =	vld.idx.msk [tilespmem:v5+s3+$0x0], $0xffff  }
0x437: {  	v14 =	vld [tilespmem:s30+$0xFFFFF400]  }
0x438: {  	v2 =	vadd.f32 v2, v4;
	v4 =	vld [tilespmem:s30+$0xFFFFFE00]  }
0x439: {  	v17 =	vld [tilespmem:s30+$0x800]  }
0x43a: {  	v7 =	vadd.f32 v8, v7;
	v18 =	vld [tilespmem:s30+$0x1200]  }
0x43b: {  	v6 =	vld.idx.msk [tilespmem:v6+s3+$0x0], $0xffff  }
0x43c: {  	v5 =	vadd.f32 v5, v9;
	v3 =	vld.idx.msk [tilespmem:v3+s3+$0x0], $0xffff  }
0x43d: {  	v8 =	vld.idx.msk [tilespmem:v10+s3+$0x0], $0xffff  }
0x43e: {  	v9 =	vld.idx.msk [tilespmem:v1+s3+$0x0], $0xffff  }
0x43f: {  	v10 =	vld.idx.msk [tilespmem:v11+s3+$0x0], $0xffff  }
0x440: {  	v11 =	vld.idx.msk [tilespmem:v13+s3+$0x0], $0xffff  }
0x441: {  	v6 =	vadd.f32 v6, v12;
	v1 =	vld.idx.msk [tilespmem:v15+s3+$0x0], $0xffff  }
.Ltmp6:
0x442: {  	v12 =	vadd.f32 v3, v2;
	v2 =	vld.idx.msk [tilespmem:v16+s3+$0x0], $0xffff;
	(pc) =	sbr.rel @p1 .LBB2_14-.Ltmp6, $4  }
0x443: {  	v8 =	vadd.f32 v8, v7;
	v3 =	vld.idx.msk [tilespmem:v14+s3+$0x0], $0xffff  }
0x444: {  	v7 =	vadd.f32 v9, v5;
	v4 =	vld.idx.msk [tilespmem:v4+s3+$0x0], $0xffff  }
0x445: {  	v9 =	vadd.f32 v10, v6;
	v5 =	vld.idx.msk [tilespmem:v17+s3+$0x0], $0xffff  }
0x446: {  	s30 =	sadd.s32 $0x20, s30;
	v10 =	vadd.f32 v11, v12;
	v6 =	vld.idx.msk [tilespmem:v18+s3+$0x0], $0xffff  }
0x447: {  	_ =	sdelay $0x1  }
0x448: {  	v1 =	vadd.f32 v1, v8;
	v2 =	vadd.f32 v2, v7  }
0x449: {  	v3 =	vadd.f32 v3, v9;
	v4 =	vadd.f32 v4, v10  }
0x44a: {  	v1 =	vadd.f32 v5, v1;
	v2 =	vadd.f32 v6, v2;
	_ =	sdelay $0x1  }
0x44b: {  	v3 =	vadd.f32 v4, v3;
	v1 =	vadd.f32 v2, v1;
	_ =	sdelay $0x1  }
0x44c: {  	v1 =	vadd.f32 v1, v3;
	_ =	sdelay $0x1  }
0x44d: {  	[tilespmem:s28+$0x0] =	vst v1  }
0x44e: {  	_ =	swait.ge [sflag:s23], $0x2800  }
0x44f: {  	[sflag:s23] =	ssyncset.done $0x0  }
0x450: {  	s28 =	simm.s32 $0x1C310;
	[sflag:s23] =	ssyncadd.s32 $0xFFFFD800  }
0x451: {  	[tilespmem:s20], [sflag:$0x1] =	stream.linear.gather [spmem:s12], $0x2800, $0x38;
	[tilespmem:$0x1FB00] =	vst v63  }
0x452: {  	s26 =	simm.s32 $0x0;
	v1 =	vld [tilespmem:s28+$0xFFFFEBF0]  }
0x453: {  	s0 =	sand.u32 $0x1E0, s26;
	v2 =	vld [tilespmem:s28+$0xFFFFF5F0]  }
0x454: {  	v3 =	vld [tilespmem:s0+$0x1B700]  }
0x455: {  	v4 =	vld [tilespmem:s0+$0x1C100]  }
0x456: {  	v5 =	vld [tilespmem:s0+$0x1CB00]  }
0x457: {  	v6 =	vld [tilespmem:s0+$0x1D500]  }
0x458: {  	v7 =	vld [tilespmem:s0+$0x1B500]  }
0x459: {  	v8 =	vld [tilespmem:s0+$0x1BF00]  }
0x45a: {  	v9 =	vld [tilespmem:s0+$0x1C900]  }
0x45b: {  	v10 =	vld [tilespmem:s0+$0x1D300]  }
0x45c: {  	v11 =	vld [tilespmem:s0+$0x1B300]  }
0x45d: {  	v12 =	vld [tilespmem:s0+$0x1BD00]  }
0x45e: {  	v13 =	vld [tilespmem:s0+$0x1C700]  }
0x45f: {  	v14 =	vld [tilespmem:s0+$0x1D100]  }
0x460: {  	v15 =	vld [tilespmem:s0+$0x1B100]  }
0x461: {  	v16 =	vld [tilespmem:s0+$0x1BB00]  }
0x462: {  	v17 =	vld [tilespmem:s0+$0x1C300]  }
0x463: {  	v18 =	vld [tilespmem:s0+$0x1C500]  }
0x464: {  	v19 =	vld [tilespmem:s0+$0x1CD00]  }
0x465: {  	v20 =	vld [tilespmem:s0+$0x1CF00]  }
0x466: {  	v21 =	vld [tilespmem:s28+$0xFFFFEC00]  }
0x467: {  	v22 =	vld [tilespmem:s28+$0xFFFFEE00]  }
0x468: {  	v23 =	vld [tilespmem:s28+$0xFFFFF600]  }
0x469: {  	v24 =	vld [tilespmem:s28+$0xFFFFF800]  }
0x46a: {  	v25 =	vld [tilespmem:s28+$0x0]  }
0x46b: {  	v26 =	vld [tilespmem:s28+$0x200]  }
0x46c: {  	v27 =	vld [tilespmem:s28+$0xA00]  }
0x46d: {  	v28 =	vld [tilespmem:s28+$0xC00]  }
0x46e: {  	v29 =	vld [tilespmem:s28+$0xFFFFF000]  }
0x46f: {  	v30 =	vld [tilespmem:s28+$0xFFFFFA00]  }
0x470: {  	v31 =	vld [tilespmem:s28+$0x400]  }
0x471: {  	v32 =	vld [tilespmem:s28+$0xE00]  }
0x472: {  	v33 =	vld [tilespmem:s28+$0xFFFFF200]  }
0x473: {  	v34 =	vld [tilespmem:s28+$0xFFFFFC00]  }
0x474: {  	v35 =	vld [tilespmem:s28+$0x600]  }
0x475: {  	v36 =	vld [tilespmem:s28+$0x1000]  }
0x476: {  	v55 =	vld [tilespmem:s28+$0xFFFFF400]  }
0x477: {  	v58 =	vld [tilespmem:s28+$0x800]  }
0x478: {  	v59 =	vld [tilespmem:s28+$0x1200]  }
0x479: {  	v1 =	vld.idx.msk [tilespmem:v1+s3+$0x0], $0xffff  }
0x47a: {  	v2 =	vld.idx.msk [tilespmem:v2+s3+$0x0], $0xffff  }
0x47b: {  	v3 =	vld.idx.msk [tilespmem:v3+s3+$0x0], $0xffff  }
0x47c: {  	v4 =	vld.idx.msk [tilespmem:v4+s3+$0x0], $0xffff  }
0x47d: {  	v7 =	vld.idx.msk [tilespmem:v7+s3+$0x0], $0xffff  }
0x47e: {  	v8 =	vld.idx.msk [tilespmem:v8+s3+$0x0], $0xffff  }
0x47f: {  	v11 =	vld.idx.msk [tilespmem:v11+s3+$0x0], $0xffff  }
0x480: {  	v12 =	vld.idx.msk [tilespmem:v12+s3+$0x0], $0xffff  }
0x481: {  	v15 =	vld.idx.msk [tilespmem:v15+s3+$0x0], $0xffff  }
0x482: {  	v16 =	vld.idx.msk [tilespmem:v16+s3+$0x0], $0xffff  }
0x483: {  	v17 =	vld.idx.msk [tilespmem:v17+s3+$0x0], $0xffff  }
0x484: {  	v18 =	vld.idx.msk [tilespmem:v18+s3+$0x0], $0xffff  }
0x485: {  	v19 =	vld.idx.msk [tilespmem:v19+s3+$0x0], $0xffff  }
0x486: {  	v20 =	vld.idx.msk [tilespmem:v20+s3+$0x0], $0xffff  }
0x487: {  	v13 =	vld.idx.msk [tilespmem:v13+s3+$0x0], $0xffff  }
0x488: {  	v14 =	vld.idx.msk [tilespmem:v14+s3+$0x0], $0xffff  }
0x489: {  	v9 =	vld.idx.msk [tilespmem:v9+s3+$0x0], $0xffff  }
0x48a: {  	v10 =	vld.idx.msk [tilespmem:v10+s3+$0x0], $0xffff  }
0x48b: {  	v5 =	vld.idx.msk [tilespmem:v5+s3+$0x0], $0xffff  }
0x48c: {  	v6 =	vld.idx.msk [tilespmem:v6+s3+$0x0], $0xffff  }
0x48d: {  	v21 =	vld.idx.msk [tilespmem:v21+s3+$0x0], $0xffff  }
0x48e: {  	v22 =	vld.idx.msk [tilespmem:v22+s3+$0x0], $0xffff  }
0x48f: {  	v23 =	vld.idx.msk [tilespmem:v23+s3+$0x0], $0xffff  }
0x490: {  	v24 =	vld.idx.msk [tilespmem:v24+s3+$0x0], $0xffff  }
0x491: {  	v25 =	vld.idx.msk [tilespmem:v25+s3+$0x0], $0xffff  }
0x492: {  	v26 =	vld.idx.msk [tilespmem:v26+s3+$0x0], $0xffff;
	v1 =	vadd.f32 v15, v1;
	v2 =	vadd.f32 v16, v2  }
0x493: {  	v27 =	vld.idx.msk [tilespmem:v27+s3+$0x0], $0xffff;
	v53 =	vadd.f32 v18, v17;
	v54 =	vadd.f32 v20, v19  }
0x494: {  	v52 =	vld.idx.msk [tilespmem:v28+s3+$0x0], $0xffff;
	v1 =	vadd.f32 v11, v1;
	v2 =	vadd.f32 v12, v2  }
0x495: {  	v60 =	vld.idx.msk [tilespmem:v34+s3+$0x0], $0xffff;
	v56 =	vadd.f32 v13, v53;
	v57 =	vadd.f32 v14, v54  }
0x496: {  	v11 =	vld [tilespmem:s28+$0xFFFFFE00];
	v1 =	vadd.f32 v7, v1;
	v2 =	vadd.f32 v8, v2  }
0x497: {  	v7 =	vadd.f32 v9, v56;
	v8 =	vadd.f32 v10, v57;
	v9 =	vld.idx.msk [tilespmem:v29+s3+$0x0], $0xffff  }
0x498: {  	v10 =	vld.idx.msk [tilespmem:v33+s3+$0x0], $0xffff;
	v1 =	vadd.f32 v3, v1;
	v2 =	vadd.f32 v4, v2  }
0x499: {  	v4 =	vld.idx.msk [tilespmem:v30+s3+$0x0], $0xffff;
	v3 =	vadd.f32 v5, v7;
	v5 =	vadd.f32 v6, v8  }
0x49a: {  	v6 =	vld.idx.msk [tilespmem:v31+s3+$0x0], $0xffff  }
0x49b: {  	v7 =	vld.idx.msk [tilespmem:v32+s3+$0x0], $0xffff;
	v1 =	vadd.f32 v2, v1;
	v2 =	vadd.f32 v5, v3  }
0x49c: {  	v8 =	vadd.f32 v24, v23;
	v3 =	vld.idx.msk [tilespmem:v55+s3+$0x0], $0xffff  }
0x49d: {  	v5 =	vadd.f32 v22, v21;
	v61 =	vadd.f32 v2, v1;
	v1 =	vld.idx.msk [tilespmem:v35+s3+$0x0], $0xffff  }
0x49e: {  	v62 =	vadd.f32 v26, v25;
	v15 =	vadd.f32 v52, v27;
	v2 =	vld.idx.msk [tilespmem:v36+s3+$0x0], $0xffff  }
0x49f: {  	v9 =	vadd.f32 v9, v5;
	v5 =	vld.idx.msk [tilespmem:v58+s3+$0x0], $0xffff;
	v63 =	vadd.f32 v4, v8  }
0x4a0: {  	s28 =	simm.s32 $0x1E110;
	v4 =	vld.idx.msk [tilespmem:v11+s3+$0x0], $0xffff;
	v8 =	vadd.f32 v6, v62;
	v7 =	vadd.f32 v7, v15  }
0x4a1: {  	s29 =	simm.s32 $0x0;
	s30 =	simm.s32 $0x1C330;
	v6 =	vld.idx.msk [tilespmem:v59+s3+$0x0], $0xffff;
	[tilespmem:s28+$0xFFFFFFF0] =	vst v61;
	v9 =	vadd.f32 v10, v9;
	v10 =	vadd.f32 v60, v63  }
.LBB2_16:
0x4a2: {  	v11 =	vld [tilespmem:s30+$0xFFFFEBF0];
	v1 =	vadd.f32 v1, v8;
	s26 =	sadd.s32 $0x20, s26  }
0x4a3: {  	v2 =	vadd.f32 v2, v7;
	s0 =	sand.u32 $0x1E0, s26;
	v8 =	vld [tilespmem:s30+$0xFFFFF5F0]  }
0x4a4: {  	v3 =	vadd.f32 v3, v9;
	v7 =	vld [tilespmem:s0+$0x1B700]  }
0x4a5: {  	v4 =	vadd.f32 v4, v10;
	v9 =	vld [tilespmem:s0+$0x1C100]  }
0x4a6: {  	v1 =	vadd.f32 v5, v1;
	v10 =	vld [tilespmem:s0+$0x1CB00]  }
0x4a7: {  	v2 =	vadd.f32 v6, v2;
	v3 =	vadd.f32 v4, v3;
	v5 =	vld [tilespmem:s0+$0x1D500]  }
0x4a8: {  	v4 =	vld [tilespmem:s0+$0x1B500]  }
0x4a9: {  	v1 =	vadd.f32 v2, v1;
	v6 =	vld [tilespmem:s0+$0x1BF00]  }
0x4aa: {  	v2 =	vld [tilespmem:s0+$0x1C900]  }
0x4ab: {  	v1 =	vadd.f32 v1, v3;
	v12 =	vld [tilespmem:s0+$0x1D300]  }
0x4ac: {  	v3 =	vld [tilespmem:s0+$0x1B300]  }
0x4ad: {  	v13 =	vld [tilespmem:s0+$0x1BD00];
	[tilespmem:s28+$0x0] =	vst v1  }
0x4ae: {  	v1 =	vld [tilespmem:s0+$0x1C700]  }
0x4af: {  	v14 =	vld [tilespmem:s0+$0x1D100]  }
0x4b0: {  	v15 =	vld [tilespmem:s0+$0x1B100]  }
0x4b1: {  	v16 =	vld [tilespmem:s0+$0x1BB00]  }
0x4b2: {  	v17 =	vld [tilespmem:s0+$0x1C300]  }
0x4b3: {  	v18 =	vld [tilespmem:s0+$0x1C500]  }
0x4b4: {  	v19 =	vld [tilespmem:s0+$0x1CD00]  }
0x4b5: {  	v20 =	vld [tilespmem:s0+$0x1CF00]  }
0x4b6: {  	v11 =	vld.idx.msk [tilespmem:v11+s3+$0x0], $0xffff  }
0x4b7: {  	v8 =	vld.idx.msk [tilespmem:v8+s3+$0x0], $0xffff  }
0x4b8: {  	v7 =	vld.idx.msk [tilespmem:v7+s3+$0x0], $0xffff  }
0x4b9: {  	v9 =	vld.idx.msk [tilespmem:v9+s3+$0x0], $0xffff  }
0x4ba: {  	s29 =	sadd.s32 $0x2, s29;
	v4 =	vld.idx.msk [tilespmem:v4+s3+$0x0], $0xffff  }
0x4bb: {  	p1 =	slt.u32 s29, $0x1E;
	v6 =	vld.idx.msk [tilespmem:v6+s3+$0x0], $0xffff  }
0x4bc: {  	v3 =	vld.idx.msk [tilespmem:v3+s3+$0x0], $0xffff  }
0x4bd: {  	v13 =	vld.idx.msk [tilespmem:v13+s3+$0x0], $0xffff  }
0x4be: {  	v15 =	vld.idx.msk [tilespmem:v15+s3+$0x0], $0xffff  }
0x4bf: {  	v16 =	vld.idx.msk [tilespmem:v16+s3+$0x0], $0xffff  }
0x4c0: {  	v17 =	vld.idx.msk [tilespmem:v17+s3+$0x0], $0xffff  }
0x4c1: {  	v18 =	vld.idx.msk [tilespmem:v18+s3+$0x0], $0xffff  }
0x4c2: {  	v19 =	vld.idx.msk [tilespmem:v19+s3+$0x0], $0xffff  }
0x4c3: {  	v20 =	vld.idx.msk [tilespmem:v20+s3+$0x0], $0xffff  }
0x4c4: {  	v1 =	vld.idx.msk [tilespmem:v1+s3+$0x0], $0xffff  }
0x4c5: {  	v14 =	vld.idx.msk [tilespmem:v14+s3+$0x0], $0xffff  }
0x4c6: {  	v2 =	vld.idx.msk [tilespmem:v2+s3+$0x0], $0xffff  }
0x4c7: {  	v12 =	vld.idx.msk [tilespmem:v12+s3+$0x0], $0xffff  }
0x4c8: {  	v11 =	vadd.f32 v15, v11;
	v8 =	vadd.f32 v16, v8;
	v10 =	vld.idx.msk [tilespmem:v10+s3+$0x0], $0xffff  }
0x4c9: {  	v15 =	vadd.f32 v18, v17;
	v16 =	vadd.f32 v20, v19;
	v5 =	vld.idx.msk [tilespmem:v5+s3+$0x0], $0xffff  }
0x4ca: {  	v3 =	vadd.f32 v3, v11;
	v8 =	vadd.f32 v13, v8;
	v11 =	vld [tilespmem:s30+$0xFFFFEC00]  }
0x4cb: {  	v1 =	vadd.f32 v1, v15;
	v13 =	vadd.f32 v14, v16;
	v14 =	vld [tilespmem:s30+$0xFFFFEE00]  }
0x4cc: {  	v3 =	vadd.f32 v4, v3;
	v4 =	vadd.f32 v6, v8;
	v6 =	vld [tilespmem:s30+$0xFFFFF600]  }
0x4cd: {  	v1 =	vadd.f32 v2, v1;
	v2 =	vadd.f32 v12, v13;
	v8 =	vld [tilespmem:s30+$0xFFFFF800]  }
0x4ce: {  	v3 =	vadd.f32 v7, v3;
	v4 =	vadd.f32 v9, v4;
	v7 =	vld [tilespmem:s30+$0x0]  }
0x4cf: {  	v1 =	vadd.f32 v10, v1;
	v2 =	vadd.f32 v5, v2;
	v5 =	vld [tilespmem:s30+$0x200]  }
0x4d0: {  	v9 =	vld [tilespmem:s30+$0xA00]  }
0x4d1: {  	v3 =	vadd.f32 v4, v3;
	v1 =	vadd.f32 v2, v1;
	v2 =	vld [tilespmem:s30+$0xC00]  }
0x4d2: {  	v4 =	vld [tilespmem:s30+$0xFFFFF000]  }
0x4d3: {  	v1 =	vadd.f32 v1, v3;
	v3 =	vld [tilespmem:s30+$0xFFFFFA00]  }
0x4d4: {  	s28 =	sadd.s32 $0x20, s28;
	v10 =	vld [tilespmem:s30+$0x400]  }
0x4d5: {  	[tilespmem:s28+$0xFFFFFFF0] =	vst v1;
	v1 =	vld [tilespmem:s30+$0xE00]  }
0x4d6: {  	v12 =	vld [tilespmem:s30+$0xFFFFF200]  }
0x4d7: {  	v13 =	vld [tilespmem:s30+$0xFFFFFC00]  }
0x4d8: {  	v15 =	vld [tilespmem:s30+$0x600]  }
0x4d9: {  	v16 =	vld [tilespmem:s30+$0x1000]  }
0x4da: {  	v11 =	vld.idx.msk [tilespmem:v11+s3+$0x0], $0xffff  }
0x4db: {  	v14 =	vld.idx.msk [tilespmem:v14+s3+$0x0], $0xffff  }
0x4dc: {  	v6 =	vld.idx.msk [tilespmem:v6+s3+$0x0], $0xffff  }
0x4dd: {  	v8 =	vld.idx.msk [tilespmem:v8+s3+$0x0], $0xffff  }
0x4de: {  	v7 =	vld.idx.msk [tilespmem:v7+s3+$0x0], $0xffff  }
0x4df: {  	v5 =	vld.idx.msk [tilespmem:v5+s3+$0x0], $0xffff  }
0x4e0: {  	v9 =	vld.idx.msk [tilespmem:v9+s3+$0x0], $0xffff  }
0x4e1: {  	v11 =	vadd.f32 v14, v11;
	v2 =	vld.idx.msk [tilespmem:v2+s3+$0x0], $0xffff  }
0x4e2: {  	v14 =	vld [tilespmem:s30+$0xFFFFF400]  }
0x4e3: {  	v6 =	vadd.f32 v8, v6;
	v17 =	vld [tilespmem:s30+$0xFFFFFE00]  }
0x4e4: {  	v18 =	vld [tilespmem:s30+$0x800]  }
0x4e5: {  	v5 =	vadd.f32 v5, v7;
	v19 =	vld [tilespmem:s30+$0x1200]  }
0x4e6: {  	v4 =	vld.idx.msk [tilespmem:v4+s3+$0x0], $0xffff  }
0x4e7: {  	v7 =	vadd.f32 v2, v9;
	v3 =	vld.idx.msk [tilespmem:v3+s3+$0x0], $0xffff  }
0x4e8: {  	v8 =	vld.idx.msk [tilespmem:v10+s3+$0x0], $0xffff  }
0x4e9: {  	v9 =	vld.idx.msk [tilespmem:v1+s3+$0x0], $0xffff  }
0x4ea: {  	v10 =	vld.idx.msk [tilespmem:v12+s3+$0x0], $0xffff  }
0x4eb: {  	v12 =	vld.idx.msk [tilespmem:v13+s3+$0x0], $0xffff  }
0x4ec: {  	v11 =	vadd.f32 v4, v11;
	v1 =	vld.idx.msk [tilespmem:v15+s3+$0x0], $0xffff  }
.Ltmp7:
0x4ed: {  	v6 =	vadd.f32 v3, v6;
	v2 =	vld.idx.msk [tilespmem:v16+s3+$0x0], $0xffff;
	(pc) =	sbr.rel @p1 .LBB2_16-.Ltmp7, $4  }
0x4ee: {  	v8 =	vadd.f32 v8, v5;
	v3 =	vld.idx.msk [tilespmem:v14+s3+$0x0], $0xffff  }
0x4ef: {  	v7 =	vadd.f32 v9, v7;
	v4 =	vld.idx.msk [tilespmem:v17+s3+$0x0], $0xffff  }
0x4f0: {  	v9 =	vadd.f32 v10, v11;
	v5 =	vld.idx.msk [tilespmem:v18+s3+$0x0], $0xffff  }
0x4f1: {  	s30 =	sadd.s32 $0x20, s30;
	v10 =	vadd.f32 v12, v6;
	v6 =	vld.idx.msk [tilespmem:v19+s3+$0x0], $0xffff  }
0x4f2: {  	_ =	sdelay $0x1  }
0x4f3: {  	v1 =	vadd.f32 v1, v8;
	v2 =	vadd.f32 v2, v7  }
0x4f4: {  	v3 =	vadd.f32 v3, v9;
	v4 =	vadd.f32 v4, v10  }
0x4f5: {  	v1 =	vadd.f32 v5, v1;
	v2 =	vadd.f32 v6, v2;
	_ =	sdelay $0x1  }
0x4f6: {  	v3 =	vadd.f32 v4, v3;
	v1 =	vadd.f32 v2, v1;
	_ =	sdelay $0x1  }
0x4f7: {  	v1 =	vadd.f32 v1, v3;
	_ =	sdelay $0x1  }
0x4f8: {  	[tilespmem:s28+$0x0] =	vst v1  }
0x4f9: {  	_ =	swait.ge [sflag:s23], $0x2800  }
0x4fa: {  	[sflag:s23] =	ssyncset.done $0x0  }
0x4fb: {  	s28 =	simm.s32 $0x19B10;
	[sflag:s23] =	ssyncadd.s32 $0xFFFFD800  }
0x4fc: {  	[tilespmem:s22], [sflag:$0x1] =	stream.linear.gather [spmem:s13], $0x2800, $0x38;
	[tilespmem:$0x1FB00] =	vst v63  }
0x4fd: {  	s26 =	simm.s32 $0x0;
	v1 =	vld [tilespmem:s28+$0xFFFFEBF0]  }
0x4fe: {  	s0 =	sand.u32 $0x1E0, s26;
	v2 =	vld [tilespmem:s28+$0xFFFFF7F0]  }
0x4ff: {  	v3 =	vld [tilespmem:s0+$0x18F00]  }
0x500: {  	v4 =	vld [tilespmem:s0+$0x19900]  }
0x501: {  	v5 =	vld [tilespmem:s0+$0x1A300]  }
0x502: {  	v6 =	vld [tilespmem:s0+$0x1AD00]  }
0x503: {  	v7 =	vld [tilespmem:s0+$0x18D00]  }
0x504: {  	v8 =	vld [tilespmem:s0+$0x19700]  }
0x505: {  	v9 =	vld [tilespmem:s0+$0x1A100]  }
0x506: {  	v10 =	vld [tilespmem:s0+$0x1AB00]  }
0x507: {  	v11 =	vld [tilespmem:s0+$0x18B00]  }
0x508: {  	v12 =	vld [tilespmem:s0+$0x19500]  }
0x509: {  	v13 =	vld [tilespmem:s0+$0x19F00]  }
0x50a: {  	v14 =	vld [tilespmem:s0+$0x1A900]  }
0x50b: {  	v15 =	vld [tilespmem:s0+$0x18900]  }
0x50c: {  	v16 =	vld [tilespmem:s0+$0x19100]  }
0x50d: {  	v17 =	vld [tilespmem:s0+$0x19B00]  }
0x50e: {  	v18 =	vld [tilespmem:s0+$0x19D00]  }
0x50f: {  	v19 =	vld [tilespmem:s0+$0x1A500]  }
0x510: {  	v20 =	vld [tilespmem:s0+$0x1A700]  }
0x511: {  	v21 =	vld [tilespmem:s28+$0xFFFFEC00]  }
0x512: {  	v22 =	vld [tilespmem:s28+$0xFFFFEE00]  }
0x513: {  	v23 =	vld [tilespmem:s28+$0xFFFFF600]  }
0x514: {  	v24 =	vld [tilespmem:s28+$0xFFFFF800]  }
0x515: {  	v25 =	vld [tilespmem:s28+$0x0]  }
0x516: {  	v26 =	vld [tilespmem:s28+$0x200]  }
0x517: {  	v27 =	vld [tilespmem:s28+$0xA00]  }
0x518: {  	v28 =	vld [tilespmem:s28+$0xC00]  }
0x519: {  	v29 =	vld [tilespmem:s28+$0xFFFFF000]  }
0x51a: {  	v30 =	vld [tilespmem:s28+$0xFFFFFA00]  }
0x51b: {  	v31 =	vld [tilespmem:s28+$0x400]  }
0x51c: {  	v32 =	vld [tilespmem:s28+$0xE00]  }
0x51d: {  	v33 =	vld [tilespmem:s28+$0xFFFFF200]  }
0x51e: {  	v34 =	vld [tilespmem:s28+$0xFFFFFC00]  }
0x51f: {  	v35 =	vld [tilespmem:s28+$0x600]  }
0x520: {  	v36 =	vld [tilespmem:s28+$0x1000]  }
0x521: {  	v55 =	vld [tilespmem:s28+$0xFFFFF400]  }
0x522: {  	v58 =	vld [tilespmem:s28+$0x800]  }
0x523: {  	v59 =	vld [tilespmem:s28+$0x1200]  }
0x524: {  	v1 =	vld.idx.msk [tilespmem:v1+s3+$0x0], $0xffff  }
0x525: {  	v2 =	vld.idx.msk [tilespmem:v2+s3+$0x0], $0xffff  }
0x526: {  	v3 =	vld.idx.msk [tilespmem:v3+s3+$0x0], $0xffff  }
0x527: {  	v4 =	vld.idx.msk [tilespmem:v4+s3+$0x0], $0xffff  }
0x528: {  	v7 =	vld.idx.msk [tilespmem:v7+s3+$0x0], $0xffff  }
0x529: {  	v8 =	vld.idx.msk [tilespmem:v8+s3+$0x0], $0xffff  }
0x52a: {  	v11 =	vld.idx.msk [tilespmem:v11+s3+$0x0], $0xffff  }
0x52b: {  	v12 =	vld.idx.msk [tilespmem:v12+s3+$0x0], $0xffff  }
0x52c: {  	v15 =	vld.idx.msk [tilespmem:v15+s3+$0x0], $0xffff  }
0x52d: {  	v16 =	vld.idx.msk [tilespmem:v16+s3+$0x0], $0xffff  }
0x52e: {  	v17 =	vld.idx.msk [tilespmem:v17+s3+$0x0], $0xffff  }
0x52f: {  	v18 =	vld.idx.msk [tilespmem:v18+s3+$0x0], $0xffff  }
0x530: {  	v19 =	vld.idx.msk [tilespmem:v19+s3+$0x0], $0xffff  }
0x531: {  	v20 =	vld.idx.msk [tilespmem:v20+s3+$0x0], $0xffff  }
0x532: {  	v13 =	vld.idx.msk [tilespmem:v13+s3+$0x0], $0xffff  }
0x533: {  	v14 =	vld.idx.msk [tilespmem:v14+s3+$0x0], $0xffff  }
0x534: {  	v9 =	vld.idx.msk [tilespmem:v9+s3+$0x0], $0xffff  }
0x535: {  	v10 =	vld.idx.msk [tilespmem:v10+s3+$0x0], $0xffff  }
0x536: {  	v5 =	vld.idx.msk [tilespmem:v5+s3+$0x0], $0xffff  }
0x537: {  	v6 =	vld.idx.msk [tilespmem:v6+s3+$0x0], $0xffff  }
0x538: {  	v21 =	vld.idx.msk [tilespmem:v21+s3+$0x0], $0xffff  }
0x539: {  	v22 =	vld.idx.msk [tilespmem:v22+s3+$0x0], $0xffff  }
0x53a: {  	v23 =	vld.idx.msk [tilespmem:v23+s3+$0x0], $0xffff  }
0x53b: {  	v24 =	vld.idx.msk [tilespmem:v24+s3+$0x0], $0xffff  }
0x53c: {  	v25 =	vld.idx.msk [tilespmem:v25+s3+$0x0], $0xffff  }
0x53d: {  	v26 =	vld.idx.msk [tilespmem:v26+s3+$0x0], $0xffff;
	v1 =	vadd.f32 v15, v1;
	v2 =	vadd.f32 v2, v16  }
0x53e: {  	v27 =	vld.idx.msk [tilespmem:v27+s3+$0x0], $0xffff;
	v53 =	vadd.f32 v18, v17;
	v54 =	vadd.f32 v20, v19  }
0x53f: {  	v52 =	vld.idx.msk [tilespmem:v28+s3+$0x0], $0xffff;
	v1 =	vadd.f32 v11, v1;
	v2 =	vadd.f32 v12, v2  }
0x540: {  	v60 =	vld.idx.msk [tilespmem:v34+s3+$0x0], $0xffff;
	v56 =	vadd.f32 v13, v53;
	v57 =	vadd.f32 v14, v54  }
0x541: {  	v11 =	vld [tilespmem:s28+$0xFFFFFE00];
	v1 =	vadd.f32 v7, v1;
	v2 =	vadd.f32 v8, v2  }
0x542: {  	v7 =	vadd.f32 v9, v56;
	v8 =	vadd.f32 v10, v57;
	v9 =	vld.idx.msk [tilespmem:v29+s3+$0x0], $0xffff  }
0x543: {  	v10 =	vld.idx.msk [tilespmem:v33+s3+$0x0], $0xffff;
	v1 =	vadd.f32 v3, v1;
	v2 =	vadd.f32 v4, v2  }
0x544: {  	v4 =	vld.idx.msk [tilespmem:v30+s3+$0x0], $0xffff;
	v3 =	vadd.f32 v5, v7;
	v5 =	vadd.f32 v6, v8  }
0x545: {  	v6 =	vld.idx.msk [tilespmem:v31+s3+$0x0], $0xffff  }
0x546: {  	v7 =	vld.idx.msk [tilespmem:v32+s3+$0x0], $0xffff;
	v1 =	vadd.f32 v2, v1;
	v2 =	vadd.f32 v5, v3  }
0x547: {  	v8 =	vadd.f32 v24, v23;
	v3 =	vld.idx.msk [tilespmem:v55+s3+$0x0], $0xffff  }
0x548: {  	v5 =	vadd.f32 v22, v21;
	v61 =	vadd.f32 v2, v1;
	v1 =	vld.idx.msk [tilespmem:v35+s3+$0x0], $0xffff  }
0x549: {  	v62 =	vadd.f32 v26, v25;
	v15 =	vadd.f32 v52, v27;
	v2 =	vld.idx.msk [tilespmem:v36+s3+$0x0], $0xffff  }
0x54a: {  	v9 =	vadd.f32 v9, v5;
	v5 =	vld.idx.msk [tilespmem:v58+s3+$0x0], $0xffff;
	v63 =	vadd.f32 v4, v8  }
0x54b: {  	s28 =	simm.s32 $0x1E310;
	v4 =	vld.idx.msk [tilespmem:v11+s3+$0x0], $0xffff;
	v8 =	vadd.f32 v6, v62;
	v7 =	vadd.f32 v7, v15  }
0x54c: {  	s29 =	simm.s32 $0x0;
	s30 =	simm.s32 $0x19B30;
	v6 =	vld.idx.msk [tilespmem:v59+s3+$0x0], $0xffff;
	[tilespmem:s28+$0xFFFFFFF0] =	vst v61;
	v9 =	vadd.f32 v10, v9;
	v10 =	vadd.f32 v60, v63  }
.LBB2_18:
0x54d: {  	v11 =	vld [tilespmem:s30+$0xFFFFEBF0];
	v1 =	vadd.f32 v1, v8;
	s26 =	sadd.s32 $0x20, s26  }
0x54e: {  	v2 =	vadd.f32 v2, v7;
	s0 =	sand.u32 $0x1E0, s26;
	v8 =	vld [tilespmem:s30+$0xFFFFF7F0]  }
0x54f: {  	v3 =	vadd.f32 v3, v9;
	v7 =	vld [tilespmem:s0+$0x18F00]  }
0x550: {  	v4 =	vadd.f32 v4, v10;
	v9 =	vld [tilespmem:s0+$0x19900]  }
0x551: {  	v1 =	vadd.f32 v5, v1;
	v10 =	vld [tilespmem:s0+$0x1A300]  }
0x552: {  	v2 =	vadd.f32 v6, v2;
	v3 =	vadd.f32 v4, v3;
	v5 =	vld [tilespmem:s0+$0x1AD00]  }
0x553: {  	v4 =	vld [tilespmem:s0+$0x18D00]  }
0x554: {  	v1 =	vadd.f32 v2, v1;
	v6 =	vld [tilespmem:s0+$0x19700]  }
0x555: {  	v2 =	vld [tilespmem:s0+$0x1A100]  }
0x556: {  	v1 =	vadd.f32 v1, v3;
	v12 =	vld [tilespmem:s0+$0x1AB00]  }
0x557: {  	v3 =	vld [tilespmem:s0+$0x18B00]  }
0x558: {  	v13 =	vld [tilespmem:s0+$0x19500];
	[tilespmem:s28+$0x0] =	vst v1  }
0x559: {  	v1 =	vld [tilespmem:s0+$0x19F00]  }
0x55a: {  	v14 =	vld [tilespmem:s0+$0x1A900]  }
0x55b: {  	v15 =	vld [tilespmem:s0+$0x18900]  }
0x55c: {  	v16 =	vld [tilespmem:s0+$0x19100]  }
0x55d: {  	v17 =	vld [tilespmem:s0+$0x19B00]  }
0x55e: {  	v18 =	vld [tilespmem:s0+$0x19D00]  }
0x55f: {  	v19 =	vld [tilespmem:s0+$0x1A500]  }
0x560: {  	v20 =	vld [tilespmem:s0+$0x1A700]  }
0x561: {  	v11 =	vld.idx.msk [tilespmem:v11+s3+$0x0], $0xffff  }
0x562: {  	v8 =	vld.idx.msk [tilespmem:v8+s3+$0x0], $0xffff  }
0x563: {  	v7 =	vld.idx.msk [tilespmem:v7+s3+$0x0], $0xffff  }
0x564: {  	v9 =	vld.idx.msk [tilespmem:v9+s3+$0x0], $0xffff  }
0x565: {  	s29 =	sadd.s32 $0x2, s29;
	v4 =	vld.idx.msk [tilespmem:v4+s3+$0x0], $0xffff  }
0x566: {  	p1 =	slt.u32 s29, $0x1E;
	v6 =	vld.idx.msk [tilespmem:v6+s3+$0x0], $0xffff  }
0x567: {  	v3 =	vld.idx.msk [tilespmem:v3+s3+$0x0], $0xffff  }
0x568: {  	v13 =	vld.idx.msk [tilespmem:v13+s3+$0x0], $0xffff  }
0x569: {  	v15 =	vld.idx.msk [tilespmem:v15+s3+$0x0], $0xffff  }
0x56a: {  	v16 =	vld.idx.msk [tilespmem:v16+s3+$0x0], $0xffff  }
0x56b: {  	v17 =	vld.idx.msk [tilespmem:v17+s3+$0x0], $0xffff  }
0x56c: {  	v18 =	vld.idx.msk [tilespmem:v18+s3+$0x0], $0xffff  }
0x56d: {  	v19 =	vld.idx.msk [tilespmem:v19+s3+$0x0], $0xffff  }
0x56e: {  	v20 =	vld.idx.msk [tilespmem:v20+s3+$0x0], $0xffff  }
0x56f: {  	v1 =	vld.idx.msk [tilespmem:v1+s3+$0x0], $0xffff  }
0x570: {  	v14 =	vld.idx.msk [tilespmem:v14+s3+$0x0], $0xffff  }
0x571: {  	v2 =	vld.idx.msk [tilespmem:v2+s3+$0x0], $0xffff  }
0x572: {  	v12 =	vld.idx.msk [tilespmem:v12+s3+$0x0], $0xffff  }
0x573: {  	v11 =	vadd.f32 v15, v11;
	v8 =	vadd.f32 v8, v16;
	v10 =	vld.idx.msk [tilespmem:v10+s3+$0x0], $0xffff  }
0x574: {  	v15 =	vadd.f32 v18, v17;
	v16 =	vadd.f32 v20, v19;
	v5 =	vld.idx.msk [tilespmem:v5+s3+$0x0], $0xffff  }
0x575: {  	v3 =	vadd.f32 v3, v11;
	v8 =	vadd.f32 v13, v8;
	v11 =	vld [tilespmem:s30+$0xFFFFEC00]  }
0x576: {  	v1 =	vadd.f32 v1, v15;
	v13 =	vadd.f32 v14, v16;
	v14 =	vld [tilespmem:s30+$0xFFFFEE00]  }
0x577: {  	v3 =	vadd.f32 v4, v3;
	v4 =	vadd.f32 v6, v8;
	v6 =	vld [tilespmem:s30+$0xFFFFF600]  }
0x578: {  	v1 =	vadd.f32 v2, v1;
	v2 =	vadd.f32 v12, v13;
	v8 =	vld [tilespmem:s30+$0xFFFFF800]  }
0x579: {  	v3 =	vadd.f32 v7, v3;
	v4 =	vadd.f32 v9, v4;
	v7 =	vld [tilespmem:s30+$0x0]  }
0x57a: {  	v1 =	vadd.f32 v10, v1;
	v2 =	vadd.f32 v5, v2;
	v5 =	vld [tilespmem:s30+$0x200]  }
0x57b: {  	v9 =	vld [tilespmem:s30+$0xA00]  }
0x57c: {  	v3 =	vadd.f32 v4, v3;
	v1 =	vadd.f32 v2, v1;
	v2 =	vld [tilespmem:s30+$0xC00]  }
0x57d: {  	v4 =	vld [tilespmem:s30+$0xFFFFF000]  }
0x57e: {  	v1 =	vadd.f32 v1, v3;
	v3 =	vld [tilespmem:s30+$0xFFFFFA00]  }
0x57f: {  	s28 =	sadd.s32 $0x20, s28;
	v10 =	vld [tilespmem:s30+$0x400]  }
0x580: {  	[tilespmem:s28+$0xFFFFFFF0] =	vst v1;
	v1 =	vld [tilespmem:s30+$0xE00]  }
0x581: {  	v12 =	vld [tilespmem:s30+$0xFFFFF200]  }
0x582: {  	v13 =	vld [tilespmem:s30+$0xFFFFFC00]  }
0x583: {  	v15 =	vld [tilespmem:s30+$0x600]  }
0x584: {  	v16 =	vld [tilespmem:s30+$0x1000]  }
0x585: {  	v11 =	vld.idx.msk [tilespmem:v11+s3+$0x0], $0xffff  }
0x586: {  	v14 =	vld.idx.msk [tilespmem:v14+s3+$0x0], $0xffff  }
0x587: {  	v6 =	vld.idx.msk [tilespmem:v6+s3+$0x0], $0xffff  }
0x588: {  	v8 =	vld.idx.msk [tilespmem:v8+s3+$0x0], $0xffff  }
0x589: {  	v7 =	vld.idx.msk [tilespmem:v7+s3+$0x0], $0xffff  }
0x58a: {  	v5 =	vld.idx.msk [tilespmem:v5+s3+$0x0], $0xffff  }
0x58b: {  	v9 =	vld.idx.msk [tilespmem:v9+s3+$0x0], $0xffff  }
0x58c: {  	v11 =	vadd.f32 v14, v11;
	v2 =	vld.idx.msk [tilespmem:v2+s3+$0x0], $0xffff  }
0x58d: {  	v14 =	vld [tilespmem:s30+$0xFFFFF400]  }
0x58e: {  	v6 =	vadd.f32 v8, v6;
	v17 =	vld [tilespmem:s30+$0xFFFFFE00]  }
0x58f: {  	v18 =	vld [tilespmem:s30+$0x800]  }
0x590: {  	v5 =	vadd.f32 v5, v7;
	v19 =	vld [tilespmem:s30+$0x1200]  }
0x591: {  	v4 =	vld.idx.msk [tilespmem:v4+s3+$0x0], $0xffff  }
0x592: {  	v7 =	vadd.f32 v2, v9;
	v3 =	vld.idx.msk [tilespmem:v3+s3+$0x0], $0xffff  }
0x593: {  	v8 =	vld.idx.msk [tilespmem:v10+s3+$0x0], $0xffff  }
0x594: {  	v9 =	vld.idx.msk [tilespmem:v1+s3+$0x0], $0xffff  }
0x595: {  	v10 =	vld.idx.msk [tilespmem:v12+s3+$0x0], $0xffff  }
0x596: {  	v12 =	vld.idx.msk [tilespmem:v13+s3+$0x0], $0xffff  }
0x597: {  	v11 =	vadd.f32 v4, v11;
	v1 =	vld.idx.msk [tilespmem:v15+s3+$0x0], $0xffff  }
.Ltmp8:
0x598: {  	v6 =	vadd.f32 v3, v6;
	v2 =	vld.idx.msk [tilespmem:v16+s3+$0x0], $0xffff;
	(pc) =	sbr.rel @p1 .LBB2_18-.Ltmp8, $4  }
0x599: {  	v8 =	vadd.f32 v8, v5;
	v3 =	vld.idx.msk [tilespmem:v14+s3+$0x0], $0xffff  }
0x59a: {  	v7 =	vadd.f32 v9, v7;
	v4 =	vld.idx.msk [tilespmem:v17+s3+$0x0], $0xffff  }
0x59b: {  	v9 =	vadd.f32 v10, v11;
	v5 =	vld.idx.msk [tilespmem:v18+s3+$0x0], $0xffff  }
0x59c: {  	s30 =	sadd.s32 $0x20, s30;
	v10 =	vadd.f32 v12, v6;
	v6 =	vld.idx.msk [tilespmem:v19+s3+$0x0], $0xffff  }
0x59d: {  	_ =	sdelay $0x1  }
0x59e: {  	v1 =	vadd.f32 v1, v8;
	v2 =	vadd.f32 v2, v7  }
0x59f: {  	v3 =	vadd.f32 v3, v9;
	v4 =	vadd.f32 v4, v10  }
0x5a0: {  	v1 =	vadd.f32 v5, v1;
	v2 =	vadd.f32 v6, v2;
	_ =	sdelay $0x1  }
0x5a1: {  	v3 =	vadd.f32 v4, v3;
	v1 =	vadd.f32 v2, v1;
	_ =	sdelay $0x1  }
0x5a2: {  	v1 =	vadd.f32 v1, v3;
	_ =	sdelay $0x1  }
0x5a3: {  	[tilespmem:s28+$0x0] =	vst v1  }
0x5a4: {  	_ =	swait.ge [sflag:s23], $0x2800  }
0x5a5: {  	[sflag:s23] =	ssyncset.done $0x0  }
0x5a6: {  	s28 =	simm.s32 $0x1C310;
	[sflag:s23] =	ssyncadd.s32 $0xFFFFD800  }
0x5a7: {  	s26 =	simm.s32 $0x0;
	v1 =	vld [tilespmem:s28+$0xFFFFF9F0]  }
0x5a8: {  	s0 =	sand.u32 $0x1E0, s26;
	v2 =	vld [tilespmem:s28+$0xFFFFEBF0]  }
0x5a9: {  	v3 =	vld [tilespmem:s0+$0x1B700]  }
0x5aa: {  	v4 =	vld [tilespmem:s0+$0x1C100]  }
0x5ab: {  	v5 =	vld [tilespmem:s0+$0x1CB00]  }
0x5ac: {  	v6 =	vld [tilespmem:s0+$0x1D500]  }
0x5ad: {  	v7 =	vld [tilespmem:s0+$0x1B500]  }
0x5ae: {  	v8 =	vld [tilespmem:s0+$0x1BF00]  }
0x5af: {  	v9 =	vld [tilespmem:s0+$0x1C900]  }
0x5b0: {  	v10 =	vld [tilespmem:s0+$0x1D300]  }
0x5b1: {  	v11 =	vld [tilespmem:s0+$0x1B300]  }
0x5b2: {  	v12 =	vld [tilespmem:s0+$0x1C700]  }
0x5b3: {  	v13 =	vld [tilespmem:s0+$0x1D100]  }
0x5b4: {  	v14 =	vld [tilespmem:s0+$0x1B100]  }
0x5b5: {  	v15 =	vld [tilespmem:s0+$0x1B900]  }
0x5b6: {  	v16 =	vld [tilespmem:s0+$0x1BB00]  }
0x5b7: {  	v17 =	vld [tilespmem:s0+$0x1C300]  }
0x5b8: {  	v18 =	vld [tilespmem:s0+$0x1C500]  }
0x5b9: {  	v19 =	vld [tilespmem:s0+$0x1CD00]  }
0x5ba: {  	v20 =	vld [tilespmem:s0+$0x1CF00]  }
0x5bb: {  	v21 =	vld [tilespmem:s28+$0xFFFFEC00]  }
0x5bc: {  	v22 =	vld [tilespmem:s28+$0xFFFFEE00]  }
0x5bd: {  	v23 =	vld [tilespmem:s28+$0xFFFFF600]  }
0x5be: {  	v24 =	vld [tilespmem:s28+$0xFFFFF800]  }
0x5bf: {  	v25 =	vld [tilespmem:s28+$0x0]  }
0x5c0: {  	v26 =	vld [tilespmem:s28+$0x200]  }
0x5c1: {  	v27 =	vld [tilespmem:s28+$0xA00]  }
0x5c2: {  	v28 =	vld [tilespmem:s28+$0xC00]  }
0x5c3: {  	v29 =	vld [tilespmem:s28+$0xFFFFF000]  }
0x5c4: {  	v30 =	vld [tilespmem:s28+$0xFFFFFA00]  }
0x5c5: {  	v31 =	vld [tilespmem:s28+$0x400]  }
0x5c6: {  	v32 =	vld [tilespmem:s28+$0xE00]  }
0x5c7: {  	v33 =	vld [tilespmem:s28+$0xFFFFF200]  }
0x5c8: {  	v34 =	vld [tilespmem:s28+$0xFFFFFC00]  }
0x5c9: {  	v35 =	vld [tilespmem:s28+$0x600]  }
0x5ca: {  	v36 =	vld [tilespmem:s28+$0x1000]  }
0x5cb: {  	v57 =	vld [tilespmem:s28+$0xFFFFF400]  }
0x5cc: {  	v58 =	vld [tilespmem:s28+$0x800]  }
0x5cd: {  	v59 =	vld [tilespmem:s28+$0x1200]  }
0x5ce: {  	v1 =	vld.idx.msk [tilespmem:v1+s3+$0x0], $0xffff  }
0x5cf: {  	v2 =	vld.idx.msk [tilespmem:v2+s3+$0x0], $0xffff  }
0x5d0: {  	v3 =	vld.idx.msk [tilespmem:v3+s3+$0x0], $0xffff  }
0x5d1: {  	v4 =	vld.idx.msk [tilespmem:v4+s3+$0x0], $0xffff  }
0x5d2: {  	v7 =	vld.idx.msk [tilespmem:v7+s3+$0x0], $0xffff  }
0x5d3: {  	v8 =	vld.idx.msk [tilespmem:v8+s3+$0x0], $0xffff  }
0x5d4: {  	v11 =	vld.idx.msk [tilespmem:v11+s3+$0x0], $0xffff  }
0x5d5: {  	v14 =	vld.idx.msk [tilespmem:v14+s3+$0x0], $0xffff  }
0x5d6: {  	v15 =	vld.idx.msk [tilespmem:v15+s3+$0x0], $0xffff  }
0x5d7: {  	v16 =	vld.idx.msk [tilespmem:v16+s3+$0x0], $0xffff  }
0x5d8: {  	v17 =	vld.idx.msk [tilespmem:v17+s3+$0x0], $0xffff  }
0x5d9: {  	v18 =	vld.idx.msk [tilespmem:v18+s3+$0x0], $0xffff  }
0x5da: {  	v19 =	vld.idx.msk [tilespmem:v19+s3+$0x0], $0xffff  }
0x5db: {  	v20 =	vld.idx.msk [tilespmem:v20+s3+$0x0], $0xffff  }
0x5dc: {  	v12 =	vld.idx.msk [tilespmem:v12+s3+$0x0], $0xffff  }
0x5dd: {  	v13 =	vld.idx.msk [tilespmem:v13+s3+$0x0], $0xffff  }
0x5de: {  	v9 =	vld.idx.msk [tilespmem:v9+s3+$0x0], $0xffff  }
0x5df: {  	v10 =	vld.idx.msk [tilespmem:v10+s3+$0x0], $0xffff  }
0x5e0: {  	v5 =	vld.idx.msk [tilespmem:v5+s3+$0x0], $0xffff  }
0x5e1: {  	v6 =	vld.idx.msk [tilespmem:v6+s3+$0x0], $0xffff  }
0x5e2: {  	v21 =	vld.idx.msk [tilespmem:v21+s3+$0x0], $0xffff  }
0x5e3: {  	v22 =	vld.idx.msk [tilespmem:v22+s3+$0x0], $0xffff  }
0x5e4: {  	v23 =	vld.idx.msk [tilespmem:v23+s3+$0x0], $0xffff  }
0x5e5: {  	v24 =	vld.idx.msk [tilespmem:v24+s3+$0x0], $0xffff  }
0x5e6: {  	v25 =	vld.idx.msk [tilespmem:v25+s3+$0x0], $0xffff  }
0x5e7: {  	v26 =	vld.idx.msk [tilespmem:v26+s3+$0x0], $0xffff;
	v2 =	vadd.f32 v14, v2;
	v53 =	vadd.f32 v16, v15  }
0x5e8: {  	v27 =	vld.idx.msk [tilespmem:v27+s3+$0x0], $0xffff;
	v55 =	vadd.f32 v18, v17;
	v56 =	vadd.f32 v20, v19  }
0x5e9: {  	v54 =	vld.idx.msk [tilespmem:v28+s3+$0x0], $0xffff;
	v2 =	vadd.f32 v11, v2;
	v1 =	vadd.f32 v1, v53  }
0x5ea: {  	v60 =	vld.idx.msk [tilespmem:v34+s3+$0x0], $0xffff;
	v12 =	vadd.f32 v12, v55;
	v13 =	vadd.f32 v13, v56  }
0x5eb: {  	v11 =	vld [tilespmem:s28+$0xFFFFFE00];
	v2 =	vadd.f32 v7, v2;
	v1 =	vadd.f32 v8, v1  }
0x5ec: {  	v7 =	vadd.f32 v9, v12;
	v8 =	vadd.f32 v10, v13;
	v9 =	vld.idx.msk [tilespmem:v29+s3+$0x0], $0xffff  }
0x5ed: {  	v10 =	vld.idx.msk [tilespmem:v33+s3+$0x0], $0xffff;
	v2 =	vadd.f32 v3, v2;
	v1 =	vadd.f32 v4, v1  }
0x5ee: {  	v4 =	vld.idx.msk [tilespmem:v30+s3+$0x0], $0xffff;
	v3 =	vadd.f32 v5, v7;
	v5 =	vadd.f32 v6, v8  }
0x5ef: {  	v6 =	vld.idx.msk [tilespmem:v31+s3+$0x0], $0xffff  }
0x5f0: {  	v7 =	vld.idx.msk [tilespmem:v32+s3+$0x0], $0xffff;
	v1 =	vadd.f32 v1, v2;
	v2 =	vadd.f32 v5, v3  }
0x5f1: {  	v8 =	vadd.f32 v24, v23;
	v3 =	vld.idx.msk [tilespmem:v57+s3+$0x0], $0xffff  }
0x5f2: {  	v5 =	vadd.f32 v22, v21;
	v61 =	vadd.f32 v2, v1;
	v1 =	vld.idx.msk [tilespmem:v35+s3+$0x0], $0xffff  }
0x5f3: {  	v62 =	vadd.f32 v26, v25;
	v15 =	vadd.f32 v54, v27;
	v2 =	vld.idx.msk [tilespmem:v36+s3+$0x0], $0xffff  }
0x5f4: {  	v9 =	vadd.f32 v9, v5;
	v5 =	vld.idx.msk [tilespmem:v58+s3+$0x0], $0xffff;
	v63 =	vadd.f32 v4, v8  }
0x5f5: {  	s28 =	simm.s32 $0x1E510;
	v4 =	vld.idx.msk [tilespmem:v11+s3+$0x0], $0xffff;
	v8 =	vadd.f32 v6, v62;
	v7 =	vadd.f32 v7, v15  }
0x5f6: {  	s29 =	simm.s32 $0x0;
	s30 =	simm.s32 $0x1C330;
	v6 =	vld.idx.msk [tilespmem:v59+s3+$0x0], $0xffff;
	[tilespmem:s28+$0xFFFFFFF0] =	vst v61;
	v9 =	vadd.f32 v10, v9;
	v10 =	vadd.f32 v60, v63  }
.LBB2_20:
0x5f7: {  	v11 =	vld [tilespmem:s30+$0xFFFFF9F0];
	v1 =	vadd.f32 v1, v8;
	s26 =	sadd.s32 $0x20, s26  }
0x5f8: {  	v2 =	vadd.f32 v2, v7;
	v8 =	vld [tilespmem:s30+$0xFFFFEBF0];
	s0 =	sand.u32 $0x1E0, s26  }
0x5f9: {  	v3 =	vadd.f32 v3, v9;
	v7 =	vld [tilespmem:s0+$0x1B700]  }
0x5fa: {  	v4 =	vadd.f32 v4, v10;
	v9 =	vld [tilespmem:s0+$0x1C100]  }
0x5fb: {  	v1 =	vadd.f32 v5, v1;
	v10 =	vld [tilespmem:s0+$0x1CB00]  }
0x5fc: {  	v2 =	vadd.f32 v6, v2;
	v3 =	vadd.f32 v4, v3;
	v5 =	vld [tilespmem:s0+$0x1D500]  }
0x5fd: {  	v4 =	vld [tilespmem:s0+$0x1B500]  }
0x5fe: {  	v1 =	vadd.f32 v2, v1;
	v6 =	vld [tilespmem:s0+$0x1BF00]  }
0x5ff: {  	v2 =	vld [tilespmem:s0+$0x1C900]  }
0x600: {  	v1 =	vadd.f32 v1, v3;
	v12 =	vld [tilespmem:s0+$0x1D300]  }
0x601: {  	v3 =	vld [tilespmem:s0+$0x1B300]  }
0x602: {  	v13 =	vld [tilespmem:s0+$0x1C700];
	[tilespmem:s28+$0x0] =	vst v1  }
0x603: {  	v1 =	vld [tilespmem:s0+$0x1D100]  }
0x604: {  	v14 =	vld [tilespmem:s0+$0x1B100]  }
0x605: {  	v15 =	vld [tilespmem:s0+$0x1B900]  }
0x606: {  	v16 =	vld [tilespmem:s0+$0x1BB00]  }
0x607: {  	v17 =	vld [tilespmem:s0+$0x1C300]  }
0x608: {  	v18 =	vld [tilespmem:s0+$0x1C500]  }
0x609: {  	v19 =	vld [tilespmem:s0+$0x1CD00]  }
0x60a: {  	v20 =	vld [tilespmem:s0+$0x1CF00]  }
0x60b: {  	v11 =	vld.idx.msk [tilespmem:v11+s3+$0x0], $0xffff  }
0x60c: {  	v8 =	vld.idx.msk [tilespmem:v8+s3+$0x0], $0xffff  }
0x60d: {  	v7 =	vld.idx.msk [tilespmem:v7+s3+$0x0], $0xffff  }
0x60e: {  	v9 =	vld.idx.msk [tilespmem:v9+s3+$0x0], $0xffff  }
0x60f: {  	s29 =	sadd.s32 $0x2, s29;
	v4 =	vld.idx.msk [tilespmem:v4+s3+$0x0], $0xffff  }
0x610: {  	p1 =	slt.u32 s29, $0x1E;
	v6 =	vld.idx.msk [tilespmem:v6+s3+$0x0], $0xffff  }
0x611: {  	v3 =	vld.idx.msk [tilespmem:v3+s3+$0x0], $0xffff  }
0x612: {  	v14 =	vld.idx.msk [tilespmem:v14+s3+$0x0], $0xffff  }
0x613: {  	v15 =	vld.idx.msk [tilespmem:v15+s3+$0x0], $0xffff  }
0x614: {  	v16 =	vld.idx.msk [tilespmem:v16+s3+$0x0], $0xffff  }
0x615: {  	v17 =	vld.idx.msk [tilespmem:v17+s3+$0x0], $0xffff  }
0x616: {  	v18 =	vld.idx.msk [tilespmem:v18+s3+$0x0], $0xffff  }
0x617: {  	v19 =	vld.idx.msk [tilespmem:v19+s3+$0x0], $0xffff  }
0x618: {  	v20 =	vld.idx.msk [tilespmem:v20+s3+$0x0], $0xffff  }
0x619: {  	v13 =	vld.idx.msk [tilespmem:v13+s3+$0x0], $0xffff  }
0x61a: {  	v1 =	vld.idx.msk [tilespmem:v1+s3+$0x0], $0xffff  }
0x61b: {  	v2 =	vld.idx.msk [tilespmem:v2+s3+$0x0], $0xffff  }
0x61c: {  	v12 =	vld.idx.msk [tilespmem:v12+s3+$0x0], $0xffff  }
0x61d: {  	v8 =	vadd.f32 v14, v8;
	v14 =	vadd.f32 v16, v15;
	v10 =	vld.idx.msk [tilespmem:v10+s3+$0x0], $0xffff  }
0x61e: {  	v15 =	vadd.f32 v18, v17;
	v16 =	vadd.f32 v20, v19;
	v5 =	vld.idx.msk [tilespmem:v5+s3+$0x0], $0xffff  }
0x61f: {  	v3 =	vadd.f32 v3, v8;
	v8 =	vadd.f32 v11, v14;
	v11 =	vld [tilespmem:s30+$0xFFFFEC00]  }
0x620: {  	v13 =	vadd.f32 v13, v15;
	v1 =	vadd.f32 v1, v16;
	v14 =	vld [tilespmem:s30+$0xFFFFEE00]  }
0x621: {  	v3 =	vadd.f32 v4, v3;
	v4 =	vadd.f32 v6, v8;
	v6 =	vld [tilespmem:s30+$0xFFFFF600]  }
0x622: {  	v2 =	vadd.f32 v2, v13;
	v1 =	vadd.f32 v12, v1;
	v8 =	vld [tilespmem:s30+$0xFFFFF800]  }
0x623: {  	v3 =	vadd.f32 v7, v3;
	v4 =	vadd.f32 v9, v4;
	v7 =	vld [tilespmem:s30+$0x0]  }
0x624: {  	v2 =	vadd.f32 v10, v2;
	v1 =	vadd.f32 v5, v1;
	v5 =	vld [tilespmem:s30+$0x200]  }
0x625: {  	v9 =	vld [tilespmem:s30+$0xA00]  }
0x626: {  	v3 =	vadd.f32 v4, v3;
	v1 =	vadd.f32 v1, v2;
	v2 =	vld [tilespmem:s30+$0xC00]  }
0x627: {  	v4 =	vld [tilespmem:s30+$0xFFFFF000]  }
0x628: {  	v1 =	vadd.f32 v1, v3;
	v3 =	vld [tilespmem:s30+$0xFFFFFA00]  }
0x629: {  	s28 =	sadd.s32 $0x20, s28;
	v10 =	vld [tilespmem:s30+$0x400]  }
0x62a: {  	[tilespmem:s28+$0xFFFFFFF0] =	vst v1;
	v1 =	vld [tilespmem:s30+$0xE00]  }
0x62b: {  	v12 =	vld [tilespmem:s30+$0xFFFFF200]  }
0x62c: {  	v13 =	vld [tilespmem:s30+$0xFFFFFC00]  }
0x62d: {  	v15 =	vld [tilespmem:s30+$0x600]  }
0x62e: {  	v16 =	vld [tilespmem:s30+$0x1000]  }
0x62f: {  	v11 =	vld.idx.msk [tilespmem:v11+s3+$0x0], $0xffff  }
0x630: {  	v14 =	vld.idx.msk [tilespmem:v14+s3+$0x0], $0xffff  }
0x631: {  	v6 =	vld.idx.msk [tilespmem:v6+s3+$0x0], $0xffff  }
0x632: {  	v8 =	vld.idx.msk [tilespmem:v8+s3+$0x0], $0xffff  }
0x633: {  	v7 =	vld.idx.msk [tilespmem:v7+s3+$0x0], $0xffff  }
0x634: {  	v5 =	vld.idx.msk [tilespmem:v5+s3+$0x0], $0xffff  }
0x635: {  	v9 =	vld.idx.msk [tilespmem:v9+s3+$0x0], $0xffff  }
0x636: {  	v11 =	vadd.f32 v14, v11;
	v2 =	vld.idx.msk [tilespmem:v2+s3+$0x0], $0xffff  }
0x637: {  	v14 =	vld [tilespmem:s30+$0xFFFFF400]  }
0x638: {  	v6 =	vadd.f32 v8, v6;
	v17 =	vld [tilespmem:s30+$0xFFFFFE00]  }
0x639: {  	v18 =	vld [tilespmem:s30+$0x800]  }
0x63a: {  	v5 =	vadd.f32 v5, v7;
	v19 =	vld [tilespmem:s30+$0x1200]  }
0x63b: {  	v4 =	vld.idx.msk [tilespmem:v4+s3+$0x0], $0xffff  }
0x63c: {  	v7 =	vadd.f32 v2, v9;
	v3 =	vld.idx.msk [tilespmem:v3+s3+$0x0], $0xffff  }
0x63d: {  	v8 =	vld.idx.msk [tilespmem:v10+s3+$0x0], $0xffff  }
0x63e: {  	v9 =	vld.idx.msk [tilespmem:v1+s3+$0x0], $0xffff  }
0x63f: {  	v10 =	vld.idx.msk [tilespmem:v12+s3+$0x0], $0xffff  }
0x640: {  	v12 =	vld.idx.msk [tilespmem:v13+s3+$0x0], $0xffff  }
0x641: {  	v11 =	vadd.f32 v4, v11;
	v1 =	vld.idx.msk [tilespmem:v15+s3+$0x0], $0xffff  }
.Ltmp9:
0x642: {  	v6 =	vadd.f32 v3, v6;
	v2 =	vld.idx.msk [tilespmem:v16+s3+$0x0], $0xffff;
	(pc) =	sbr.rel @p1 .LBB2_20-.Ltmp9, $4  }
0x643: {  	v8 =	vadd.f32 v8, v5;
	v3 =	vld.idx.msk [tilespmem:v14+s3+$0x0], $0xffff  }
0x644: {  	v7 =	vadd.f32 v9, v7;
	v4 =	vld.idx.msk [tilespmem:v17+s3+$0x0], $0xffff  }
0x645: {  	v9 =	vadd.f32 v10, v11;
	v5 =	vld.idx.msk [tilespmem:v18+s3+$0x0], $0xffff  }
0x646: {  	s30 =	sadd.s32 $0x20, s30;
	v10 =	vadd.f32 v12, v6;
	v6 =	vld.idx.msk [tilespmem:v19+s3+$0x0], $0xffff  }
0x647: {  	_ =	sdelay $0x1  }
0x648: {  	v1 =	vadd.f32 v1, v8;
	v2 =	vadd.f32 v2, v7  }
0x649: {  	v3 =	vadd.f32 v3, v9;
	v4 =	vadd.f32 v4, v10  }
0x64a: {  	v1 =	vadd.f32 v5, v1;
	v2 =	vadd.f32 v6, v2;
	_ =	sdelay $0x1  }
0x64b: {  	v3 =	vadd.f32 v4, v3;
	v1 =	vadd.f32 v2, v1;
	_ =	sdelay $0x1  }
0x64c: {  	v1 =	vadd.f32 v1, v3;
	_ =	sdelay $0x1  }
0x64d: {  	[tilespmem:s28+$0x0] =	vst v1  }
0x64e: {  	[hbm4b:s14+s18] =	stream.strided.scatter [tilespmem:s24], [sflag:$0x2], $0x1000, s19, s18, $0x38;
	[tilespmem:$0x1FB00] =	vst v63  }
0x64f: {  	_ =	swait.ge [sflag:s21], $0x1000  }
0x650: {  	[sflag:s21] =	ssyncset.done $0x0  }
0x651: {  	s26 =	simm.s32 $0x0;
	[sflag:s21] =	ssyncadd.s32 $0xFFFFF000  }
0x652: {  	[tilespmem:s26], [sflag:$0x2] =	stream.strided.gather [hbm4b:s15+s18], $0x18700, s19, s18, $0x38;
	[tilespmem:$0x1FB00] =	vst v63  }
0x653: {  	_ =	swait.ge [sflag:s21], $0x18700  }
0x654: {  	[sflag:s21] =	ssyncset.done $0x0  }
0x655: {  	s28 =	simm.s32 $0x1C310;
	[sflag:s21] =	ssyncadd.s32 $0xFFFE7900  }
0x656: {  	v1 =	vld [tilespmem:s28+$0xFFFFF9F0]  }
0x657: {  	s0 =	sand.u32 $0x1E0, s26;
	v2 =	vld [tilespmem:s28+$0xFFFFEBF0]  }
0x658: {  	v3 =	vld [tilespmem:s0+$0x1B700]  }
0x659: {  	v4 =	vld [tilespmem:s0+$0x1C100]  }
0x65a: {  	v5 =	vld [tilespmem:s0+$0x1CB00]  }
0x65b: {  	v6 =	vld [tilespmem:s0+$0x1D500]  }
0x65c: {  	v7 =	vld [tilespmem:s0+$0x1B500]  }
0x65d: {  	v8 =	vld [tilespmem:s0+$0x1BF00]  }
0x65e: {  	v9 =	vld [tilespmem:s0+$0x1C900]  }
0x65f: {  	v10 =	vld [tilespmem:s0+$0x1D300]  }
0x660: {  	v11 =	vld [tilespmem:s0+$0x1B300]  }
0x661: {  	v12 =	vld [tilespmem:s0+$0x1C700]  }
0x662: {  	v13 =	vld [tilespmem:s0+$0x1D100]  }
0x663: {  	v14 =	vld [tilespmem:s0+$0x1B100]  }
0x664: {  	v15 =	vld [tilespmem:s0+$0x1B900]  }
0x665: {  	v16 =	vld [tilespmem:s0+$0x1BB00]  }
0x666: {  	v17 =	vld [tilespmem:s0+$0x1C300]  }
0x667: {  	v18 =	vld [tilespmem:s0+$0x1C500]  }
0x668: {  	v19 =	vld [tilespmem:s0+$0x1CD00]  }
0x669: {  	v20 =	vld [tilespmem:s0+$0x1CF00]  }
0x66a: {  	v21 =	vld [tilespmem:s28+$0xFFFFEC00]  }
0x66b: {  	v22 =	vld [tilespmem:s28+$0xFFFFEE00]  }
0x66c: {  	v23 =	vld [tilespmem:s28+$0xFFFFF600]  }
0x66d: {  	v24 =	vld [tilespmem:s28+$0xFFFFF800]  }
0x66e: {  	v25 =	vld [tilespmem:s28+$0x0]  }
0x66f: {  	v26 =	vld [tilespmem:s28+$0x200]  }
0x670: {  	v27 =	vld [tilespmem:s28+$0xA00]  }
0x671: {  	v28 =	vld [tilespmem:s28+$0xC00]  }
0x672: {  	v29 =	vld [tilespmem:s28+$0xFFFFF000]  }
0x673: {  	v30 =	vld [tilespmem:s28+$0xFFFFFA00]  }
0x674: {  	v31 =	vld [tilespmem:s28+$0x400]  }
0x675: {  	v32 =	vld [tilespmem:s28+$0xE00]  }
0x676: {  	v33 =	vld [tilespmem:s28+$0xFFFFF200]  }
0x677: {  	v34 =	vld [tilespmem:s28+$0xFFFFFC00]  }
0x678: {  	v35 =	vld [tilespmem:s28+$0x600]  }
0x679: {  	v36 =	vld [tilespmem:s28+$0x1000]  }
0x67a: {  	v57 =	vld [tilespmem:s28+$0xFFFFF400]  }
0x67b: {  	v58 =	vld [tilespmem:s28+$0x800]  }
0x67c: {  	v59 =	vld [tilespmem:s28+$0x1200]  }
0x67d: {  	v1 =	vld.idx.msk [tilespmem:v1+s3+$0x0], $0xffff  }
0x67e: {  	v2 =	vld.idx.msk [tilespmem:v2+s3+$0x0], $0xffff  }
0x67f: {  	v3 =	vld.idx.msk [tilespmem:v3+s3+$0x0], $0xffff  }
0x680: {  	v4 =	vld.idx.msk [tilespmem:v4+s3+$0x0], $0xffff  }
0x681: {  	v7 =	vld.idx.msk [tilespmem:v7+s3+$0x0], $0xffff  }
0x682: {  	v8 =	vld.idx.msk [tilespmem:v8+s3+$0x0], $0xffff  }
0x683: {  	v11 =	vld.idx.msk [tilespmem:v11+s3+$0x0], $0xffff  }
0x684: {  	v14 =	vld.idx.msk [tilespmem:v14+s3+$0x0], $0xffff  }
0x685: {  	v15 =	vld.idx.msk [tilespmem:v15+s3+$0x0], $0xffff  }
0x686: {  	v16 =	vld.idx.msk [tilespmem:v16+s3+$0x0], $0xffff  }
0x687: {  	v17 =	vld.idx.msk [tilespmem:v17+s3+$0x0], $0xffff  }
0x688: {  	v18 =	vld.idx.msk [tilespmem:v18+s3+$0x0], $0xffff  }
0x689: {  	v19 =	vld.idx.msk [tilespmem:v19+s3+$0x0], $0xffff  }
0x68a: {  	v20 =	vld.idx.msk [tilespmem:v20+s3+$0x0], $0xffff  }
0x68b: {  	v12 =	vld.idx.msk [tilespmem:v12+s3+$0x0], $0xffff  }
0x68c: {  	v13 =	vld.idx.msk [tilespmem:v13+s3+$0x0], $0xffff  }
0x68d: {  	v9 =	vld.idx.msk [tilespmem:v9+s3+$0x0], $0xffff  }
0x68e: {  	v10 =	vld.idx.msk [tilespmem:v10+s3+$0x0], $0xffff  }
0x68f: {  	v5 =	vld.idx.msk [tilespmem:v5+s3+$0x0], $0xffff  }
0x690: {  	v6 =	vld.idx.msk [tilespmem:v6+s3+$0x0], $0xffff  }
0x691: {  	v21 =	vld.idx.msk [tilespmem:v21+s3+$0x0], $0xffff  }
0x692: {  	v22 =	vld.idx.msk [tilespmem:v22+s3+$0x0], $0xffff  }
0x693: {  	v23 =	vld.idx.msk [tilespmem:v23+s3+$0x0], $0xffff  }
0x694: {  	v24 =	vld.idx.msk [tilespmem:v24+s3+$0x0], $0xffff  }
0x695: {  	v25 =	vld.idx.msk [tilespmem:v25+s3+$0x0], $0xffff  }
0x696: {  	v26 =	vld.idx.msk [tilespmem:v26+s3+$0x0], $0xffff;
	v2 =	vadd.f32 v14, v2;
	v53 =	vadd.f32 v16, v15  }
0x697: {  	v27 =	vld.idx.msk [tilespmem:v27+s3+$0x0], $0xffff;
	v55 =	vadd.f32 v18, v17;
	v56 =	vadd.f32 v20, v19  }
0x698: {  	v54 =	vld.idx.msk [tilespmem:v28+s3+$0x0], $0xffff;
	v2 =	vadd.f32 v11, v2;
	v1 =	vadd.f32 v1, v53  }
0x699: {  	v60 =	vld.idx.msk [tilespmem:v34+s3+$0x0], $0xffff;
	v12 =	vadd.f32 v12, v55;
	v13 =	vadd.f32 v13, v56  }
0x69a: {  	v11 =	vld [tilespmem:s28+$0xFFFFFE00];
	v2 =	vadd.f32 v7, v2;
	v1 =	vadd.f32 v8, v1  }
0x69b: {  	v7 =	vadd.f32 v9, v12;
	v8 =	vadd.f32 v10, v13;
	v9 =	vld.idx.msk [tilespmem:v29+s3+$0x0], $0xffff  }
0x69c: {  	v10 =	vld.idx.msk [tilespmem:v33+s3+$0x0], $0xffff;
	v2 =	vadd.f32 v3, v2;
	v1 =	vadd.f32 v4, v1  }
0x69d: {  	v4 =	vld.idx.msk [tilespmem:v30+s3+$0x0], $0xffff;
	v3 =	vadd.f32 v5, v7;
	v5 =	vadd.f32 v6, v8  }
0x69e: {  	v6 =	vld.idx.msk [tilespmem:v31+s3+$0x0], $0xffff  }
0x69f: {  	v7 =	vld.idx.msk [tilespmem:v32+s3+$0x0], $0xffff;
	v1 =	vadd.f32 v1, v2;
	v2 =	vadd.f32 v5, v3  }
0x6a0: {  	v8 =	vadd.f32 v24, v23;
	v3 =	vld.idx.msk [tilespmem:v57+s3+$0x0], $0xffff  }
0x6a1: {  	v5 =	vadd.f32 v22, v21;
	v61 =	vadd.f32 v2, v1;
	v1 =	vld.idx.msk [tilespmem:v35+s3+$0x0], $0xffff  }
0x6a2: {  	v62 =	vadd.f32 v26, v25;
	v15 =	vadd.f32 v54, v27;
	v2 =	vld.idx.msk [tilespmem:v36+s3+$0x0], $0xffff  }
0x6a3: {  	v9 =	vadd.f32 v9, v5;
	v5 =	vld.idx.msk [tilespmem:v58+s3+$0x0], $0xffff;
	v63 =	vadd.f32 v4, v8  }
0x6a4: {  	s28 =	simm.s32 $0x1E510;
	v4 =	vld.idx.msk [tilespmem:v11+s3+$0x0], $0xffff;
	v8 =	vadd.f32 v6, v62;
	v7 =	vadd.f32 v7, v15  }
0x6a5: {  	s29 =	simm.s32 $0x0;
	s30 =	simm.s32 $0x1C330;
	v6 =	vld.idx.msk [tilespmem:v59+s3+$0x0], $0xffff;
	[tilespmem:s28+$0xFFFFFFF0] =	vst v61;
	v9 =	vadd.f32 v10, v9;
	v10 =	vadd.f32 v60, v63  }
.LBB2_22:
0x6a6: {  	v11 =	vld [tilespmem:s30+$0xFFFFF9F0];
	v1 =	vadd.f32 v1, v8;
	s26 =	sadd.s32 $0x20, s26  }
0x6a7: {  	v2 =	vadd.f32 v2, v7;
	v8 =	vld [tilespmem:s30+$0xFFFFEBF0];
	s0 =	sand.u32 $0x1E0, s26  }
0x6a8: {  	v3 =	vadd.f32 v3, v9;
	v7 =	vld [tilespmem:s0+$0x1B700]  }
0x6a9: {  	v4 =	vadd.f32 v4, v10;
	v9 =	vld [tilespmem:s0+$0x1C100]  }
0x6aa: {  	v1 =	vadd.f32 v5, v1;
	v10 =	vld [tilespmem:s0+$0x1CB00]  }
0x6ab: {  	v2 =	vadd.f32 v6, v2;
	v3 =	vadd.f32 v4, v3;
	v5 =	vld [tilespmem:s0+$0x1D500]  }
0x6ac: {  	v4 =	vld [tilespmem:s0+$0x1B500]  }
0x6ad: {  	v1 =	vadd.f32 v2, v1;
	v6 =	vld [tilespmem:s0+$0x1BF00]  }
0x6ae: {  	v2 =	vld [tilespmem:s0+$0x1C900]  }
0x6af: {  	v1 =	vadd.f32 v1, v3;
	v12 =	vld [tilespmem:s0+$0x1D300]  }
0x6b0: {  	v3 =	vld [tilespmem:s0+$0x1B300]  }
0x6b1: {  	v13 =	vld [tilespmem:s0+$0x1C700];
	[tilespmem:s28+$0x0] =	vst v1  }
0x6b2: {  	v1 =	vld [tilespmem:s0+$0x1D100]  }
0x6b3: {  	v14 =	vld [tilespmem:s0+$0x1B100]  }
0x6b4: {  	v15 =	vld [tilespmem:s0+$0x1B900]  }
0x6b5: {  	v16 =	vld [tilespmem:s0+$0x1BB00]  }
0x6b6: {  	v17 =	vld [tilespmem:s0+$0x1C300]  }
0x6b7: {  	v18 =	vld [tilespmem:s0+$0x1C500]  }
0x6b8: {  	v19 =	vld [tilespmem:s0+$0x1CD00]  }
0x6b9: {  	v20 =	vld [tilespmem:s0+$0x1CF00]  }
0x6ba: {  	v11 =	vld.idx.msk [tilespmem:v11+s3+$0x0], $0xffff  }
0x6bb: {  	v8 =	vld.idx.msk [tilespmem:v8+s3+$0x0], $0xffff  }
0x6bc: {  	v7 =	vld.idx.msk [tilespmem:v7+s3+$0x0], $0xffff  }
0x6bd: {  	v9 =	vld.idx.msk [tilespmem:v9+s3+$0x0], $0xffff  }
0x6be: {  	s29 =	sadd.s32 $0x2, s29;
	v4 =	vld.idx.msk [tilespmem:v4+s3+$0x0], $0xffff  }
0x6bf: {  	p1 =	slt.u32 s29, $0x1E;
	v6 =	vld.idx.msk [tilespmem:v6+s3+$0x0], $0xffff  }
0x6c0: {  	v3 =	vld.idx.msk [tilespmem:v3+s3+$0x0], $0xffff  }
0x6c1: {  	v14 =	vld.idx.msk [tilespmem:v14+s3+$0x0], $0xffff  }
0x6c2: {  	v15 =	vld.idx.msk [tilespmem:v15+s3+$0x0], $0xffff  }
0x6c3: {  	v16 =	vld.idx.msk [tilespmem:v16+s3+$0x0], $0xffff  }
0x6c4: {  	v17 =	vld.idx.msk [tilespmem:v17+s3+$0x0], $0xffff  }
0x6c5: {  	v18 =	vld.idx.msk [tilespmem:v18+s3+$0x0], $0xffff  }
0x6c6: {  	v19 =	vld.idx.msk [tilespmem:v19+s3+$0x0], $0xffff  }
0x6c7: {  	v20 =	vld.idx.msk [tilespmem:v20+s3+$0x0], $0xffff  }
0x6c8: {  	v13 =	vld.idx.msk [tilespmem:v13+s3+$0x0], $0xffff  }
0x6c9: {  	v1 =	vld.idx.msk [tilespmem:v1+s3+$0x0], $0xffff  }
0x6ca: {  	v2 =	vld.idx.msk [tilespmem:v2+s3+$0x0], $0xffff  }
0x6cb: {  	v12 =	vld.idx.msk [tilespmem:v12+s3+$0x0], $0xffff  }
0x6cc: {  	v8 =	vadd.f32 v14, v8;
	v14 =	vadd.f32 v16, v15;
	v10 =	vld.idx.msk [tilespmem:v10+s3+$0x0], $0xffff  }
0x6cd: {  	v15 =	vadd.f32 v18, v17;
	v16 =	vadd.f32 v20, v19;
	v5 =	vld.idx.msk [tilespmem:v5+s3+$0x0], $0xffff  }
0x6ce: {  	v3 =	vadd.f32 v3, v8;
	v8 =	vadd.f32 v11, v14;
	v11 =	vld [tilespmem:s30+$0xFFFFEC00]  }
0x6cf: {  	v13 =	vadd.f32 v13, v15;
	v1 =	vadd.f32 v1, v16;
	v14 =	vld [tilespmem:s30+$0xFFFFEE00]  }
0x6d0: {  	v3 =	vadd.f32 v4, v3;
	v4 =	vadd.f32 v6, v8;
	v6 =	vld [tilespmem:s30+$0xFFFFF600]  }
0x6d1: {  	v2 =	vadd.f32 v2, v13;
	v1 =	vadd.f32 v12, v1;
	v8 =	vld [tilespmem:s30+$0xFFFFF800]  }
0x6d2: {  	v3 =	vadd.f32 v7, v3;
	v4 =	vadd.f32 v9, v4;
	v7 =	vld [tilespmem:s30+$0x0]  }
0x6d3: {  	v2 =	vadd.f32 v10, v2;
	v1 =	vadd.f32 v5, v1;
	v5 =	vld [tilespmem:s30+$0x200]  }
0x6d4: {  	v9 =	vld [tilespmem:s30+$0xA00]  }
0x6d5: {  	v3 =	vadd.f32 v4, v3;
	v1 =	vadd.f32 v1, v2;
	v2 =	vld [tilespmem:s30+$0xC00]  }
0x6d6: {  	v4 =	vld [tilespmem:s30+$0xFFFFF000]  }
0x6d7: {  	v1 =	vadd.f32 v1, v3;
	v3 =	vld [tilespmem:s30+$0xFFFFFA00]  }
0x6d8: {  	s28 =	sadd.s32 $0x20, s28;
	v10 =	vld [tilespmem:s30+$0x400]  }
0x6d9: {  	[tilespmem:s28+$0xFFFFFFF0] =	vst v1;
	v1 =	vld [tilespmem:s30+$0xE00]  }
0x6da: {  	v12 =	vld [tilespmem:s30+$0xFFFFF200]  }
0x6db: {  	v13 =	vld [tilespmem:s30+$0xFFFFFC00]  }
0x6dc: {  	v15 =	vld [tilespmem:s30+$0x600]  }
0x6dd: {  	v16 =	vld [tilespmem:s30+$0x1000]  }
0x6de: {  	v11 =	vld.idx.msk [tilespmem:v11+s3+$0x0], $0xffff  }
0x6df: {  	v14 =	vld.idx.msk [tilespmem:v14+s3+$0x0], $0xffff  }
0x6e0: {  	v6 =	vld.idx.msk [tilespmem:v6+s3+$0x0], $0xffff  }
0x6e1: {  	v8 =	vld.idx.msk [tilespmem:v8+s3+$0x0], $0xffff  }
0x6e2: {  	v7 =	vld.idx.msk [tilespmem:v7+s3+$0x0], $0xffff  }
0x6e3: {  	v5 =	vld.idx.msk [tilespmem:v5+s3+$0x0], $0xffff  }
0x6e4: {  	v9 =	vld.idx.msk [tilespmem:v9+s3+$0x0], $0xffff  }
0x6e5: {  	v11 =	vadd.f32 v14, v11;
	v2 =	vld.idx.msk [tilespmem:v2+s3+$0x0], $0xffff  }
0x6e6: {  	v14 =	vld [tilespmem:s30+$0xFFFFF400]  }
0x6e7: {  	v6 =	vadd.f32 v8, v6;
	v17 =	vld [tilespmem:s30+$0xFFFFFE00]  }
0x6e8: {  	v18 =	vld [tilespmem:s30+$0x800]  }
0x6e9: {  	v5 =	vadd.f32 v5, v7;
	v19 =	vld [tilespmem:s30+$0x1200]  }
0x6ea: {  	v4 =	vld.idx.msk [tilespmem:v4+s3+$0x0], $0xffff  }
0x6eb: {  	v7 =	vadd.f32 v2, v9;
	v3 =	vld.idx.msk [tilespmem:v3+s3+$0x0], $0xffff  }
0x6ec: {  	v8 =	vld.idx.msk [tilespmem:v10+s3+$0x0], $0xffff  }
0x6ed: {  	v9 =	vld.idx.msk [tilespmem:v1+s3+$0x0], $0xffff  }
0x6ee: {  	v10 =	vld.idx.msk [tilespmem:v12+s3+$0x0], $0xffff  }
0x6ef: {  	v12 =	vld.idx.msk [tilespmem:v13+s3+$0x0], $0xffff  }
0x6f0: {  	v11 =	vadd.f32 v4, v11;
	v1 =	vld.idx.msk [tilespmem:v15+s3+$0x0], $0xffff  }
.Ltmp10:
0x6f1: {  	v6 =	vadd.f32 v3, v6;
	v2 =	vld.idx.msk [tilespmem:v16+s3+$0x0], $0xffff;
	(pc) =	sbr.rel @p1 .LBB2_22-.Ltmp10, $4  }
0x6f2: {  	v8 =	vadd.f32 v8, v5;
	v3 =	vld.idx.msk [tilespmem:v14+s3+$0x0], $0xffff  }
0x6f3: {  	v7 =	vadd.f32 v9, v7;
	v4 =	vld.idx.msk [tilespmem:v17+s3+$0x0], $0xffff  }
0x6f4: {  	v9 =	vadd.f32 v10, v11;
	v5 =	vld.idx.msk [tilespmem:v18+s3+$0x0], $0xffff  }
0x6f5: {  	s30 =	sadd.s32 $0x20, s30;
	v10 =	vadd.f32 v12, v6;
	v6 =	vld.idx.msk [tilespmem:v19+s3+$0x0], $0xffff  }
0x6f6: {  	_ =	sdelay $0x1  }
0x6f7: {  	v1 =	vadd.f32 v1, v8;
	v2 =	vadd.f32 v2, v7  }
0x6f8: {  	v3 =	vadd.f32 v3, v9;
	v4 =	vadd.f32 v4, v10  }
0x6f9: {  	v1 =	vadd.f32 v5, v1;
	v2 =	vadd.f32 v6, v2;
	_ =	sdelay $0x1  }
0x6fa: {  	v3 =	vadd.f32 v4, v3;
	v1 =	vadd.f32 v2, v1;
	_ =	sdelay $0x1  }
0x6fb: {  	v1 =	vadd.f32 v1, v3;
	_ =	sdelay $0x1  }
0x6fc: {  	[tilespmem:s28+$0x0] =	vst v1;
	s28 =	simm.s32 $0x19B10  }
0x6fd: {  	[tilespmem:s22], [sflag:$0x1] =	stream.linear.gather [spmem:s11], $0x2800, $0x38;
	[tilespmem:$0x1FB00] =	vst v63  }
0x6fe: {  	s26 =	simm.s32 $0x0;
	v1 =	vld [tilespmem:s28+$0xFFFFEBF0]  }
0x6ff: {  	s0 =	sand.u32 $0x1E0, s26;
	v2 =	vld [tilespmem:s28+$0xFFFFF7F0]  }
0x700: {  	v3 =	vld [tilespmem:s0+$0x18F00]  }
0x701: {  	v4 =	vld [tilespmem:s0+$0x19900]  }
0x702: {  	v5 =	vld [tilespmem:s0+$0x1A300]  }
0x703: {  	v6 =	vld [tilespmem:s0+$0x1AD00]  }
0x704: {  	v7 =	vld [tilespmem:s0+$0x18D00]  }
0x705: {  	v8 =	vld [tilespmem:s0+$0x19700]  }
0x706: {  	v9 =	vld [tilespmem:s0+$0x1A100]  }
0x707: {  	v10 =	vld [tilespmem:s0+$0x1AB00]  }
0x708: {  	v11 =	vld [tilespmem:s0+$0x18B00]  }
0x709: {  	v12 =	vld [tilespmem:s0+$0x19500]  }
0x70a: {  	v13 =	vld [tilespmem:s0+$0x19F00]  }
0x70b: {  	v14 =	vld [tilespmem:s0+$0x1A900]  }
0x70c: {  	v15 =	vld [tilespmem:s0+$0x18900]  }
0x70d: {  	v16 =	vld [tilespmem:s0+$0x19100]  }
0x70e: {  	v17 =	vld [tilespmem:s0+$0x19B00]  }
0x70f: {  	v18 =	vld [tilespmem:s0+$0x19D00]  }
0x710: {  	v19 =	vld [tilespmem:s0+$0x1A500]  }
0x711: {  	v20 =	vld [tilespmem:s0+$0x1A700]  }
0x712: {  	v21 =	vld [tilespmem:s28+$0xFFFFEC00]  }
0x713: {  	v22 =	vld [tilespmem:s28+$0xFFFFEE00]  }
0x714: {  	v23 =	vld [tilespmem:s28+$0xFFFFF600]  }
0x715: {  	v24 =	vld [tilespmem:s28+$0xFFFFF800]  }
0x716: {  	v25 =	vld [tilespmem:s28+$0x0]  }
0x717: {  	v26 =	vld [tilespmem:s28+$0x200]  }
0x718: {  	v27 =	vld [tilespmem:s28+$0xA00]  }
0x719: {  	v28 =	vld [tilespmem:s28+$0xC00]  }
0x71a: {  	v29 =	vld [tilespmem:s28+$0xFFFFF000]  }
0x71b: {  	v30 =	vld [tilespmem:s28+$0xFFFFFA00]  }
0x71c: {  	v31 =	vld [tilespmem:s28+$0x400]  }
0x71d: {  	v32 =	vld [tilespmem:s28+$0xE00]  }
0x71e: {  	v33 =	vld [tilespmem:s28+$0xFFFFF200]  }
0x71f: {  	v34 =	vld [tilespmem:s28+$0xFFFFFC00]  }
0x720: {  	v35 =	vld [tilespmem:s28+$0x600]  }
0x721: {  	v36 =	vld [tilespmem:s28+$0x1000]  }
0x722: {  	v55 =	vld [tilespmem:s28+$0xFFFFF400]  }
0x723: {  	v58 =	vld [tilespmem:s28+$0x800]  }
0x724: {  	v59 =	vld [tilespmem:s28+$0x1200]  }
0x725: {  	v1 =	vld.idx.msk [tilespmem:v1+s3+$0x0], $0xffff  }
0x726: {  	v2 =	vld.idx.msk [tilespmem:v2+s3+$0x0], $0xffff  }
0x727: {  	v3 =	vld.idx.msk [tilespmem:v3+s3+$0x0], $0xffff  }
0x728: {  	v4 =	vld.idx.msk [tilespmem:v4+s3+$0x0], $0xffff  }
0x729: {  	v7 =	vld.idx.msk [tilespmem:v7+s3+$0x0], $0xffff  }
0x72a: {  	v8 =	vld.idx.msk [tilespmem:v8+s3+$0x0], $0xffff  }
0x72b: {  	v11 =	vld.idx.msk [tilespmem:v11+s3+$0x0], $0xffff  }
0x72c: {  	v12 =	vld.idx.msk [tilespmem:v12+s3+$0x0], $0xffff  }
0x72d: {  	v15 =	vld.idx.msk [tilespmem:v15+s3+$0x0], $0xffff  }
0x72e: {  	v16 =	vld.idx.msk [tilespmem:v16+s3+$0x0], $0xffff  }
0x72f: {  	v17 =	vld.idx.msk [tilespmem:v17+s3+$0x0], $0xffff  }
0x730: {  	v18 =	vld.idx.msk [tilespmem:v18+s3+$0x0], $0xffff  }
0x731: {  	v19 =	vld.idx.msk [tilespmem:v19+s3+$0x0], $0xffff  }
0x732: {  	v20 =	vld.idx.msk [tilespmem:v20+s3+$0x0], $0xffff  }
0x733: {  	v13 =	vld.idx.msk [tilespmem:v13+s3+$0x0], $0xffff  }
0x734: {  	v14 =	vld.idx.msk [tilespmem:v14+s3+$0x0], $0xffff  }
0x735: {  	v9 =	vld.idx.msk [tilespmem:v9+s3+$0x0], $0xffff  }
0x736: {  	v10 =	vld.idx.msk [tilespmem:v10+s3+$0x0], $0xffff  }
0x737: {  	v5 =	vld.idx.msk [tilespmem:v5+s3+$0x0], $0xffff  }
0x738: {  	v6 =	vld.idx.msk [tilespmem:v6+s3+$0x0], $0xffff  }
0x739: {  	v21 =	vld.idx.msk [tilespmem:v21+s3+$0x0], $0xffff  }
0x73a: {  	v22 =	vld.idx.msk [tilespmem:v22+s3+$0x0], $0xffff  }
0x73b: {  	v23 =	vld.idx.msk [tilespmem:v23+s3+$0x0], $0xffff  }
0x73c: {  	v24 =	vld.idx.msk [tilespmem:v24+s3+$0x0], $0xffff  }
0x73d: {  	v25 =	vld.idx.msk [tilespmem:v25+s3+$0x0], $0xffff  }
0x73e: {  	v26 =	vld.idx.msk [tilespmem:v26+s3+$0x0], $0xffff;
	v1 =	vadd.f32 v15, v1;
	v2 =	vadd.f32 v2, v16  }
0x73f: {  	v27 =	vld.idx.msk [tilespmem:v27+s3+$0x0], $0xffff;
	v53 =	vadd.f32 v18, v17;
	v54 =	vadd.f32 v20, v19  }
0x740: {  	v52 =	vld.idx.msk [tilespmem:v28+s3+$0x0], $0xffff;
	v1 =	vadd.f32 v11, v1;
	v2 =	vadd.f32 v12, v2  }
0x741: {  	v60 =	vld.idx.msk [tilespmem:v34+s3+$0x0], $0xffff;
	v56 =	vadd.f32 v13, v53;
	v57 =	vadd.f32 v14, v54  }
0x742: {  	v11 =	vld [tilespmem:s28+$0xFFFFFE00];
	v1 =	vadd.f32 v7, v1;
	v2 =	vadd.f32 v8, v2  }
0x743: {  	v7 =	vadd.f32 v9, v56;
	v8 =	vadd.f32 v10, v57;
	v9 =	vld.idx.msk [tilespmem:v29+s3+$0x0], $0xffff  }
0x744: {  	v10 =	vld.idx.msk [tilespmem:v33+s3+$0x0], $0xffff;
	v1 =	vadd.f32 v3, v1;
	v2 =	vadd.f32 v4, v2  }
0x745: {  	v4 =	vld.idx.msk [tilespmem:v30+s3+$0x0], $0xffff;
	v3 =	vadd.f32 v5, v7;
	v5 =	vadd.f32 v6, v8  }
0x746: {  	v6 =	vld.idx.msk [tilespmem:v31+s3+$0x0], $0xffff  }
0x747: {  	v7 =	vld.idx.msk [tilespmem:v32+s3+$0x0], $0xffff;
	v1 =	vadd.f32 v2, v1;
	v2 =	vadd.f32 v5, v3  }
0x748: {  	v8 =	vadd.f32 v24, v23;
	v3 =	vld.idx.msk [tilespmem:v55+s3+$0x0], $0xffff  }
0x749: {  	v5 =	vadd.f32 v22, v21;
	v61 =	vadd.f32 v2, v1;
	v1 =	vld.idx.msk [tilespmem:v35+s3+$0x0], $0xffff  }
0x74a: {  	v62 =	vadd.f32 v26, v25;
	v15 =	vadd.f32 v52, v27;
	v2 =	vld.idx.msk [tilespmem:v36+s3+$0x0], $0xffff  }
0x74b: {  	v9 =	vadd.f32 v9, v5;
	v5 =	vld.idx.msk [tilespmem:v58+s3+$0x0], $0xffff;
	v63 =	vadd.f32 v4, v8  }
0x74c: {  	s28 =	simm.s32 $0x1E310;
	v4 =	vld.idx.msk [tilespmem:v11+s3+$0x0], $0xffff;
	v8 =	vadd.f32 v6, v62;
	v7 =	vadd.f32 v7, v15  }
0x74d: {  	s29 =	simm.s32 $0x0;
	s30 =	simm.s32 $0x19B30;
	v6 =	vld.idx.msk [tilespmem:v59+s3+$0x0], $0xffff;
	[tilespmem:s28+$0xFFFFFFF0] =	vst v61;
	v9 =	vadd.f32 v10, v9;
	v10 =	vadd.f32 v60, v63  }
.LBB2_24:
0x74e: {  	v11 =	vld [tilespmem:s30+$0xFFFFEBF0];
	v1 =	vadd.f32 v1, v8;
	s26 =	sadd.s32 $0x20, s26  }
0x74f: {  	v2 =	vadd.f32 v2, v7;
	s0 =	sand.u32 $0x1E0, s26;
	v8 =	vld [tilespmem:s30+$0xFFFFF7F0]  }
0x750: {  	v3 =	vadd.f32 v3, v9;
	v7 =	vld [tilespmem:s0+$0x18F00]  }
0x751: {  	v4 =	vadd.f32 v4, v10;
	v9 =	vld [tilespmem:s0+$0x19900]  }
0x752: {  	v1 =	vadd.f32 v5, v1;
	v10 =	vld [tilespmem:s0+$0x1A300]  }
0x753: {  	v2 =	vadd.f32 v6, v2;
	v3 =	vadd.f32 v4, v3;
	v5 =	vld [tilespmem:s0+$0x1AD00]  }
0x754: {  	v4 =	vld [tilespmem:s0+$0x18D00]  }
0x755: {  	v1 =	vadd.f32 v2, v1;
	v6 =	vld [tilespmem:s0+$0x19700]  }
0x756: {  	v2 =	vld [tilespmem:s0+$0x1A100]  }
0x757: {  	v1 =	vadd.f32 v1, v3;
	v12 =	vld [tilespmem:s0+$0x1AB00]  }
0x758: {  	v3 =	vld [tilespmem:s0+$0x18B00]  }
0x759: {  	v13 =	vld [tilespmem:s0+$0x19500];
	[tilespmem:s28+$0x0] =	vst v1  }
0x75a: {  	v1 =	vld [tilespmem:s0+$0x19F00]  }
0x75b: {  	v14 =	vld [tilespmem:s0+$0x1A900]  }
0x75c: {  	v15 =	vld [tilespmem:s0+$0x18900]  }
0x75d: {  	v16 =	vld [tilespmem:s0+$0x19100]  }
0x75e: {  	v17 =	vld [tilespmem:s0+$0x19B00]  }
0x75f: {  	v18 =	vld [tilespmem:s0+$0x19D00]  }
0x760: {  	v19 =	vld [tilespmem:s0+$0x1A500]  }
0x761: {  	v20 =	vld [tilespmem:s0+$0x1A700]  }
0x762: {  	v11 =	vld.idx.msk [tilespmem:v11+s3+$0x0], $0xffff  }
0x763: {  	v8 =	vld.idx.msk [tilespmem:v8+s3+$0x0], $0xffff  }
0x764: {  	v7 =	vld.idx.msk [tilespmem:v7+s3+$0x0], $0xffff  }
0x765: {  	v9 =	vld.idx.msk [tilespmem:v9+s3+$0x0], $0xffff  }
0x766: {  	s29 =	sadd.s32 $0x2, s29;
	v4 =	vld.idx.msk [tilespmem:v4+s3+$0x0], $0xffff  }
0x767: {  	p1 =	slt.u32 s29, $0x1E;
	v6 =	vld.idx.msk [tilespmem:v6+s3+$0x0], $0xffff  }
0x768: {  	v3 =	vld.idx.msk [tilespmem:v3+s3+$0x0], $0xffff  }
0x769: {  	v13 =	vld.idx.msk [tilespmem:v13+s3+$0x0], $0xffff  }
0x76a: {  	v15 =	vld.idx.msk [tilespmem:v15+s3+$0x0], $0xffff  }
0x76b: {  	v16 =	vld.idx.msk [tilespmem:v16+s3+$0x0], $0xffff  }
0x76c: {  	v17 =	vld.idx.msk [tilespmem:v17+s3+$0x0], $0xffff  }
0x76d: {  	v18 =	vld.idx.msk [tilespmem:v18+s3+$0x0], $0xffff  }
0x76e: {  	v19 =	vld.idx.msk [tilespmem:v19+s3+$0x0], $0xffff  }
0x76f: {  	v20 =	vld.idx.msk [tilespmem:v20+s3+$0x0], $0xffff  }
0x770: {  	v1 =	vld.idx.msk [tilespmem:v1+s3+$0x0], $0xffff  }
0x771: {  	v14 =	vld.idx.msk [tilespmem:v14+s3+$0x0], $0xffff  }
0x772: {  	v2 =	vld.idx.msk [tilespmem:v2+s3+$0x0], $0xffff  }
0x773: {  	v12 =	vld.idx.msk [tilespmem:v12+s3+$0x0], $0xffff  }
0x774: {  	v11 =	vadd.f32 v15, v11;
	v8 =	vadd.f32 v8, v16;
	v10 =	vld.idx.msk [tilespmem:v10+s3+$0x0], $0xffff  }
0x775: {  	v15 =	vadd.f32 v18, v17;
	v16 =	vadd.f32 v20, v19;
	v5 =	vld.idx.msk [tilespmem:v5+s3+$0x0], $0xffff  }
0x776: {  	v3 =	vadd.f32 v3, v11;
	v8 =	vadd.f32 v13, v8;
	v11 =	vld [tilespmem:s30+$0xFFFFEC00]  }
0x777: {  	v1 =	vadd.f32 v1, v15;
	v13 =	vadd.f32 v14, v16;
	v14 =	vld [tilespmem:s30+$0xFFFFEE00]  }
0x778: {  	v3 =	vadd.f32 v4, v3;
	v4 =	vadd.f32 v6, v8;
	v6 =	vld [tilespmem:s30+$0xFFFFF600]  }
0x779: {  	v1 =	vadd.f32 v2, v1;
	v2 =	vadd.f32 v12, v13;
	v8 =	vld [tilespmem:s30+$0xFFFFF800]  }
0x77a: {  	v3 =	vadd.f32 v7, v3;
	v4 =	vadd.f32 v9, v4;
	v7 =	vld [tilespmem:s30+$0x0]  }
0x77b: {  	v1 =	vadd.f32 v10, v1;
	v2 =	vadd.f32 v5, v2;
	v5 =	vld [tilespmem:s30+$0x200]  }
0x77c: {  	v9 =	vld [tilespmem:s30+$0xA00]  }
0x77d: {  	v3 =	vadd.f32 v4, v3;
	v1 =	vadd.f32 v2, v1;
	v2 =	vld [tilespmem:s30+$0xC00]  }
0x77e: {  	v4 =	vld [tilespmem:s30+$0xFFFFF000]  }
0x77f: {  	v1 =	vadd.f32 v1, v3;
	v3 =	vld [tilespmem:s30+$0xFFFFFA00]  }
0x780: {  	s28 =	sadd.s32 $0x20, s28;
	v10 =	vld [tilespmem:s30+$0x400]  }
0x781: {  	[tilespmem:s28+$0xFFFFFFF0] =	vst v1;
	v1 =	vld [tilespmem:s30+$0xE00]  }
0x782: {  	v12 =	vld [tilespmem:s30+$0xFFFFF200]  }
0x783: {  	v13 =	vld [tilespmem:s30+$0xFFFFFC00]  }
0x784: {  	v15 =	vld [tilespmem:s30+$0x600]  }
0x785: {  	v16 =	vld [tilespmem:s30+$0x1000]  }
0x786: {  	v11 =	vld.idx.msk [tilespmem:v11+s3+$0x0], $0xffff  }
0x787: {  	v14 =	vld.idx.msk [tilespmem:v14+s3+$0x0], $0xffff  }
0x788: {  	v6 =	vld.idx.msk [tilespmem:v6+s3+$0x0], $0xffff  }
0x789: {  	v8 =	vld.idx.msk [tilespmem:v8+s3+$0x0], $0xffff  }
0x78a: {  	v7 =	vld.idx.msk [tilespmem:v7+s3+$0x0], $0xffff  }
0x78b: {  	v5 =	vld.idx.msk [tilespmem:v5+s3+$0x0], $0xffff  }
0x78c: {  	v9 =	vld.idx.msk [tilespmem:v9+s3+$0x0], $0xffff  }
0x78d: {  	v11 =	vadd.f32 v14, v11;
	v2 =	vld.idx.msk [tilespmem:v2+s3+$0x0], $0xffff  }
0x78e: {  	v14 =	vld [tilespmem:s30+$0xFFFFF400]  }
0x78f: {  	v6 =	vadd.f32 v8, v6;
	v17 =	vld [tilespmem:s30+$0xFFFFFE00]  }
0x790: {  	v18 =	vld [tilespmem:s30+$0x800]  }
0x791: {  	v5 =	vadd.f32 v5, v7;
	v19 =	vld [tilespmem:s30+$0x1200]  }
0x792: {  	v4 =	vld.idx.msk [tilespmem:v4+s3+$0x0], $0xffff  }
0x793: {  	v7 =	vadd.f32 v2, v9;
	v3 =	vld.idx.msk [tilespmem:v3+s3+$0x0], $0xffff  }
0x794: {  	v8 =	vld.idx.msk [tilespmem:v10+s3+$0x0], $0xffff  }
0x795: {  	v9 =	vld.idx.msk [tilespmem:v1+s3+$0x0], $0xffff  }
0x796: {  	v10 =	vld.idx.msk [tilespmem:v12+s3+$0x0], $0xffff  }
0x797: {  	v12 =	vld.idx.msk [tilespmem:v13+s3+$0x0], $0xffff  }
0x798: {  	v11 =	vadd.f32 v4, v11;
	v1 =	vld.idx.msk [tilespmem:v15+s3+$0x0], $0xffff  }
.Ltmp11:
0x799: {  	v6 =	vadd.f32 v3, v6;
	v2 =	vld.idx.msk [tilespmem:v16+s3+$0x0], $0xffff;
	(pc) =	sbr.rel @p1 .LBB2_24-.Ltmp11, $4  }
0x79a: {  	v8 =	vadd.f32 v8, v5;
	v3 =	vld.idx.msk [tilespmem:v14+s3+$0x0], $0xffff  }
0x79b: {  	v7 =	vadd.f32 v9, v7;
	v4 =	vld.idx.msk [tilespmem:v17+s3+$0x0], $0xffff  }
0x79c: {  	v9 =	vadd.f32 v10, v11;
	v5 =	vld.idx.msk [tilespmem:v18+s3+$0x0], $0xffff  }
0x79d: {  	s30 =	sadd.s32 $0x20, s30;
	v10 =	vadd.f32 v12, v6;
	v6 =	vld.idx.msk [tilespmem:v19+s3+$0x0], $0xffff  }
0x79e: {  	_ =	sdelay $0x1  }
0x79f: {  	v1 =	vadd.f32 v1, v8;
	v2 =	vadd.f32 v2, v7  }
0x7a0: {  	v3 =	vadd.f32 v3, v9;
	v4 =	vadd.f32 v4, v10  }
0x7a1: {  	v1 =	vadd.f32 v5, v1;
	v2 =	vadd.f32 v6, v2;
	_ =	sdelay $0x1  }
0x7a2: {  	v3 =	vadd.f32 v4, v3;
	v1 =	vadd.f32 v2, v1;
	_ =	sdelay $0x1  }
0x7a3: {  	v1 =	vadd.f32 v1, v3;
	_ =	sdelay $0x1  }
0x7a4: {  	[tilespmem:s28+$0x0] =	vst v1  }
0x7a5: {  	_ =	swait.ge [sflag:s23], $0x2800  }
0x7a6: {  	[sflag:s23] =	ssyncset.done $0x0  }
0x7a7: {  	s28 =	simm.s32 $0x1C310;
	[sflag:s23] =	ssyncadd.s32 $0xFFFFD800  }
0x7a8: {  	[tilespmem:s20], [sflag:$0x1] =	stream.linear.gather [spmem:s10], $0x2800, $0x38;
	[tilespmem:$0x1FB00] =	vst v63  }
0x7a9: {  	s26 =	simm.s32 $0x0;
	v1 =	vld [tilespmem:s28+$0xFFFFEBF0]  }
0x7aa: {  	s0 =	sand.u32 $0x1E0, s26;
	v2 =	vld [tilespmem:s28+$0xFFFFF5F0]  }
0x7ab: {  	v3 =	vld [tilespmem:s0+$0x1B700]  }
0x7ac: {  	v4 =	vld [tilespmem:s0+$0x1C100]  }
0x7ad: {  	v5 =	vld [tilespmem:s0+$0x1CB00]  }
0x7ae: {  	v6 =	vld [tilespmem:s0+$0x1D500]  }
0x7af: {  	v7 =	vld [tilespmem:s0+$0x1B500]  }
0x7b0: {  	v8 =	vld [tilespmem:s0+$0x1BF00]  }
0x7b1: {  	v9 =	vld [tilespmem:s0+$0x1C900]  }
0x7b2: {  	v10 =	vld [tilespmem:s0+$0x1D300]  }
0x7b3: {  	v11 =	vld [tilespmem:s0+$0x1B300]  }
0x7b4: {  	v12 =	vld [tilespmem:s0+$0x1BD00]  }
0x7b5: {  	v13 =	vld [tilespmem:s0+$0x1C700]  }
0x7b6: {  	v14 =	vld [tilespmem:s0+$0x1D100]  }
0x7b7: {  	v15 =	vld [tilespmem:s0+$0x1B100]  }
0x7b8: {  	v16 =	vld [tilespmem:s0+$0x1BB00]  }
0x7b9: {  	v17 =	vld [tilespmem:s0+$0x1C300]  }
0x7ba: {  	v18 =	vld [tilespmem:s0+$0x1C500]  }
0x7bb: {  	v19 =	vld [tilespmem:s0+$0x1CD00]  }
0x7bc: {  	v20 =	vld [tilespmem:s0+$0x1CF00]  }
0x7bd: {  	v21 =	vld [tilespmem:s28+$0xFFFFEC00]  }
0x7be: {  	v22 =	vld [tilespmem:s28+$0xFFFFEE00]  }
0x7bf: {  	v23 =	vld [tilespmem:s28+$0xFFFFF600]  }
0x7c0: {  	v24 =	vld [tilespmem:s28+$0xFFFFF800]  }
0x7c1: {  	v25 =	vld [tilespmem:s28+$0x0]  }
0x7c2: {  	v26 =	vld [tilespmem:s28+$0x200]  }
0x7c3: {  	v27 =	vld [tilespmem:s28+$0xA00]  }
0x7c4: {  	v28 =	vld [tilespmem:s28+$0xC00]  }
0x7c5: {  	v29 =	vld [tilespmem:s28+$0xFFFFF000]  }
0x7c6: {  	v30 =	vld [tilespmem:s28+$0xFFFFFA00]  }
0x7c7: {  	v31 =	vld [tilespmem:s28+$0x400]  }
0x7c8: {  	v32 =	vld [tilespmem:s28+$0xE00]  }
0x7c9: {  	v33 =	vld [tilespmem:s28+$0xFFFFF200]  }
0x7ca: {  	v34 =	vld [tilespmem:s28+$0xFFFFFC00]  }
0x7cb: {  	v35 =	vld [tilespmem:s28+$0x600]  }
0x7cc: {  	v36 =	vld [tilespmem:s28+$0x1000]  }
0x7cd: {  	v55 =	vld [tilespmem:s28+$0xFFFFF400]  }
0x7ce: {  	v58 =	vld [tilespmem:s28+$0x800]  }
0x7cf: {  	v59 =	vld [tilespmem:s28+$0x1200]  }
0x7d0: {  	v1 =	vld.idx.msk [tilespmem:v1+s3+$0x0], $0xffff  }
0x7d1: {  	v2 =	vld.idx.msk [tilespmem:v2+s3+$0x0], $0xffff  }
0x7d2: {  	v3 =	vld.idx.msk [tilespmem:v3+s3+$0x0], $0xffff  }
0x7d3: {  	v4 =	vld.idx.msk [tilespmem:v4+s3+$0x0], $0xffff  }
0x7d4: {  	v7 =	vld.idx.msk [tilespmem:v7+s3+$0x0], $0xffff  }
0x7d5: {  	v8 =	vld.idx.msk [tilespmem:v8+s3+$0x0], $0xffff  }
0x7d6: {  	v11 =	vld.idx.msk [tilespmem:v11+s3+$0x0], $0xffff  }
0x7d7: {  	v12 =	vld.idx.msk [tilespmem:v12+s3+$0x0], $0xffff  }
0x7d8: {  	v15 =	vld.idx.msk [tilespmem:v15+s3+$0x0], $0xffff  }
0x7d9: {  	v16 =	vld.idx.msk [tilespmem:v16+s3+$0x0], $0xffff  }
0x7da: {  	v17 =	vld.idx.msk [tilespmem:v17+s3+$0x0], $0xffff  }
0x7db: {  	v18 =	vld.idx.msk [tilespmem:v18+s3+$0x0], $0xffff  }
0x7dc: {  	v19 =	vld.idx.msk [tilespmem:v19+s3+$0x0], $0xffff  }
0x7dd: {  	v20 =	vld.idx.msk [tilespmem:v20+s3+$0x0], $0xffff  }
0x7de: {  	v13 =	vld.idx.msk [tilespmem:v13+s3+$0x0], $0xffff  }
0x7df: {  	v14 =	vld.idx.msk [tilespmem:v14+s3+$0x0], $0xffff  }
0x7e0: {  	v9 =	vld.idx.msk [tilespmem:v9+s3+$0x0], $0xffff  }
0x7e1: {  	v10 =	vld.idx.msk [tilespmem:v10+s3+$0x0], $0xffff  }
0x7e2: {  	v5 =	vld.idx.msk [tilespmem:v5+s3+$0x0], $0xffff  }
0x7e3: {  	v6 =	vld.idx.msk [tilespmem:v6+s3+$0x0], $0xffff  }
0x7e4: {  	v21 =	vld.idx.msk [tilespmem:v21+s3+$0x0], $0xffff  }
0x7e5: {  	v22 =	vld.idx.msk [tilespmem:v22+s3+$0x0], $0xffff  }
0x7e6: {  	v23 =	vld.idx.msk [tilespmem:v23+s3+$0x0], $0xffff  }
0x7e7: {  	v24 =	vld.idx.msk [tilespmem:v24+s3+$0x0], $0xffff  }
0x7e8: {  	v25 =	vld.idx.msk [tilespmem:v25+s3+$0x0], $0xffff  }
0x7e9: {  	v26 =	vld.idx.msk [tilespmem:v26+s3+$0x0], $0xffff;
	v1 =	vadd.f32 v15, v1;
	v2 =	vadd.f32 v16, v2  }
0x7ea: {  	v27 =	vld.idx.msk [tilespmem:v27+s3+$0x0], $0xffff;
	v53 =	vadd.f32 v18, v17;
	v54 =	vadd.f32 v20, v19  }
0x7eb: {  	v52 =	vld.idx.msk [tilespmem:v28+s3+$0x0], $0xffff;
	v1 =	vadd.f32 v11, v1;
	v2 =	vadd.f32 v12, v2  }
0x7ec: {  	v60 =	vld.idx.msk [tilespmem:v34+s3+$0x0], $0xffff;
	v56 =	vadd.f32 v13, v53;
	v57 =	vadd.f32 v14, v54  }
0x7ed: {  	v11 =	vld [tilespmem:s28+$0xFFFFFE00];
	v1 =	vadd.f32 v7, v1;
	v2 =	vadd.f32 v8, v2  }
0x7ee: {  	v7 =	vadd.f32 v9, v56;
	v8 =	vadd.f32 v10, v57;
	v9 =	vld.idx.msk [tilespmem:v29+s3+$0x0], $0xffff  }
0x7ef: {  	v10 =	vld.idx.msk [tilespmem:v33+s3+$0x0], $0xffff;
	v1 =	vadd.f32 v3, v1;
	v2 =	vadd.f32 v4, v2  }
0x7f0: {  	v4 =	vld.idx.msk [tilespmem:v30+s3+$0x0], $0xffff;
	v3 =	vadd.f32 v5, v7;
	v5 =	vadd.f32 v6, v8  }
0x7f1: {  	v6 =	vld.idx.msk [tilespmem:v31+s3+$0x0], $0xffff  }
0x7f2: {  	v7 =	vld.idx.msk [tilespmem:v32+s3+$0x0], $0xffff;
	v1 =	vadd.f32 v2, v1;
	v2 =	vadd.f32 v5, v3  }
0x7f3: {  	v8 =	vadd.f32 v24, v23;
	v3 =	vld.idx.msk [tilespmem:v55+s3+$0x0], $0xffff  }
0x7f4: {  	v5 =	vadd.f32 v22, v21;
	v61 =	vadd.f32 v2, v1;
	v1 =	vld.idx.msk [tilespmem:v35+s3+$0x0], $0xffff  }
0x7f5: {  	v62 =	vadd.f32 v26, v25;
	v15 =	vadd.f32 v52, v27;
	v2 =	vld.idx.msk [tilespmem:v36+s3+$0x0], $0xffff  }
0x7f6: {  	v9 =	vadd.f32 v9, v5;
	v5 =	vld.idx.msk [tilespmem:v58+s3+$0x0], $0xffff;
	v63 =	vadd.f32 v4, v8  }
0x7f7: {  	s28 =	simm.s32 $0x1E110;
	v4 =	vld.idx.msk [tilespmem:v11+s3+$0x0], $0xffff;
	v8 =	vadd.f32 v6, v62;
	v7 =	vadd.f32 v7, v15  }
0x7f8: {  	s29 =	simm.s32 $0x0;
	s30 =	simm.s32 $0x1C330;
	v6 =	vld.idx.msk [tilespmem:v59+s3+$0x0], $0xffff;
	[tilespmem:s28+$0xFFFFFFF0] =	vst v61;
	v9 =	vadd.f32 v10, v9;
	v10 =	vadd.f32 v60, v63  }
.LBB2_26:
0x7f9: {  	v11 =	vld [tilespmem:s30+$0xFFFFEBF0];
	v1 =	vadd.f32 v1, v8;
	s26 =	sadd.s32 $0x20, s26  }
0x7fa: {  	v2 =	vadd.f32 v2, v7;
	s0 =	sand.u32 $0x1E0, s26;
	v8 =	vld [tilespmem:s30+$0xFFFFF5F0]  }
0x7fb: {  	v3 =	vadd.f32 v3, v9;
	v7 =	vld [tilespmem:s0+$0x1B700]  }
0x7fc: {  	v4 =	vadd.f32 v4, v10;
	v9 =	vld [tilespmem:s0+$0x1C100]  }
0x7fd: {  	v1 =	vadd.f32 v5, v1;
	v10 =	vld [tilespmem:s0+$0x1CB00]  }
0x7fe: {  	v2 =	vadd.f32 v6, v2;
	v3 =	vadd.f32 v4, v3;
	v5 =	vld [tilespmem:s0+$0x1D500]  }
0x7ff: {  	v4 =	vld [tilespmem:s0+$0x1B500]  }
0x800: {  	v1 =	vadd.f32 v2, v1;
	v6 =	vld [tilespmem:s0+$0x1BF00]  }
0x801: {  	v2 =	vld [tilespmem:s0+$0x1C900]  }
0x802: {  	v1 =	vadd.f32 v1, v3;
	v12 =	vld [tilespmem:s0+$0x1D300]  }
0x803: {  	v3 =	vld [tilespmem:s0+$0x1B300]  }
0x804: {  	v13 =	vld [tilespmem:s0+$0x1BD00];
	[tilespmem:s28+$0x0] =	vst v1  }
0x805: {  	v1 =	vld [tilespmem:s0+$0x1C700]  }
0x806: {  	v14 =	vld [tilespmem:s0+$0x1D100]  }
0x807: {  	v15 =	vld [tilespmem:s0+$0x1B100]  }
0x808: {  	v16 =	vld [tilespmem:s0+$0x1BB00]  }
0x809: {  	v17 =	vld [tilespmem:s0+$0x1C300]  }
0x80a: {  	v18 =	vld [tilespmem:s0+$0x1C500]  }
0x80b: {  	v19 =	vld [tilespmem:s0+$0x1CD00]  }
0x80c: {  	v20 =	vld [tilespmem:s0+$0x1CF00]  }
0x80d: {  	v11 =	vld.idx.msk [tilespmem:v11+s3+$0x0], $0xffff  }
0x80e: {  	v8 =	vld.idx.msk [tilespmem:v8+s3+$0x0], $0xffff  }
0x80f: {  	v7 =	vld.idx.msk [tilespmem:v7+s3+$0x0], $0xffff  }
0x810: {  	v9 =	vld.idx.msk [tilespmem:v9+s3+$0x0], $0xffff  }
0x811: {  	s29 =	sadd.s32 $0x2, s29;
	v4 =	vld.idx.msk [tilespmem:v4+s3+$0x0], $0xffff  }
0x812: {  	p1 =	slt.u32 s29, $0x1E;
	v6 =	vld.idx.msk [tilespmem:v6+s3+$0x0], $0xffff  }
0x813: {  	v3 =	vld.idx.msk [tilespmem:v3+s3+$0x0], $0xffff  }
0x814: {  	v13 =	vld.idx.msk [tilespmem:v13+s3+$0x0], $0xffff  }
0x815: {  	v15 =	vld.idx.msk [tilespmem:v15+s3+$0x0], $0xffff  }
0x816: {  	v16 =	vld.idx.msk [tilespmem:v16+s3+$0x0], $0xffff  }
0x817: {  	v17 =	vld.idx.msk [tilespmem:v17+s3+$0x0], $0xffff  }
0x818: {  	v18 =	vld.idx.msk [tilespmem:v18+s3+$0x0], $0xffff  }
0x819: {  	v19 =	vld.idx.msk [tilespmem:v19+s3+$0x0], $0xffff  }
0x81a: {  	v20 =	vld.idx.msk [tilespmem:v20+s3+$0x0], $0xffff  }
0x81b: {  	v1 =	vld.idx.msk [tilespmem:v1+s3+$0x0], $0xffff  }
0x81c: {  	v14 =	vld.idx.msk [tilespmem:v14+s3+$0x0], $0xffff  }
0x81d: {  	v2 =	vld.idx.msk [tilespmem:v2+s3+$0x0], $0xffff  }
0x81e: {  	v12 =	vld.idx.msk [tilespmem:v12+s3+$0x0], $0xffff  }
0x81f: {  	v11 =	vadd.f32 v15, v11;
	v8 =	vadd.f32 v16, v8;
	v10 =	vld.idx.msk [tilespmem:v10+s3+$0x0], $0xffff  }
0x820: {  	v15 =	vadd.f32 v18, v17;
	v16 =	vadd.f32 v20, v19;
	v5 =	vld.idx.msk [tilespmem:v5+s3+$0x0], $0xffff  }
0x821: {  	v3 =	vadd.f32 v3, v11;
	v8 =	vadd.f32 v13, v8;
	v11 =	vld [tilespmem:s30+$0xFFFFEC00]  }
0x822: {  	v1 =	vadd.f32 v1, v15;
	v13 =	vadd.f32 v14, v16;
	v14 =	vld [tilespmem:s30+$0xFFFFEE00]  }
0x823: {  	v3 =	vadd.f32 v4, v3;
	v4 =	vadd.f32 v6, v8;
	v6 =	vld [tilespmem:s30+$0xFFFFF600]  }
0x824: {  	v1 =	vadd.f32 v2, v1;
	v2 =	vadd.f32 v12, v13;
	v8 =	vld [tilespmem:s30+$0xFFFFF800]  }
0x825: {  	v3 =	vadd.f32 v7, v3;
	v4 =	vadd.f32 v9, v4;
	v7 =	vld [tilespmem:s30+$0x0]  }
0x826: {  	v1 =	vadd.f32 v10, v1;
	v2 =	vadd.f32 v5, v2;
	v5 =	vld [tilespmem:s30+$0x200]  }
0x827: {  	v9 =	vld [tilespmem:s30+$0xA00]  }
0x828: {  	v3 =	vadd.f32 v4, v3;
	v1 =	vadd.f32 v2, v1;
	v2 =	vld [tilespmem:s30+$0xC00]  }
0x829: {  	v4 =	vld [tilespmem:s30+$0xFFFFF000]  }
0x82a: {  	v1 =	vadd.f32 v1, v3;
	v3 =	vld [tilespmem:s30+$0xFFFFFA00]  }
0x82b: {  	s28 =	sadd.s32 $0x20, s28;
	v10 =	vld [tilespmem:s30+$0x400]  }
0x82c: {  	[tilespmem:s28+$0xFFFFFFF0] =	vst v1;
	v1 =	vld [tilespmem:s30+$0xE00]  }
0x82d: {  	v12 =	vld [tilespmem:s30+$0xFFFFF200]  }
0x82e: {  	v13 =	vld [tilespmem:s30+$0xFFFFFC00]  }
0x82f: {  	v15 =	vld [tilespmem:s30+$0x600]  }
0x830: {  	v16 =	vld [tilespmem:s30+$0x1000]  }
0x831: {  	v11 =	vld.idx.msk [tilespmem:v11+s3+$0x0], $0xffff  }
0x832: {  	v14 =	vld.idx.msk [tilespmem:v14+s3+$0x0], $0xffff  }
0x833: {  	v6 =	vld.idx.msk [tilespmem:v6+s3+$0x0], $0xffff  }
0x834: {  	v8 =	vld.idx.msk [tilespmem:v8+s3+$0x0], $0xffff  }
0x835: {  	v7 =	vld.idx.msk [tilespmem:v7+s3+$0x0], $0xffff  }
0x836: {  	v5 =	vld.idx.msk [tilespmem:v5+s3+$0x0], $0xffff  }
0x837: {  	v9 =	vld.idx.msk [tilespmem:v9+s3+$0x0], $0xffff  }
0x838: {  	v11 =	vadd.f32 v14, v11;
	v2 =	vld.idx.msk [tilespmem:v2+s3+$0x0], $0xffff  }
0x839: {  	v14 =	vld [tilespmem:s30+$0xFFFFF400]  }
0x83a: {  	v6 =	vadd.f32 v8, v6;
	v17 =	vld [tilespmem:s30+$0xFFFFFE00]  }
0x83b: {  	v18 =	vld [tilespmem:s30+$0x800]  }
0x83c: {  	v5 =	vadd.f32 v5, v7;
	v19 =	vld [tilespmem:s30+$0x1200]  }
0x83d: {  	v4 =	vld.idx.msk [tilespmem:v4+s3+$0x0], $0xffff  }
0x83e: {  	v7 =	vadd.f32 v2, v9;
	v3 =	vld.idx.msk [tilespmem:v3+s3+$0x0], $0xffff  }
0x83f: {  	v8 =	vld.idx.msk [tilespmem:v10+s3+$0x0], $0xffff  }
0x840: {  	v9 =	vld.idx.msk [tilespmem:v1+s3+$0x0], $0xffff  }
0x841: {  	v10 =	vld.idx.msk [tilespmem:v12+s3+$0x0], $0xffff  }
0x842: {  	v12 =	vld.idx.msk [tilespmem:v13+s3+$0x0], $0xffff  }
0x843: {  	v11 =	vadd.f32 v4, v11;
	v1 =	vld.idx.msk [tilespmem:v15+s3+$0x0], $0xffff  }
.Ltmp12:
0x844: {  	v6 =	vadd.f32 v3, v6;
	v2 =	vld.idx.msk [tilespmem:v16+s3+$0x0], $0xffff;
	(pc) =	sbr.rel @p1 .LBB2_26-.Ltmp12, $4  }
0x845: {  	v8 =	vadd.f32 v8, v5;
	v3 =	vld.idx.msk [tilespmem:v14+s3+$0x0], $0xffff  }
0x846: {  	v7 =	vadd.f32 v9, v7;
	v4 =	vld.idx.msk [tilespmem:v17+s3+$0x0], $0xffff  }
0x847: {  	v9 =	vadd.f32 v10, v11;
	v5 =	vld.idx.msk [tilespmem:v18+s3+$0x0], $0xffff  }
0x848: {  	s30 =	sadd.s32 $0x20, s30;
	v10 =	vadd.f32 v12, v6;
	v6 =	vld.idx.msk [tilespmem:v19+s3+$0x0], $0xffff  }
0x849: {  	_ =	sdelay $0x1  }
0x84a: {  	v1 =	vadd.f32 v1, v8;
	v2 =	vadd.f32 v2, v7  }
0x84b: {  	v3 =	vadd.f32 v3, v9;
	v4 =	vadd.f32 v4, v10  }
0x84c: {  	v1 =	vadd.f32 v5, v1;
	v2 =	vadd.f32 v6, v2;
	_ =	sdelay $0x1  }
0x84d: {  	v3 =	vadd.f32 v4, v3;
	v1 =	vadd.f32 v2, v1;
	_ =	sdelay $0x1  }
0x84e: {  	v1 =	vadd.f32 v1, v3;
	_ =	sdelay $0x1  }
0x84f: {  	[tilespmem:s28+$0x0] =	vst v1  }
0x850: {  	_ =	swait.ge [sflag:s23], $0x2800  }
0x851: {  	[sflag:s23] =	ssyncset.done $0x0  }
0x852: {  	s28 =	simm.s32 $0x19B10;
	[sflag:s23] =	ssyncadd.s32 $0xFFFFD800  }
0x853: {  	[tilespmem:s22], [sflag:$0x1] =	stream.linear.gather [spmem:s9], $0x2800, $0x38;
	[tilespmem:$0x1FB00] =	vst v63  }
0x854: {  	s26 =	simm.s32 $0x0;
	v1 =	vld [tilespmem:s28+$0xFFFFF3F0]  }
0x855: {  	s0 =	sand.u32 $0x1E0, s26;
	v2 =	vld [tilespmem:s28+$0xFFFFEBF0]  }
0x856: {  	v3 =	vld [tilespmem:s0+$0x19900]  }
0x857: {  	v4 =	vld [tilespmem:s0+$0x1A300]  }
0x858: {  	v5 =	vld [tilespmem:s0+$0x1AD00]  }
0x859: {  	v6 =	vld [tilespmem:s0+$0x18D00]  }
0x85a: {  	v7 =	vld [tilespmem:s0+$0x19700]  }
0x85b: {  	v8 =	vld [tilespmem:s0+$0x1A100]  }
0x85c: {  	v9 =	vld [tilespmem:s0+$0x1AB00]  }
0x85d: {  	v10 =	vld [tilespmem:s0+$0x18B00]  }
0x85e: {  	v11 =	vld [tilespmem:s0+$0x19500]  }
0x85f: {  	v12 =	vld [tilespmem:s0+$0x19F00]  }
0x860: {  	v13 =	vld [tilespmem:s0+$0x1A900]  }
0x861: {  	v14 =	vld [tilespmem:s0+$0x18900]  }
0x862: {  	v15 =	vld [tilespmem:s0+$0x19100]  }
0x863: {  	v16 =	vld [tilespmem:s0+$0x19300]  }
0x864: {  	v17 =	vld [tilespmem:s0+$0x19B00]  }
0x865: {  	v18 =	vld [tilespmem:s0+$0x19D00]  }
0x866: {  	v19 =	vld [tilespmem:s0+$0x1A500]  }
0x867: {  	v20 =	vld [tilespmem:s0+$0x1A700]  }
0x868: {  	v21 =	vld [tilespmem:s28+$0xFFFFEC00]  }
0x869: {  	v22 =	vld [tilespmem:s28+$0xFFFFEE00]  }
0x86a: {  	v23 =	vld [tilespmem:s28+$0xFFFFF600]  }
0x86b: {  	v24 =	vld [tilespmem:s28+$0xFFFFF800]  }
0x86c: {  	v25 =	vld [tilespmem:s28+$0x0]  }
0x86d: {  	v26 =	vld [tilespmem:s28+$0x200]  }
0x86e: {  	v27 =	vld [tilespmem:s28+$0xA00]  }
0x86f: {  	v28 =	vld [tilespmem:s28+$0xC00]  }
0x870: {  	v29 =	vld [tilespmem:s28+$0xFFFFF000]  }
0x871: {  	v30 =	vld [tilespmem:s28+$0xFFFFFA00]  }
0x872: {  	v31 =	vld [tilespmem:s28+$0x400]  }
0x873: {  	v32 =	vld [tilespmem:s28+$0xE00]  }
0x874: {  	v33 =	vld [tilespmem:s28+$0xFFFFF200]  }
0x875: {  	v34 =	vld [tilespmem:s28+$0xFFFFFC00]  }
0x876: {  	v35 =	vld [tilespmem:s28+$0x600]  }
0x877: {  	v36 =	vld [tilespmem:s28+$0x1000]  }
0x878: {  	v58 =	vld [tilespmem:s28+$0xFFFFF400]  }
0x879: {  	v59 =	vld [tilespmem:s28+$0x800]  }
0x87a: {  	v60 =	vld [tilespmem:s28+$0x1200]  }
0x87b: {  	v1 =	vld.idx.msk [tilespmem:v1+s3+$0x0], $0xffff  }
0x87c: {  	v2 =	vld.idx.msk [tilespmem:v2+s3+$0x0], $0xffff  }
0x87d: {  	v3 =	vld.idx.msk [tilespmem:v3+s3+$0x0], $0xffff  }
0x87e: {  	v6 =	vld.idx.msk [tilespmem:v6+s3+$0x0], $0xffff  }
0x87f: {  	v7 =	vld.idx.msk [tilespmem:v7+s3+$0x0], $0xffff  }
0x880: {  	v10 =	vld.idx.msk [tilespmem:v10+s3+$0x0], $0xffff  }
0x881: {  	v11 =	vld.idx.msk [tilespmem:v11+s3+$0x0], $0xffff  }
0x882: {  	v14 =	vld.idx.msk [tilespmem:v14+s3+$0x0], $0xffff  }
0x883: {  	v15 =	vld.idx.msk [tilespmem:v15+s3+$0x0], $0xffff  }
0x884: {  	v16 =	vld.idx.msk [tilespmem:v16+s3+$0x0], $0xffff  }
0x885: {  	v17 =	vld.idx.msk [tilespmem:v17+s3+$0x0], $0xffff  }
0x886: {  	v18 =	vld.idx.msk [tilespmem:v18+s3+$0x0], $0xffff  }
0x887: {  	v19 =	vld.idx.msk [tilespmem:v19+s3+$0x0], $0xffff  }
0x888: {  	v20 =	vld.idx.msk [tilespmem:v20+s3+$0x0], $0xffff  }
0x889: {  	v12 =	vld.idx.msk [tilespmem:v12+s3+$0x0], $0xffff  }
0x88a: {  	v13 =	vld.idx.msk [tilespmem:v13+s3+$0x0], $0xffff  }
0x88b: {  	v8 =	vld.idx.msk [tilespmem:v8+s3+$0x0], $0xffff  }
0x88c: {  	v9 =	vld.idx.msk [tilespmem:v9+s3+$0x0], $0xffff  }
0x88d: {  	v4 =	vld.idx.msk [tilespmem:v4+s3+$0x0], $0xffff  }
0x88e: {  	v5 =	vld.idx.msk [tilespmem:v5+s3+$0x0], $0xffff  }
0x88f: {  	v21 =	vld.idx.msk [tilespmem:v21+s3+$0x0], $0xffff  }
0x890: {  	v22 =	vld.idx.msk [tilespmem:v22+s3+$0x0], $0xffff  }
0x891: {  	v23 =	vld.idx.msk [tilespmem:v23+s3+$0x0], $0xffff  }
0x892: {  	v24 =	vld.idx.msk [tilespmem:v24+s3+$0x0], $0xffff  }
0x893: {  	v25 =	vld.idx.msk [tilespmem:v25+s3+$0x0], $0xffff  }
0x894: {  	v26 =	vld.idx.msk [tilespmem:v26+s3+$0x0], $0xffff;
	v2 =	vadd.f32 v14, v2;
	v54 =	vadd.f32 v16, v15  }
0x895: {  	v27 =	vld.idx.msk [tilespmem:v27+s3+$0x0], $0xffff;
	v56 =	vadd.f32 v18, v17;
	v57 =	vadd.f32 v20, v19  }
0x896: {  	v55 =	vld.idx.msk [tilespmem:v28+s3+$0x0], $0xffff;
	v2 =	vadd.f32 v10, v2;
	v10 =	vadd.f32 v11, v54  }
0x897: {  	v61 =	vld.idx.msk [tilespmem:v34+s3+$0x0], $0xffff;
	v12 =	vadd.f32 v12, v56;
	v13 =	vadd.f32 v13, v57  }
0x898: {  	v11 =	vld [tilespmem:s28+$0xFFFFFE00];
	v2 =	vadd.f32 v6, v2;
	v6 =	vadd.f32 v7, v10  }
0x899: {  	v7 =	vadd.f32 v8, v12;
	v8 =	vadd.f32 v9, v13;
	v9 =	vld.idx.msk [tilespmem:v29+s3+$0x0], $0xffff  }
0x89a: {  	v10 =	vld.idx.msk [tilespmem:v33+s3+$0x0], $0xffff;
	v1 =	vadd.f32 v1, v2;
	v2 =	vadd.f32 v3, v6  }
0x89b: {  	v6 =	vld.idx.msk [tilespmem:v30+s3+$0x0], $0xffff;
	v3 =	vadd.f32 v4, v7;
	v4 =	vadd.f32 v5, v8  }
0x89c: {  	v5 =	vld.idx.msk [tilespmem:v31+s3+$0x0], $0xffff  }
0x89d: {  	v7 =	vld.idx.msk [tilespmem:v32+s3+$0x0], $0xffff;
	v1 =	vadd.f32 v2, v1;
	v2 =	vadd.f32 v4, v3  }
0x89e: {  	v8 =	vadd.f32 v24, v23;
	v3 =	vld.idx.msk [tilespmem:v58+s3+$0x0], $0xffff  }
0x89f: {  	v4 =	vadd.f32 v22, v21;
	v62 =	vadd.f32 v2, v1;
	v1 =	vld.idx.msk [tilespmem:v35+s3+$0x0], $0xffff  }
0x8a0: {  	v63 =	vadd.f32 v26, v25;
	v15 =	vadd.f32 v55, v27;
	v2 =	vld.idx.msk [tilespmem:v36+s3+$0x0], $0xffff  }
0x8a1: {  	v9 =	vadd.f32 v9, v4;
	v4 =	vld.idx.msk [tilespmem:v11+s3+$0x0], $0xffff;
	v6 =	vadd.f32 v6, v8  }
0x8a2: {  	s28 =	simm.s32 $0x1DF10;
	v8 =	vadd.f32 v5, v63;
	v7 =	vadd.f32 v7, v15;
	v5 =	vld.idx.msk [tilespmem:v59+s3+$0x0], $0xffff  }
0x8a3: {  	s29 =	simm.s32 $0x0;
	s30 =	simm.s32 $0x19B30;
	[tilespmem:s28+$0xFFFFFFF0] =	vst v62;
	v9 =	vadd.f32 v10, v9;
	v10 =	vadd.f32 v61, v6;
	v6 =	vld.idx.msk [tilespmem:v60+s3+$0x0], $0xffff  }
.LBB2_28:
0x8a4: {  	v11 =	vld [tilespmem:s30+$0xFFFFF3F0];
	v1 =	vadd.f32 v1, v8;
	s26 =	sadd.s32 $0x20, s26  }
0x8a5: {  	v2 =	vadd.f32 v2, v7;
	v8 =	vld [tilespmem:s30+$0xFFFFEBF0];
	s0 =	sand.u32 $0x1E0, s26  }
0x8a6: {  	v3 =	vadd.f32 v3, v9;
	v7 =	vld [tilespmem:s0+$0x19900]  }
0x8a7: {  	v4 =	vadd.f32 v4, v10;
	v9 =	vld [tilespmem:s0+$0x1A300]  }
0x8a8: {  	v1 =	vadd.f32 v5, v1;
	v10 =	vld [tilespmem:s0+$0x1AD00]  }
0x8a9: {  	v2 =	vadd.f32 v6, v2;
	v3 =	vadd.f32 v4, v3;
	v5 =	vld [tilespmem:s0+$0x18D00]  }
0x8aa: {  	v4 =	vld [tilespmem:s0+$0x19700]  }
0x8ab: {  	v1 =	vadd.f32 v2, v1;
	v6 =	vld [tilespmem:s0+$0x1A100]  }
0x8ac: {  	v2 =	vld [tilespmem:s0+$0x1AB00]  }
0x8ad: {  	v1 =	vadd.f32 v1, v3;
	v12 =	vld [tilespmem:s0+$0x18B00]  }
0x8ae: {  	v3 =	vld [tilespmem:s0+$0x19500]  }
0x8af: {  	v13 =	vld [tilespmem:s0+$0x19F00];
	[tilespmem:s28+$0x0] =	vst v1  }
0x8b0: {  	v1 =	vld [tilespmem:s0+$0x1A900]  }
0x8b1: {  	v14 =	vld [tilespmem:s0+$0x18900]  }
0x8b2: {  	v15 =	vld [tilespmem:s0+$0x19100]  }
0x8b3: {  	v16 =	vld [tilespmem:s0+$0x19300]  }
0x8b4: {  	v17 =	vld [tilespmem:s0+$0x19B00]  }
0x8b5: {  	v18 =	vld [tilespmem:s0+$0x19D00]  }
0x8b6: {  	v19 =	vld [tilespmem:s0+$0x1A500]  }
0x8b7: {  	v20 =	vld [tilespmem:s0+$0x1A700]  }
0x8b8: {  	v11 =	vld.idx.msk [tilespmem:v11+s3+$0x0], $0xffff  }
0x8b9: {  	v8 =	vld.idx.msk [tilespmem:v8+s3+$0x0], $0xffff  }
0x8ba: {  	v7 =	vld.idx.msk [tilespmem:v7+s3+$0x0], $0xffff  }
0x8bb: {  	v5 =	vld.idx.msk [tilespmem:v5+s3+$0x0], $0xffff  }
0x8bc: {  	s29 =	sadd.s32 $0x2, s29;
	v4 =	vld.idx.msk [tilespmem:v4+s3+$0x0], $0xffff  }
0x8bd: {  	p1 =	slt.u32 s29, $0x1E;
	v12 =	vld.idx.msk [tilespmem:v12+s3+$0x0], $0xffff  }
0x8be: {  	v3 =	vld.idx.msk [tilespmem:v3+s3+$0x0], $0xffff  }
0x8bf: {  	v14 =	vld.idx.msk [tilespmem:v14+s3+$0x0], $0xffff  }
0x8c0: {  	v15 =	vld.idx.msk [tilespmem:v15+s3+$0x0], $0xffff  }
0x8c1: {  	v16 =	vld.idx.msk [tilespmem:v16+s3+$0x0], $0xffff  }
0x8c2: {  	v17 =	vld.idx.msk [tilespmem:v17+s3+$0x0], $0xffff  }
0x8c3: {  	v18 =	vld.idx.msk [tilespmem:v18+s3+$0x0], $0xffff  }
0x8c4: {  	v19 =	vld.idx.msk [tilespmem:v19+s3+$0x0], $0xffff  }
0x8c5: {  	v20 =	vld.idx.msk [tilespmem:v20+s3+$0x0], $0xffff  }
0x8c6: {  	v13 =	vld.idx.msk [tilespmem:v13+s3+$0x0], $0xffff  }
0x8c7: {  	v1 =	vld.idx.msk [tilespmem:v1+s3+$0x0], $0xffff  }
0x8c8: {  	v6 =	vld.idx.msk [tilespmem:v6+s3+$0x0], $0xffff  }
0x8c9: {  	v2 =	vld.idx.msk [tilespmem:v2+s3+$0x0], $0xffff  }
0x8ca: {  	v8 =	vadd.f32 v14, v8;
	v14 =	vadd.f32 v16, v15;
	v9 =	vld.idx.msk [tilespmem:v9+s3+$0x0], $0xffff  }
0x8cb: {  	v15 =	vadd.f32 v18, v17;
	v16 =	vadd.f32 v20, v19;
	v10 =	vld.idx.msk [tilespmem:v10+s3+$0x0], $0xffff  }
0x8cc: {  	v8 =	vadd.f32 v12, v8;
	v3 =	vadd.f32 v3, v14;
	v12 =	vld [tilespmem:s30+$0xFFFFEC00]  }
0x8cd: {  	v13 =	vadd.f32 v13, v15;
	v1 =	vadd.f32 v1, v16;
	v14 =	vld [tilespmem:s30+$0xFFFFEE00]  }
0x8ce: {  	v5 =	vadd.f32 v5, v8;
	v3 =	vadd.f32 v4, v3;
	v4 =	vld [tilespmem:s30+$0xFFFFF600]  }
0x8cf: {  	v6 =	vadd.f32 v6, v13;
	v1 =	vadd.f32 v2, v1;
	v2 =	vld [tilespmem:s30+$0xFFFFF800]  }
0x8d0: {  	v5 =	vadd.f32 v11, v5;
	v3 =	vadd.f32 v7, v3;
	v7 =	vld [tilespmem:s30+$0x0]  }
0x8d1: {  	v6 =	vadd.f32 v9, v6;
	v1 =	vadd.f32 v10, v1;
	v8 =	vld [tilespmem:s30+$0x200]  }
0x8d2: {  	v9 =	vld [tilespmem:s30+$0xA00]  }
0x8d3: {  	v3 =	vadd.f32 v3, v5;
	v1 =	vadd.f32 v1, v6;
	v5 =	vld [tilespmem:s30+$0xC00]  }
0x8d4: {  	v6 =	vld [tilespmem:s30+$0xFFFFF000]  }
0x8d5: {  	v1 =	vadd.f32 v1, v3;
	v3 =	vld [tilespmem:s30+$0xFFFFFA00]  }
0x8d6: {  	s28 =	sadd.s32 $0x20, s28;
	v10 =	vld [tilespmem:s30+$0x400]  }
0x8d7: {  	[tilespmem:s28+$0xFFFFFFF0] =	vst v1;
	v1 =	vld [tilespmem:s30+$0xE00]  }
0x8d8: {  	v11 =	vld [tilespmem:s30+$0xFFFFF200]  }
0x8d9: {  	v13 =	vld [tilespmem:s30+$0xFFFFFC00]  }
0x8da: {  	v15 =	vld [tilespmem:s30+$0x600]  }
0x8db: {  	v16 =	vld [tilespmem:s30+$0x1000]  }
0x8dc: {  	v12 =	vld.idx.msk [tilespmem:v12+s3+$0x0], $0xffff  }
0x8dd: {  	v14 =	vld.idx.msk [tilespmem:v14+s3+$0x0], $0xffff  }
0x8de: {  	v4 =	vld.idx.msk [tilespmem:v4+s3+$0x0], $0xffff  }
0x8df: {  	v2 =	vld.idx.msk [tilespmem:v2+s3+$0x0], $0xffff  }
0x8e0: {  	v7 =	vld.idx.msk [tilespmem:v7+s3+$0x0], $0xffff  }
0x8e1: {  	v8 =	vld.idx.msk [tilespmem:v8+s3+$0x0], $0xffff  }
0x8e2: {  	v9 =	vld.idx.msk [tilespmem:v9+s3+$0x0], $0xffff  }
0x8e3: {  	v12 =	vadd.f32 v14, v12;
	v5 =	vld.idx.msk [tilespmem:v5+s3+$0x0], $0xffff  }
0x8e4: {  	v14 =	vld [tilespmem:s30+$0xFFFFF400]  }
0x8e5: {  	v2 =	vadd.f32 v2, v4;
	v4 =	vld [tilespmem:s30+$0xFFFFFE00]  }
0x8e6: {  	v17 =	vld [tilespmem:s30+$0x800]  }
0x8e7: {  	v7 =	vadd.f32 v8, v7;
	v18 =	vld [tilespmem:s30+$0x1200]  }
0x8e8: {  	v6 =	vld.idx.msk [tilespmem:v6+s3+$0x0], $0xffff  }
0x8e9: {  	v5 =	vadd.f32 v5, v9;
	v3 =	vld.idx.msk [tilespmem:v3+s3+$0x0], $0xffff  }
0x8ea: {  	v8 =	vld.idx.msk [tilespmem:v10+s3+$0x0], $0xffff  }
0x8eb: {  	v9 =	vld.idx.msk [tilespmem:v1+s3+$0x0], $0xffff  }
0x8ec: {  	v10 =	vld.idx.msk [tilespmem:v11+s3+$0x0], $0xffff  }
0x8ed: {  	v11 =	vld.idx.msk [tilespmem:v13+s3+$0x0], $0xffff  }
0x8ee: {  	v6 =	vadd.f32 v6, v12;
	v1 =	vld.idx.msk [tilespmem:v15+s3+$0x0], $0xffff  }
.Ltmp13:
0x8ef: {  	v12 =	vadd.f32 v3, v2;
	v2 =	vld.idx.msk [tilespmem:v16+s3+$0x0], $0xffff;
	(pc) =	sbr.rel @p1 .LBB2_28-.Ltmp13, $4  }
0x8f0: {  	v8 =	vadd.f32 v8, v7;
	v3 =	vld.idx.msk [tilespmem:v14+s3+$0x0], $0xffff  }
0x8f1: {  	v7 =	vadd.f32 v9, v5;
	v4 =	vld.idx.msk [tilespmem:v4+s3+$0x0], $0xffff  }
0x8f2: {  	v9 =	vadd.f32 v10, v6;
	v5 =	vld.idx.msk [tilespmem:v17+s3+$0x0], $0xffff  }
0x8f3: {  	s30 =	sadd.s32 $0x20, s30;
	v10 =	vadd.f32 v11, v12;
	v6 =	vld.idx.msk [tilespmem:v18+s3+$0x0], $0xffff  }
0x8f4: {  	_ =	sdelay $0x1  }
0x8f5: {  	v1 =	vadd.f32 v1, v8;
	v2 =	vadd.f32 v2, v7  }
0x8f6: {  	v3 =	vadd.f32 v3, v9;
	v4 =	vadd.f32 v4, v10  }
0x8f7: {  	v1 =	vadd.f32 v5, v1;
	v2 =	vadd.f32 v6, v2;
	_ =	sdelay $0x1  }
0x8f8: {  	v3 =	vadd.f32 v4, v3;
	v1 =	vadd.f32 v2, v1;
	_ =	sdelay $0x1  }
0x8f9: {  	v1 =	vadd.f32 v1, v3;
	_ =	sdelay $0x1  }
0x8fa: {  	[tilespmem:s28+$0x0] =	vst v1  }
0x8fb: {  	_ =	swait.ge [sflag:s23], $0x2800  }
0x8fc: {  	[sflag:s23] =	ssyncset.done $0x0  }
0x8fd: {  	s28 =	simm.s32 $0x1C310;
	[sflag:s23] =	ssyncadd.s32 $0xFFFFD800  }
0x8fe: {  	[tilespmem:s20], [sflag:$0x1] =	stream.linear.gather [spmem:s8], $0x2800, $0x38;
	[tilespmem:$0x1FB00] =	vst v63  }
0x8ff: {  	s26 =	simm.s32 $0x0;
	v1 =	vld [tilespmem:s28+$0xFFFFF1F0]  }
0x900: {  	s0 =	sand.u32 $0x1E0, s26;
	v2 =	vld [tilespmem:s28+$0xFFFFEBF0]  }
0x901: {  	v3 =	vld [tilespmem:s0+$0x1B700]  }
0x902: {  	v4 =	vld [tilespmem:s0+$0x1C100]  }
0x903: {  	v5 =	vld [tilespmem:s0+$0x1CB00]  }
0x904: {  	v6 =	vld [tilespmem:s0+$0x1D500]  }
0x905: {  	v7 =	vld [tilespmem:s0+$0x1BF00]  }
0x906: {  	v8 =	vld [tilespmem:s0+$0x1C900]  }
0x907: {  	v9 =	vld [tilespmem:s0+$0x1D300]  }
0x908: {  	v10 =	vld [tilespmem:s0+$0x1B300]  }
0x909: {  	v11 =	vld [tilespmem:s0+$0x1BD00]  }
0x90a: {  	v12 =	vld [tilespmem:s0+$0x1C700]  }
0x90b: {  	v13 =	vld [tilespmem:s0+$0x1D100]  }
0x90c: {  	v14 =	vld [tilespmem:s0+$0x1B100]  }
0x90d: {  	v15 =	vld [tilespmem:s0+$0x1B900]  }
0x90e: {  	v16 =	vld [tilespmem:s0+$0x1BB00]  }
0x90f: {  	v17 =	vld [tilespmem:s0+$0x1C300]  }
0x910: {  	v18 =	vld [tilespmem:s0+$0x1C500]  }
0x911: {  	v19 =	vld [tilespmem:s0+$0x1CD00]  }
0x912: {  	v20 =	vld [tilespmem:s0+$0x1CF00]  }
0x913: {  	v21 =	vld [tilespmem:s28+$0xFFFFEC00]  }
0x914: {  	v22 =	vld [tilespmem:s28+$0xFFFFEE00]  }
0x915: {  	v23 =	vld [tilespmem:s28+$0xFFFFF600]  }
0x916: {  	v24 =	vld [tilespmem:s28+$0xFFFFF800]  }
0x917: {  	v25 =	vld [tilespmem:s28+$0x0]  }
0x918: {  	v26 =	vld [tilespmem:s28+$0x200]  }
0x919: {  	v27 =	vld [tilespmem:s28+$0xA00]  }
0x91a: {  	v28 =	vld [tilespmem:s28+$0xC00]  }
0x91b: {  	v29 =	vld [tilespmem:s28+$0xFFFFF000]  }
0x91c: {  	v30 =	vld [tilespmem:s28+$0xFFFFFA00]  }
0x91d: {  	v31 =	vld [tilespmem:s28+$0x400]  }
0x91e: {  	v32 =	vld [tilespmem:s28+$0xE00]  }
0x91f: {  	v33 =	vld [tilespmem:s28+$0xFFFFF200]  }
0x920: {  	v34 =	vld [tilespmem:s28+$0xFFFFFC00]  }
0x921: {  	v35 =	vld [tilespmem:s28+$0x600]  }
0x922: {  	v36 =	vld [tilespmem:s28+$0x1000]  }
0x923: {  	v57 =	vld [tilespmem:s28+$0xFFFFF400]  }
0x924: {  	v58 =	vld [tilespmem:s28+$0x800]  }
0x925: {  	v59 =	vld [tilespmem:s28+$0x1200]  }
0x926: {  	v1 =	vld.idx.msk [tilespmem:v1+s3+$0x0], $0xffff  }
0x927: {  	v2 =	vld.idx.msk [tilespmem:v2+s3+$0x0], $0xffff  }
0x928: {  	v3 =	vld.idx.msk [tilespmem:v3+s3+$0x0], $0xffff  }
0x929: {  	v4 =	vld.idx.msk [tilespmem:v4+s3+$0x0], $0xffff  }
0x92a: {  	v7 =	vld.idx.msk [tilespmem:v7+s3+$0x0], $0xffff  }
0x92b: {  	v10 =	vld.idx.msk [tilespmem:v10+s3+$0x0], $0xffff  }
0x92c: {  	v11 =	vld.idx.msk [tilespmem:v11+s3+$0x0], $0xffff  }
0x92d: {  	v14 =	vld.idx.msk [tilespmem:v14+s3+$0x0], $0xffff  }
0x92e: {  	v15 =	vld.idx.msk [tilespmem:v15+s3+$0x0], $0xffff  }
0x92f: {  	v16 =	vld.idx.msk [tilespmem:v16+s3+$0x0], $0xffff  }
0x930: {  	v17 =	vld.idx.msk [tilespmem:v17+s3+$0x0], $0xffff  }
0x931: {  	v18 =	vld.idx.msk [tilespmem:v18+s3+$0x0], $0xffff  }
0x932: {  	v19 =	vld.idx.msk [tilespmem:v19+s3+$0x0], $0xffff  }
0x933: {  	v20 =	vld.idx.msk [tilespmem:v20+s3+$0x0], $0xffff  }
0x934: {  	v12 =	vld.idx.msk [tilespmem:v12+s3+$0x0], $0xffff  }
0x935: {  	v13 =	vld.idx.msk [tilespmem:v13+s3+$0x0], $0xffff  }
0x936: {  	v8 =	vld.idx.msk [tilespmem:v8+s3+$0x0], $0xffff  }
0x937: {  	v9 =	vld.idx.msk [tilespmem:v9+s3+$0x0], $0xffff  }
0x938: {  	v5 =	vld.idx.msk [tilespmem:v5+s3+$0x0], $0xffff  }
0x939: {  	v6 =	vld.idx.msk [tilespmem:v6+s3+$0x0], $0xffff  }
0x93a: {  	v21 =	vld.idx.msk [tilespmem:v21+s3+$0x0], $0xffff  }
0x93b: {  	v22 =	vld.idx.msk [tilespmem:v22+s3+$0x0], $0xffff  }
0x93c: {  	v23 =	vld.idx.msk [tilespmem:v23+s3+$0x0], $0xffff  }
0x93d: {  	v24 =	vld.idx.msk [tilespmem:v24+s3+$0x0], $0xffff  }
0x93e: {  	v25 =	vld.idx.msk [tilespmem:v25+s3+$0x0], $0xffff  }
0x93f: {  	v26 =	vld.idx.msk [tilespmem:v26+s3+$0x0], $0xffff;
	v2 =	vadd.f32 v14, v2;
	v53 =	vadd.f32 v16, v15  }
0x940: {  	v27 =	vld.idx.msk [tilespmem:v27+s3+$0x0], $0xffff;
	v55 =	vadd.f32 v18, v17;
	v56 =	vadd.f32 v20, v19  }
0x941: {  	v54 =	vld.idx.msk [tilespmem:v28+s3+$0x0], $0xffff;
	v2 =	vadd.f32 v10, v2;
	v10 =	vadd.f32 v11, v53  }
0x942: {  	v60 =	vld.idx.msk [tilespmem:v34+s3+$0x0], $0xffff;
	v12 =	vadd.f32 v12, v55;
	v13 =	vadd.f32 v13, v56  }
0x943: {  	v11 =	vld [tilespmem:s28+$0xFFFFFE00];
	v1 =	vadd.f32 v1, v2;
	v2 =	vadd.f32 v7, v10  }
0x944: {  	v7 =	vadd.f32 v8, v12;
	v8 =	vadd.f32 v9, v13;
	v9 =	vld.idx.msk [tilespmem:v29+s3+$0x0], $0xffff  }
0x945: {  	v10 =	vld.idx.msk [tilespmem:v33+s3+$0x0], $0xffff;
	v1 =	vadd.f32 v3, v1;
	v2 =	vadd.f32 v4, v2  }
0x946: {  	v4 =	vld.idx.msk [tilespmem:v30+s3+$0x0], $0xffff;
	v3 =	vadd.f32 v5, v7;
	v5 =	vadd.f32 v6, v8  }
0x947: {  	v6 =	vld.idx.msk [tilespmem:v31+s3+$0x0], $0xffff  }
0x948: {  	v7 =	vld.idx.msk [tilespmem:v32+s3+$0x0], $0xffff;
	v1 =	vadd.f32 v2, v1;
	v2 =	vadd.f32 v5, v3  }
0x949: {  	v8 =	vadd.f32 v24, v23;
	v3 =	vld.idx.msk [tilespmem:v57+s3+$0x0], $0xffff  }
0x94a: {  	v5 =	vadd.f32 v22, v21;
	v61 =	vadd.f32 v2, v1;
	v1 =	vld.idx.msk [tilespmem:v35+s3+$0x0], $0xffff  }
0x94b: {  	v62 =	vadd.f32 v26, v25;
	v15 =	vadd.f32 v54, v27;
	v2 =	vld.idx.msk [tilespmem:v36+s3+$0x0], $0xffff  }
0x94c: {  	v9 =	vadd.f32 v9, v5;
	v5 =	vld.idx.msk [tilespmem:v58+s3+$0x0], $0xffff;
	v63 =	vadd.f32 v4, v8  }
0x94d: {  	s28 =	simm.s32 $0x1DD10;
	v4 =	vld.idx.msk [tilespmem:v11+s3+$0x0], $0xffff;
	v8 =	vadd.f32 v6, v62;
	v7 =	vadd.f32 v7, v15  }
0x94e: {  	s29 =	simm.s32 $0x0;
	s30 =	simm.s32 $0x1C330;
	v6 =	vld.idx.msk [tilespmem:v59+s3+$0x0], $0xffff;
	[tilespmem:s28+$0xFFFFFFF0] =	vst v61;
	v9 =	vadd.f32 v10, v9;
	v10 =	vadd.f32 v60, v63  }
.LBB2_30:
0x94f: {  	v11 =	vld [tilespmem:s30+$0xFFFFF1F0];
	v1 =	vadd.f32 v1, v8;
	s26 =	sadd.s32 $0x20, s26  }
0x950: {  	v2 =	vadd.f32 v2, v7;
	v8 =	vld [tilespmem:s30+$0xFFFFEBF0];
	s0 =	sand.u32 $0x1E0, s26  }
0x951: {  	v3 =	vadd.f32 v3, v9;
	v7 =	vld [tilespmem:s0+$0x1B700]  }
0x952: {  	v4 =	vadd.f32 v4, v10;
	v9 =	vld [tilespmem:s0+$0x1C100]  }
0x953: {  	v1 =	vadd.f32 v5, v1;
	v10 =	vld [tilespmem:s0+$0x1CB00]  }
0x954: {  	v2 =	vadd.f32 v6, v2;
	v3 =	vadd.f32 v4, v3;
	v5 =	vld [tilespmem:s0+$0x1D500]  }
0x955: {  	v4 =	vld [tilespmem:s0+$0x1BF00]  }
0x956: {  	v1 =	vadd.f32 v2, v1;
	v6 =	vld [tilespmem:s0+$0x1C900]  }
0x957: {  	v2 =	vld [tilespmem:s0+$0x1D300]  }
0x958: {  	v1 =	vadd.f32 v1, v3;
	v12 =	vld [tilespmem:s0+$0x1B300]  }
0x959: {  	v3 =	vld [tilespmem:s0+$0x1BD00]  }
0x95a: {  	v13 =	vld [tilespmem:s0+$0x1C700];
	[tilespmem:s28+$0x0] =	vst v1  }
0x95b: {  	v1 =	vld [tilespmem:s0+$0x1D100]  }
0x95c: {  	v14 =	vld [tilespmem:s0+$0x1B100]  }
0x95d: {  	v15 =	vld [tilespmem:s0+$0x1B900]  }
0x95e: {  	v16 =	vld [tilespmem:s0+$0x1BB00]  }
0x95f: {  	v17 =	vld [tilespmem:s0+$0x1C300]  }
0x960: {  	v18 =	vld [tilespmem:s0+$0x1C500]  }
0x961: {  	v19 =	vld [tilespmem:s0+$0x1CD00]  }
0x962: {  	v20 =	vld [tilespmem:s0+$0x1CF00]  }
0x963: {  	v11 =	vld.idx.msk [tilespmem:v11+s3+$0x0], $0xffff  }
0x964: {  	v8 =	vld.idx.msk [tilespmem:v8+s3+$0x0], $0xffff  }
0x965: {  	v7 =	vld.idx.msk [tilespmem:v7+s3+$0x0], $0xffff  }
0x966: {  	v9 =	vld.idx.msk [tilespmem:v9+s3+$0x0], $0xffff  }
0x967: {  	s29 =	sadd.s32 $0x2, s29;
	v4 =	vld.idx.msk [tilespmem:v4+s3+$0x0], $0xffff  }
0x968: {  	p1 =	slt.u32 s29, $0x1E;
	v12 =	vld.idx.msk [tilespmem:v12+s3+$0x0], $0xffff  }
0x969: {  	v3 =	vld.idx.msk [tilespmem:v3+s3+$0x0], $0xffff  }
0x96a: {  	v14 =	vld.idx.msk [tilespmem:v14+s3+$0x0], $0xffff  }
0x96b: {  	v15 =	vld.idx.msk [tilespmem:v15+s3+$0x0], $0xffff  }
0x96c: {  	v16 =	vld.idx.msk [tilespmem:v16+s3+$0x0], $0xffff  }
0x96d: {  	v17 =	vld.idx.msk [tilespmem:v17+s3+$0x0], $0xffff  }
0x96e: {  	v18 =	vld.idx.msk [tilespmem:v18+s3+$0x0], $0xffff  }
0x96f: {  	v19 =	vld.idx.msk [tilespmem:v19+s3+$0x0], $0xffff  }
0x970: {  	v20 =	vld.idx.msk [tilespmem:v20+s3+$0x0], $0xffff  }
0x971: {  	v13 =	vld.idx.msk [tilespmem:v13+s3+$0x0], $0xffff  }
0x972: {  	v1 =	vld.idx.msk [tilespmem:v1+s3+$0x0], $0xffff  }
0x973: {  	v6 =	vld.idx.msk [tilespmem:v6+s3+$0x0], $0xffff  }
0x974: {  	v2 =	vld.idx.msk [tilespmem:v2+s3+$0x0], $0xffff  }
0x975: {  	v8 =	vadd.f32 v14, v8;
	v14 =	vadd.f32 v16, v15;
	v10 =	vld.idx.msk [tilespmem:v10+s3+$0x0], $0xffff  }
0x976: {  	v15 =	vadd.f32 v18, v17;
	v16 =	vadd.f32 v20, v19;
	v5 =	vld.idx.msk [tilespmem:v5+s3+$0x0], $0xffff  }
0x977: {  	v8 =	vadd.f32 v12, v8;
	v3 =	vadd.f32 v3, v14;
	v12 =	vld [tilespmem:s30+$0xFFFFEC00]  }
0x978: {  	v13 =	vadd.f32 v13, v15;
	v1 =	vadd.f32 v1, v16;
	v14 =	vld [tilespmem:s30+$0xFFFFEE00]  }
0x979: {  	v8 =	vadd.f32 v11, v8;
	v3 =	vadd.f32 v4, v3;
	v4 =	vld [tilespmem:s30+$0xFFFFF600]  }
0x97a: {  	v6 =	vadd.f32 v6, v13;
	v1 =	vadd.f32 v2, v1;
	v2 =	vld [tilespmem:s30+$0xFFFFF800]  }
0x97b: {  	v7 =	vadd.f32 v7, v8;
	v3 =	vadd.f32 v9, v3;
	v8 =	vld [tilespmem:s30+$0x0]  }
0x97c: {  	v6 =	vadd.f32 v10, v6;
	v1 =	vadd.f32 v5, v1;
	v5 =	vld [tilespmem:s30+$0x200]  }
0x97d: {  	v9 =	vld [tilespmem:s30+$0xA00]  }
0x97e: {  	v3 =	vadd.f32 v3, v7;
	v1 =	vadd.f32 v1, v6;
	v6 =	vld [tilespmem:s30+$0xC00]  }
0x97f: {  	v7 =	vld [tilespmem:s30+$0xFFFFF000]  }
0x980: {  	v1 =	vadd.f32 v1, v3;
	v3 =	vld [tilespmem:s30+$0xFFFFFA00]  }
0x981: {  	s28 =	sadd.s32 $0x20, s28;
	v10 =	vld [tilespmem:s30+$0x400]  }
0x982: {  	[tilespmem:s28+$0xFFFFFFF0] =	vst v1;
	v1 =	vld [tilespmem:s30+$0xE00]  }
0x983: {  	v11 =	vld [tilespmem:s30+$0xFFFFF200]  }
0x984: {  	v13 =	vld [tilespmem:s30+$0xFFFFFC00]  }
0x985: {  	v15 =	vld [tilespmem:s30+$0x600]  }
0x986: {  	v16 =	vld [tilespmem:s30+$0x1000]  }
0x987: {  	v12 =	vld.idx.msk [tilespmem:v12+s3+$0x0], $0xffff  }
0x988: {  	v14 =	vld.idx.msk [tilespmem:v14+s3+$0x0], $0xffff  }
0x989: {  	v4 =	vld.idx.msk [tilespmem:v4+s3+$0x0], $0xffff  }
0x98a: {  	v2 =	vld.idx.msk [tilespmem:v2+s3+$0x0], $0xffff  }
0x98b: {  	v8 =	vld.idx.msk [tilespmem:v8+s3+$0x0], $0xffff  }
0x98c: {  	v5 =	vld.idx.msk [tilespmem:v5+s3+$0x0], $0xffff  }
0x98d: {  	v9 =	vld.idx.msk [tilespmem:v9+s3+$0x0], $0xffff  }
0x98e: {  	v12 =	vadd.f32 v14, v12;
	v6 =	vld.idx.msk [tilespmem:v6+s3+$0x0], $0xffff  }
0x98f: {  	v14 =	vld [tilespmem:s30+$0xFFFFF400]  }
0x990: {  	v2 =	vadd.f32 v2, v4;
	v4 =	vld [tilespmem:s30+$0xFFFFFE00]  }
0x991: {  	v17 =	vld [tilespmem:s30+$0x800]  }
0x992: {  	v5 =	vadd.f32 v5, v8;
	v18 =	vld [tilespmem:s30+$0x1200]  }
0x993: {  	v7 =	vld.idx.msk [tilespmem:v7+s3+$0x0], $0xffff  }
0x994: {  	v6 =	vadd.f32 v6, v9;
	v3 =	vld.idx.msk [tilespmem:v3+s3+$0x0], $0xffff  }
0x995: {  	v8 =	vld.idx.msk [tilespmem:v10+s3+$0x0], $0xffff  }
0x996: {  	v9 =	vld.idx.msk [tilespmem:v1+s3+$0x0], $0xffff  }
0x997: {  	v10 =	vld.idx.msk [tilespmem:v11+s3+$0x0], $0xffff  }
0x998: {  	v11 =	vld.idx.msk [tilespmem:v13+s3+$0x0], $0xffff  }
0x999: {  	v12 =	vadd.f32 v7, v12;
	v1 =	vld.idx.msk [tilespmem:v15+s3+$0x0], $0xffff  }
.Ltmp14:
0x99a: {  	v13 =	vadd.f32 v3, v2;
	v2 =	vld.idx.msk [tilespmem:v16+s3+$0x0], $0xffff;
	(pc) =	sbr.rel @p1 .LBB2_30-.Ltmp14, $4  }
0x99b: {  	v8 =	vadd.f32 v8, v5;
	v3 =	vld.idx.msk [tilespmem:v14+s3+$0x0], $0xffff  }
0x99c: {  	v7 =	vadd.f32 v9, v6;
	v4 =	vld.idx.msk [tilespmem:v4+s3+$0x0], $0xffff  }
0x99d: {  	v9 =	vadd.f32 v10, v12;
	v5 =	vld.idx.msk [tilespmem:v17+s3+$0x0], $0xffff  }
0x99e: {  	s30 =	sadd.s32 $0x20, s30;
	v10 =	vadd.f32 v11, v13;
	v6 =	vld.idx.msk [tilespmem:v18+s3+$0x0], $0xffff  }
0x99f: {  	_ =	sdelay $0x1  }
0x9a0: {  	v1 =	vadd.f32 v1, v8;
	v2 =	vadd.f32 v2, v7  }
0x9a1: {  	v3 =	vadd.f32 v3, v9;
	v4 =	vadd.f32 v4, v10  }
0x9a2: {  	v1 =	vadd.f32 v5, v1;
	v2 =	vadd.f32 v6, v2;
	_ =	sdelay $0x1  }
0x9a3: {  	v3 =	vadd.f32 v4, v3;
	v1 =	vadd.f32 v2, v1;
	_ =	sdelay $0x1  }
0x9a4: {  	v1 =	vadd.f32 v1, v3;
	_ =	sdelay $0x1  }
0x9a5: {  	[tilespmem:s28+$0x0] =	vst v1  }
0x9a6: {  	_ =	swait.ge [sflag:s23], $0x2800  }
0x9a7: {  	[sflag:s23] =	ssyncset.done $0x0  }
0x9a8: {  	s28 =	simm.s32 $0x19B10;
	[sflag:s23] =	ssyncadd.s32 $0xFFFFD800  }
0x9a9: {  	[tilespmem:s22], [sflag:$0x1] =	stream.linear.gather [spmem:s7], $0x2800, $0x38;
	[tilespmem:$0x1FB00] =	vst v63  }
0x9aa: {  	s26 =	simm.s32 $0x0;
	v1 =	vld [tilespmem:s28+$0xFFFFEFF0]  }
0x9ab: {  	s0 =	sand.u32 $0x1E0, s26;
	v2 =	vld [tilespmem:s28+$0xFFFFEBF0]  }
0x9ac: {  	v3 =	vld [tilespmem:s0+$0x18F00]  }
0x9ad: {  	v4 =	vld [tilespmem:s0+$0x19900]  }
0x9ae: {  	v5 =	vld [tilespmem:s0+$0x1A300]  }
0x9af: {  	v6 =	vld [tilespmem:s0+$0x1AD00]  }
0x9b0: {  	v7 =	vld [tilespmem:s0+$0x18D00]  }
0x9b1: {  	v8 =	vld [tilespmem:s0+$0x19700]  }
0x9b2: {  	v9 =	vld [tilespmem:s0+$0x1A100]  }
0x9b3: {  	v10 =	vld [tilespmem:s0+$0x1AB00]  }
0x9b4: {  	v11 =	vld [tilespmem:s0+$0x19500]  }
0x9b5: {  	v12 =	vld [tilespmem:s0+$0x19F00]  }
0x9b6: {  	v13 =	vld [tilespmem:s0+$0x1A900]  }
0x9b7: {  	v14 =	vld [tilespmem:s0+$0x18900]  }
0x9b8: {  	v15 =	vld [tilespmem:s0+$0x19100]  }
0x9b9: {  	v16 =	vld [tilespmem:s0+$0x19300]  }
0x9ba: {  	v17 =	vld [tilespmem:s0+$0x19B00]  }
0x9bb: {  	v18 =	vld [tilespmem:s0+$0x19D00]  }
0x9bc: {  	v19 =	vld [tilespmem:s0+$0x1A500]  }
0x9bd: {  	v20 =	vld [tilespmem:s0+$0x1A700]  }
0x9be: {  	v21 =	vld [tilespmem:s28+$0xFFFFEC00]  }
0x9bf: {  	v22 =	vld [tilespmem:s28+$0xFFFFEE00]  }
0x9c0: {  	v23 =	vld [tilespmem:s28+$0xFFFFF600]  }
0x9c1: {  	v24 =	vld [tilespmem:s28+$0xFFFFF800]  }
0x9c2: {  	v25 =	vld [tilespmem:s28+$0x0]  }
0x9c3: {  	v26 =	vld [tilespmem:s28+$0x200]  }
0x9c4: {  	v27 =	vld [tilespmem:s28+$0xA00]  }
0x9c5: {  	v28 =	vld [tilespmem:s28+$0xC00]  }
0x9c6: {  	v29 =	vld [tilespmem:s28+$0xFFFFF000]  }
0x9c7: {  	v30 =	vld [tilespmem:s28+$0xFFFFFA00]  }
0x9c8: {  	v31 =	vld [tilespmem:s28+$0x400]  }
0x9c9: {  	v32 =	vld [tilespmem:s28+$0xE00]  }
0x9ca: {  	v33 =	vld [tilespmem:s28+$0xFFFFF200]  }
0x9cb: {  	v34 =	vld [tilespmem:s28+$0xFFFFFC00]  }
0x9cc: {  	v35 =	vld [tilespmem:s28+$0x600]  }
0x9cd: {  	v36 =	vld [tilespmem:s28+$0x1000]  }
0x9ce: {  	v57 =	vld [tilespmem:s28+$0xFFFFF400]  }
0x9cf: {  	v58 =	vld [tilespmem:s28+$0x800]  }
0x9d0: {  	v59 =	vld [tilespmem:s28+$0x1200]  }
0x9d1: {  	v1 =	vld.idx.msk [tilespmem:v1+s3+$0x0], $0xffff  }
0x9d2: {  	v2 =	vld.idx.msk [tilespmem:v2+s3+$0x0], $0xffff  }
0x9d3: {  	v3 =	vld.idx.msk [tilespmem:v3+s3+$0x0], $0xffff  }
0x9d4: {  	v4 =	vld.idx.msk [tilespmem:v4+s3+$0x0], $0xffff  }
0x9d5: {  	v7 =	vld.idx.msk [tilespmem:v7+s3+$0x0], $0xffff  }
0x9d6: {  	v8 =	vld.idx.msk [tilespmem:v8+s3+$0x0], $0xffff  }
0x9d7: {  	v11 =	vld.idx.msk [tilespmem:v11+s3+$0x0], $0xffff  }
0x9d8: {  	v14 =	vld.idx.msk [tilespmem:v14+s3+$0x0], $0xffff  }
0x9d9: {  	v15 =	vld.idx.msk [tilespmem:v15+s3+$0x0], $0xffff  }
0x9da: {  	v16 =	vld.idx.msk [tilespmem:v16+s3+$0x0], $0xffff  }
0x9db: {  	v17 =	vld.idx.msk [tilespmem:v17+s3+$0x0], $0xffff  }
0x9dc: {  	v18 =	vld.idx.msk [tilespmem:v18+s3+$0x0], $0xffff  }
0x9dd: {  	v19 =	vld.idx.msk [tilespmem:v19+s3+$0x0], $0xffff  }
0x9de: {  	v20 =	vld.idx.msk [tilespmem:v20+s3+$0x0], $0xffff  }
0x9df: {  	v12 =	vld.idx.msk [tilespmem:v12+s3+$0x0], $0xffff  }
0x9e0: {  	v13 =	vld.idx.msk [tilespmem:v13+s3+$0x0], $0xffff  }
0x9e1: {  	v9 =	vld.idx.msk [tilespmem:v9+s3+$0x0], $0xffff  }
0x9e2: {  	v10 =	vld.idx.msk [tilespmem:v10+s3+$0x0], $0xffff  }
0x9e3: {  	v5 =	vld.idx.msk [tilespmem:v5+s3+$0x0], $0xffff  }
0x9e4: {  	v6 =	vld.idx.msk [tilespmem:v6+s3+$0x0], $0xffff  }
0x9e5: {  	v21 =	vld.idx.msk [tilespmem:v21+s3+$0x0], $0xffff  }
0x9e6: {  	v22 =	vld.idx.msk [tilespmem:v22+s3+$0x0], $0xffff  }
0x9e7: {  	v23 =	vld.idx.msk [tilespmem:v23+s3+$0x0], $0xffff  }
0x9e8: {  	v24 =	vld.idx.msk [tilespmem:v24+s3+$0x0], $0xffff  }
0x9e9: {  	v25 =	vld.idx.msk [tilespmem:v25+s3+$0x0], $0xffff  }
0x9ea: {  	v26 =	vld.idx.msk [tilespmem:v26+s3+$0x0], $0xffff;
	v2 =	vadd.f32 v14, v2;
	v53 =	vadd.f32 v16, v15  }
0x9eb: {  	v27 =	vld.idx.msk [tilespmem:v27+s3+$0x0], $0xffff;
	v55 =	vadd.f32 v18, v17;
	v56 =	vadd.f32 v20, v19  }
0x9ec: {  	v54 =	vld.idx.msk [tilespmem:v28+s3+$0x0], $0xffff;
	v1 =	vadd.f32 v1, v2;
	v2 =	vadd.f32 v11, v53  }
0x9ed: {  	v60 =	vld.idx.msk [tilespmem:v34+s3+$0x0], $0xffff;
	v12 =	vadd.f32 v12, v55;
	v13 =	vadd.f32 v13, v56  }
0x9ee: {  	v11 =	vld [tilespmem:s28+$0xFFFFFE00];
	v1 =	vadd.f32 v7, v1;
	v2 =	vadd.f32 v8, v2  }
0x9ef: {  	v7 =	vadd.f32 v9, v12;
	v8 =	vadd.f32 v10, v13;
	v9 =	vld.idx.msk [tilespmem:v29+s3+$0x0], $0xffff  }
0x9f0: {  	v10 =	vld.idx.msk [tilespmem:v33+s3+$0x0], $0xffff;
	v1 =	vadd.f32 v3, v1;
	v2 =	vadd.f32 v4, v2  }
0x9f1: {  	v4 =	vld.idx.msk [tilespmem:v30+s3+$0x0], $0xffff;
	v3 =	vadd.f32 v5, v7;
	v5 =	vadd.f32 v6, v8  }
0x9f2: {  	v6 =	vld.idx.msk [tilespmem:v31+s3+$0x0], $0xffff  }
0x9f3: {  	v7 =	vld.idx.msk [tilespmem:v32+s3+$0x0], $0xffff;
	v1 =	vadd.f32 v2, v1;
	v2 =	vadd.f32 v5, v3  }
0x9f4: {  	v8 =	vadd.f32 v24, v23;
	v3 =	vld.idx.msk [tilespmem:v57+s3+$0x0], $0xffff  }
0x9f5: {  	v5 =	vadd.f32 v22, v21;
	v61 =	vadd.f32 v2, v1;
	v1 =	vld.idx.msk [tilespmem:v35+s3+$0x0], $0xffff  }
0x9f6: {  	v62 =	vadd.f32 v26, v25;
	v15 =	vadd.f32 v54, v27;
	v2 =	vld.idx.msk [tilespmem:v36+s3+$0x0], $0xffff  }
0x9f7: {  	v9 =	vadd.f32 v9, v5;
	v5 =	vld.idx.msk [tilespmem:v58+s3+$0x0], $0xffff;
	v63 =	vadd.f32 v4, v8  }
0x9f8: {  	s28 =	simm.s32 $0x1DB10;
	v4 =	vld.idx.msk [tilespmem:v11+s3+$0x0], $0xffff;
	v8 =	vadd.f32 v6, v62;
	v7 =	vadd.f32 v7, v15  }
0x9f9: {  	s29 =	simm.s32 $0x0;
	s30 =	simm.s32 $0x19B30;
	v6 =	vld.idx.msk [tilespmem:v59+s3+$0x0], $0xffff;
	[tilespmem:s28+$0xFFFFFFF0] =	vst v61;
	v9 =	vadd.f32 v10, v9;
	v10 =	vadd.f32 v60, v63  }
.LBB2_32:
0x9fa: {  	v11 =	vld [tilespmem:s30+$0xFFFFEFF0];
	v1 =	vadd.f32 v1, v8;
	s26 =	sadd.s32 $0x20, s26  }
0x9fb: {  	v2 =	vadd.f32 v2, v7;
	v8 =	vld [tilespmem:s30+$0xFFFFEBF0];
	s0 =	sand.u32 $0x1E0, s26  }
0x9fc: {  	v3 =	vadd.f32 v3, v9;
	v7 =	vld [tilespmem:s0+$0x18F00]  }
0x9fd: {  	v4 =	vadd.f32 v4, v10;
	v9 =	vld [tilespmem:s0+$0x19900]  }
0x9fe: {  	v1 =	vadd.f32 v5, v1;
	v10 =	vld [tilespmem:s0+$0x1A300]  }
0x9ff: {  	v2 =	vadd.f32 v6, v2;
	v3 =	vadd.f32 v4, v3;
	v5 =	vld [tilespmem:s0+$0x1AD00]  }
0xa00: {  	v4 =	vld [tilespmem:s0+$0x18D00]  }
0xa01: {  	v1 =	vadd.f32 v2, v1;
	v6 =	vld [tilespmem:s0+$0x19700]  }
0xa02: {  	v2 =	vld [tilespmem:s0+$0x1A100]  }
0xa03: {  	v1 =	vadd.f32 v1, v3;
	v12 =	vld [tilespmem:s0+$0x1AB00]  }
0xa04: {  	v3 =	vld [tilespmem:s0+$0x19500]  }
0xa05: {  	v13 =	vld [tilespmem:s0+$0x19F00];
	[tilespmem:s28+$0x0] =	vst v1  }
0xa06: {  	v1 =	vld [tilespmem:s0+$0x1A900]  }
0xa07: {  	v14 =	vld [tilespmem:s0+$0x18900]  }
0xa08: {  	v15 =	vld [tilespmem:s0+$0x19100]  }
0xa09: {  	v16 =	vld [tilespmem:s0+$0x19300]  }
0xa0a: {  	v17 =	vld [tilespmem:s0+$0x19B00]  }
0xa0b: {  	v18 =	vld [tilespmem:s0+$0x19D00]  }
0xa0c: {  	v19 =	vld [tilespmem:s0+$0x1A500]  }
0xa0d: {  	v20 =	vld [tilespmem:s0+$0x1A700]  }
0xa0e: {  	v11 =	vld.idx.msk [tilespmem:v11+s3+$0x0], $0xffff  }
0xa0f: {  	v8 =	vld.idx.msk [tilespmem:v8+s3+$0x0], $0xffff  }
0xa10: {  	v7 =	vld.idx.msk [tilespmem:v7+s3+$0x0], $0xffff  }
0xa11: {  	v9 =	vld.idx.msk [tilespmem:v9+s3+$0x0], $0xffff  }
0xa12: {  	s29 =	sadd.s32 $0x2, s29;
	v4 =	vld.idx.msk [tilespmem:v4+s3+$0x0], $0xffff  }
0xa13: {  	p1 =	slt.u32 s29, $0x1E;
	v6 =	vld.idx.msk [tilespmem:v6+s3+$0x0], $0xffff  }
0xa14: {  	v3 =	vld.idx.msk [tilespmem:v3+s3+$0x0], $0xffff  }
0xa15: {  	v14 =	vld.idx.msk [tilespmem:v14+s3+$0x0], $0xffff  }
0xa16: {  	v15 =	vld.idx.msk [tilespmem:v15+s3+$0x0], $0xffff  }
0xa17: {  	v16 =	vld.idx.msk [tilespmem:v16+s3+$0x0], $0xffff  }
0xa18: {  	v17 =	vld.idx.msk [tilespmem:v17+s3+$0x0], $0xffff  }
0xa19: {  	v18 =	vld.idx.msk [tilespmem:v18+s3+$0x0], $0xffff  }
0xa1a: {  	v19 =	vld.idx.msk [tilespmem:v19+s3+$0x0], $0xffff  }
0xa1b: {  	v20 =	vld.idx.msk [tilespmem:v20+s3+$0x0], $0xffff  }
0xa1c: {  	v13 =	vld.idx.msk [tilespmem:v13+s3+$0x0], $0xffff  }
0xa1d: {  	v1 =	vld.idx.msk [tilespmem:v1+s3+$0x0], $0xffff  }
0xa1e: {  	v2 =	vld.idx.msk [tilespmem:v2+s3+$0x0], $0xffff  }
0xa1f: {  	v12 =	vld.idx.msk [tilespmem:v12+s3+$0x0], $0xffff  }
0xa20: {  	v8 =	vadd.f32 v14, v8;
	v14 =	vadd.f32 v16, v15;
	v10 =	vld.idx.msk [tilespmem:v10+s3+$0x0], $0xffff  }
0xa21: {  	v15 =	vadd.f32 v18, v17;
	v16 =	vadd.f32 v20, v19;
	v5 =	vld.idx.msk [tilespmem:v5+s3+$0x0], $0xffff  }
0xa22: {  	v8 =	vadd.f32 v11, v8;
	v3 =	vadd.f32 v3, v14;
	v11 =	vld [tilespmem:s30+$0xFFFFEC00]  }
0xa23: {  	v13 =	vadd.f32 v13, v15;
	v1 =	vadd.f32 v1, v16;
	v14 =	vld [tilespmem:s30+$0xFFFFEE00]  }
0xa24: {  	v4 =	vadd.f32 v4, v8;
	v3 =	vadd.f32 v6, v3;
	v6 =	vld [tilespmem:s30+$0xFFFFF600]  }
0xa25: {  	v2 =	vadd.f32 v2, v13;
	v1 =	vadd.f32 v12, v1;
	v8 =	vld [tilespmem:s30+$0xFFFFF800]  }
0xa26: {  	v4 =	vadd.f32 v7, v4;
	v3 =	vadd.f32 v9, v3;
	v7 =	vld [tilespmem:s30+$0x0]  }
0xa27: {  	v2 =	vadd.f32 v10, v2;
	v1 =	vadd.f32 v5, v1;
	v5 =	vld [tilespmem:s30+$0x200]  }
0xa28: {  	v9 =	vld [tilespmem:s30+$0xA00]  }
0xa29: {  	v3 =	vadd.f32 v3, v4;
	v1 =	vadd.f32 v1, v2;
	v2 =	vld [tilespmem:s30+$0xC00]  }
0xa2a: {  	v4 =	vld [tilespmem:s30+$0xFFFFF000]  }
0xa2b: {  	v1 =	vadd.f32 v1, v3;
	v3 =	vld [tilespmem:s30+$0xFFFFFA00]  }
0xa2c: {  	s28 =	sadd.s32 $0x20, s28;
	v10 =	vld [tilespmem:s30+$0x400]  }
0xa2d: {  	[tilespmem:s28+$0xFFFFFFF0] =	vst v1;
	v1 =	vld [tilespmem:s30+$0xE00]  }
0xa2e: {  	v12 =	vld [tilespmem:s30+$0xFFFFF200]  }
0xa2f: {  	v13 =	vld [tilespmem:s30+$0xFFFFFC00]  }
0xa30: {  	v15 =	vld [tilespmem:s30+$0x600]  }
0xa31: {  	v16 =	vld [tilespmem:s30+$0x1000]  }
0xa32: {  	v11 =	vld.idx.msk [tilespmem:v11+s3+$0x0], $0xffff  }
0xa33: {  	v14 =	vld.idx.msk [tilespmem:v14+s3+$0x0], $0xffff  }
0xa34: {  	v6 =	vld.idx.msk [tilespmem:v6+s3+$0x0], $0xffff  }
0xa35: {  	v8 =	vld.idx.msk [tilespmem:v8+s3+$0x0], $0xffff  }
0xa36: {  	v7 =	vld.idx.msk [tilespmem:v7+s3+$0x0], $0xffff  }
0xa37: {  	v5 =	vld.idx.msk [tilespmem:v5+s3+$0x0], $0xffff  }
0xa38: {  	v9 =	vld.idx.msk [tilespmem:v9+s3+$0x0], $0xffff  }
0xa39: {  	v11 =	vadd.f32 v14, v11;
	v2 =	vld.idx.msk [tilespmem:v2+s3+$0x0], $0xffff  }
0xa3a: {  	v14 =	vld [tilespmem:s30+$0xFFFFF400]  }
0xa3b: {  	v6 =	vadd.f32 v8, v6;
	v17 =	vld [tilespmem:s30+$0xFFFFFE00]  }
0xa3c: {  	v18 =	vld [tilespmem:s30+$0x800]  }
0xa3d: {  	v5 =	vadd.f32 v5, v7;
	v19 =	vld [tilespmem:s30+$0x1200]  }
0xa3e: {  	v4 =	vld.idx.msk [tilespmem:v4+s3+$0x0], $0xffff  }
0xa3f: {  	v7 =	vadd.f32 v2, v9;
	v3 =	vld.idx.msk [tilespmem:v3+s3+$0x0], $0xffff  }
0xa40: {  	v8 =	vld.idx.msk [tilespmem:v10+s3+$0x0], $0xffff  }
0xa41: {  	v9 =	vld.idx.msk [tilespmem:v1+s3+$0x0], $0xffff  }
0xa42: {  	v10 =	vld.idx.msk [tilespmem:v12+s3+$0x0], $0xffff  }
0xa43: {  	v12 =	vld.idx.msk [tilespmem:v13+s3+$0x0], $0xffff  }
0xa44: {  	v11 =	vadd.f32 v4, v11;
	v1 =	vld.idx.msk [tilespmem:v15+s3+$0x0], $0xffff  }
.Ltmp15:
0xa45: {  	v6 =	vadd.f32 v3, v6;
	v2 =	vld.idx.msk [tilespmem:v16+s3+$0x0], $0xffff;
	(pc) =	sbr.rel @p1 .LBB2_32-.Ltmp15, $4  }
0xa46: {  	v8 =	vadd.f32 v8, v5;
	v3 =	vld.idx.msk [tilespmem:v14+s3+$0x0], $0xffff  }
0xa47: {  	v7 =	vadd.f32 v9, v7;
	v4 =	vld.idx.msk [tilespmem:v17+s3+$0x0], $0xffff  }
0xa48: {  	v9 =	vadd.f32 v10, v11;
	v5 =	vld.idx.msk [tilespmem:v18+s3+$0x0], $0xffff  }
0xa49: {  	s30 =	sadd.s32 $0x20, s30;
	v10 =	vadd.f32 v12, v6;
	v6 =	vld.idx.msk [tilespmem:v19+s3+$0x0], $0xffff  }
0xa4a: {  	_ =	sdelay $0x1  }
0xa4b: {  	v1 =	vadd.f32 v1, v8;
	v2 =	vadd.f32 v2, v7  }
0xa4c: {  	v3 =	vadd.f32 v3, v9;
	v4 =	vadd.f32 v4, v10  }
0xa4d: {  	v1 =	vadd.f32 v5, v1;
	v2 =	vadd.f32 v6, v2;
	_ =	sdelay $0x1  }
0xa4e: {  	v3 =	vadd.f32 v4, v3;
	v1 =	vadd.f32 v2, v1;
	_ =	sdelay $0x1  }
0xa4f: {  	v1 =	vadd.f32 v1, v3;
	_ =	sdelay $0x1  }
0xa50: {  	[tilespmem:s28+$0x0] =	vst v1  }
0xa51: {  	_ =	swait.ge [sflag:s23], $0x2800  }
0xa52: {  	[sflag:s23] =	ssyncset.done $0x0  }
0xa53: {  	s28 =	simm.s32 $0x1C310;
	[sflag:s23] =	ssyncadd.s32 $0xFFFFD800  }
0xa54: {  	[tilespmem:s20], [sflag:$0x1] =	stream.linear.gather [spmem:s2], $0x2800, $0x38;
	[tilespmem:$0x1FB00] =	vst v63  }
0xa55: {  	s26 =	simm.s32 $0x0;
	v1 =	vld [tilespmem:s28+$0xFFFFEBF0]  }
0xa56: {  	s0 =	sand.u32 $0x1E0, s26;
	v2 =	vld [tilespmem:s28+$0xFFFFEDF0]  }
0xa57: {  	v3 =	vld [tilespmem:s0+$0x1B700]  }
0xa58: {  	v4 =	vld [tilespmem:s0+$0x1C100]  }
0xa59: {  	v5 =	vld [tilespmem:s0+$0x1CB00]  }
0xa5a: {  	v6 =	vld [tilespmem:s0+$0x1D500]  }
0xa5b: {  	v7 =	vld [tilespmem:s0+$0x1B500]  }
0xa5c: {  	v8 =	vld [tilespmem:s0+$0x1BF00]  }
0xa5d: {  	v9 =	vld [tilespmem:s0+$0x1C900]  }
0xa5e: {  	v10 =	vld [tilespmem:s0+$0x1D300]  }
0xa5f: {  	v11 =	vld [tilespmem:s0+$0x1B300]  }
0xa60: {  	v12 =	vld [tilespmem:s0+$0x1BD00]  }
0xa61: {  	v13 =	vld [tilespmem:s0+$0x1C700]  }
0xa62: {  	v14 =	vld [tilespmem:s0+$0x1D100]  }
0xa63: {  	v15 =	vld [tilespmem:s0+$0x1B900]  }
0xa64: {  	v16 =	vld [tilespmem:s0+$0x1BB00]  }
0xa65: {  	v17 =	vld [tilespmem:s0+$0x1C300]  }
0xa66: {  	v18 =	vld [tilespmem:s0+$0x1C500]  }
0xa67: {  	v19 =	vld [tilespmem:s0+$0x1CD00]  }
0xa68: {  	v20 =	vld [tilespmem:s0+$0x1CF00]  }
0xa69: {  	v21 =	vld [tilespmem:s28+$0xFFFFEC00]  }
0xa6a: {  	v22 =	vld [tilespmem:s28+$0xFFFFEE00]  }
0xa6b: {  	v23 =	vld [tilespmem:s28+$0xFFFFF600]  }
0xa6c: {  	v24 =	vld [tilespmem:s28+$0xFFFFF800]  }
0xa6d: {  	v25 =	vld [tilespmem:s28+$0x0]  }
0xa6e: {  	v26 =	vld [tilespmem:s28+$0x200]  }
0xa6f: {  	v27 =	vld [tilespmem:s28+$0xA00]  }
0xa70: {  	v28 =	vld [tilespmem:s28+$0xC00]  }
0xa71: {  	v29 =	vld [tilespmem:s28+$0xFFFFF000]  }
0xa72: {  	v30 =	vld [tilespmem:s28+$0xFFFFFA00]  }
0xa73: {  	v31 =	vld [tilespmem:s28+$0x400]  }
0xa74: {  	v32 =	vld [tilespmem:s28+$0xE00]  }
0xa75: {  	v33 =	vld [tilespmem:s28+$0xFFFFF200]  }
0xa76: {  	v34 =	vld [tilespmem:s28+$0xFFFFFC00]  }
0xa77: {  	v35 =	vld [tilespmem:s28+$0x600]  }
0xa78: {  	v36 =	vld [tilespmem:s28+$0x1000]  }
0xa79: {  	v55 =	vld [tilespmem:s28+$0xFFFFF400]  }
0xa7a: {  	v58 =	vld [tilespmem:s28+$0x800]  }
0xa7b: {  	v59 =	vld [tilespmem:s28+$0x1200]  }
0xa7c: {  	v1 =	vld.idx.msk [tilespmem:v1+s3+$0x0], $0xffff  }
0xa7d: {  	v2 =	vld.idx.msk [tilespmem:v2+s3+$0x0], $0xffff  }
0xa7e: {  	v3 =	vld.idx.msk [tilespmem:v3+s3+$0x0], $0xffff  }
0xa7f: {  	v4 =	vld.idx.msk [tilespmem:v4+s3+$0x0], $0xffff  }
0xa80: {  	v7 =	vld.idx.msk [tilespmem:v7+s3+$0x0], $0xffff  }
0xa81: {  	v8 =	vld.idx.msk [tilespmem:v8+s3+$0x0], $0xffff  }
0xa82: {  	v11 =	vld.idx.msk [tilespmem:v11+s3+$0x0], $0xffff  }
0xa83: {  	v12 =	vld.idx.msk [tilespmem:v12+s3+$0x0], $0xffff  }
0xa84: {  	v15 =	vld.idx.msk [tilespmem:v15+s3+$0x0], $0xffff  }
0xa85: {  	v16 =	vld.idx.msk [tilespmem:v16+s3+$0x0], $0xffff  }
0xa86: {  	v17 =	vld.idx.msk [tilespmem:v17+s3+$0x0], $0xffff  }
0xa87: {  	v18 =	vld.idx.msk [tilespmem:v18+s3+$0x0], $0xffff  }
0xa88: {  	v19 =	vld.idx.msk [tilespmem:v19+s3+$0x0], $0xffff  }
0xa89: {  	v20 =	vld.idx.msk [tilespmem:v20+s3+$0x0], $0xffff  }
0xa8a: {  	v13 =	vld.idx.msk [tilespmem:v13+s3+$0x0], $0xffff  }
0xa8b: {  	v14 =	vld.idx.msk [tilespmem:v14+s3+$0x0], $0xffff  }
0xa8c: {  	v9 =	vld.idx.msk [tilespmem:v9+s3+$0x0], $0xffff  }
0xa8d: {  	v10 =	vld.idx.msk [tilespmem:v10+s3+$0x0], $0xffff  }
0xa8e: {  	v5 =	vld.idx.msk [tilespmem:v5+s3+$0x0], $0xffff  }
0xa8f: {  	v6 =	vld.idx.msk [tilespmem:v6+s3+$0x0], $0xffff  }
0xa90: {  	v21 =	vld.idx.msk [tilespmem:v21+s3+$0x0], $0xffff  }
0xa91: {  	v22 =	vld.idx.msk [tilespmem:v22+s3+$0x0], $0xffff  }
0xa92: {  	v23 =	vld.idx.msk [tilespmem:v23+s3+$0x0], $0xffff  }
0xa93: {  	v24 =	vld.idx.msk [tilespmem:v24+s3+$0x0], $0xffff  }
0xa94: {  	v25 =	vld.idx.msk [tilespmem:v25+s3+$0x0], $0xffff  }
0xa95: {  	v26 =	vld.idx.msk [tilespmem:v26+s3+$0x0], $0xffff;
	v1 =	vadd.f32 v2, v1;
	v2 =	vadd.f32 v16, v15  }
0xa96: {  	v27 =	vld.idx.msk [tilespmem:v27+s3+$0x0], $0xffff;
	v53 =	vadd.f32 v18, v17;
	v54 =	vadd.f32 v20, v19  }
0xa97: {  	v52 =	vld.idx.msk [tilespmem:v28+s3+$0x0], $0xffff;
	v1 =	vadd.f32 v11, v1;
	v2 =	vadd.f32 v12, v2  }
0xa98: {  	v60 =	vld.idx.msk [tilespmem:v34+s3+$0x0], $0xffff;
	v56 =	vadd.f32 v13, v53;
	v57 =	vadd.f32 v14, v54  }
0xa99: {  	v11 =	vld [tilespmem:s28+$0xFFFFFE00];
	v1 =	vadd.f32 v7, v1;
	v2 =	vadd.f32 v8, v2  }
0xa9a: {  	v7 =	vadd.f32 v9, v56;
	v8 =	vadd.f32 v10, v57;
	v9 =	vld.idx.msk [tilespmem:v29+s3+$0x0], $0xffff  }
0xa9b: {  	v10 =	vld.idx.msk [tilespmem:v33+s3+$0x0], $0xffff;
	v1 =	vadd.f32 v3, v1;
	v2 =	vadd.f32 v4, v2  }
0xa9c: {  	v4 =	vld.idx.msk [tilespmem:v30+s3+$0x0], $0xffff;
	v3 =	vadd.f32 v5, v7;
	v5 =	vadd.f32 v6, v8  }
0xa9d: {  	v6 =	vld.idx.msk [tilespmem:v31+s3+$0x0], $0xffff  }
0xa9e: {  	v7 =	vld.idx.msk [tilespmem:v32+s3+$0x0], $0xffff;
	v1 =	vadd.f32 v2, v1;
	v2 =	vadd.f32 v5, v3  }
0xa9f: {  	v8 =	vadd.f32 v24, v23;
	v3 =	vld.idx.msk [tilespmem:v55+s3+$0x0], $0xffff  }
0xaa0: {  	v5 =	vadd.f32 v22, v21;
	v61 =	vadd.f32 v2, v1;
	v1 =	vld.idx.msk [tilespmem:v35+s3+$0x0], $0xffff  }
0xaa1: {  	v62 =	vadd.f32 v26, v25;
	v15 =	vadd.f32 v52, v27;
	v2 =	vld.idx.msk [tilespmem:v36+s3+$0x0], $0xffff  }
0xaa2: {  	v9 =	vadd.f32 v9, v5;
	v5 =	vld.idx.msk [tilespmem:v58+s3+$0x0], $0xffff;
	v63 =	vadd.f32 v4, v8  }
0xaa3: {  	s28 =	simm.s32 $0x1D910;
	v4 =	vld.idx.msk [tilespmem:v11+s3+$0x0], $0xffff;
	v8 =	vadd.f32 v6, v62;
	v7 =	vadd.f32 v7, v15  }
0xaa4: {  	s29 =	simm.s32 $0x0;
	s30 =	simm.s32 $0x1C330;
	v6 =	vld.idx.msk [tilespmem:v59+s3+$0x0], $0xffff;
	[tilespmem:s28+$0xFFFFFFF0] =	vst v61;
	v9 =	vadd.f32 v10, v9;
	v10 =	vadd.f32 v60, v63  }
.LBB2_34:
0xaa5: {  	v11 =	vld [tilespmem:s30+$0xFFFFEBF0];
	v1 =	vadd.f32 v1, v8;
	s26 =	sadd.s32 $0x20, s26  }
0xaa6: {  	v2 =	vadd.f32 v2, v7;
	v8 =	vld [tilespmem:s30+$0xFFFFEDF0];
	s0 =	sand.u32 $0x1E0, s26  }
0xaa7: {  	v3 =	vadd.f32 v3, v9;
	v7 =	vld [tilespmem:s0+$0x1B700]  }
0xaa8: {  	v4 =	vadd.f32 v4, v10;
	v9 =	vld [tilespmem:s0+$0x1C100]  }
0xaa9: {  	v1 =	vadd.f32 v5, v1;
	v10 =	vld [tilespmem:s0+$0x1CB00]  }
0xaaa: {  	v2 =	vadd.f32 v6, v2;
	v3 =	vadd.f32 v4, v3;
	v5 =	vld [tilespmem:s0+$0x1D500]  }
0xaab: {  	v4 =	vld [tilespmem:s0+$0x1B500]  }
0xaac: {  	v1 =	vadd.f32 v2, v1;
	v6 =	vld [tilespmem:s0+$0x1BF00]  }
0xaad: {  	v2 =	vld [tilespmem:s0+$0x1C900]  }
0xaae: {  	v1 =	vadd.f32 v1, v3;
	v12 =	vld [tilespmem:s0+$0x1D300]  }
0xaaf: {  	v3 =	vld [tilespmem:s0+$0x1B300]  }
0xab0: {  	v13 =	vld [tilespmem:s0+$0x1BD00];
	[tilespmem:s28+$0x0] =	vst v1  }
0xab1: {  	v1 =	vld [tilespmem:s0+$0x1C700]  }
0xab2: {  	v14 =	vld [tilespmem:s0+$0x1D100]  }
0xab3: {  	v15 =	vld [tilespmem:s0+$0x1B900]  }
0xab4: {  	v16 =	vld [tilespmem:s0+$0x1BB00]  }
0xab5: {  	v17 =	vld [tilespmem:s0+$0x1C300]  }
0xab6: {  	v18 =	vld [tilespmem:s0+$0x1C500]  }
0xab7: {  	v19 =	vld [tilespmem:s0+$0x1CD00]  }
0xab8: {  	v20 =	vld [tilespmem:s0+$0x1CF00]  }
0xab9: {  	v11 =	vld.idx.msk [tilespmem:v11+s3+$0x0], $0xffff  }
0xaba: {  	v8 =	vld.idx.msk [tilespmem:v8+s3+$0x0], $0xffff  }
0xabb: {  	v7 =	vld.idx.msk [tilespmem:v7+s3+$0x0], $0xffff  }
0xabc: {  	v9 =	vld.idx.msk [tilespmem:v9+s3+$0x0], $0xffff  }
0xabd: {  	s29 =	sadd.s32 $0x2, s29;
	v4 =	vld.idx.msk [tilespmem:v4+s3+$0x0], $0xffff  }
0xabe: {  	p1 =	slt.u32 s29, $0x1E;
	v6 =	vld.idx.msk [tilespmem:v6+s3+$0x0], $0xffff  }
0xabf: {  	v3 =	vld.idx.msk [tilespmem:v3+s3+$0x0], $0xffff  }
0xac0: {  	v13 =	vld.idx.msk [tilespmem:v13+s3+$0x0], $0xffff  }
0xac1: {  	v15 =	vld.idx.msk [tilespmem:v15+s3+$0x0], $0xffff  }
0xac2: {  	v16 =	vld.idx.msk [tilespmem:v16+s3+$0x0], $0xffff  }
0xac3: {  	v17 =	vld.idx.msk [tilespmem:v17+s3+$0x0], $0xffff  }
0xac4: {  	v18 =	vld.idx.msk [tilespmem:v18+s3+$0x0], $0xffff  }
0xac5: {  	v19 =	vld.idx.msk [tilespmem:v19+s3+$0x0], $0xffff  }
0xac6: {  	v20 =	vld.idx.msk [tilespmem:v20+s3+$0x0], $0xffff  }
0xac7: {  	v1 =	vld.idx.msk [tilespmem:v1+s3+$0x0], $0xffff  }
0xac8: {  	v14 =	vld.idx.msk [tilespmem:v14+s3+$0x0], $0xffff  }
0xac9: {  	v2 =	vld.idx.msk [tilespmem:v2+s3+$0x0], $0xffff  }
0xaca: {  	v12 =	vld.idx.msk [tilespmem:v12+s3+$0x0], $0xffff  }
0xacb: {  	v8 =	vadd.f32 v8, v11;
	v11 =	vadd.f32 v16, v15;
	v10 =	vld.idx.msk [tilespmem:v10+s3+$0x0], $0xffff  }
0xacc: {  	v15 =	vadd.f32 v18, v17;
	v16 =	vadd.f32 v20, v19;
	v5 =	vld.idx.msk [tilespmem:v5+s3+$0x0], $0xffff  }
0xacd: {  	v3 =	vadd.f32 v3, v8;
	v8 =	vadd.f32 v13, v11;
	v11 =	vld [tilespmem:s30+$0xFFFFEC00]  }
0xace: {  	v1 =	vadd.f32 v1, v15;
	v13 =	vadd.f32 v14, v16;
	v14 =	vld [tilespmem:s30+$0xFFFFEE00]  }
0xacf: {  	v3 =	vadd.f32 v4, v3;
	v4 =	vadd.f32 v6, v8;
	v6 =	vld [tilespmem:s30+$0xFFFFF600]  }
0xad0: {  	v1 =	vadd.f32 v2, v1;
	v2 =	vadd.f32 v12, v13;
	v8 =	vld [tilespmem:s30+$0xFFFFF800]  }
0xad1: {  	v3 =	vadd.f32 v7, v3;
	v4 =	vadd.f32 v9, v4;
	v7 =	vld [tilespmem:s30+$0x0]  }
0xad2: {  	v1 =	vadd.f32 v10, v1;
	v2 =	vadd.f32 v5, v2;
	v5 =	vld [tilespmem:s30+$0x200]  }
0xad3: {  	v9 =	vld [tilespmem:s30+$0xA00]  }
0xad4: {  	v3 =	vadd.f32 v4, v3;
	v1 =	vadd.f32 v2, v1;
	v2 =	vld [tilespmem:s30+$0xC00]  }
0xad5: {  	v4 =	vld [tilespmem:s30+$0xFFFFF000]  }
0xad6: {  	v1 =	vadd.f32 v1, v3;
	v3 =	vld [tilespmem:s30+$0xFFFFFA00]  }
0xad7: {  	s28 =	sadd.s32 $0x20, s28;
	v10 =	vld [tilespmem:s30+$0x400]  }
0xad8: {  	[tilespmem:s28+$0xFFFFFFF0] =	vst v1;
	v1 =	vld [tilespmem:s30+$0xE00]  }
0xad9: {  	v12 =	vld [tilespmem:s30+$0xFFFFF200]  }
0xada: {  	v13 =	vld [tilespmem:s30+$0xFFFFFC00]  }
0xadb: {  	v15 =	vld [tilespmem:s30+$0x600]  }
0xadc: {  	v16 =	vld [tilespmem:s30+$0x1000]  }
0xadd: {  	v11 =	vld.idx.msk [tilespmem:v11+s3+$0x0], $0xffff  }
0xade: {  	v14 =	vld.idx.msk [tilespmem:v14+s3+$0x0], $0xffff  }
0xadf: {  	v6 =	vld.idx.msk [tilespmem:v6+s3+$0x0], $0xffff  }
0xae0: {  	v8 =	vld.idx.msk [tilespmem:v8+s3+$0x0], $0xffff  }
0xae1: {  	v7 =	vld.idx.msk [tilespmem:v7+s3+$0x0], $0xffff  }
0xae2: {  	v5 =	vld.idx.msk [tilespmem:v5+s3+$0x0], $0xffff  }
0xae3: {  	v9 =	vld.idx.msk [tilespmem:v9+s3+$0x0], $0xffff  }
0xae4: {  	v11 =	vadd.f32 v14, v11;
	v2 =	vld.idx.msk [tilespmem:v2+s3+$0x0], $0xffff  }
0xae5: {  	v14 =	vld [tilespmem:s30+$0xFFFFF400]  }
0xae6: {  	v6 =	vadd.f32 v8, v6;
	v17 =	vld [tilespmem:s30+$0xFFFFFE00]  }
0xae7: {  	v18 =	vld [tilespmem:s30+$0x800]  }
0xae8: {  	v5 =	vadd.f32 v5, v7;
	v19 =	vld [tilespmem:s30+$0x1200]  }
0xae9: {  	v4 =	vld.idx.msk [tilespmem:v4+s3+$0x0], $0xffff  }
0xaea: {  	v7 =	vadd.f32 v2, v9;
	v3 =	vld.idx.msk [tilespmem:v3+s3+$0x0], $0xffff  }
0xaeb: {  	v8 =	vld.idx.msk [tilespmem:v10+s3+$0x0], $0xffff  }
0xaec: {  	v9 =	vld.idx.msk [tilespmem:v1+s3+$0x0], $0xffff  }
0xaed: {  	v10 =	vld.idx.msk [tilespmem:v12+s3+$0x0], $0xffff  }
0xaee: {  	v12 =	vld.idx.msk [tilespmem:v13+s3+$0x0], $0xffff  }
0xaef: {  	v11 =	vadd.f32 v4, v11;
	v1 =	vld.idx.msk [tilespmem:v15+s3+$0x0], $0xffff  }
.Ltmp16:
0xaf0: {  	v6 =	vadd.f32 v3, v6;
	v2 =	vld.idx.msk [tilespmem:v16+s3+$0x0], $0xffff;
	(pc) =	sbr.rel @p1 .LBB2_34-.Ltmp16, $4  }
0xaf1: {  	v8 =	vadd.f32 v8, v5;
	v3 =	vld.idx.msk [tilespmem:v14+s3+$0x0], $0xffff  }
0xaf2: {  	v7 =	vadd.f32 v9, v7;
	v4 =	vld.idx.msk [tilespmem:v17+s3+$0x0], $0xffff  }
0xaf3: {  	v9 =	vadd.f32 v10, v11;
	v5 =	vld.idx.msk [tilespmem:v18+s3+$0x0], $0xffff  }
0xaf4: {  	s30 =	sadd.s32 $0x20, s30;
	v10 =	vadd.f32 v12, v6;
	v6 =	vld.idx.msk [tilespmem:v19+s3+$0x0], $0xffff  }
0xaf5: {  	_ =	sdelay $0x1  }
0xaf6: {  	v1 =	vadd.f32 v1, v8;
	v2 =	vadd.f32 v2, v7  }
0xaf7: {  	v3 =	vadd.f32 v3, v9;
	v4 =	vadd.f32 v4, v10  }
0xaf8: {  	v1 =	vadd.f32 v5, v1;
	v2 =	vadd.f32 v6, v2;
	_ =	sdelay $0x1  }
0xaf9: {  	v3 =	vadd.f32 v4, v3;
	v1 =	vadd.f32 v2, v1;
	_ =	sdelay $0x1  }
0xafa: {  	v1 =	vadd.f32 v1, v3;
	_ =	sdelay $0x1  }
0xafb: {  	[tilespmem:s28+$0x0] =	vst v1  }
0xafc: {  	_ =	swait.ge [sflag:s23], $0x2800  }
0xafd: {  	[sflag:s23] =	ssyncset.done $0x0  }
0xafe: {  	s26 =	simm.s32 $0x19B10;
	s0 =	simm.s32 $0x0;
	[sflag:s23] =	ssyncadd.s32 $0xFFFFD800  }
0xaff: {  	s0 =	sand.u32 $0x1E0, s0;
	v1 =	vld [tilespmem:s26+$0xFFFFEBF0]  }
0xb00: {  	v2 =	vld [tilespmem:s0+$0x18F00]  }
0xb01: {  	v3 =	vld [tilespmem:s0+$0x19900]  }
0xb02: {  	v4 =	vld [tilespmem:s0+$0x1A300]  }
0xb03: {  	v5 =	vld [tilespmem:s0+$0x1AD00]  }
0xb04: {  	v6 =	vld [tilespmem:s0+$0x18D00]  }
0xb05: {  	v7 =	vld [tilespmem:s0+$0x19700]  }
0xb06: {  	v8 =	vld [tilespmem:s0+$0x1A100]  }
0xb07: {  	v9 =	vld [tilespmem:s0+$0x1AB00]  }
0xb08: {  	v10 =	vld [tilespmem:s0+$0x18B00]  }
0xb09: {  	v11 =	vld [tilespmem:s0+$0x19500]  }
0xb0a: {  	v12 =	vld [tilespmem:s0+$0x19F00]  }
0xb0b: {  	v13 =	vld [tilespmem:s0+$0x1A900]  }
0xb0c: {  	v14 =	vld [tilespmem:s0+$0x18900]  }
0xb0d: {  	v15 =	vld [tilespmem:s0+$0x19100]  }
0xb0e: {  	v16 =	vld [tilespmem:s0+$0x19300]  }
0xb0f: {  	v17 =	vld [tilespmem:s0+$0x19B00]  }
0xb10: {  	v18 =	vld [tilespmem:s0+$0x19D00]  }
0xb11: {  	v19 =	vld [tilespmem:s0+$0x1A500]  }
0xb12: {  	v20 =	vld [tilespmem:s0+$0x1A700]  }
0xb13: {  	v21 =	vld [tilespmem:s26+$0xFFFFEC00]  }
0xb14: {  	v22 =	vld [tilespmem:s26+$0xFFFFEE00]  }
0xb15: {  	v23 =	vld [tilespmem:s26+$0xFFFFF600]  }
0xb16: {  	v24 =	vld [tilespmem:s26+$0xFFFFF800]  }
0xb17: {  	v25 =	vld [tilespmem:s26+$0x0]  }
0xb18: {  	v26 =	vld [tilespmem:s26+$0x200]  }
0xb19: {  	v27 =	vld [tilespmem:s26+$0xA00]  }
0xb1a: {  	v28 =	vld [tilespmem:s26+$0xC00]  }
0xb1b: {  	v29 =	vld [tilespmem:s26+$0xFFFFF000]  }
0xb1c: {  	v30 =	vld [tilespmem:s26+$0xFFFFFA00]  }
0xb1d: {  	v31 =	vld [tilespmem:s26+$0x400]  }
0xb1e: {  	v32 =	vld [tilespmem:s26+$0xE00]  }
0xb1f: {  	v33 =	vld [tilespmem:s26+$0xFFFFF200]  }
0xb20: {  	v34 =	vld [tilespmem:s26+$0xFFFFFC00]  }
0xb21: {  	v35 =	vld [tilespmem:s26+$0x600]  }
0xb22: {  	v36 =	vld [tilespmem:s26+$0x1000]  }
0xb23: {  	v58 =	vld [tilespmem:s26+$0xFFFFF400]  }
0xb24: {  	v59 =	vld [tilespmem:s26+$0x800]  }
0xb25: {  	v60 =	vld [tilespmem:s26+$0x1200]  }
0xb26: {  	v1 =	vld.idx.msk [tilespmem:v1+s3+$0x0], $0xffff  }
0xb27: {  	v2 =	vld.idx.msk [tilespmem:v2+s3+$0x0], $0xffff  }
0xb28: {  	v3 =	vld.idx.msk [tilespmem:v3+s3+$0x0], $0xffff  }
0xb29: {  	v6 =	vld.idx.msk [tilespmem:v6+s3+$0x0], $0xffff  }
0xb2a: {  	v7 =	vld.idx.msk [tilespmem:v7+s3+$0x0], $0xffff  }
0xb2b: {  	v10 =	vld.idx.msk [tilespmem:v10+s3+$0x0], $0xffff  }
0xb2c: {  	v11 =	vld.idx.msk [tilespmem:v11+s3+$0x0], $0xffff  }
0xb2d: {  	v14 =	vld.idx.msk [tilespmem:v14+s3+$0x0], $0xffff  }
0xb2e: {  	v15 =	vld.idx.msk [tilespmem:v15+s3+$0x0], $0xffff  }
0xb2f: {  	v16 =	vld.idx.msk [tilespmem:v16+s3+$0x0], $0xffff  }
0xb30: {  	v17 =	vld.idx.msk [tilespmem:v17+s3+$0x0], $0xffff  }
0xb31: {  	v18 =	vld.idx.msk [tilespmem:v18+s3+$0x0], $0xffff  }
0xb32: {  	v19 =	vld.idx.msk [tilespmem:v19+s3+$0x0], $0xffff  }
0xb33: {  	v20 =	vld.idx.msk [tilespmem:v20+s3+$0x0], $0xffff  }
0xb34: {  	v12 =	vld.idx.msk [tilespmem:v12+s3+$0x0], $0xffff  }
0xb35: {  	v13 =	vld.idx.msk [tilespmem:v13+s3+$0x0], $0xffff  }
0xb36: {  	v8 =	vld.idx.msk [tilespmem:v8+s3+$0x0], $0xffff  }
0xb37: {  	v9 =	vld.idx.msk [tilespmem:v9+s3+$0x0], $0xffff  }
0xb38: {  	v4 =	vld.idx.msk [tilespmem:v4+s3+$0x0], $0xffff  }
0xb39: {  	v5 =	vld.idx.msk [tilespmem:v5+s3+$0x0], $0xffff  }
0xb3a: {  	v21 =	vld.idx.msk [tilespmem:v21+s3+$0x0], $0xffff  }
0xb3b: {  	v22 =	vld.idx.msk [tilespmem:v22+s3+$0x0], $0xffff  }
0xb3c: {  	v23 =	vld.idx.msk [tilespmem:v23+s3+$0x0], $0xffff  }
0xb3d: {  	v24 =	vld.idx.msk [tilespmem:v24+s3+$0x0], $0xffff  }
0xb3e: {  	v25 =	vld.idx.msk [tilespmem:v25+s3+$0x0], $0xffff  }
0xb3f: {  	v26 =	vld.idx.msk [tilespmem:v26+s3+$0x0], $0xffff;
	v1 =	vadd.f32 v14, v1;
	v54 =	vadd.f32 v16, v15  }
0xb40: {  	v27 =	vld.idx.msk [tilespmem:v27+s3+$0x0], $0xffff;
	v56 =	vadd.f32 v18, v17;
	v57 =	vadd.f32 v20, v19  }
0xb41: {  	v55 =	vld.idx.msk [tilespmem:v28+s3+$0x0], $0xffff;
	v1 =	vadd.f32 v10, v1;
	v10 =	vadd.f32 v11, v54  }
0xb42: {  	v61 =	vld.idx.msk [tilespmem:v34+s3+$0x0], $0xffff;
	v12 =	vadd.f32 v12, v56;
	v13 =	vadd.f32 v13, v57  }
0xb43: {  	v11 =	vld [tilespmem:s26+$0xFFFFFE00];
	v1 =	vadd.f32 v6, v1;
	v6 =	vadd.f32 v7, v10  }
0xb44: {  	v7 =	vadd.f32 v8, v12;
	v8 =	vadd.f32 v9, v13;
	v9 =	vld.idx.msk [tilespmem:v29+s3+$0x0], $0xffff  }
0xb45: {  	v10 =	vld.idx.msk [tilespmem:v33+s3+$0x0], $0xffff;
	v1 =	vadd.f32 v2, v1;
	v2 =	vadd.f32 v3, v6  }
0xb46: {  	v6 =	vld.idx.msk [tilespmem:v30+s3+$0x0], $0xffff;
	v3 =	vadd.f32 v4, v7;
	v4 =	vadd.f32 v5, v8  }
0xb47: {  	v5 =	vld.idx.msk [tilespmem:v31+s3+$0x0], $0xffff  }
0xb48: {  	v8 =	vld.idx.msk [tilespmem:v32+s3+$0x0], $0xffff;
	v1 =	vadd.f32 v2, v1;
	v2 =	vadd.f32 v4, v3  }
0xb49: {  	v7 =	vadd.f32 v24, v23;
	v3 =	vld.idx.msk [tilespmem:v58+s3+$0x0], $0xffff  }
0xb4a: {  	v4 =	vadd.f32 v22, v21;
	v62 =	vadd.f32 v2, v1;
	v1 =	vld.idx.msk [tilespmem:v35+s3+$0x0], $0xffff  }
0xb4b: {  	v63 =	vadd.f32 v26, v25;
	v15 =	vadd.f32 v55, v27;
	v2 =	vld.idx.msk [tilespmem:v36+s3+$0x0], $0xffff  }
0xb4c: {  	v9 =	vadd.f32 v9, v4;
	v4 =	vld.idx.msk [tilespmem:v11+s3+$0x0], $0xffff;
	v6 =	vadd.f32 v6, v7  }
0xb4d: {  	s26 =	simm.s32 $0x1D710;
	v7 =	vadd.f32 v5, v63;
	v8 =	vadd.f32 v8, v15;
	v5 =	vld.idx.msk [tilespmem:v59+s3+$0x0], $0xffff  }
0xb4e: {  	s29 =	simm.s32 $0x19B30;
	s30 =	simm.s32 $0x20;
	s28 =	simm.s32 $0x0;
	[tilespmem:s26+$0xFFFFFFF0] =	vst v62;
	v9 =	vadd.f32 v10, v9;
	v10 =	vadd.f32 v61, v6;
	v6 =	vld.idx.msk [tilespmem:v60+s3+$0x0], $0xffff  }
.LBB2_36:
0xb4f: {  	v11 =	vld [tilespmem:s29+$0xFFFFEBF0];
	s0 =	sand.u32 $0x1E0, s30;
	v1 =	vadd.f32 v1, v7  }
0xb50: {  	v2 =	vadd.f32 v2, v8;
	v7 =	vld [tilespmem:s0+$0x18F00]  }
0xb51: {  	v3 =	vadd.f32 v3, v9;
	v8 =	vld [tilespmem:s0+$0x19900]  }
0xb52: {  	v4 =	vadd.f32 v4, v10;
	v9 =	vld [tilespmem:s0+$0x1A300]  }
0xb53: {  	v1 =	vadd.f32 v5, v1;
	v10 =	vld [tilespmem:s0+$0x1AD00]  }
0xb54: {  	v2 =	vadd.f32 v6, v2;
	v3 =	vadd.f32 v4, v3;
	v5 =	vld [tilespmem:s0+$0x18D00]  }
0xb55: {  	v4 =	vld [tilespmem:s0+$0x19700]  }
0xb56: {  	v1 =	vadd.f32 v2, v1;
	v6 =	vld [tilespmem:s0+$0x1A100]  }
0xb57: {  	v2 =	vld [tilespmem:s0+$0x1AB00]  }
0xb58: {  	v1 =	vadd.f32 v1, v3;
	v12 =	vld [tilespmem:s0+$0x18B00]  }
0xb59: {  	v3 =	vld [tilespmem:s0+$0x19500]  }
0xb5a: {  	v13 =	vld [tilespmem:s0+$0x19F00];
	[tilespmem:s26+$0x0] =	vst v1  }
0xb5b: {  	v1 =	vld [tilespmem:s0+$0x1A900]  }
0xb5c: {  	v14 =	vld [tilespmem:s0+$0x18900]  }
0xb5d: {  	v15 =	vld [tilespmem:s0+$0x19100]  }
0xb5e: {  	v16 =	vld [tilespmem:s0+$0x19300]  }
0xb5f: {  	v17 =	vld [tilespmem:s0+$0x19B00]  }
0xb60: {  	v18 =	vld [tilespmem:s0+$0x19D00]  }
0xb61: {  	v19 =	vld [tilespmem:s0+$0x1A500]  }
0xb62: {  	v20 =	vld [tilespmem:s0+$0x1A700]  }
0xb63: {  	v11 =	vld.idx.msk [tilespmem:v11+s3+$0x0], $0xffff  }
0xb64: {  	v7 =	vld.idx.msk [tilespmem:v7+s3+$0x0], $0xffff  }
0xb65: {  	v8 =	vld.idx.msk [tilespmem:v8+s3+$0x0], $0xffff  }
0xb66: {  	v5 =	vld.idx.msk [tilespmem:v5+s3+$0x0], $0xffff  }
0xb67: {  	s28 =	sadd.s32 $0x2, s28;
	v4 =	vld.idx.msk [tilespmem:v4+s3+$0x0], $0xffff  }
0xb68: {  	p1 =	slt.u32 s28, $0x1E;
	v12 =	vld.idx.msk [tilespmem:v12+s3+$0x0], $0xffff  }
0xb69: {  	v3 =	vld.idx.msk [tilespmem:v3+s3+$0x0], $0xffff  }
0xb6a: {  	v14 =	vld.idx.msk [tilespmem:v14+s3+$0x0], $0xffff  }
0xb6b: {  	v15 =	vld.idx.msk [tilespmem:v15+s3+$0x0], $0xffff  }
0xb6c: {  	v16 =	vld.idx.msk [tilespmem:v16+s3+$0x0], $0xffff  }
0xb6d: {  	v17 =	vld.idx.msk [tilespmem:v17+s3+$0x0], $0xffff  }
0xb6e: {  	v18 =	vld.idx.msk [tilespmem:v18+s3+$0x0], $0xffff  }
0xb6f: {  	v19 =	vld.idx.msk [tilespmem:v19+s3+$0x0], $0xffff  }
0xb70: {  	v20 =	vld.idx.msk [tilespmem:v20+s3+$0x0], $0xffff  }
0xb71: {  	v13 =	vld.idx.msk [tilespmem:v13+s3+$0x0], $0xffff  }
0xb72: {  	v1 =	vld.idx.msk [tilespmem:v1+s3+$0x0], $0xffff  }
0xb73: {  	v6 =	vld.idx.msk [tilespmem:v6+s3+$0x0], $0xffff  }
0xb74: {  	v2 =	vld.idx.msk [tilespmem:v2+s3+$0x0], $0xffff  }
0xb75: {  	v11 =	vadd.f32 v14, v11;
	v14 =	vadd.f32 v16, v15;
	v9 =	vld.idx.msk [tilespmem:v9+s3+$0x0], $0xffff  }
0xb76: {  	v15 =	vadd.f32 v18, v17;
	v16 =	vadd.f32 v20, v19;
	v10 =	vld.idx.msk [tilespmem:v10+s3+$0x0], $0xffff  }
0xb77: {  	v11 =	vadd.f32 v12, v11;
	v3 =	vadd.f32 v3, v14;
	v12 =	vld [tilespmem:s29+$0xFFFFEC00]  }
0xb78: {  	v13 =	vadd.f32 v13, v15;
	v1 =	vadd.f32 v1, v16;
	v14 =	vld [tilespmem:s29+$0xFFFFEE00]  }
0xb79: {  	v5 =	vadd.f32 v5, v11;
	v3 =	vadd.f32 v4, v3;
	v4 =	vld [tilespmem:s29+$0xFFFFF600]  }
0xb7a: {  	v6 =	vadd.f32 v6, v13;
	v1 =	vadd.f32 v2, v1;
	v2 =	vld [tilespmem:s29+$0xFFFFF800]  }
0xb7b: {  	v5 =	vadd.f32 v7, v5;
	v3 =	vadd.f32 v8, v3;
	v7 =	vld [tilespmem:s29+$0x0]  }
0xb7c: {  	v6 =	vadd.f32 v9, v6;
	v1 =	vadd.f32 v10, v1;
	v8 =	vld [tilespmem:s29+$0x200]  }
0xb7d: {  	v9 =	vld [tilespmem:s29+$0xA00]  }
0xb7e: {  	v3 =	vadd.f32 v3, v5;
	v1 =	vadd.f32 v1, v6;
	v5 =	vld [tilespmem:s29+$0xC00]  }
0xb7f: {  	v6 =	vld [tilespmem:s29+$0xFFFFF000]  }
0xb80: {  	v1 =	vadd.f32 v1, v3;
	v3 =	vld [tilespmem:s29+$0xFFFFFA00]  }
0xb81: {  	s26 =	sadd.s32 $0x20, s26;
	v10 =	vld [tilespmem:s29+$0x400]  }
0xb82: {  	[tilespmem:s26+$0xFFFFFFF0] =	vst v1;
	v1 =	vld [tilespmem:s29+$0xE00]  }
0xb83: {  	v11 =	vld [tilespmem:s29+$0xFFFFF200]  }
0xb84: {  	v13 =	vld [tilespmem:s29+$0xFFFFFC00]  }
0xb85: {  	v15 =	vld [tilespmem:s29+$0x600]  }
0xb86: {  	v16 =	vld [tilespmem:s29+$0x1000]  }
0xb87: {  	v12 =	vld.idx.msk [tilespmem:v12+s3+$0x0], $0xffff  }
0xb88: {  	v14 =	vld.idx.msk [tilespmem:v14+s3+$0x0], $0xffff  }
0xb89: {  	v4 =	vld.idx.msk [tilespmem:v4+s3+$0x0], $0xffff  }
0xb8a: {  	v2 =	vld.idx.msk [tilespmem:v2+s3+$0x0], $0xffff  }
0xb8b: {  	v7 =	vld.idx.msk [tilespmem:v7+s3+$0x0], $0xffff  }
0xb8c: {  	v8 =	vld.idx.msk [tilespmem:v8+s3+$0x0], $0xffff  }
0xb8d: {  	v9 =	vld.idx.msk [tilespmem:v9+s3+$0x0], $0xffff  }
0xb8e: {  	v12 =	vadd.f32 v14, v12;
	v5 =	vld.idx.msk [tilespmem:v5+s3+$0x0], $0xffff  }
0xb8f: {  	v14 =	vld [tilespmem:s29+$0xFFFFF400]  }
0xb90: {  	v2 =	vadd.f32 v2, v4;
	v4 =	vld [tilespmem:s29+$0xFFFFFE00]  }
0xb91: {  	v17 =	vld [tilespmem:s29+$0x800]  }
0xb92: {  	v7 =	vadd.f32 v8, v7;
	v18 =	vld [tilespmem:s29+$0x1200]  }
0xb93: {  	v6 =	vld.idx.msk [tilespmem:v6+s3+$0x0], $0xffff  }
0xb94: {  	v5 =	vadd.f32 v5, v9;
	v3 =	vld.idx.msk [tilespmem:v3+s3+$0x0], $0xffff  }
0xb95: {  	v8 =	vld.idx.msk [tilespmem:v10+s3+$0x0], $0xffff  }
0xb96: {  	v9 =	vld.idx.msk [tilespmem:v1+s3+$0x0], $0xffff  }
0xb97: {  	v10 =	vld.idx.msk [tilespmem:v11+s3+$0x0], $0xffff  }
0xb98: {  	v11 =	vld.idx.msk [tilespmem:v13+s3+$0x0], $0xffff  }
0xb99: {  	v6 =	vadd.f32 v6, v12;
	v1 =	vld.idx.msk [tilespmem:v15+s3+$0x0], $0xffff  }
.Ltmp17:
0xb9a: {  	v12 =	vadd.f32 v3, v2;
	v2 =	vld.idx.msk [tilespmem:v16+s3+$0x0], $0xffff;
	(pc) =	sbr.rel @p1 .LBB2_36-.Ltmp17, $4  }
0xb9b: {  	v7 =	vadd.f32 v8, v7;
	v3 =	vld.idx.msk [tilespmem:v14+s3+$0x0], $0xffff  }
0xb9c: {  	v8 =	vadd.f32 v9, v5;
	v4 =	vld.idx.msk [tilespmem:v4+s3+$0x0], $0xffff  }
0xb9d: {  	v9 =	vadd.f32 v10, v6;
	v5 =	vld.idx.msk [tilespmem:v17+s3+$0x0], $0xffff  }
0xb9e: {  	s30 =	sadd.s32 $0x20, s30;
	s29 =	sadd.s32 $0x20, s29;
	v10 =	vadd.f32 v11, v12;
	v6 =	vld.idx.msk [tilespmem:v18+s3+$0x0], $0xffff  }
0xb9f: {  	_ =	sdelay $0x1  }
0xba0: {  	v1 =	vadd.f32 v1, v7;
	v2 =	vadd.f32 v2, v8  }
0xba1: {  	v3 =	vadd.f32 v3, v9;
	v4 =	vadd.f32 v4, v10  }
0xba2: {  	v1 =	vadd.f32 v5, v1;
	v2 =	vadd.f32 v6, v2;
	_ =	sdelay $0x1  }
0xba3: {  	v3 =	vadd.f32 v4, v3;
	v1 =	vadd.f32 v2, v1;
	_ =	sdelay $0x1  }
0xba4: {  	s25 =	sadd.s32 $0x1, s25;
	v1 =	vadd.f32 v1, v3  }
0xba5: {  	p1 =	sne.s32 s25, s17  }
.Ltmp18:
0xba6: {  	[tilespmem:s26+$0x0] =	vst v1;
	(pc) =	sbr.rel @p1 .LBB2_1-.Ltmp18, $4  }
0xba7: {  	[hbm4b:s16+s18] =	stream.strided.scatter [tilespmem:s24], [sflag:$0x2], $0x1000, s19, s18, $0x38;
	[tilespmem:$0x1FB00] =	vst v63  }
0xba8: {  	_ =	swait.ge [sflag:s21], $0x1000  }
0xba9: {  	[sflag:s21] =	ssyncset.done $0x0  }
0xbaa: {  	[sflag:s21] =	ssyncadd.s32 $0xFFFFF000  }
0xbab: {  	_ =	sfence.sel $0x180000  }
0xbac: {  	[bflag:$0x0] =	sbarrier.arrive $0xFFFF  }
0xbad: {  	_ =	strace $0x90000047  }
0xbae: {  	[bflag:$0x2] =	sbarrier.arrive $0xFFFF  }
0xbaf: {  	p0 =	sne.s32 s1, $0x0;
	s0 =	rddreg [dreg:$0x4]  }
0xbb0: {  	s0 =	sadd.s32 @!p0 $0x100000, s0  }
0xbb1: {  	[sflag:s0] =	ssyncadd.tile.s32 @!p0 $0x1;
	_ =	shalt  }
.Lfunc_end2:
_tile_overlayer_lowered:
.L_overlay_start_2:
0xbb2: {  	(tag) =	ssettag $0x2  }
0xbb3: {  	s0 =	rddreg [dreg:$0x0];
	s2 =	stileid.u32  }
0xbb4: {  	s1 =	rddreg [dreg:$0x1];
	p0 =	sne.s32 s2, $0x0  }
0xbb5: {  	s3 =	rddreg [dreg:$0x2];
	[bflag:$0x3] =	sbarrier.arrive $0xFFFF;
	s2 =	simm.s32 @!p0 $0x1C02  }
0xbb6: {  	[timem:s3], [sflag:s2] =	dma.local @!p0 [hbm:s0], s1  }
0xbb7: {  	s0 =	simm.s32 @!p0 $0x2  }
0xbb8: {  	_ =	swait.ge @!p0 [sflag:s0], s1  }
0xbb9: {  	s1 =	ssub.s32 @!p0 $0x0, s1;
	[sflag:s0] =	ssyncset.done @!p0 $0x0  }
0xbba: {  	[sflag:s0] =	ssyncadd.s32 @!p0 s1  }
0xbbb: {  	[bflag:$0x3] =	sbarrier.arrive $0xFFFF  }
0xbbc: {  	_ =	shalt  }

</sc_bundles>
